<compile_context>
chip_gen: v7x
topology: tpu7x:2x2x1
jax: 0.10.2.dev20260603
libtpu: 0.0.44.dev20260713+nightly
codegen_flags: <defaults>
</compile_context>

<pallas_src>
import functools
import jax
import jax.numpy as jnp
from jax import lax
from jax.experimental import pallas as pl
from jax.experimental.pallas import tpu as pltpu
from jax.experimental.pallas import tpu_sc as plsc

_NUM_ATOMS = 100000
_TOTAL = 32768
_B = 16
_NC = 2
_NS = 16
_L = 16
_BC = _B // _NC
_TOK_W = 2048
_H = _TOK_W // 2
_CHW = 6272
_CHW_LAST = _NUM_ATOMS - _CHW

_NEG_INF = float("-inf")
_POS_INF = float("inf")


def _sc_body(phi_hbm, idx_hbm, cu_hbm, out_hbm,
             cu_v, idx_v, vals_v, minb_v, vec_v, pm_v, tseg_v, bufa_v, bufb_v,
             shmax, shmin, shfin, sem, sem_in, sem_min, sem_pub):
    cid = lax.axis_index("c")
    sid = lax.axis_index("s")
    lane = lax.broadcasted_iota(jnp.int32, (_L,), 0)
    ninf = jnp.full((_L,), _NEG_INF, jnp.float32)
    pinf = jnp.full((_L,), _POS_INF, jnp.float32)

    moff = jnp.minimum(sid * _CHW, _CHW_LAST)
    cp_min = pltpu.async_copy(phi_hbm.at[pl.ds(moff, _CHW)], minb_v, sem_min)
    cp_cu = pltpu.async_copy(cu_hbm, cu_v.at[pl.ds(0, _B + 1)], sem_in)
    cp_cu.wait()

    cuv0 = cu_v[pl.ds(0, _L)]
    t0 = jnp.where(cid == 0, cuv0[0], cuv0[_BC])
    t1 = jnp.where(cid == 0, cuv0[_BC], jnp.int32(_TOTAL))
    t0a = (t0 // _L) * _L
    stride = ((t1 - t0a + (_NS * _L - 1)) // (_NS * _L)) * _L
    off = jnp.minimum(t0a + sid * stride, _TOTAL - _TOK_W)

    cp_i0 = pltpu.async_copy(idx_hbm.at[pl.ds(off, _H)],
                             idx_v.at[pl.ds(0, _H)], sem_in)
    cp_i1 = pltpu.async_copy(idx_hbm.at[pl.ds(off + _H, _H)],
                             idx_v.at[pl.ds(_H, _H)], sem_in)
    cp_i0.wait()
    cp_g0 = pltpu.async_copy(phi_hbm.at[idx_v.at[pl.ds(0, _H)]],
                             vals_v.at[pl.ds(0, _H)], sem)
    cp_i1.wait()
    cp_g1 = pltpu.async_copy(phi_hbm.at[idx_v.at[pl.ds(_H, _H)]],
                             vals_v.at[pl.ds(_H, _H)], sem)

    cp_min.wait()

    def nbody(j, acc):
        o = j * (4 * _L)
        acc = jnp.minimum(acc, minb_v[pl.ds(o, _L)])
        acc = jnp.minimum(acc, minb_v[pl.ds(o + _L, _L)])
        acc = jnp.minimum(acc, minb_v[pl.ds(o + 2 * _L, _L)])
        return jnp.minimum(acc, minb_v[pl.ds(o + 3 * _L, _L)])

    mn = lax.fori_loop(0, _CHW // (4 * _L), nbody, pinf)
    vec_v[...] = mn
    pltpu.sync_copy(vec_v, shmin.at[pl.ds(sid * _L, _L)])

    cp_g0.wait()
    cp_g1.wait()

    pubs = []
    for b in range(_BC):
        cub = cu_v[pl.ds(_BC * cid + b, _L)]
        lo = cub[0]
        hi = cub[1]
        s0 = jnp.maximum(lo, off)
        e0 = jnp.minimum(hi, off + _TOK_W)
        j0 = (s0 - off) // _L
        j1 = jnp.maximum(j0, (e0 - off + (_L - 1)) // _L)
        ji0 = jnp.minimum(jnp.maximum((lo - off + (_L - 1)) // _L, j0), j1)
        ji1 = jnp.maximum(jnp.minimum((hi - off) // _L, j1), ji0)

        def mbody(j, acc, lo=lo, hi=hi):
            pos = off + j * _L + lane
            v = vals_v[pl.ds(j * _L, _L)]
            m = (pos >= lo) & (pos < hi)
            return jnp.maximum(acc, jnp.where(m, v, _NEG_INF))

        def mfast(j, acc):
            return jnp.maximum(acc, vals_v[pl.ds(j * _L, _L)])

        acc = lax.fori_loop(j0, ji0, mbody, ninf)
        acc = lax.fori_loop(ji0, ji1, mfast, acc)
        acc = lax.fori_loop(ji1, j1, mbody, acc)
        pm_v[pl.ds(b * _L, _L)] = acc
        pubs.append(pltpu.async_copy(
            pm_v.at[pl.ds(b * _L, _L)],
            shmax.at[pl.ds(b * _NS * _L + sid * _L, _L)],
            sem_pub,
        ))
    for cp in pubs:
        cp.wait()

    plsc.subcore_barrier()

    @pl.when(sid < _BC)
    def _():
        pltpu.sync_copy(shmax.at[pl.ds(sid * _NS * _L, _NS * _L)], tseg_v)
        a = tseg_v[pl.ds(0, _L)]
        for r in range(1, _NS):
            a = jnp.maximum(a, tseg_v[pl.ds(r * _L, _L)])
        bufa_v[pl.ds(_L, _L)] = ninf
        for k in (8, 4, 2, 1):
            bufa_v[pl.ds(0, _L)] = a
            a = jnp.maximum(a, bufa_v[pl.ds(k, _L)])
        rot = jnp.where(lane == 0, a, _NEG_INF)
        bufb_v[pl.ds(0, _L)] = ninf
        bufb_v[pl.ds(2 * _L, _L)] = ninf
        bufb_v[pl.ds(_L, _L)] = rot
        vec_v[...] = bufb_v[pl.ds(_L - sid, _L)]
        pltpu.sync_copy(vec_v, shfin.at[pl.ds(sid * _L, _L)])

    plsc.subcore_barrier()

    @pl.when(sid == 0)
    def _():
        pltpu.sync_copy(shfin, pm_v)
        segv = pm_v[pl.ds(0, _L)]
        for r in range(1, _BC):
            segv = jnp.maximum(segv, pm_v[pl.ds(r * _L, _L)])

        pltpu.sync_copy(shmin, tseg_v)
        g = tseg_v[pl.ds(0, _L)]
        for r in range(1, _NS):
            g = jnp.minimum(g, tseg_v[pl.ds(r * _L, _L)])
        bufa_v[pl.ds(_L, _L)] = pinf
        for k in (8, 4, 2, 1):
            bufa_v[pl.ds(0, _L)] = g
            g = jnp.minimum(g, bufa_v[pl.ds(k, _L)])
        g = jnp.where(lane == 0, g, _POS_INF)
        bufb_v[pl.ds(0, _L)] = pinf
        for k in (1, 2, 4, 8):
            bufb_v[pl.ds(_L, _L)] = g
            g = jnp.minimum(g, bufb_v[pl.ds(_L - k, _L)])

        lov = cu_v[pl.ds(_BC * cid, _L)]
        hiv = cu_v[pl.ds(_BC * cid + 1, _L)]
        vec_v[...] = jnp.where(hiv - lov == 0, g, segv)
        pltpu.sync_copy(vec_v.at[pl.ds(0, _BC)],
                        out_hbm.at[pl.ds(_BC * cid, _BC)])


_sc_call = functools.partial(
    pl.kernel,
    out_type=jax.ShapeDtypeStruct((_B,), jnp.float32),
    scratch_types=[
        pltpu.VMEM((2 * _L,), jnp.int32),
        pltpu.VMEM((_TOK_W,), jnp.int32),
        pltpu.VMEM((_TOK_W,), jnp.float32),
        pltpu.VMEM((_CHW,), jnp.float32),
        pltpu.VMEM((_L,), jnp.float32),
        pltpu.VMEM((_BC * _L,), jnp.float32),
        pltpu.VMEM((_NS * _L,), jnp.float32),
        pltpu.VMEM((2 * _L,), jnp.float32),
        pltpu.VMEM((3 * _L,), jnp.float32),
        pltpu.VMEM_SHARED((_BC * _NS * _L,), jnp.float32),
        pltpu.VMEM_SHARED((_NS * _L,), jnp.float32),
        pltpu.VMEM_SHARED((_BC * _L,), jnp.float32),
        pltpu.SemaphoreType.DMA,
        pltpu.SemaphoreType.DMA,
        pltpu.SemaphoreType.DMA,
        pltpu.SemaphoreType.DMA,
    ],
    mesh=plsc.VectorSubcoreMesh(core_axis_name="c", subcore_axis_name="s",
                                num_cores=_NC, num_subcores=_NS),
    name="aml_seg_max_sc",
)(_sc_body)


@jax.jit
def kernel(phi, flat_indices, cu_seqlens):
    phi = phi.astype(jnp.float32)
    idx = flat_indices.astype(jnp.int32)
    cu = cu_seqlens.astype(jnp.int32)
    return _sc_call(phi, idx, cu)

# --- scband reference (transcript-rebuilt; emitter-appended) ---
"""Pipeline reference for scband-aml-79001628443272 (READ-ONLY COPY).

The authoritative reference and input builder live on the scoring server;
editing this copy changes nothing except your own understanding.
"""

import jax, jax.numpy as jnp
import numpy as np

NUM_ATOMS = 100000
TOTAL_TOKENS = 32768
BATCH = 16


def setup_inputs(seed: int = 0) -> dict:
    key = jax.random.key(seed)
    k1, k2, k3 = jax.random.split(key, 3)
    # flat ragged indices: concatenation of all sets' atom indices
    flat_indices = jax.random.randint(k1, (TOTAL_TOKENS,), 0, NUM_ATOMS).astype(jnp.int64)
    # cu_seqlens: monotone boundaries, forced to span [0, TOTAL_TOKENS]
    cu = jnp.sort(jax.random.randint(k2, (BATCH + 1,), 0, TOTAL_TOKENS + 1))
    cu = cu.at[0].set(0).at[-1].set(TOTAL_TOKENS).astype(jnp.int32)
    # learned parameter phi, sized per init_kwargs (num_atoms)
    phi = 0.01 * jax.random.normal(k3, (NUM_ATOMS,), dtype=jnp.float32)
    return {"phi": phi, "flat_indices": flat_indices, "cu_seqlens": cu}


def reference(phi, flat_indices, cu_seqlens):
    # Faithful translation of AML.forward:
    #   traces[b] = max_{i in set_b} phi[i]   if set_b nonempty
    #   traces[b] = phi.min()                 if set_b empty
    # batch_sets (list of lists) is represented as (flat_indices, cu_seqlens).
    total = flat_indices.shape[0]
    B = cu_seqlens.shape[0] - 1
    token_pos = jnp.arange(total, dtype=jnp.int32)
    # segment id of each token: s such that cu[s] <= t < cu[s+1]
    seg_ids = jnp.searchsorted(cu_seqlens, token_pos, side='right') - 1
    seg_ids = jnp.clip(seg_ids, 0, B - 1)
    # gather phi values for every atom index (SparseCore gather)
    vals = jnp.take(phi, flat_indices, axis=0)
    # per-set max (SparseCore segment reduce)
    seg_max = jax.ops.segment_max(vals, seg_ids, num_segments=B)
    lengths = cu_seqlens[1:] - cu_seqlens[:-1]
    empty = lengths == 0
    traces = jnp.where(empty, phi.min(), seg_max)
    return traces

if __name__ == "__main__":
    import jax
    _d = setup_inputs()
    print(jax.jit(kernel)(*tuple(_d.values())))

</pallas_src>

<mosaic_0001>
#map = affine_map<(d0, d1) -> (0)>
module attributes {stable_mosaic.version = 14 : i64} {
  func.func @aml_seg_max_sc(%arg0: i32, %arg1: i32, %arg2: memref<100000xf32, #tpu.memory_space<hbm>>, %arg3: memref<32768xi32, #tpu.memory_space<hbm>>, %arg4: memref<17xi32, #tpu.memory_space<hbm>>, %arg5: memref<16xf32, #tpu.memory_space<hbm>>, %arg6: memref<32xi32, #tpu.memory_space<vmem>>, %arg7: memref<2048xi32, #tpu.memory_space<vmem>>, %arg8: memref<2048xf32, #tpu.memory_space<vmem>>, %arg9: memref<6272xf32, #tpu.memory_space<vmem>>, %arg10: memref<16xf32, #tpu.memory_space<vmem>>, %arg11: memref<128xf32, #tpu.memory_space<vmem>>, %arg12: memref<256xf32, #tpu.memory_space<vmem>>, %arg13: memref<32xf32, #tpu.memory_space<vmem>>, %arg14: memref<48xf32, #tpu.memory_space<vmem>>, %arg15: memref<2048xf32, #tpu.memory_space<vmem_shared>>, %arg16: memref<256xf32, #tpu.memory_space<vmem_shared>>, %arg17: memref<128xf32, #tpu.memory_space<vmem_shared>>, %arg18: memref<!tpu.dma_semaphore, #tpu.memory_space<semaphore_mem>>, %arg19: memref<!tpu.dma_semaphore, #tpu.memory_space<semaphore_mem>>, %arg20: memref<!tpu.dma_semaphore, #tpu.memory_space<semaphore_mem>>, %arg21: memref<!tpu.dma_semaphore, #tpu.memory_space<semaphore_mem>>) attributes {dimension_semantics = [#tpu.dimension_semantics<core_parallel>, #tpu.dimension_semantics<subcore_parallel>], iteration_bounds = array<i64: 2, 16>, scalar_prefetch = 0 : i64, scratch_operands = 16 : i64, tpu.core_type = #tpu.core_type<sc_vector_subcore>, window_params = [{transform_indices = #map}, {transform_indices = #map}, {transform_indices = #map}, {transform_indices = #map}]} {
    %iota3A = tpu.iota {dimensions = array<i32: 0>} : vector<16xi32>
    %broadcast_in_dim3A = arith.constant 0xFF800000 : f32
    %broadcast_in_dim3A_0 = vector.broadcast %broadcast_in_dim3A : f32 to vector<16xf32>
    %broadcast_in_dim3A_1 = arith.constant 0x7F800000 : f32
    %broadcast_in_dim3A_2 = vector.broadcast %broadcast_in_dim3A_1 : f32 to vector<16xf32>
    %mul3A = arith.constant 6272 : i32
    %mul3A_3 = arith.muli %arg1, %mul3A : i32
    %min3A = arith.constant 93728 : i32
    %min3A_4 = arith.minsi %mul3A_3, %min3A : i32
    %dma_start3A = tpu.memref_slice %arg2[%min3A_4] : memref<100000xf32, #tpu.memory_space<hbm>> -> memref<6272xf32, #tpu.memory_space<hbm>>
    %dma_start3A_5 = tpu.memref_slice %arg2[%min3A_4] : memref<100000xf32, #tpu.memory_space<hbm>> -> memref<6272xf32, #tpu.memory_space<hbm>>
    tpu.enqueue_dma source(%dma_start3A_5 : memref<6272xf32, #tpu.memory_space<hbm>>) target(%arg9 : memref<6272xf32, #tpu.memory_space<vmem>>) target_semaphore(%arg20 : memref<!tpu.dma_semaphore, #tpu.memory_space<semaphore_mem>>)
    %dma_start3A_6 = arith.constant 0 : i32
    %dma_start3A_7 = tpu.memref_slice %arg6[%dma_start3A_6] : memref<32xi32, #tpu.memory_space<vmem>> -> memref<17xi32, #tpu.memory_space<vmem>>
    %dma_start3A_8 = arith.constant 0 : i32
    %dma_start3A_9 = tpu.memref_slice %arg6[%dma_start3A_8] : memref<32xi32, #tpu.memory_space<vmem>> -> memref<17xi32, #tpu.memory_space<vmem>>
    tpu.enqueue_dma source(%arg4 : memref<17xi32, #tpu.memory_space<hbm>>) target(%dma_start3A_9 : memref<17xi32, #tpu.memory_space<vmem>>) target_semaphore(%arg19 : memref<!tpu.dma_semaphore, #tpu.memory_space<semaphore_mem>>)
    %dma_wait3A = arith.constant 0 : i32
    %dma_wait3A_10 = tpu.memref_slice %arg6[%dma_wait3A] : memref<32xi32, #tpu.memory_space<vmem>> -> memref<17xi32, #tpu.memory_space<vmem>>
    %dma_wait3A_11 = arith.constant 0 : i32
    %dma_wait3A_12 = tpu.memref_slice %arg6[%dma_wait3A_11] : memref<32xi32, #tpu.memory_space<vmem>> -> memref<17xi32, #tpu.memory_space<vmem>>
    tpu.wait_dma2 semaphore(%arg19 : memref<!tpu.dma_semaphore, #tpu.memory_space<semaphore_mem>>) src(%arg4 : memref<17xi32, #tpu.memory_space<hbm>>) dst(%dma_wait3A_12 : memref<17xi32, #tpu.memory_space<vmem>>)
    %get3A = arith.constant 0 : index
    %get3A_13 = tpu.vector_load %arg6[%get3A] {strides = array<i32>} : memref<32xi32, #tpu.memory_space<vmem>>, vector<16xi32>,
    %get3A_14 = vector.shape_cast %get3A_13 : vector<16xi32> to vector<16xi32>
    %eq3A = arith.constant 0 : i32
    %eq3A_15 = arith.cmpi eq, %arg0, %eq3A : i32
    %slice3A = vector.extract_strided_slice %get3A_14 {offsets = [0], sizes = [1], strides = [1]} : vector<16xi32> to vector<1xi32>
    %squeeze3A = vector.extract %slice3A[0] : i32 from vector<1xi32>
    %slice3A_16 = vector.extract_strided_slice %get3A_14 {offsets = [8], sizes = [1], strides = [1]} : vector<16xi32> to vector<1xi32>
    %squeeze3A_17 = vector.extract %slice3A_16[0] : i32 from vector<1xi32>
    %select_n3A = arith.select %eq3A_15, %squeeze3A, %squeeze3A_17 : i32
    %eq3A_18 = arith.constant 0 : i32
    %eq3A_19 = arith.cmpi eq, %arg0, %eq3A_18 : i32
    %slice3A_20 = vector.extract_strided_slice %get3A_14 {offsets = [8], sizes = [1], strides = [1]} : vector<16xi32> to vector<1xi32>
    %squeeze3A_21 = vector.extract %slice3A_20[0] : i32 from vector<1xi32>
    %jit3A = arith.constant 32768 : i32
    %select_n3A_22 = arith.select %eq3A_19, %squeeze3A_21, %jit3A : i32
    %jit3A_23 = arith.constant 16 : i32
    %div3A = arith.divsi %select_n3A, %jit3A_23 : i32
    %sign3A = arith.constant 0 : i32
    %sign3A_24 = arith.cmpi sgt, %select_n3A, %sign3A : i32
    %sign3A_25 = arith.extui %sign3A_24 : i1 to i32
    %sign3A_26 = arith.constant 0 : i32
    %sign3A_27 = arith.cmpi slt, %select_n3A, %sign3A_26 : i32
    %sign3A_28 = arith.extui %sign3A_27 : i1 to i32
    %sign3A_29 = arith.subi %sign3A_25, %sign3A_28 : i32
    %sign3A_30 = arith.constant 0 : i32
    %sign3A_31 = arith.cmpi sgt, %jit3A_23, %sign3A_30 : i32
    %sign3A_32 = arith.extui %sign3A_31 : i1 to i32
    %sign3A_33 = arith.constant 0 : i32
    %sign3A_34 = arith.cmpi slt, %jit3A_23, %sign3A_33 : i32
    %sign3A_35 = arith.extui %sign3A_34 : i1 to i32
    %sign3A_36 = arith.subi %sign3A_32, %sign3A_35 : i32
    %ne3A = arith.cmpi ne, %sign3A_29, %sign3A_36 : i32
    %rem3A = arith.remsi %select_n3A, %jit3A_23 : i32
    %ne3A_37 = arith.constant 0 : i32
    %ne3A_38 = arith.cmpi ne, %rem3A, %ne3A_37 : i32
    %and3A = arith.andi %ne3A, %ne3A_38 : i1
    %sub3A = arith.constant 1 : i32
    %sub3A_39 = arith.subi %div3A, %sub3A : i32
    %select_n3A_40 = arith.select %and3A, %sub3A_39, %div3A : i32
    %mul3A_41 = arith.constant 16 : i32
    %mul3A_42 = arith.muli %select_n3A_40, %mul3A_41 : i32
    %sub3A_43 = arith.subi %select_n3A_22, %mul3A_42 : i32
    %add3A = arith.constant 255 : i32
    %add3A_44 = arith.addi %sub3A_43, %add3A : i32
    %jit3A_45 = arith.constant 256 : i32
    %div3A_46 = arith.divsi %add3A_44, %jit3A_45 : i32
    %sign3A_47 = arith.constant 0 : i32
    %sign3A_48 = arith.cmpi sgt, %add3A_44, %sign3A_47 : i32
    %sign3A_49 = arith.extui %sign3A_48 : i1 to i32
    %sign3A_50 = arith.constant 0 : i32
    %sign3A_51 = arith.cmpi slt, %add3A_44, %sign3A_50 : i32
    %sign3A_52 = arith.extui %sign3A_51 : i1 to i32
    %sign3A_53 = arith.subi %sign3A_49, %sign3A_52 : i32
    %sign3A_54 = arith.constant 0 : i32
    %sign3A_55 = arith.cmpi sgt, %jit3A_45, %sign3A_54 : i32
    %sign3A_56 = arith.extui %sign3A_55 : i1 to i32
    %sign3A_57 = arith.constant 0 : i32
    %sign3A_58 = arith.cmpi slt, %jit3A_45, %sign3A_57 : i32
    %sign3A_59 = arith.extui %sign3A_58 : i1 to i32
    %sign3A_60 = arith.subi %sign3A_56, %sign3A_59 : i32
    %ne3A_61 = arith.cmpi ne, %sign3A_53, %sign3A_60 : i32
    %rem3A_62 = arith.remsi %add3A_44, %jit3A_45 : i32
    %ne3A_63 = arith.constant 0 : i32
    %ne3A_64 = arith.cmpi ne, %rem3A_62, %ne3A_63 : i32
    %and3A_65 = arith.andi %ne3A_61, %ne3A_64 : i1
    %sub3A_66 = arith.constant 1 : i32
    %sub3A_67 = arith.subi %div3A_46, %sub3A_66 : i32
    %select_n3A_68 = arith.select %and3A_65, %sub3A_67, %div3A_46 : i32
    %mul3A_69 = arith.constant 16 : i32
    %mul3A_70 = arith.muli %select_n3A_68, %mul3A_69 : i32
    %mul3A_71 = arith.muli %arg1, %mul3A_70 : i32
    %add3A_72 = arith.addi %mul3A_42, %mul3A_71 : i32
    %min3A_73 = arith.constant 30720 : i32
    %min3A_74 = arith.minsi %add3A_72, %min3A_73 : i32
    %dma_start3A_75 = arith.constant 0 : i32
    %dma_start3A_76 = tpu.memref_slice %arg7[%dma_start3A_75] : memref<2048xi32, #tpu.memory_space<vmem>> -> memref<1024xi32, #tpu.memory_space<vmem>>
    %dma_start3A_77 = tpu.memref_slice %arg3[%min3A_74] : memref<32768xi32, #tpu.memory_space<hbm>> -> memref<1024xi32, #tpu.memory_space<hbm>>
    %dma_start3A_78 = arith.constant 0 : i32
    %dma_start3A_79 = tpu.memref_slice %arg7[%dma_start3A_78] : memref<2048xi32, #tpu.memory_space<vmem>> -> memref<1024xi32, #tpu.memory_space<vmem>>
    %dma_start3A_80 = tpu.memref_slice %arg3[%min3A_74] : memref<32768xi32, #tpu.memory_space<hbm>> -> memref<1024xi32, #tpu.memory_space<hbm>>
    tpu.enqueue_dma source(%dma_start3A_80 : memref<1024xi32, #tpu.memory_space<hbm>>) target(%dma_start3A_79 : memref<1024xi32, #tpu.memory_space<vmem>>) target_semaphore(%arg19 : memref<!tpu.dma_semaphore, #tpu.memory_space<semaphore_mem>>)
    %add3A_81 = arith.constant 1024 : i32
    %add3A_82 = arith.addi %min3A_74, %add3A_81 : i32
    %dma_start3A_83 = arith.constant 1024 : i32
    %dma_start3A_84 = tpu.memref_slice %arg7[%dma_start3A_83] : memref<2048xi32, #tpu.memory_space<vmem>> -> memref<1024xi32, #tpu.memory_space<vmem>>
    %dma_start3A_85 = tpu.memref_slice %arg3[%add3A_82] : memref<32768xi32, #tpu.memory_space<hbm>> -> memref<1024xi32, #tpu.memory_space<hbm>>
    %dma_start3A_86 = arith.constant 1024 : i32
    %dma_start3A_87 = tpu.memref_slice %arg7[%dma_start3A_86] : memref<2048xi32, #tpu.memory_space<vmem>> -> memref<1024xi32, #tpu.memory_space<vmem>>
    %dma_start3A_88 = tpu.memref_slice %arg3[%add3A_82] : memref<32768xi32, #tpu.memory_space<hbm>> -> memref<1024xi32, #tpu.memory_space<hbm>>
    tpu.enqueue_dma source(%dma_start3A_88 : memref<1024xi32, #tpu.memory_space<hbm>>) target(%dma_start3A_87 : memref<1024xi32, #tpu.memory_space<vmem>>) target_semaphore(%arg19 : memref<!tpu.dma_semaphore, #tpu.memory_space<semaphore_mem>>)
    %dma_wait3A_89 = arith.constant 0 : i32
    %dma_wait3A_90 = tpu.memref_slice %arg7[%dma_wait3A_89] : memref<2048xi32, #tpu.memory_space<vmem>> -> memref<1024xi32, #tpu.memory_space<vmem>>
    %dma_wait3A_91 = tpu.memref_slice %arg3[%min3A_74] : memref<32768xi32, #tpu.memory_space<hbm>> -> memref<1024xi32, #tpu.memory_space<hbm>>
    %dma_wait3A_92 = arith.constant 0 : i32
    %dma_wait3A_93 = tpu.memref_slice %arg7[%dma_wait3A_92] : memref<2048xi32, #tpu.memory_space<vmem>> -> memref<1024xi32, #tpu.memory_space<vmem>>
    %dma_wait3A_94 = tpu.memref_slice %arg3[%min3A_74] : memref<32768xi32, #tpu.memory_space<hbm>> -> memref<1024xi32, #tpu.memory_space<hbm>>
    tpu.wait_dma2 semaphore(%arg19 : memref<!tpu.dma_semaphore, #tpu.memory_space<semaphore_mem>>) src(%dma_wait3A_94 : memref<1024xi32, #tpu.memory_space<hbm>>) dst(%dma_wait3A_93 : memref<1024xi32, #tpu.memory_space<vmem>>)
    %dma_start3A_95 = arith.constant 0 : i32
    %dma_start3A_96 = tpu.memref_slice %arg8[%dma_start3A_95] : memref<2048xf32, #tpu.memory_space<vmem>> -> memref<1024xf32, #tpu.memory_space<vmem>>
    %dma_start3A_97 = arith.constant 0 : i32
    %dma_start3A_98 = tpu.memref_slice %arg7[%dma_start3A_97] : memref<2048xi32, #tpu.memory_space<vmem>> -> memref<1024xi32, #tpu.memory_space<vmem>>
    %dma_start3A_99 = arith.constant 0 : i32
    %dma_start3A_100 = tpu.memref_slice %arg2[%dma_start3A_99] : memref<100000xf32, #tpu.memory_space<hbm>> -> memref<100000xf32, #tpu.memory_space<hbm>>
    tpu.enqueue_indirect_dma source(%dma_start3A_100 : memref<100000xf32, #tpu.memory_space<hbm>>) target(%dma_start3A_96 : memref<1024xf32, #tpu.memory_space<vmem>>) offsets(%dma_start3A_98 : memref<1024xi32, #tpu.memory_space<vmem>>) semaphore(%arg18 : memref<!tpu.dma_semaphore, #tpu.memory_space<semaphore_mem>>)
    %dma_wait3A_101 = arith.constant 1024 : i32
    %dma_wait3A_102 = tpu.memref_slice %arg7[%dma_wait3A_101] : memref<2048xi32, #tpu.memory_space<vmem>> -> memref<1024xi32, #tpu.memory_space<vmem>>
    %dma_wait3A_103 = tpu.memref_slice %arg3[%add3A_82] : memref<32768xi32, #tpu.memory_space<hbm>> -> memref<1024xi32, #tpu.memory_space<hbm>>
    %dma_wait3A_104 = arith.constant 1024 : i32
    %dma_wait3A_105 = tpu.memref_slice %arg7[%dma_wait3A_104] : memref<2048xi32, #tpu.memory_space<vmem>> -> memref<1024xi32, #tpu.memory_space<vmem>>
    %dma_wait3A_106 = tpu.memref_slice %arg3[%add3A_82] : memref<32768xi32, #tpu.memory_space<hbm>> -> memref<1024xi32, #tpu.memory_space<hbm>>
    tpu.wait_dma2 semaphore(%arg19 : memref<!tpu.dma_semaphore, #tpu.memory_space<semaphore_mem>>) src(%dma_wait3A_106 : memref<1024xi32, #tpu.memory_space<hbm>>) dst(%dma_wait3A_105 : memref<1024xi32, #tpu.memory_space<vmem>>)
    %dma_start3A_107 = arith.constant 1024 : i32
    %dma_start3A_108 = tpu.memref_slice %arg8[%dma_start3A_107] : memref<2048xf32, #tpu.memory_space<vmem>> -> memref<1024xf32, #tpu.memory_space<vmem>>
    %dma_start3A_109 = arith.constant 1024 : i32
    %dma_start3A_110 = tpu.memref_slice %arg7[%dma_start3A_109] : memref<2048xi32, #tpu.memory_space<vmem>> -> memref<1024xi32, #tpu.memory_space<vmem>>
    %dma_start3A_111 = arith.constant 0 : i32
    %dma_start3A_112 = tpu.memref_slice %arg2[%dma_start3A_111] : memref<100000xf32, #tpu.memory_space<hbm>> -> memref<100000xf32, #tpu.memory_space<hbm>>
    tpu.enqueue_indirect_dma source(%dma_start3A_112 : memref<100000xf32, #tpu.memory_space<hbm>>) target(%dma_start3A_108 : memref<1024xf32, #tpu.memory_space<vmem>>) offsets(%dma_start3A_110 : memref<1024xi32, #tpu.memory_space<vmem>>) semaphore(%arg18 : memref<!tpu.dma_semaphore, #tpu.memory_space<semaphore_mem>>)
    %dma_wait3A_113 = tpu.memref_slice %arg2[%min3A_4] : memref<100000xf32, #tpu.memory_space<hbm>> -> memref<6272xf32, #tpu.memory_space<hbm>>
    %dma_wait3A_114 = tpu.memref_slice %arg2[%min3A_4] : memref<100000xf32, #tpu.memory_space<hbm>> -> memref<6272xf32, #tpu.memory_space<hbm>>
    tpu.wait_dma2 semaphore(%arg20 : memref<!tpu.dma_semaphore, #tpu.memory_space<semaphore_mem>>) src(%dma_wait3A_114 : memref<6272xf32, #tpu.memory_space<hbm>>) dst(%arg9 : memref<6272xf32, #tpu.memory_space<vmem>>)
    %scan3A = arith.constant 0 : i32
    %scan3A_115 = arith.constant 98 : i32
    %scan3A_116 = arith.addi %scan3A, %scan3A_115 : i32
    %scan3A_117 = arith.constant 1 : i32
    %scan3A_118 = scf.for %scan3A_1535 = %scan3A to %scan3A_116 step %scan3A_117 iter_args(%scan3A_1536 = %broadcast_in_dim3A_2) -> (vector<16xf32>)  : i32 {
      %mul3A_1537 = arith.constant 64 : i32
      %mul3A_1538 = arith.muli %scan3A_1535, %mul3A_1537 : i32
      %get3A_1539 = arith.index_cast %mul3A_1538 : i32 to index
      %get3A_1540 = tpu.vector_load %arg9[%get3A_1539] {strides = array<i32>} : memref<6272xf32, #tpu.memory_space<vmem>>, vector<16xf32>,
      %get3A_1541 = vector.shape_cast %get3A_1540 : vector<16xf32> to vector<16xf32>
      %min3A_1542 = arith.minimumf %scan3A_1536, %get3A_1541 : vector<16xf32>
      %add3A_1543 = arith.constant 16 : i32
      %add3A_1544 = arith.addi %mul3A_1538, %add3A_1543 : i32
      %get3A_1545 = arith.index_cast %add3A_1544 : i32 to index
      %get3A_1546 = tpu.vector_load %arg9[%get3A_1545] {strides = array<i32>} : memref<6272xf32, #tpu.memory_space<vmem>>, vector<16xf32>,
      %get3A_1547 = vector.shape_cast %get3A_1546 : vector<16xf32> to vector<16xf32>
      %min3A_1548 = arith.minimumf %min3A_1542, %get3A_1547 : vector<16xf32>
      %add3A_1549 = arith.constant 32 : i32
      %add3A_1550 = arith.addi %mul3A_1538, %add3A_1549 : i32
      %get3A_1551 = arith.index_cast %add3A_1550 : i32 to index
      %get3A_1552 = tpu.vector_load %arg9[%get3A_1551] {strides = array<i32>} : memref<6272xf32, #tpu.memory_space<vmem>>, vector<16xf32>,
      %get3A_1553 = vector.shape_cast %get3A_1552 : vector<16xf32> to vector<16xf32>
      %min3A_1554 = arith.minimumf %min3A_1548, %get3A_1553 : vector<16xf32>
      %add3A_1555 = arith.constant 48 : i32
      %add3A_1556 = arith.addi %mul3A_1538, %add3A_1555 : i32
      %get3A_1557 = arith.index_cast %add3A_1556 : i32 to index
      %get3A_1558 = tpu.vector_load %arg9[%get3A_1557] {strides = array<i32>} : memref<6272xf32, #tpu.memory_space<vmem>>, vector<16xf32>,
      %get3A_1559 = vector.shape_cast %get3A_1558 : vector<16xf32> to vector<16xf32>
      %min3A_1560 = arith.minimumf %min3A_1554, %get3A_1559 : vector<16xf32>
      scf.yield %min3A_1560 : vector<16xf32>
    }
    %scan3A_119 = arith.constant 98 : i32
    %swap3A = arith.constant 0 : index
    %swap3A_120 = tpu.vector_load %arg10[%swap3A] {strides = array<i32>} : memref<16xf32, #tpu.memory_space<vmem>>, vector<16xf32>,
    %swap3A_121 = vector.shape_cast %swap3A_120 : vector<16xf32> to vector<16xf32>
    %swap3A_122 = vector.shape_cast %scan3A_118 : vector<16xf32> to vector<16xf32>
    tpu.vector_store %arg10[%swap3A], %swap3A_122 {strides = array<i32>} : memref<16xf32, #tpu.memory_space<vmem>>, vector<16xf32>,
    %mul3A_123 = arith.constant 16 : i32
    %mul3A_124 = arith.muli %arg1, %mul3A_123 : i32
    "tpu.region"() ({
      %run_scoped3A = tpu.sem_alloc : memref<!tpu.dma_semaphore, #tpu.memory_space<semaphore_mem>>
      %dma_start3A_1535 = tpu.memref_slice %arg16[%mul3A_124] : memref<256xf32, #tpu.memory_space<vmem_shared>> -> memref<16xf32, #tpu.memory_space<vmem_shared>>
      %dma_start3A_1536 = tpu.memref_slice %arg16[%mul3A_124] : memref<256xf32, #tpu.memory_space<vmem_shared>> -> memref<16xf32, #tpu.memory_space<vmem_shared>>
      tpu.enqueue_dma source(%arg10 : memref<16xf32, #tpu.memory_space<vmem>>) target(%dma_start3A_1536 : memref<16xf32, #tpu.memory_space<vmem_shared>>) target_semaphore(%run_scoped3A : memref<!tpu.dma_semaphore, #tpu.memory_space<semaphore_mem>>)
      %dma_wait3A_1537 = tpu.memref_slice %arg16[%mul3A_124] : memref<256xf32, #tpu.memory_space<vmem_shared>> -> memref<16xf32, #tpu.memory_space<vmem_shared>>
      %dma_wait3A_1538 = tpu.memref_slice %arg16[%mul3A_124] : memref<256xf32, #tpu.memory_space<vmem_shared>> -> memref<16xf32, #tpu.memory_space<vmem_shared>>
      tpu.wait_dma2 semaphore(%run_scoped3A : memref<!tpu.dma_semaphore, #tpu.memory_space<semaphore_mem>>) src(%arg10 : memref<16xf32, #tpu.memory_space<vmem>>) dst(%dma_wait3A_1538 : memref<16xf32, #tpu.memory_space<vmem_shared>>)
      tpu.yield
    }) : () -> ()
    %dma_wait3A_125 = arith.constant 0 : i32
    %dma_wait3A_126 = tpu.memref_slice %arg8[%dma_wait3A_125] : memref<2048xf32, #tpu.memory_space<vmem>> -> memref<1024xf32, #tpu.memory_space<vmem>>
    %dma_wait3A_127 = arith.constant 0 : i32
    %dma_wait3A_128 = tpu.memref_slice %arg7[%dma_wait3A_127] : memref<2048xi32, #tpu.memory_space<vmem>> -> memref<1024xi32, #tpu.memory_space<vmem>>
    %dma_wait3A_129 = arith.constant 0 : i32
    %dma_wait3A_130 = tpu.memref_slice %arg2[%dma_wait3A_129] : memref<100000xf32, #tpu.memory_space<hbm>> -> memref<100000xf32, #tpu.memory_space<hbm>>
    tpu.wait_indirect_dma semaphore(%arg18 : memref<!tpu.dma_semaphore, #tpu.memory_space<semaphore_mem>>) src(%dma_wait3A_130 : memref<100000xf32, #tpu.memory_space<hbm>>) dst(%dma_wait3A_126 : memref<1024xf32, #tpu.memory_space<vmem>>)
    %dma_wait3A_131 = arith.constant 1024 : i32
    %dma_wait3A_132 = tpu.memref_slice %arg8[%dma_wait3A_131] : memref<2048xf32, #tpu.memory_space<vmem>> -> memref<1024xf32, #tpu.memory_space<vmem>>
    %dma_wait3A_133 = arith.constant 1024 : i32
    %dma_wait3A_134 = tpu.memref_slice %arg7[%dma_wait3A_133] : memref<2048xi32, #tpu.memory_space<vmem>> -> memref<1024xi32, #tpu.memory_space<vmem>>
    %dma_wait3A_135 = arith.constant 0 : i32
    %dma_wait3A_136 = tpu.memref_slice %arg2[%dma_wait3A_135] : memref<100000xf32, #tpu.memory_space<hbm>> -> memref<100000xf32, #tpu.memory_space<hbm>>
    tpu.wait_indirect_dma semaphore(%arg18 : memref<!tpu.dma_semaphore, #tpu.memory_space<semaphore_mem>>) src(%dma_wait3A_136 : memref<100000xf32, #tpu.memory_space<hbm>>) dst(%dma_wait3A_132 : memref<1024xf32, #tpu.memory_space<vmem>>)
    %mul3A_137 = arith.constant 8 : i32
    %mul3A_138 = arith.muli %mul3A_137, %arg0 : i32
    %add3A_139 = arith.constant 0 : i32
    %add3A_140 = arith.addi %mul3A_138, %add3A_139 : i32
    %get3A_141 = arith.index_cast %add3A_140 : i32 to index
    %get3A_142 = tpu.vector_load %arg6[%get3A_141] {strides = array<i32>} : memref<32xi32, #tpu.memory_space<vmem>>, vector<16xi32>,
    %get3A_143 = vector.shape_cast %get3A_142 : vector<16xi32> to vector<16xi32>
    %slice3A_144 = vector.extract_strided_slice %get3A_143 {offsets = [0], sizes = [1], strides = [1]} : vector<16xi32> to vector<1xi32>
    %squeeze3A_145 = vector.extract %slice3A_144[0] : i32 from vector<1xi32>
    %slice3A_146 = vector.extract_strided_slice %get3A_143 {offsets = [1], sizes = [1], strides = [1]} : vector<16xi32> to vector<1xi32>
    %squeeze3A_147 = vector.extract %slice3A_146[0] : i32 from vector<1xi32>
    %max3A = arith.maxsi %squeeze3A_145, %min3A_74 : i32
    %add3A_148 = arith.constant 2048 : i32
    %add3A_149 = arith.addi %min3A_74, %add3A_148 : i32
    %min3A_150 = arith.minsi %squeeze3A_147, %add3A_149 : i32
    %sub3A_151 = arith.subi %max3A, %min3A_74 : i32
    %jit3A_152 = arith.constant 16 : i32
    %div3A_153 = arith.divsi %sub3A_151, %jit3A_152 : i32
    %sign3A_154 = arith.constant 0 : i32
    %sign3A_155 = arith.cmpi sgt, %sub3A_151, %sign3A_154 : i32
    %sign3A_156 = arith.extui %sign3A_155 : i1 to i32
    %sign3A_157 = arith.constant 0 : i32
    %sign3A_158 = arith.cmpi slt, %sub3A_151, %sign3A_157 : i32
    %sign3A_159 = arith.extui %sign3A_158 : i1 to i32
    %sign3A_160 = arith.subi %sign3A_156, %sign3A_159 : i32
    %sign3A_161 = arith.constant 0 : i32
    %sign3A_162 = arith.cmpi sgt, %jit3A_152, %sign3A_161 : i32
    %sign3A_163 = arith.extui %sign3A_162 : i1 to i32
    %sign3A_164 = arith.constant 0 : i32
    %sign3A_165 = arith.cmpi slt, %jit3A_152, %sign3A_164 : i32
    %sign3A_166 = arith.extui %sign3A_165 : i1 to i32
    %sign3A_167 = arith.subi %sign3A_163, %sign3A_166 : i32
    %ne3A_168 = arith.cmpi ne, %sign3A_160, %sign3A_167 : i32
    %rem3A_169 = arith.remsi %sub3A_151, %jit3A_152 : i32
    %ne3A_170 = arith.constant 0 : i32
    %ne3A_171 = arith.cmpi ne, %rem3A_169, %ne3A_170 : i32
    %and3A_172 = arith.andi %ne3A_168, %ne3A_171 : i1
    %sub3A_173 = arith.constant 1 : i32
    %sub3A_174 = arith.subi %div3A_153, %sub3A_173 : i32
    %select_n3A_175 = arith.select %and3A_172, %sub3A_174, %div3A_153 : i32
    %sub3A_176 = arith.subi %min3A_150, %min3A_74 : i32
    %add3A_177 = arith.constant 15 : i32
    %add3A_178 = arith.addi %sub3A_176, %add3A_177 : i32
    %jit3A_179 = arith.constant 16 : i32
    %div3A_180 = arith.divsi %add3A_178, %jit3A_179 : i32
    %sign3A_181 = arith.constant 0 : i32
    %sign3A_182 = arith.cmpi sgt, %add3A_178, %sign3A_181 : i32
    %sign3A_183 = arith.extui %sign3A_182 : i1 to i32
    %sign3A_184 = arith.constant 0 : i32
    %sign3A_185 = arith.cmpi slt, %add3A_178, %sign3A_184 : i32
    %sign3A_186 = arith.extui %sign3A_185 : i1 to i32
    %sign3A_187 = arith.subi %sign3A_183, %sign3A_186 : i32
    %sign3A_188 = arith.constant 0 : i32
    %sign3A_189 = arith.cmpi sgt, %jit3A_179, %sign3A_188 : i32
    %sign3A_190 = arith.extui %sign3A_189 : i1 to i32
    %sign3A_191 = arith.constant 0 : i32
    %sign3A_192 = arith.cmpi slt, %jit3A_179, %sign3A_191 : i32
    %sign3A_193 = arith.extui %sign3A_192 : i1 to i32
    %sign3A_194 = arith.subi %sign3A_190, %sign3A_193 : i32
    %ne3A_195 = arith.cmpi ne, %sign3A_187, %sign3A_194 : i32
    %rem3A_196 = arith.remsi %add3A_178, %jit3A_179 : i32
    %ne3A_197 = arith.constant 0 : i32
    %ne3A_198 = arith.cmpi ne, %rem3A_196, %ne3A_197 : i32
    %and3A_199 = arith.andi %ne3A_195, %ne3A_198 : i1
    %sub3A_200 = arith.constant 1 : i32
    %sub3A_201 = arith.subi %div3A_180, %sub3A_200 : i32
    %select_n3A_202 = arith.select %and3A_199, %sub3A_201, %div3A_180 : i32
    %max3A_203 = arith.maxsi %select_n3A_175, %select_n3A_202 : i32
    %sub3A_204 = arith.subi %squeeze3A_145, %min3A_74 : i32
    %add3A_205 = arith.constant 15 : i32
    %add3A_206 = arith.addi %sub3A_204, %add3A_205 : i32
    %jit3A_207 = arith.constant 16 : i32
    %div3A_208 = arith.divsi %add3A_206, %jit3A_207 : i32
    %sign3A_209 = arith.constant 0 : i32
    %sign3A_210 = arith.cmpi sgt, %add3A_206, %sign3A_209 : i32
    %sign3A_211 = arith.extui %sign3A_210 : i1 to i32
    %sign3A_212 = arith.constant 0 : i32
    %sign3A_213 = arith.cmpi slt, %add3A_206, %sign3A_212 : i32
    %sign3A_214 = arith.extui %sign3A_213 : i1 to i32
    %sign3A_215 = arith.subi %sign3A_211, %sign3A_214 : i32
    %sign3A_216 = arith.constant 0 : i32
    %sign3A_217 = arith.cmpi sgt, %jit3A_207, %sign3A_216 : i32
    %sign3A_218 = arith.extui %sign3A_217 : i1 to i32
    %sign3A_219 = arith.constant 0 : i32
    %sign3A_220 = arith.cmpi slt, %jit3A_207, %sign3A_219 : i32
    %sign3A_221 = arith.extui %sign3A_220 : i1 to i32
    %sign3A_222 = arith.subi %sign3A_218, %sign3A_221 : i32
    %ne3A_223 = arith.cmpi ne, %sign3A_215, %sign3A_222 : i32
    %rem3A_224 = arith.remsi %add3A_206, %jit3A_207 : i32
    %ne3A_225 = arith.constant 0 : i32
    %ne3A_226 = arith.cmpi ne, %rem3A_224, %ne3A_225 : i32
    %and3A_227 = arith.andi %ne3A_223, %ne3A_226 : i1
    %sub3A_228 = arith.constant 1 : i32
    %sub3A_229 = arith.subi %div3A_208, %sub3A_228 : i32
    %select_n3A_230 = arith.select %and3A_227, %sub3A_229, %div3A_208 : i32
    %max3A_231 = arith.maxsi %select_n3A_230, %select_n3A_175 : i32
    %min3A_232 = arith.minsi %max3A_231, %max3A_203 : i32
    %sub3A_233 = arith.subi %squeeze3A_147, %min3A_74 : i32
    %jit3A_234 = arith.constant 16 : i32
    %div3A_235 = arith.divsi %sub3A_233, %jit3A_234 : i32
    %sign3A_236 = arith.constant 0 : i32
    %sign3A_237 = arith.cmpi sgt, %sub3A_233, %sign3A_236 : i32
    %sign3A_238 = arith.extui %sign3A_237 : i1 to i32
    %sign3A_239 = arith.constant 0 : i32
    %sign3A_240 = arith.cmpi slt, %sub3A_233, %sign3A_239 : i32
    %sign3A_241 = arith.extui %sign3A_240 : i1 to i32
    %sign3A_242 = arith.subi %sign3A_238, %sign3A_241 : i32
    %sign3A_243 = arith.constant 0 : i32
    %sign3A_244 = arith.cmpi sgt, %jit3A_234, %sign3A_243 : i32
    %sign3A_245 = arith.extui %sign3A_244 : i1 to i32
    %sign3A_246 = arith.constant 0 : i32
    %sign3A_247 = arith.cmpi slt, %jit3A_234, %sign3A_246 : i32
    %sign3A_248 = arith.extui %sign3A_247 : i1 to i32
    %sign3A_249 = arith.subi %sign3A_245, %sign3A_248 : i32
    %ne3A_250 = arith.cmpi ne, %sign3A_242, %sign3A_249 : i32
    %rem3A_251 = arith.remsi %sub3A_233, %jit3A_234 : i32
    %ne3A_252 = arith.constant 0 : i32
    %ne3A_253 = arith.cmpi ne, %rem3A_251, %ne3A_252 : i32
    %and3A_254 = arith.andi %ne3A_250, %ne3A_253 : i1
    %sub3A_255 = arith.constant 1 : i32
    %sub3A_256 = arith.subi %div3A_235, %sub3A_255 : i32
    %select_n3A_257 = arith.select %and3A_254, %sub3A_256, %div3A_235 : i32
    %min3A_258 = arith.minsi %select_n3A_257, %max3A_203 : i32
    %max3A_259 = arith.maxsi %min3A_258, %min3A_232 : i32
    %while3A = arith.subi %min3A_232, %select_n3A_175 : i32
    %while3A_260 = arith.addi %select_n3A_175, %while3A : i32
    %while3A_261 = arith.constant 1 : i32
    %while3A_262 = arith.divsi %while3A, %while3A_261 : i32
    %while3A_263 = arith.muli %while3A_262, %while3A_261 : i32
    %while3A_264 = arith.addi %select_n3A_175, %while3A_263 : i32
    %while3A_265 = arith.constant 1 : i32
    %while3A_266 = scf.for %while3A_1535 = %select_n3A_175 to %while3A_264 step %while3A_265 iter_args(%while3A_1536 = %broadcast_in_dim3A_0) -> (vector<16xf32>)  : i32 {
      %mul3A_1537 = arith.constant 16 : i32
      %mul3A_1538 = arith.muli %while3A_1535, %mul3A_1537 : i32
      %add3A_1539 = arith.addi %min3A_74, %mul3A_1538 : i32
      %add3A_1540 = vector.broadcast %add3A_1539 : i32 to vector<16xi32>
      %add3A_1541 = arith.addi %add3A_1540, %iota3A : vector<16xi32>
      %mul3A_1542 = arith.constant 16 : i32
      %mul3A_1543 = arith.muli %while3A_1535, %mul3A_1542 : i32
      %get3A_1544 = arith.index_cast %mul3A_1543 : i32 to index
      %get3A_1545 = tpu.vector_load %arg8[%get3A_1544] {strides = array<i32>} : memref<2048xf32, #tpu.memory_space<vmem>>, vector<16xf32>,
      %get3A_1546 = vector.shape_cast %get3A_1545 : vector<16xf32> to vector<16xf32>
      %ge3A = vector.broadcast %squeeze3A_145 : i32 to vector<16xi32>
      %ge3A_1547 = arith.cmpi sge, %add3A_1541, %ge3A : vector<16xi32>
      %lt3A_1548 = vector.broadcast %squeeze3A_147 : i32 to vector<16xi32>
      %lt3A_1549 = arith.cmpi slt, %add3A_1541, %lt3A_1548 : vector<16xi32>
      %and3A_1550 = arith.andi %ge3A_1547, %lt3A_1549 : vector<16xi1>
      %jit3A_1551 = arith.constant 0xFF800000 : f32
      %broadcast_in_dim3A_1552 = vector.broadcast %jit3A_1551 : f32 to vector<16xf32>
      %select_n3A_1553 = arith.select %and3A_1550, %get3A_1546, %broadcast_in_dim3A_1552 : vector<16xi1>, vector<16xf32>
      %max3A_1554 = arith.maximumf %while3A_1536, %select_n3A_1553 : vector<16xf32>
      scf.yield %max3A_1554 : vector<16xf32>
    }
    %while3A_267 = arith.constant 1 : i32
    %while3A_268 = scf.for %while3A_1535 = %while3A_264 to %while3A_260 step %while3A_267 iter_args(%while3A_1536 = %while3A_266) -> (vector<16xf32>)  : i32 {
      %mul3A_1537 = arith.constant 16 : i32
      %mul3A_1538 = arith.muli %while3A_1535, %mul3A_1537 : i32
      %add3A_1539 = arith.addi %min3A_74, %mul3A_1538 : i32
      %add3A_1540 = vector.broadcast %add3A_1539 : i32 to vector<16xi32>
      %add3A_1541 = arith.addi %add3A_1540, %iota3A : vector<16xi32>
      %mul3A_1542 = arith.constant 16 : i32
      %mul3A_1543 = arith.muli %while3A_1535, %mul3A_1542 : i32
      %get3A_1544 = arith.index_cast %mul3A_1543 : i32 to index
      %get3A_1545 = tpu.vector_load %arg8[%get3A_1544] {strides = array<i32>} : memref<2048xf32, #tpu.memory_space<vmem>>, vector<16xf32>,
      %get3A_1546 = vector.shape_cast %get3A_1545 : vector<16xf32> to vector<16xf32>
      %ge3A = vector.broadcast %squeeze3A_145 : i32 to vector<16xi32>
      %ge3A_1547 = arith.cmpi sge, %add3A_1541, %ge3A : vector<16xi32>
      %lt3A_1548 = vector.broadcast %squeeze3A_147 : i32 to vector<16xi32>
      %lt3A_1549 = arith.cmpi slt, %add3A_1541, %lt3A_1548 : vector<16xi32>
      %and3A_1550 = arith.andi %ge3A_1547, %lt3A_1549 : vector<16xi1>
      %jit3A_1551 = arith.constant 0xFF800000 : f32
      %broadcast_in_dim3A_1552 = vector.broadcast %jit3A_1551 : f32 to vector<16xf32>
      %select_n3A_1553 = arith.select %and3A_1550, %get3A_1546, %broadcast_in_dim3A_1552 : vector<16xi1>, vector<16xf32>
      %max3A_1554 = arith.maximumf %while3A_1536, %select_n3A_1553 : vector<16xf32>
      scf.yield %max3A_1554 : vector<16xf32>
    }
    %while3A_269 = arith.subi %max3A_259, %min3A_232 : i32
    %while3A_270 = arith.addi %min3A_232, %while3A_269 : i32
    %while3A_271 = arith.constant 1 : i32
    %while3A_272 = arith.divsi %while3A_269, %while3A_271 : i32
    %while3A_273 = arith.muli %while3A_272, %while3A_271 : i32
    %while3A_274 = arith.addi %min3A_232, %while3A_273 : i32
    %while3A_275 = arith.constant 1 : i32
    %while3A_276 = scf.for %while3A_1535 = %min3A_232 to %while3A_274 step %while3A_275 iter_args(%while3A_1536 = %while3A_268) -> (vector<16xf32>)  : i32 {
      %mul3A_1537 = arith.constant 16 : i32
      %mul3A_1538 = arith.muli %while3A_1535, %mul3A_1537 : i32
      %get3A_1539 = arith.index_cast %mul3A_1538 : i32 to index
      %get3A_1540 = tpu.vector_load %arg8[%get3A_1539] {strides = array<i32>} : memref<2048xf32, #tpu.memory_space<vmem>>, vector<16xf32>,
      %get3A_1541 = vector.shape_cast %get3A_1540 : vector<16xf32> to vector<16xf32>
      %max3A_1542 = arith.maximumf %while3A_1536, %get3A_1541 : vector<16xf32>
      scf.yield %max3A_1542 : vector<16xf32>
    }
    %while3A_277 = arith.constant 1 : i32
    %while3A_278 = scf.for %while3A_1535 = %while3A_274 to %while3A_270 step %while3A_277 iter_args(%while3A_1536 = %while3A_276) -> (vector<16xf32>)  : i32 {
      %mul3A_1537 = arith.constant 16 : i32
      %mul3A_1538 = arith.muli %while3A_1535, %mul3A_1537 : i32
      %get3A_1539 = arith.index_cast %mul3A_1538 : i32 to index
      %get3A_1540 = tpu.vector_load %arg8[%get3A_1539] {strides = array<i32>} : memref<2048xf32, #tpu.memory_space<vmem>>, vector<16xf32>,
      %get3A_1541 = vector.shape_cast %get3A_1540 : vector<16xf32> to vector<16xf32>
      %max3A_1542 = arith.maximumf %while3A_1536, %get3A_1541 : vector<16xf32>
      scf.yield %max3A_1542 : vector<16xf32>
    }
    %while3A_279 = arith.subi %max3A_203, %max3A_259 : i32
    %while3A_280 = arith.addi %max3A_259, %while3A_279 : i32
    %while3A_281 = arith.constant 1 : i32
    %while3A_282 = arith.divsi %while3A_279, %while3A_281 : i32
    %while3A_283 = arith.muli %while3A_282, %while3A_281 : i32
    %while3A_284 = arith.addi %max3A_259, %while3A_283 : i32
    %while3A_285 = arith.constant 1 : i32
    %while3A_286 = scf.for %while3A_1535 = %max3A_259 to %while3A_284 step %while3A_285 iter_args(%while3A_1536 = %while3A_278) -> (vector<16xf32>)  : i32 {
      %mul3A_1537 = arith.constant 16 : i32
      %mul3A_1538 = arith.muli %while3A_1535, %mul3A_1537 : i32
      %add3A_1539 = arith.addi %min3A_74, %mul3A_1538 : i32
      %add3A_1540 = vector.broadcast %add3A_1539 : i32 to vector<16xi32>
      %add3A_1541 = arith.addi %add3A_1540, %iota3A : vector<16xi32>
      %mul3A_1542 = arith.constant 16 : i32
      %mul3A_1543 = arith.muli %while3A_1535, %mul3A_1542 : i32
      %get3A_1544 = arith.index_cast %mul3A_1543 : i32 to index
      %get3A_1545 = tpu.vector_load %arg8[%get3A_1544] {strides = array<i32>} : memref<2048xf32, #tpu.memory_space<vmem>>, vector<16xf32>,
      %get3A_1546 = vector.shape_cast %get3A_1545 : vector<16xf32> to vector<16xf32>
      %ge3A = vector.broadcast %squeeze3A_145 : i32 to vector<16xi32>
      %ge3A_1547 = arith.cmpi sge, %add3A_1541, %ge3A : vector<16xi32>
      %lt3A_1548 = vector.broadcast %squeeze3A_147 : i32 to vector<16xi32>
      %lt3A_1549 = arith.cmpi slt, %add3A_1541, %lt3A_1548 : vector<16xi32>
      %and3A_1550 = arith.andi %ge3A_1547, %lt3A_1549 : vector<16xi1>
      %jit3A_1551 = arith.constant 0xFF800000 : f32
      %broadcast_in_dim3A_1552 = vector.broadcast %jit3A_1551 : f32 to vector<16xf32>
      %select_n3A_1553 = arith.select %and3A_1550, %get3A_1546, %broadcast_in_dim3A_1552 : vector<16xi1>, vector<16xf32>
      %max3A_1554 = arith.maximumf %while3A_1536, %select_n3A_1553 : vector<16xf32>
      scf.yield %max3A_1554 : vector<16xf32>
    }
    %while3A_287 = arith.constant 1 : i32
    %while3A_288 = scf.for %while3A_1535 = %while3A_284 to %while3A_280 step %while3A_287 iter_args(%while3A_1536 = %while3A_286) -> (vector<16xf32>)  : i32 {
      %mul3A_1537 = arith.constant 16 : i32
      %mul3A_1538 = arith.muli %while3A_1535, %mul3A_1537 : i32
      %add3A_1539 = arith.addi %min3A_74, %mul3A_1538 : i32
      %add3A_1540 = vector.broadcast %add3A_1539 : i32 to vector<16xi32>
      %add3A_1541 = arith.addi %add3A_1540, %iota3A : vector<16xi32>
      %mul3A_1542 = arith.constant 16 : i32
      %mul3A_1543 = arith.muli %while3A_1535, %mul3A_1542 : i32
      %get3A_1544 = arith.index_cast %mul3A_1543 : i32 to index
      %get3A_1545 = tpu.vector_load %arg8[%get3A_1544] {strides = array<i32>} : memref<2048xf32, #tpu.memory_space<vmem>>, vector<16xf32>,
      %get3A_1546 = vector.shape_cast %get3A_1545 : vector<16xf32> to vector<16xf32>
      %ge3A = vector.broadcast %squeeze3A_145 : i32 to vector<16xi32>
      %ge3A_1547 = arith.cmpi sge, %add3A_1541, %ge3A : vector<16xi32>
      %lt3A_1548 = vector.broadcast %squeeze3A_147 : i32 to vector<16xi32>
      %lt3A_1549 = arith.cmpi slt, %add3A_1541, %lt3A_1548 : vector<16xi32>
      %and3A_1550 = arith.andi %ge3A_1547, %lt3A_1549 : vector<16xi1>
      %jit3A_1551 = arith.constant 0xFF800000 : f32
      %broadcast_in_dim3A_1552 = vector.broadcast %jit3A_1551 : f32 to vector<16xf32>
      %select_n3A_1553 = arith.select %and3A_1550, %get3A_1546, %broadcast_in_dim3A_1552 : vector<16xi1>, vector<16xf32>
      %max3A_1554 = arith.maximumf %while3A_1536, %select_n3A_1553 : vector<16xf32>
      scf.yield %max3A_1554 : vector<16xf32>
    }
    %swap3A_289 = arith.constant 0 : index
    %swap3A_290 = tpu.vector_load %arg11[%swap3A_289] {strides = array<i32>} : memref<128xf32, #tpu.memory_space<vmem>>, vector<16xf32>,
    %swap3A_291 = vector.shape_cast %swap3A_290 : vector<16xf32> to vector<16xf32>
    %swap3A_292 = vector.shape_cast %while3A_288 : vector<16xf32> to vector<16xf32>
    tpu.vector_store %arg11[%swap3A_289], %swap3A_292 {strides = array<i32>} : memref<128xf32, #tpu.memory_space<vmem>>, vector<16xf32>,
    %mul3A_293 = arith.constant 16 : i32
    %mul3A_294 = arith.muli %arg1, %mul3A_293 : i32
    %add3A_295 = arith.constant 0 : i32
    %add3A_296 = arith.addi %add3A_295, %mul3A_294 : i32
    %dma_start3A_297 = arith.constant 0 : i32
    %dma_start3A_298 = tpu.memref_slice %arg11[%dma_start3A_297] : memref<128xf32, #tpu.memory_space<vmem>> -> memref<16xf32, #tpu.memory_space<vmem>>
    %dma_start3A_299 = tpu.memref_slice %arg15[%add3A_296] : memref<2048xf32, #tpu.memory_space<vmem_shared>> -> memref<16xf32, #tpu.memory_space<vmem_shared>>
    %dma_start3A_300 = tpu.memref_slice %arg15[%add3A_296] : memref<2048xf32, #tpu.memory_space<vmem_shared>> -> memref<16xf32, #tpu.memory_space<vmem_shared>>
    %dma_start3A_301 = arith.constant 0 : i32
    %dma_start3A_302 = tpu.memref_slice %arg11[%dma_start3A_301] : memref<128xf32, #tpu.memory_space<vmem>> -> memref<16xf32, #tpu.memory_space<vmem>>
    tpu.enqueue_dma source(%dma_start3A_302 : memref<16xf32, #tpu.memory_space<vmem>>) target(%dma_start3A_300 : memref<16xf32, #tpu.memory_space<vmem_shared>>) target_semaphore(%arg21 : memref<!tpu.dma_semaphore, #tpu.memory_space<semaphore_mem>>)
    %mul3A_303 = arith.constant 8 : i32
    %mul3A_304 = arith.muli %mul3A_303, %arg0 : i32
    %add3A_305 = arith.constant 1 : i32
    %add3A_306 = arith.addi %mul3A_304, %add3A_305 : i32
    %get3A_307 = arith.index_cast %add3A_306 : i32 to index
    %get3A_308 = tpu.vector_load %arg6[%get3A_307] {strides = array<i32>} : memref<32xi32, #tpu.memory_space<vmem>>, vector<16xi32>,
    %get3A_309 = vector.shape_cast %get3A_308 : vector<16xi32> to vector<16xi32>
    %slice3A_310 = vector.extract_strided_slice %get3A_309 {offsets = [0], sizes = [1], strides = [1]} : vector<16xi32> to vector<1xi32>
    %squeeze3A_311 = vector.extract %slice3A_310[0] : i32 from vector<1xi32>
    %slice3A_312 = vector.extract_strided_slice %get3A_309 {offsets = [1], sizes = [1], strides = [1]} : vector<16xi32> to vector<1xi32>
    %squeeze3A_313 = vector.extract %slice3A_312[0] : i32 from vector<1xi32>
    %max3A_314 = arith.maxsi %squeeze3A_311, %min3A_74 : i32
    %add3A_315 = arith.constant 2048 : i32
    %add3A_316 = arith.addi %min3A_74, %add3A_315 : i32
    %min3A_317 = arith.minsi %squeeze3A_313, %add3A_316 : i32
    %sub3A_318 = arith.subi %max3A_314, %min3A_74 : i32
    %jit3A_319 = arith.constant 16 : i32
    %div3A_320 = arith.divsi %sub3A_318, %jit3A_319 : i32
    %sign3A_321 = arith.constant 0 : i32
    %sign3A_322 = arith.cmpi sgt, %sub3A_318, %sign3A_321 : i32
    %sign3A_323 = arith.extui %sign3A_322 : i1 to i32
    %sign3A_324 = arith.constant 0 : i32
    %sign3A_325 = arith.cmpi slt, %sub3A_318, %sign3A_324 : i32
    %sign3A_326 = arith.extui %sign3A_325 : i1 to i32
    %sign3A_327 = arith.subi %sign3A_323, %sign3A_326 : i32
    %sign3A_328 = arith.constant 0 : i32
    %sign3A_329 = arith.cmpi sgt, %jit3A_319, %sign3A_328 : i32
    %sign3A_330 = arith.extui %sign3A_329 : i1 to i32
    %sign3A_331 = arith.constant 0 : i32
    %sign3A_332 = arith.cmpi slt, %jit3A_319, %sign3A_331 : i32
    %sign3A_333 = arith.extui %sign3A_332 : i1 to i32
    %sign3A_334 = arith.subi %sign3A_330, %sign3A_333 : i32
    %ne3A_335 = arith.cmpi ne, %sign3A_327, %sign3A_334 : i32
    %rem3A_336 = arith.remsi %sub3A_318, %jit3A_319 : i32
    %ne3A_337 = arith.constant 0 : i32
    %ne3A_338 = arith.cmpi ne, %rem3A_336, %ne3A_337 : i32
    %and3A_339 = arith.andi %ne3A_335, %ne3A_338 : i1
    %sub3A_340 = arith.constant 1 : i32
    %sub3A_341 = arith.subi %div3A_320, %sub3A_340 : i32
    %select_n3A_342 = arith.select %and3A_339, %sub3A_341, %div3A_320 : i32
    %sub3A_343 = arith.subi %min3A_317, %min3A_74 : i32
    %add3A_344 = arith.constant 15 : i32
    %add3A_345 = arith.addi %sub3A_343, %add3A_344 : i32
    %jit3A_346 = arith.constant 16 : i32
    %div3A_347 = arith.divsi %add3A_345, %jit3A_346 : i32
    %sign3A_348 = arith.constant 0 : i32
    %sign3A_349 = arith.cmpi sgt, %add3A_345, %sign3A_348 : i32
    %sign3A_350 = arith.extui %sign3A_349 : i1 to i32
    %sign3A_351 = arith.constant 0 : i32
    %sign3A_352 = arith.cmpi slt, %add3A_345, %sign3A_351 : i32
    %sign3A_353 = arith.extui %sign3A_352 : i1 to i32
    %sign3A_354 = arith.subi %sign3A_350, %sign3A_353 : i32
    %sign3A_355 = arith.constant 0 : i32
    %sign3A_356 = arith.cmpi sgt, %jit3A_346, %sign3A_355 : i32
    %sign3A_357 = arith.extui %sign3A_356 : i1 to i32
    %sign3A_358 = arith.constant 0 : i32
    %sign3A_359 = arith.cmpi slt, %jit3A_346, %sign3A_358 : i32
    %sign3A_360 = arith.extui %sign3A_359 : i1 to i32
    %sign3A_361 = arith.subi %sign3A_357, %sign3A_360 : i32
    %ne3A_362 = arith.cmpi ne, %sign3A_354, %sign3A_361 : i32
    %rem3A_363 = arith.remsi %add3A_345, %jit3A_346 : i32
    %ne3A_364 = arith.constant 0 : i32
    %ne3A_365 = arith.cmpi ne, %rem3A_363, %ne3A_364 : i32
    %and3A_366 = arith.andi %ne3A_362, %ne3A_365 : i1
    %sub3A_367 = arith.constant 1 : i32
    %sub3A_368 = arith.subi %div3A_347, %sub3A_367 : i32
    %select_n3A_369 = arith.select %and3A_366, %sub3A_368, %div3A_347 : i32
    %max3A_370 = arith.maxsi %select_n3A_342, %select_n3A_369 : i32
    %sub3A_371 = arith.subi %squeeze3A_311, %min3A_74 : i32
    %add3A_372 = arith.constant 15 : i32
    %add3A_373 = arith.addi %sub3A_371, %add3A_372 : i32
    %jit3A_374 = arith.constant 16 : i32
    %div3A_375 = arith.divsi %add3A_373, %jit3A_374 : i32
    %sign3A_376 = arith.constant 0 : i32
    %sign3A_377 = arith.cmpi sgt, %add3A_373, %sign3A_376 : i32
    %sign3A_378 = arith.extui %sign3A_377 : i1 to i32
    %sign3A_379 = arith.constant 0 : i32
    %sign3A_380 = arith.cmpi slt, %add3A_373, %sign3A_379 : i32
    %sign3A_381 = arith.extui %sign3A_380 : i1 to i32
    %sign3A_382 = arith.subi %sign3A_378, %sign3A_381 : i32
    %sign3A_383 = arith.constant 0 : i32
    %sign3A_384 = arith.cmpi sgt, %jit3A_374, %sign3A_383 : i32
    %sign3A_385 = arith.extui %sign3A_384 : i1 to i32
    %sign3A_386 = arith.constant 0 : i32
    %sign3A_387 = arith.cmpi slt, %jit3A_374, %sign3A_386 : i32
    %sign3A_388 = arith.extui %sign3A_387 : i1 to i32
    %sign3A_389 = arith.subi %sign3A_385, %sign3A_388 : i32
    %ne3A_390 = arith.cmpi ne, %sign3A_382, %sign3A_389 : i32
    %rem3A_391 = arith.remsi %add3A_373, %jit3A_374 : i32
    %ne3A_392 = arith.constant 0 : i32
    %ne3A_393 = arith.cmpi ne, %rem3A_391, %ne3A_392 : i32
    %and3A_394 = arith.andi %ne3A_390, %ne3A_393 : i1
    %sub3A_395 = arith.constant 1 : i32
    %sub3A_396 = arith.subi %div3A_375, %sub3A_395 : i32
    %select_n3A_397 = arith.select %and3A_394, %sub3A_396, %div3A_375 : i32
    %max3A_398 = arith.maxsi %select_n3A_397, %select_n3A_342 : i32
    %min3A_399 = arith.minsi %max3A_398, %max3A_370 : i32
    %sub3A_400 = arith.subi %squeeze3A_313, %min3A_74 : i32
    %jit3A_401 = arith.constant 16 : i32
    %div3A_402 = arith.divsi %sub3A_400, %jit3A_401 : i32
    %sign3A_403 = arith.constant 0 : i32
    %sign3A_404 = arith.cmpi sgt, %sub3A_400, %sign3A_403 : i32
    %sign3A_405 = arith.extui %sign3A_404 : i1 to i32
    %sign3A_406 = arith.constant 0 : i32
    %sign3A_407 = arith.cmpi slt, %sub3A_400, %sign3A_406 : i32
    %sign3A_408 = arith.extui %sign3A_407 : i1 to i32
    %sign3A_409 = arith.subi %sign3A_405, %sign3A_408 : i32
    %sign3A_410 = arith.constant 0 : i32
    %sign3A_411 = arith.cmpi sgt, %jit3A_401, %sign3A_410 : i32
    %sign3A_412 = arith.extui %sign3A_411 : i1 to i32
    %sign3A_413 = arith.constant 0 : i32
    %sign3A_414 = arith.cmpi slt, %jit3A_401, %sign3A_413 : i32
    %sign3A_415 = arith.extui %sign3A_414 : i1 to i32
    %sign3A_416 = arith.subi %sign3A_412, %sign3A_415 : i32
    %ne3A_417 = arith.cmpi ne, %sign3A_409, %sign3A_416 : i32
    %rem3A_418 = arith.remsi %sub3A_400, %jit3A_401 : i32
    %ne3A_419 = arith.constant 0 : i32
    %ne3A_420 = arith.cmpi ne, %rem3A_418, %ne3A_419 : i32
    %and3A_421 = arith.andi %ne3A_417, %ne3A_420 : i1
    %sub3A_422 = arith.constant 1 : i32
    %sub3A_423 = arith.subi %div3A_402, %sub3A_422 : i32
    %select_n3A_424 = arith.select %and3A_421, %sub3A_423, %div3A_402 : i32
    %min3A_425 = arith.minsi %select_n3A_424, %max3A_370 : i32
    %max3A_426 = arith.maxsi %min3A_425, %min3A_399 : i32
    %while3A_427 = arith.subi %min3A_399, %select_n3A_342 : i32
    %while3A_428 = arith.addi %select_n3A_342, %while3A_427 : i32
    %while3A_429 = arith.constant 1 : i32
    %while3A_430 = arith.divsi %while3A_427, %while3A_429 : i32
    %while3A_431 = arith.muli %while3A_430, %while3A_429 : i32
    %while3A_432 = arith.addi %select_n3A_342, %while3A_431 : i32
    %while3A_433 = arith.constant 1 : i32
    %while3A_434 = scf.for %while3A_1535 = %select_n3A_342 to %while3A_432 step %while3A_433 iter_args(%while3A_1536 = %broadcast_in_dim3A_0) -> (vector<16xf32>)  : i32 {
      %mul3A_1537 = arith.constant 16 : i32
      %mul3A_1538 = arith.muli %while3A_1535, %mul3A_1537 : i32
      %add3A_1539 = arith.addi %min3A_74, %mul3A_1538 : i32
      %add3A_1540 = vector.broadcast %add3A_1539 : i32 to vector<16xi32>
      %add3A_1541 = arith.addi %add3A_1540, %iota3A : vector<16xi32>
      %mul3A_1542 = arith.constant 16 : i32
      %mul3A_1543 = arith.muli %while3A_1535, %mul3A_1542 : i32
      %get3A_1544 = arith.index_cast %mul3A_1543 : i32 to index
      %get3A_1545 = tpu.vector_load %arg8[%get3A_1544] {strides = array<i32>} : memref<2048xf32, #tpu.memory_space<vmem>>, vector<16xf32>,
      %get3A_1546 = vector.shape_cast %get3A_1545 : vector<16xf32> to vector<16xf32>
      %ge3A = vector.broadcast %squeeze3A_311 : i32 to vector<16xi32>
      %ge3A_1547 = arith.cmpi sge, %add3A_1541, %ge3A : vector<16xi32>
      %lt3A_1548 = vector.broadcast %squeeze3A_313 : i32 to vector<16xi32>
      %lt3A_1549 = arith.cmpi slt, %add3A_1541, %lt3A_1548 : vector<16xi32>
      %and3A_1550 = arith.andi %ge3A_1547, %lt3A_1549 : vector<16xi1>
      %jit3A_1551 = arith.constant 0xFF800000 : f32
      %broadcast_in_dim3A_1552 = vector.broadcast %jit3A_1551 : f32 to vector<16xf32>
      %select_n3A_1553 = arith.select %and3A_1550, %get3A_1546, %broadcast_in_dim3A_1552 : vector<16xi1>, vector<16xf32>
      %max3A_1554 = arith.maximumf %while3A_1536, %select_n3A_1553 : vector<16xf32>
      scf.yield %max3A_1554 : vector<16xf32>
    }
    %while3A_435 = arith.constant 1 : i32
    %while3A_436 = scf.for %while3A_1535 = %while3A_432 to %while3A_428 step %while3A_435 iter_args(%while3A_1536 = %while3A_434) -> (vector<16xf32>)  : i32 {
      %mul3A_1537 = arith.constant 16 : i32
      %mul3A_1538 = arith.muli %while3A_1535, %mul3A_1537 : i32
      %add3A_1539 = arith.addi %min3A_74, %mul3A_1538 : i32
      %add3A_1540 = vector.broadcast %add3A_1539 : i32 to vector<16xi32>
      %add3A_1541 = arith.addi %add3A_1540, %iota3A : vector<16xi32>
      %mul3A_1542 = arith.constant 16 : i32
      %mul3A_1543 = arith.muli %while3A_1535, %mul3A_1542 : i32
      %get3A_1544 = arith.index_cast %mul3A_1543 : i32 to index
      %get3A_1545 = tpu.vector_load %arg8[%get3A_1544] {strides = array<i32>} : memref<2048xf32, #tpu.memory_space<vmem>>, vector<16xf32>,
      %get3A_1546 = vector.shape_cast %get3A_1545 : vector<16xf32> to vector<16xf32>
      %ge3A = vector.broadcast %squeeze3A_311 : i32 to vector<16xi32>
      %ge3A_1547 = arith.cmpi sge, %add3A_1541, %ge3A : vector<16xi32>
      %lt3A_1548 = vector.broadcast %squeeze3A_313 : i32 to vector<16xi32>
      %lt3A_1549 = arith.cmpi slt, %add3A_1541, %lt3A_1548 : vector<16xi32>
      %and3A_1550 = arith.andi %ge3A_1547, %lt3A_1549 : vector<16xi1>
      %jit3A_1551 = arith.constant 0xFF800000 : f32
      %broadcast_in_dim3A_1552 = vector.broadcast %jit3A_1551 : f32 to vector<16xf32>
      %select_n3A_1553 = arith.select %and3A_1550, %get3A_1546, %broadcast_in_dim3A_1552 : vector<16xi1>, vector<16xf32>
      %max3A_1554 = arith.maximumf %while3A_1536, %select_n3A_1553 : vector<16xf32>
      scf.yield %max3A_1554 : vector<16xf32>
    }
    %while3A_437 = arith.subi %max3A_426, %min3A_399 : i32
    %while3A_438 = arith.addi %min3A_399, %while3A_437 : i32
    %while3A_439 = arith.constant 1 : i32
    %while3A_440 = arith.divsi %while3A_437, %while3A_439 : i32
    %while3A_441 = arith.muli %while3A_440, %while3A_439 : i32
    %while3A_442 = arith.addi %min3A_399, %while3A_441 : i32
    %while3A_443 = arith.constant 1 : i32
    %while3A_444 = scf.for %while3A_1535 = %min3A_399 to %while3A_442 step %while3A_443 iter_args(%while3A_1536 = %while3A_436) -> (vector<16xf32>)  : i32 {
      %mul3A_1537 = arith.constant 16 : i32
      %mul3A_1538 = arith.muli %while3A_1535, %mul3A_1537 : i32
      %get3A_1539 = arith.index_cast %mul3A_1538 : i32 to index
      %get3A_1540 = tpu.vector_load %arg8[%get3A_1539] {strides = array<i32>} : memref<2048xf32, #tpu.memory_space<vmem>>, vector<16xf32>,
      %get3A_1541 = vector.shape_cast %get3A_1540 : vector<16xf32> to vector<16xf32>
      %max3A_1542 = arith.maximumf %while3A_1536, %get3A_1541 : vector<16xf32>
      scf.yield %max3A_1542 : vector<16xf32>
    }
    %while3A_445 = arith.constant 1 : i32
    %while3A_446 = scf.for %while3A_1535 = %while3A_442 to %while3A_438 step %while3A_445 iter_args(%while3A_1536 = %while3A_444) -> (vector<16xf32>)  : i32 {
      %mul3A_1537 = arith.constant 16 : i32
      %mul3A_1538 = arith.muli %while3A_1535, %mul3A_1537 : i32
      %get3A_1539 = arith.index_cast %mul3A_1538 : i32 to index
      %get3A_1540 = tpu.vector_load %arg8[%get3A_1539] {strides = array<i32>} : memref<2048xf32, #tpu.memory_space<vmem>>, vector<16xf32>,
      %get3A_1541 = vector.shape_cast %get3A_1540 : vector<16xf32> to vector<16xf32>
      %max3A_1542 = arith.maximumf %while3A_1536, %get3A_1541 : vector<16xf32>
      scf.yield %max3A_1542 : vector<16xf32>
    }
    %while3A_447 = arith.subi %max3A_370, %max3A_426 : i32
    %while3A_448 = arith.addi %max3A_426, %while3A_447 : i32
    %while3A_449 = arith.constant 1 : i32
    %while3A_450 = arith.divsi %while3A_447, %while3A_449 : i32
    %while3A_451 = arith.muli %while3A_450, %while3A_449 : i32
    %while3A_452 = arith.addi %max3A_426, %while3A_451 : i32
    %while3A_453 = arith.constant 1 : i32
    %while3A_454 = scf.for %while3A_1535 = %max3A_426 to %while3A_452 step %while3A_453 iter_args(%while3A_1536 = %while3A_446) -> (vector<16xf32>)  : i32 {
      %mul3A_1537 = arith.constant 16 : i32
      %mul3A_1538 = arith.muli %while3A_1535, %mul3A_1537 : i32
      %add3A_1539 = arith.addi %min3A_74, %mul3A_1538 : i32
      %add3A_1540 = vector.broadcast %add3A_1539 : i32 to vector<16xi32>
      %add3A_1541 = arith.addi %add3A_1540, %iota3A : vector<16xi32>
      %mul3A_1542 = arith.constant 16 : i32
      %mul3A_1543 = arith.muli %while3A_1535, %mul3A_1542 : i32
      %get3A_1544 = arith.index_cast %mul3A_1543 : i32 to index
      %get3A_1545 = tpu.vector_load %arg8[%get3A_1544] {strides = array<i32>} : memref<2048xf32, #tpu.memory_space<vmem>>, vector<16xf32>,
      %get3A_1546 = vector.shape_cast %get3A_1545 : vector<16xf32> to vector<16xf32>
      %ge3A = vector.broadcast %squeeze3A_311 : i32 to vector<16xi32>
      %ge3A_1547 = arith.cmpi sge, %add3A_1541, %ge3A : vector<16xi32>
      %lt3A_1548 = vector.broadcast %squeeze3A_313 : i32 to vector<16xi32>
      %lt3A_1549 = arith.cmpi slt, %add3A_1541, %lt3A_1548 : vector<16xi32>
      %and3A_1550 = arith.andi %ge3A_1547, %lt3A_1549 : vector<16xi1>
      %jit3A_1551 = arith.constant 0xFF800000 : f32
      %broadcast_in_dim3A_1552 = vector.broadcast %jit3A_1551 : f32 to vector<16xf32>
      %select_n3A_1553 = arith.select %and3A_1550, %get3A_1546, %broadcast_in_dim3A_1552 : vector<16xi1>, vector<16xf32>
      %max3A_1554 = arith.maximumf %while3A_1536, %select_n3A_1553 : vector<16xf32>
      scf.yield %max3A_1554 : vector<16xf32>
    }
    %while3A_455 = arith.constant 1 : i32
    %while3A_456 = scf.for %while3A_1535 = %while3A_452 to %while3A_448 step %while3A_455 iter_args(%while3A_1536 = %while3A_454) -> (vector<16xf32>)  : i32 {
      %mul3A_1537 = arith.constant 16 : i32
      %mul3A_1538 = arith.muli %while3A_1535, %mul3A_1537 : i32
      %add3A_1539 = arith.addi %min3A_74, %mul3A_1538 : i32
      %add3A_1540 = vector.broadcast %add3A_1539 : i32 to vector<16xi32>
      %add3A_1541 = arith.addi %add3A_1540, %iota3A : vector<16xi32>
      %mul3A_1542 = arith.constant 16 : i32
      %mul3A_1543 = arith.muli %while3A_1535, %mul3A_1542 : i32
      %get3A_1544 = arith.index_cast %mul3A_1543 : i32 to index
      %get3A_1545 = tpu.vector_load %arg8[%get3A_1544] {strides = array<i32>} : memref<2048xf32, #tpu.memory_space<vmem>>, vector<16xf32>,
      %get3A_1546 = vector.shape_cast %get3A_1545 : vector<16xf32> to vector<16xf32>
      %ge3A = vector.broadcast %squeeze3A_311 : i32 to vector<16xi32>
      %ge3A_1547 = arith.cmpi sge, %add3A_1541, %ge3A : vector<16xi32>
      %lt3A_1548 = vector.broadcast %squeeze3A_313 : i32 to vector<16xi32>
      %lt3A_1549 = arith.cmpi slt, %add3A_1541, %lt3A_1548 : vector<16xi32>
      %and3A_1550 = arith.andi %ge3A_1547, %lt3A_1549 : vector<16xi1>
      %jit3A_1551 = arith.constant 0xFF800000 : f32
      %broadcast_in_dim3A_1552 = vector.broadcast %jit3A_1551 : f32 to vector<16xf32>
      %select_n3A_1553 = arith.select %and3A_1550, %get3A_1546, %broadcast_in_dim3A_1552 : vector<16xi1>, vector<16xf32>
      %max3A_1554 = arith.maximumf %while3A_1536, %select_n3A_1553 : vector<16xf32>
      scf.yield %max3A_1554 : vector<16xf32>
    }
    %swap3A_457 = arith.constant 16 : index
    %swap3A_458 = tpu.vector_load %arg11[%swap3A_457] {strides = array<i32>} : memref<128xf32, #tpu.memory_space<vmem>>, vector<16xf32>,
    %swap3A_459 = vector.shape_cast %swap3A_458 : vector<16xf32> to vector<16xf32>
    %swap3A_460 = vector.shape_cast %while3A_456 : vector<16xf32> to vector<16xf32>
    tpu.vector_store %arg11[%swap3A_457], %swap3A_460 {strides = array<i32>} : memref<128xf32, #tpu.memory_space<vmem>>, vector<16xf32>,
    %mul3A_461 = arith.constant 16 : i32
    %mul3A_462 = arith.muli %arg1, %mul3A_461 : i32
    %add3A_463 = arith.constant 256 : i32
    %add3A_464 = arith.addi %add3A_463, %mul3A_462 : i32
    %dma_start3A_465 = arith.constant 16 : i32
    %dma_start3A_466 = tpu.memref_slice %arg11[%dma_start3A_465] : memref<128xf32, #tpu.memory_space<vmem>> -> memref<16xf32, #tpu.memory_space<vmem>>
    %dma_start3A_467 = tpu.memref_slice %arg15[%add3A_464] : memref<2048xf32, #tpu.memory_space<vmem_shared>> -> memref<16xf32, #tpu.memory_space<vmem_shared>>
    %dma_start3A_468 = tpu.memref_slice %arg15[%add3A_464] : memref<2048xf32, #tpu.memory_space<vmem_shared>> -> memref<16xf32, #tpu.memory_space<vmem_shared>>
    %dma_start3A_469 = arith.constant 16 : i32
    %dma_start3A_470 = tpu.memref_slice %arg11[%dma_start3A_469] : memref<128xf32, #tpu.memory_space<vmem>> -> memref<16xf32, #tpu.memory_space<vmem>>
    tpu.enqueue_dma source(%dma_start3A_470 : memref<16xf32, #tpu.memory_space<vmem>>) target(%dma_start3A_468 : memref<16xf32, #tpu.memory_space<vmem_shared>>) target_semaphore(%arg21 : memref<!tpu.dma_semaphore, #tpu.memory_space<semaphore_mem>>)
    %mul3A_471 = arith.constant 8 : i32
    %mul3A_472 = arith.muli %mul3A_471, %arg0 : i32
    %add3A_473 = arith.constant 2 : i32
    %add3A_474 = arith.addi %mul3A_472, %add3A_473 : i32
    %get3A_475 = arith.index_cast %add3A_474 : i32 to index
    %get3A_476 = tpu.vector_load %arg6[%get3A_475] {strides = array<i32>} : memref<32xi32, #tpu.memory_space<vmem>>, vector<16xi32>,
    %get3A_477 = vector.shape_cast %get3A_476 : vector<16xi32> to vector<16xi32>
    %slice3A_478 = vector.extract_strided_slice %get3A_477 {offsets = [0], sizes = [1], strides = [1]} : vector<16xi32> to vector<1xi32>
    %squeeze3A_479 = vector.extract %slice3A_478[0] : i32 from vector<1xi32>
    %slice3A_480 = vector.extract_strided_slice %get3A_477 {offsets = [1], sizes = [1], strides = [1]} : vector<16xi32> to vector<1xi32>
    %squeeze3A_481 = vector.extract %slice3A_480[0] : i32 from vector<1xi32>
    %max3A_482 = arith.maxsi %squeeze3A_479, %min3A_74 : i32
    %add3A_483 = arith.constant 2048 : i32
    %add3A_484 = arith.addi %min3A_74, %add3A_483 : i32
    %min3A_485 = arith.minsi %squeeze3A_481, %add3A_484 : i32
    %sub3A_486 = arith.subi %max3A_482, %min3A_74 : i32
    %jit3A_487 = arith.constant 16 : i32
    %div3A_488 = arith.divsi %sub3A_486, %jit3A_487 : i32
    %sign3A_489 = arith.constant 0 : i32
    %sign3A_490 = arith.cmpi sgt, %sub3A_486, %sign3A_489 : i32
    %sign3A_491 = arith.extui %sign3A_490 : i1 to i32
    %sign3A_492 = arith.constant 0 : i32
    %sign3A_493 = arith.cmpi slt, %sub3A_486, %sign3A_492 : i32
    %sign3A_494 = arith.extui %sign3A_493 : i1 to i32
    %sign3A_495 = arith.subi %sign3A_491, %sign3A_494 : i32
    %sign3A_496 = arith.constant 0 : i32
    %sign3A_497 = arith.cmpi sgt, %jit3A_487, %sign3A_496 : i32
    %sign3A_498 = arith.extui %sign3A_497 : i1 to i32
    %sign3A_499 = arith.constant 0 : i32
    %sign3A_500 = arith.cmpi slt, %jit3A_487, %sign3A_499 : i32
    %sign3A_501 = arith.extui %sign3A_500 : i1 to i32
    %sign3A_502 = arith.subi %sign3A_498, %sign3A_501 : i32
    %ne3A_503 = arith.cmpi ne, %sign3A_495, %sign3A_502 : i32
    %rem3A_504 = arith.remsi %sub3A_486, %jit3A_487 : i32
    %ne3A_505 = arith.constant 0 : i32
    %ne3A_506 = arith.cmpi ne, %rem3A_504, %ne3A_505 : i32
    %and3A_507 = arith.andi %ne3A_503, %ne3A_506 : i1
    %sub3A_508 = arith.constant 1 : i32
    %sub3A_509 = arith.subi %div3A_488, %sub3A_508 : i32
    %select_n3A_510 = arith.select %and3A_507, %sub3A_509, %div3A_488 : i32
    %sub3A_511 = arith.subi %min3A_485, %min3A_74 : i32
    %add3A_512 = arith.constant 15 : i32
    %add3A_513 = arith.addi %sub3A_511, %add3A_512 : i32
    %jit3A_514 = arith.constant 16 : i32
    %div3A_515 = arith.divsi %add3A_513, %jit3A_514 : i32
    %sign3A_516 = arith.constant 0 : i32
    %sign3A_517 = arith.cmpi sgt, %add3A_513, %sign3A_516 : i32
    %sign3A_518 = arith.extui %sign3A_517 : i1 to i32
    %sign3A_519 = arith.constant 0 : i32
    %sign3A_520 = arith.cmpi slt, %add3A_513, %sign3A_519 : i32
    %sign3A_521 = arith.extui %sign3A_520 : i1 to i32
    %sign3A_522 = arith.subi %sign3A_518, %sign3A_521 : i32
    %sign3A_523 = arith.constant 0 : i32
    %sign3A_524 = arith.cmpi sgt, %jit3A_514, %sign3A_523 : i32
    %sign3A_525 = arith.extui %sign3A_524 : i1 to i32
    %sign3A_526 = arith.constant 0 : i32
    %sign3A_527 = arith.cmpi slt, %jit3A_514, %sign3A_526 : i32
    %sign3A_528 = arith.extui %sign3A_527 : i1 to i32
    %sign3A_529 = arith.subi %sign3A_525, %sign3A_528 : i32
    %ne3A_530 = arith.cmpi ne, %sign3A_522, %sign3A_529 : i32
    %rem3A_531 = arith.remsi %add3A_513, %jit3A_514 : i32
    %ne3A_532 = arith.constant 0 : i32
    %ne3A_533 = arith.cmpi ne, %rem3A_531, %ne3A_532 : i32
    %and3A_534 = arith.andi %ne3A_530, %ne3A_533 : i1
    %sub3A_535 = arith.constant 1 : i32
    %sub3A_536 = arith.subi %div3A_515, %sub3A_535 : i32
    %select_n3A_537 = arith.select %and3A_534, %sub3A_536, %div3A_515 : i32
    %max3A_538 = arith.maxsi %select_n3A_510, %select_n3A_537 : i32
    %sub3A_539 = arith.subi %squeeze3A_479, %min3A_74 : i32
    %add3A_540 = arith.constant 15 : i32
    %add3A_541 = arith.addi %sub3A_539, %add3A_540 : i32
    %jit3A_542 = arith.constant 16 : i32
    %div3A_543 = arith.divsi %add3A_541, %jit3A_542 : i32
    %sign3A_544 = arith.constant 0 : i32
    %sign3A_545 = arith.cmpi sgt, %add3A_541, %sign3A_544 : i32
    %sign3A_546 = arith.extui %sign3A_545 : i1 to i32
    %sign3A_547 = arith.constant 0 : i32
    %sign3A_548 = arith.cmpi slt, %add3A_541, %sign3A_547 : i32
    %sign3A_549 = arith.extui %sign3A_548 : i1 to i32
    %sign3A_550 = arith.subi %sign3A_546, %sign3A_549 : i32
    %sign3A_551 = arith.constant 0 : i32
    %sign3A_552 = arith.cmpi sgt, %jit3A_542, %sign3A_551 : i32
    %sign3A_553 = arith.extui %sign3A_552 : i1 to i32
    %sign3A_554 = arith.constant 0 : i32
    %sign3A_555 = arith.cmpi slt, %jit3A_542, %sign3A_554 : i32
    %sign3A_556 = arith.extui %sign3A_555 : i1 to i32
    %sign3A_557 = arith.subi %sign3A_553, %sign3A_556 : i32
    %ne3A_558 = arith.cmpi ne, %sign3A_550, %sign3A_557 : i32
    %rem3A_559 = arith.remsi %add3A_541, %jit3A_542 : i32
    %ne3A_560 = arith.constant 0 : i32
    %ne3A_561 = arith.cmpi ne, %rem3A_559, %ne3A_560 : i32
    %and3A_562 = arith.andi %ne3A_558, %ne3A_561 : i1
    %sub3A_563 = arith.constant 1 : i32
    %sub3A_564 = arith.subi %div3A_543, %sub3A_563 : i32
    %select_n3A_565 = arith.select %and3A_562, %sub3A_564, %div3A_543 : i32
    %max3A_566 = arith.maxsi %select_n3A_565, %select_n3A_510 : i32
    %min3A_567 = arith.minsi %max3A_566, %max3A_538 : i32
    %sub3A_568 = arith.subi %squeeze3A_481, %min3A_74 : i32
    %jit3A_569 = arith.constant 16 : i32
    %div3A_570 = arith.divsi %sub3A_568, %jit3A_569 : i32
    %sign3A_571 = arith.constant 0 : i32
    %sign3A_572 = arith.cmpi sgt, %sub3A_568, %sign3A_571 : i32
    %sign3A_573 = arith.extui %sign3A_572 : i1 to i32
    %sign3A_574 = arith.constant 0 : i32
    %sign3A_575 = arith.cmpi slt, %sub3A_568, %sign3A_574 : i32
    %sign3A_576 = arith.extui %sign3A_575 : i1 to i32
    %sign3A_577 = arith.subi %sign3A_573, %sign3A_576 : i32
    %sign3A_578 = arith.constant 0 : i32
    %sign3A_579 = arith.cmpi sgt, %jit3A_569, %sign3A_578 : i32
    %sign3A_580 = arith.extui %sign3A_579 : i1 to i32
    %sign3A_581 = arith.constant 0 : i32
    %sign3A_582 = arith.cmpi slt, %jit3A_569, %sign3A_581 : i32
    %sign3A_583 = arith.extui %sign3A_582 : i1 to i32
    %sign3A_584 = arith.subi %sign3A_580, %sign3A_583 : i32
    %ne3A_585 = arith.cmpi ne, %sign3A_577, %sign3A_584 : i32
    %rem3A_586 = arith.remsi %sub3A_568, %jit3A_569 : i32
    %ne3A_587 = arith.constant 0 : i32
    %ne3A_588 = arith.cmpi ne, %rem3A_586, %ne3A_587 : i32
    %and3A_589 = arith.andi %ne3A_585, %ne3A_588 : i1
    %sub3A_590 = arith.constant 1 : i32
    %sub3A_591 = arith.subi %div3A_570, %sub3A_590 : i32
    %select_n3A_592 = arith.select %and3A_589, %sub3A_591, %div3A_570 : i32
    %min3A_593 = arith.minsi %select_n3A_592, %max3A_538 : i32
    %max3A_594 = arith.maxsi %min3A_593, %min3A_567 : i32
    %while3A_595 = arith.subi %min3A_567, %select_n3A_510 : i32
    %while3A_596 = arith.addi %select_n3A_510, %while3A_595 : i32
    %while3A_597 = arith.constant 1 : i32
    %while3A_598 = arith.divsi %while3A_595, %while3A_597 : i32
    %while3A_599 = arith.muli %while3A_598, %while3A_597 : i32
    %while3A_600 = arith.addi %select_n3A_510, %while3A_599 : i32
    %while3A_601 = arith.constant 1 : i32
    %while3A_602 = scf.for %while3A_1535 = %select_n3A_510 to %while3A_600 step %while3A_601 iter_args(%while3A_1536 = %broadcast_in_dim3A_0) -> (vector<16xf32>)  : i32 {
      %mul3A_1537 = arith.constant 16 : i32
      %mul3A_1538 = arith.muli %while3A_1535, %mul3A_1537 : i32
      %add3A_1539 = arith.addi %min3A_74, %mul3A_1538 : i32
      %add3A_1540 = vector.broadcast %add3A_1539 : i32 to vector<16xi32>
      %add3A_1541 = arith.addi %add3A_1540, %iota3A : vector<16xi32>
      %mul3A_1542 = arith.constant 16 : i32
      %mul3A_1543 = arith.muli %while3A_1535, %mul3A_1542 : i32
      %get3A_1544 = arith.index_cast %mul3A_1543 : i32 to index
      %get3A_1545 = tpu.vector_load %arg8[%get3A_1544] {strides = array<i32>} : memref<2048xf32, #tpu.memory_space<vmem>>, vector<16xf32>,
      %get3A_1546 = vector.shape_cast %get3A_1545 : vector<16xf32> to vector<16xf32>
      %ge3A = vector.broadcast %squeeze3A_479 : i32 to vector<16xi32>
      %ge3A_1547 = arith.cmpi sge, %add3A_1541, %ge3A : vector<16xi32>
      %lt3A_1548 = vector.broadcast %squeeze3A_481 : i32 to vector<16xi32>
      %lt3A_1549 = arith.cmpi slt, %add3A_1541, %lt3A_1548 : vector<16xi32>
      %and3A_1550 = arith.andi %ge3A_1547, %lt3A_1549 : vector<16xi1>
      %jit3A_1551 = arith.constant 0xFF800000 : f32
      %broadcast_in_dim3A_1552 = vector.broadcast %jit3A_1551 : f32 to vector<16xf32>
      %select_n3A_1553 = arith.select %and3A_1550, %get3A_1546, %broadcast_in_dim3A_1552 : vector<16xi1>, vector<16xf32>
      %max3A_1554 = arith.maximumf %while3A_1536, %select_n3A_1553 : vector<16xf32>
      scf.yield %max3A_1554 : vector<16xf32>
    }
    %while3A_603 = arith.constant 1 : i32
    %while3A_604 = scf.for %while3A_1535 = %while3A_600 to %while3A_596 step %while3A_603 iter_args(%while3A_1536 = %while3A_602) -> (vector<16xf32>)  : i32 {
      %mul3A_1537 = arith.constant 16 : i32
      %mul3A_1538 = arith.muli %while3A_1535, %mul3A_1537 : i32
      %add3A_1539 = arith.addi %min3A_74, %mul3A_1538 : i32
      %add3A_1540 = vector.broadcast %add3A_1539 : i32 to vector<16xi32>
      %add3A_1541 = arith.addi %add3A_1540, %iota3A : vector<16xi32>
      %mul3A_1542 = arith.constant 16 : i32
      %mul3A_1543 = arith.muli %while3A_1535, %mul3A_1542 : i32
      %get3A_1544 = arith.index_cast %mul3A_1543 : i32 to index
      %get3A_1545 = tpu.vector_load %arg8[%get3A_1544] {strides = array<i32>} : memref<2048xf32, #tpu.memory_space<vmem>>, vector<16xf32>,
      %get3A_1546 = vector.shape_cast %get3A_1545 : vector<16xf32> to vector<16xf32>
      %ge3A = vector.broadcast %squeeze3A_479 : i32 to vector<16xi32>
      %ge3A_1547 = arith.cmpi sge, %add3A_1541, %ge3A : vector<16xi32>
      %lt3A_1548 = vector.broadcast %squeeze3A_481 : i32 to vector<16xi32>
      %lt3A_1549 = arith.cmpi slt, %add3A_1541, %lt3A_1548 : vector<16xi32>
      %and3A_1550 = arith.andi %ge3A_1547, %lt3A_1549 : vector<16xi1>
      %jit3A_1551 = arith.constant 0xFF800000 : f32
      %broadcast_in_dim3A_1552 = vector.broadcast %jit3A_1551 : f32 to vector<16xf32>
      %select_n3A_1553 = arith.select %and3A_1550, %get3A_1546, %broadcast_in_dim3A_1552 : vector<16xi1>, vector<16xf32>
      %max3A_1554 = arith.maximumf %while3A_1536, %select_n3A_1553 : vector<16xf32>
      scf.yield %max3A_1554 : vector<16xf32>
    }
    %while3A_605 = arith.subi %max3A_594, %min3A_567 : i32
    %while3A_606 = arith.addi %min3A_567, %while3A_605 : i32
    %while3A_607 = arith.constant 1 : i32
    %while3A_608 = arith.divsi %while3A_605, %while3A_607 : i32
    %while3A_609 = arith.muli %while3A_608, %while3A_607 : i32
    %while3A_610 = arith.addi %min3A_567, %while3A_609 : i32
    %while3A_611 = arith.constant 1 : i32
    %while3A_612 = scf.for %while3A_1535 = %min3A_567 to %while3A_610 step %while3A_611 iter_args(%while3A_1536 = %while3A_604) -> (vector<16xf32>)  : i32 {
      %mul3A_1537 = arith.constant 16 : i32
      %mul3A_1538 = arith.muli %while3A_1535, %mul3A_1537 : i32
      %get3A_1539 = arith.index_cast %mul3A_1538 : i32 to index
      %get3A_1540 = tpu.vector_load %arg8[%get3A_1539] {strides = array<i32>} : memref<2048xf32, #tpu.memory_space<vmem>>, vector<16xf32>,
      %get3A_1541 = vector.shape_cast %get3A_1540 : vector<16xf32> to vector<16xf32>
      %max3A_1542 = arith.maximumf %while3A_1536, %get3A_1541 : vector<16xf32>
      scf.yield %max3A_1542 : vector<16xf32>
    }
    %while3A_613 = arith.constant 1 : i32
    %while3A_614 = scf.for %while3A_1535 = %while3A_610 to %while3A_606 step %while3A_613 iter_args(%while3A_1536 = %while3A_612) -> (vector<16xf32>)  : i32 {
      %mul3A_1537 = arith.constant 16 : i32
      %mul3A_1538 = arith.muli %while3A_1535, %mul3A_1537 : i32
      %get3A_1539 = arith.index_cast %mul3A_1538 : i32 to index
      %get3A_1540 = tpu.vector_load %arg8[%get3A_1539] {strides = array<i32>} : memref<2048xf32, #tpu.memory_space<vmem>>, vector<16xf32>,
      %get3A_1541 = vector.shape_cast %get3A_1540 : vector<16xf32> to vector<16xf32>
      %max3A_1542 = arith.maximumf %while3A_1536, %get3A_1541 : vector<16xf32>
      scf.yield %max3A_1542 : vector<16xf32>
    }
    %while3A_615 = arith.subi %max3A_538, %max3A_594 : i32
    %while3A_616 = arith.addi %max3A_594, %while3A_615 : i32
    %while3A_617 = arith.constant 1 : i32
    %while3A_618 = arith.divsi %while3A_615, %while3A_617 : i32
    %while3A_619 = arith.muli %while3A_618, %while3A_617 : i32
    %while3A_620 = arith.addi %max3A_594, %while3A_619 : i32
    %while3A_621 = arith.constant 1 : i32
    %while3A_622 = scf.for %while3A_1535 = %max3A_594 to %while3A_620 step %while3A_621 iter_args(%while3A_1536 = %while3A_614) -> (vector<16xf32>)  : i32 {
      %mul3A_1537 = arith.constant 16 : i32
      %mul3A_1538 = arith.muli %while3A_1535, %mul3A_1537 : i32
      %add3A_1539 = arith.addi %min3A_74, %mul3A_1538 : i32
      %add3A_1540 = vector.broadcast %add3A_1539 : i32 to vector<16xi32>
      %add3A_1541 = arith.addi %add3A_1540, %iota3A : vector<16xi32>
      %mul3A_1542 = arith.constant 16 : i32
      %mul3A_1543 = arith.muli %while3A_1535, %mul3A_1542 : i32
      %get3A_1544 = arith.index_cast %mul3A_1543 : i32 to index
      %get3A_1545 = tpu.vector_load %arg8[%get3A_1544] {strides = array<i32>} : memref<2048xf32, #tpu.memory_space<vmem>>, vector<16xf32>,
      %get3A_1546 = vector.shape_cast %get3A_1545 : vector<16xf32> to vector<16xf32>
      %ge3A = vector.broadcast %squeeze3A_479 : i32 to vector<16xi32>
      %ge3A_1547 = arith.cmpi sge, %add3A_1541, %ge3A : vector<16xi32>
      %lt3A_1548 = vector.broadcast %squeeze3A_481 : i32 to vector<16xi32>
      %lt3A_1549 = arith.cmpi slt, %add3A_1541, %lt3A_1548 : vector<16xi32>
      %and3A_1550 = arith.andi %ge3A_1547, %lt3A_1549 : vector<16xi1>
      %jit3A_1551 = arith.constant 0xFF800000 : f32
      %broadcast_in_dim3A_1552 = vector.broadcast %jit3A_1551 : f32 to vector<16xf32>
      %select_n3A_1553 = arith.select %and3A_1550, %get3A_1546, %broadcast_in_dim3A_1552 : vector<16xi1>, vector<16xf32>
      %max3A_1554 = arith.maximumf %while3A_1536, %select_n3A_1553 : vector<16xf32>
      scf.yield %max3A_1554 : vector<16xf32>
    }
    %while3A_623 = arith.constant 1 : i32
    %while3A_624 = scf.for %while3A_1535 = %while3A_620 to %while3A_616 step %while3A_623 iter_args(%while3A_1536 = %while3A_622) -> (vector<16xf32>)  : i32 {
      %mul3A_1537 = arith.constant 16 : i32
      %mul3A_1538 = arith.muli %while3A_1535, %mul3A_1537 : i32
      %add3A_1539 = arith.addi %min3A_74, %mul3A_1538 : i32
      %add3A_1540 = vector.broadcast %add3A_1539 : i32 to vector<16xi32>
      %add3A_1541 = arith.addi %add3A_1540, %iota3A : vector<16xi32>
      %mul3A_1542 = arith.constant 16 : i32
      %mul3A_1543 = arith.muli %while3A_1535, %mul3A_1542 : i32
      %get3A_1544 = arith.index_cast %mul3A_1543 : i32 to index
      %get3A_1545 = tpu.vector_load %arg8[%get3A_1544] {strides = array<i32>} : memref<2048xf32, #tpu.memory_space<vmem>>, vector<16xf32>,
      %get3A_1546 = vector.shape_cast %get3A_1545 : vector<16xf32> to vector<16xf32>
      %ge3A = vector.broadcast %squeeze3A_479 : i32 to vector<16xi32>
      %ge3A_1547 = arith.cmpi sge, %add3A_1541, %ge3A : vector<16xi32>
      %lt3A_1548 = vector.broadcast %squeeze3A_481 : i32 to vector<16xi32>
      %lt3A_1549 = arith.cmpi slt, %add3A_1541, %lt3A_1548 : vector<16xi32>
      %and3A_1550 = arith.andi %ge3A_1547, %lt3A_1549 : vector<16xi1>
      %jit3A_1551 = arith.constant 0xFF800000 : f32
      %broadcast_in_dim3A_1552 = vector.broadcast %jit3A_1551 : f32 to vector<16xf32>
      %select_n3A_1553 = arith.select %and3A_1550, %get3A_1546, %broadcast_in_dim3A_1552 : vector<16xi1>, vector<16xf32>
      %max3A_1554 = arith.maximumf %while3A_1536, %select_n3A_1553 : vector<16xf32>
      scf.yield %max3A_1554 : vector<16xf32>
    }
    %swap3A_625 = arith.constant 32 : index
    %swap3A_626 = tpu.vector_load %arg11[%swap3A_625] {strides = array<i32>} : memref<128xf32, #tpu.memory_space<vmem>>, vector<16xf32>,
    %swap3A_627 = vector.shape_cast %swap3A_626 : vector<16xf32> to vector<16xf32>
    %swap3A_628 = vector.shape_cast %while3A_624 : vector<16xf32> to vector<16xf32>
    tpu.vector_store %arg11[%swap3A_625], %swap3A_628 {strides = array<i32>} : memref<128xf32, #tpu.memory_space<vmem>>, vector<16xf32>,
    %mul3A_629 = arith.constant 16 : i32
    %mul3A_630 = arith.muli %arg1, %mul3A_629 : i32
    %add3A_631 = arith.constant 512 : i32
    %add3A_632 = arith.addi %add3A_631, %mul3A_630 : i32
    %dma_start3A_633 = arith.constant 32 : i32
    %dma_start3A_634 = tpu.memref_slice %arg11[%dma_start3A_633] : memref<128xf32, #tpu.memory_space<vmem>> -> memref<16xf32, #tpu.memory_space<vmem>>
    %dma_start3A_635 = tpu.memref_slice %arg15[%add3A_632] : memref<2048xf32, #tpu.memory_space<vmem_shared>> -> memref<16xf32, #tpu.memory_space<vmem_shared>>
    %dma_start3A_636 = tpu.memref_slice %arg15[%add3A_632] : memref<2048xf32, #tpu.memory_space<vmem_shared>> -> memref<16xf32, #tpu.memory_space<vmem_shared>>
    %dma_start3A_637 = arith.constant 32 : i32
    %dma_start3A_638 = tpu.memref_slice %arg11[%dma_start3A_637] : memref<128xf32, #tpu.memory_space<vmem>> -> memref<16xf32, #tpu.memory_space<vmem>>
    tpu.enqueue_dma source(%dma_start3A_638 : memref<16xf32, #tpu.memory_space<vmem>>) target(%dma_start3A_636 : memref<16xf32, #tpu.memory_space<vmem_shared>>) target_semaphore(%arg21 : memref<!tpu.dma_semaphore, #tpu.memory_space<semaphore_mem>>)
    %mul3A_639 = arith.constant 8 : i32
    %mul3A_640 = arith.muli %mul3A_639, %arg0 : i32
    %add3A_641 = arith.constant 3 : i32
    %add3A_642 = arith.addi %mul3A_640, %add3A_641 : i32
    %get3A_643 = arith.index_cast %add3A_642 : i32 to index
    %get3A_644 = tpu.vector_load %arg6[%get3A_643] {strides = array<i32>} : memref<32xi32, #tpu.memory_space<vmem>>, vector<16xi32>,
    %get3A_645 = vector.shape_cast %get3A_644 : vector<16xi32> to vector<16xi32>
    %slice3A_646 = vector.extract_strided_slice %get3A_645 {offsets = [0], sizes = [1], strides = [1]} : vector<16xi32> to vector<1xi32>
    %squeeze3A_647 = vector.extract %slice3A_646[0] : i32 from vector<1xi32>
    %slice3A_648 = vector.extract_strided_slice %get3A_645 {offsets = [1], sizes = [1], strides = [1]} : vector<16xi32> to vector<1xi32>
    %squeeze3A_649 = vector.extract %slice3A_648[0] : i32 from vector<1xi32>
    %max3A_650 = arith.maxsi %squeeze3A_647, %min3A_74 : i32
    %add3A_651 = arith.constant 2048 : i32
    %add3A_652 = arith.addi %min3A_74, %add3A_651 : i32
    %min3A_653 = arith.minsi %squeeze3A_649, %add3A_652 : i32
    %sub3A_654 = arith.subi %max3A_650, %min3A_74 : i32
    %jit3A_655 = arith.constant 16 : i32
    %div3A_656 = arith.divsi %sub3A_654, %jit3A_655 : i32
    %sign3A_657 = arith.constant 0 : i32
    %sign3A_658 = arith.cmpi sgt, %sub3A_654, %sign3A_657 : i32
    %sign3A_659 = arith.extui %sign3A_658 : i1 to i32
    %sign3A_660 = arith.constant 0 : i32
    %sign3A_661 = arith.cmpi slt, %sub3A_654, %sign3A_660 : i32
    %sign3A_662 = arith.extui %sign3A_661 : i1 to i32
    %sign3A_663 = arith.subi %sign3A_659, %sign3A_662 : i32
    %sign3A_664 = arith.constant 0 : i32
    %sign3A_665 = arith.cmpi sgt, %jit3A_655, %sign3A_664 : i32
    %sign3A_666 = arith.extui %sign3A_665 : i1 to i32
    %sign3A_667 = arith.constant 0 : i32
    %sign3A_668 = arith.cmpi slt, %jit3A_655, %sign3A_667 : i32
    %sign3A_669 = arith.extui %sign3A_668 : i1 to i32
    %sign3A_670 = arith.subi %sign3A_666, %sign3A_669 : i32
    %ne3A_671 = arith.cmpi ne, %sign3A_663, %sign3A_670 : i32
    %rem3A_672 = arith.remsi %sub3A_654, %jit3A_655 : i32
    %ne3A_673 = arith.constant 0 : i32
    %ne3A_674 = arith.cmpi ne, %rem3A_672, %ne3A_673 : i32
    %and3A_675 = arith.andi %ne3A_671, %ne3A_674 : i1
    %sub3A_676 = arith.constant 1 : i32
    %sub3A_677 = arith.subi %div3A_656, %sub3A_676 : i32
    %select_n3A_678 = arith.select %and3A_675, %sub3A_677, %div3A_656 : i32
    %sub3A_679 = arith.subi %min3A_653, %min3A_74 : i32
    %add3A_680 = arith.constant 15 : i32
    %add3A_681 = arith.addi %sub3A_679, %add3A_680 : i32
    %jit3A_682 = arith.constant 16 : i32
    %div3A_683 = arith.divsi %add3A_681, %jit3A_682 : i32
    %sign3A_684 = arith.constant 0 : i32
    %sign3A_685 = arith.cmpi sgt, %add3A_681, %sign3A_684 : i32
    %sign3A_686 = arith.extui %sign3A_685 : i1 to i32
    %sign3A_687 = arith.constant 0 : i32
    %sign3A_688 = arith.cmpi slt, %add3A_681, %sign3A_687 : i32
    %sign3A_689 = arith.extui %sign3A_688 : i1 to i32
    %sign3A_690 = arith.subi %sign3A_686, %sign3A_689 : i32
    %sign3A_691 = arith.constant 0 : i32
    %sign3A_692 = arith.cmpi sgt, %jit3A_682, %sign3A_691 : i32
    %sign3A_693 = arith.extui %sign3A_692 : i1 to i32
    %sign3A_694 = arith.constant 0 : i32
    %sign3A_695 = arith.cmpi slt, %jit3A_682, %sign3A_694 : i32
    %sign3A_696 = arith.extui %sign3A_695 : i1 to i32
    %sign3A_697 = arith.subi %sign3A_693, %sign3A_696 : i32
    %ne3A_698 = arith.cmpi ne, %sign3A_690, %sign3A_697 : i32
    %rem3A_699 = arith.remsi %add3A_681, %jit3A_682 : i32
    %ne3A_700 = arith.constant 0 : i32
    %ne3A_701 = arith.cmpi ne, %rem3A_699, %ne3A_700 : i32
    %and3A_702 = arith.andi %ne3A_698, %ne3A_701 : i1
    %sub3A_703 = arith.constant 1 : i32
    %sub3A_704 = arith.subi %div3A_683, %sub3A_703 : i32
    %select_n3A_705 = arith.select %and3A_702, %sub3A_704, %div3A_683 : i32
    %max3A_706 = arith.maxsi %select_n3A_678, %select_n3A_705 : i32
    %sub3A_707 = arith.subi %squeeze3A_647, %min3A_74 : i32
    %add3A_708 = arith.constant 15 : i32
    %add3A_709 = arith.addi %sub3A_707, %add3A_708 : i32
    %jit3A_710 = arith.constant 16 : i32
    %div3A_711 = arith.divsi %add3A_709, %jit3A_710 : i32
    %sign3A_712 = arith.constant 0 : i32
    %sign3A_713 = arith.cmpi sgt, %add3A_709, %sign3A_712 : i32
    %sign3A_714 = arith.extui %sign3A_713 : i1 to i32
    %sign3A_715 = arith.constant 0 : i32
    %sign3A_716 = arith.cmpi slt, %add3A_709, %sign3A_715 : i32
    %sign3A_717 = arith.extui %sign3A_716 : i1 to i32
    %sign3A_718 = arith.subi %sign3A_714, %sign3A_717 : i32
    %sign3A_719 = arith.constant 0 : i32
    %sign3A_720 = arith.cmpi sgt, %jit3A_710, %sign3A_719 : i32
    %sign3A_721 = arith.extui %sign3A_720 : i1 to i32
    %sign3A_722 = arith.constant 0 : i32
    %sign3A_723 = arith.cmpi slt, %jit3A_710, %sign3A_722 : i32
    %sign3A_724 = arith.extui %sign3A_723 : i1 to i32
    %sign3A_725 = arith.subi %sign3A_721, %sign3A_724 : i32
    %ne3A_726 = arith.cmpi ne, %sign3A_718, %sign3A_725 : i32
    %rem3A_727 = arith.remsi %add3A_709, %jit3A_710 : i32
    %ne3A_728 = arith.constant 0 : i32
    %ne3A_729 = arith.cmpi ne, %rem3A_727, %ne3A_728 : i32
    %and3A_730 = arith.andi %ne3A_726, %ne3A_729 : i1
    %sub3A_731 = arith.constant 1 : i32
    %sub3A_732 = arith.subi %div3A_711, %sub3A_731 : i32
    %select_n3A_733 = arith.select %and3A_730, %sub3A_732, %div3A_711 : i32
    %max3A_734 = arith.maxsi %select_n3A_733, %select_n3A_678 : i32
    %min3A_735 = arith.minsi %max3A_734, %max3A_706 : i32
    %sub3A_736 = arith.subi %squeeze3A_649, %min3A_74 : i32
    %jit3A_737 = arith.constant 16 : i32
    %div3A_738 = arith.divsi %sub3A_736, %jit3A_737 : i32
    %sign3A_739 = arith.constant 0 : i32
    %sign3A_740 = arith.cmpi sgt, %sub3A_736, %sign3A_739 : i32
    %sign3A_741 = arith.extui %sign3A_740 : i1 to i32
    %sign3A_742 = arith.constant 0 : i32
    %sign3A_743 = arith.cmpi slt, %sub3A_736, %sign3A_742 : i32
    %sign3A_744 = arith.extui %sign3A_743 : i1 to i32
    %sign3A_745 = arith.subi %sign3A_741, %sign3A_744 : i32
    %sign3A_746 = arith.constant 0 : i32
    %sign3A_747 = arith.cmpi sgt, %jit3A_737, %sign3A_746 : i32
    %sign3A_748 = arith.extui %sign3A_747 : i1 to i32
    %sign3A_749 = arith.constant 0 : i32
    %sign3A_750 = arith.cmpi slt, %jit3A_737, %sign3A_749 : i32
    %sign3A_751 = arith.extui %sign3A_750 : i1 to i32
    %sign3A_752 = arith.subi %sign3A_748, %sign3A_751 : i32
    %ne3A_753 = arith.cmpi ne, %sign3A_745, %sign3A_752 : i32
    %rem3A_754 = arith.remsi %sub3A_736, %jit3A_737 : i32
    %ne3A_755 = arith.constant 0 : i32
    %ne3A_756 = arith.cmpi ne, %rem3A_754, %ne3A_755 : i32
    %and3A_757 = arith.andi %ne3A_753, %ne3A_756 : i1
    %sub3A_758 = arith.constant 1 : i32
    %sub3A_759 = arith.subi %div3A_738, %sub3A_758 : i32
    %select_n3A_760 = arith.select %and3A_757, %sub3A_759, %div3A_738 : i32
    %min3A_761 = arith.minsi %select_n3A_760, %max3A_706 : i32
    %max3A_762 = arith.maxsi %min3A_761, %min3A_735 : i32
    %while3A_763 = arith.subi %min3A_735, %select_n3A_678 : i32
    %while3A_764 = arith.addi %select_n3A_678, %while3A_763 : i32
    %while3A_765 = arith.constant 1 : i32
    %while3A_766 = arith.divsi %while3A_763, %while3A_765 : i32
    %while3A_767 = arith.muli %while3A_766, %while3A_765 : i32
    %while3A_768 = arith.addi %select_n3A_678, %while3A_767 : i32
    %while3A_769 = arith.constant 1 : i32
    %while3A_770 = scf.for %while3A_1535 = %select_n3A_678 to %while3A_768 step %while3A_769 iter_args(%while3A_1536 = %broadcast_in_dim3A_0) -> (vector<16xf32>)  : i32 {
      %mul3A_1537 = arith.constant 16 : i32
      %mul3A_1538 = arith.muli %while3A_1535, %mul3A_1537 : i32
      %add3A_1539 = arith.addi %min3A_74, %mul3A_1538 : i32
      %add3A_1540 = vector.broadcast %add3A_1539 : i32 to vector<16xi32>
      %add3A_1541 = arith.addi %add3A_1540, %iota3A : vector<16xi32>
      %mul3A_1542 = arith.constant 16 : i32
      %mul3A_1543 = arith.muli %while3A_1535, %mul3A_1542 : i32
      %get3A_1544 = arith.index_cast %mul3A_1543 : i32 to index
      %get3A_1545 = tpu.vector_load %arg8[%get3A_1544] {strides = array<i32>} : memref<2048xf32, #tpu.memory_space<vmem>>, vector<16xf32>,
      %get3A_1546 = vector.shape_cast %get3A_1545 : vector<16xf32> to vector<16xf32>
      %ge3A = vector.broadcast %squeeze3A_647 : i32 to vector<16xi32>
      %ge3A_1547 = arith.cmpi sge, %add3A_1541, %ge3A : vector<16xi32>
      %lt3A_1548 = vector.broadcast %squeeze3A_649 : i32 to vector<16xi32>
      %lt3A_1549 = arith.cmpi slt, %add3A_1541, %lt3A_1548 : vector<16xi32>
      %and3A_1550 = arith.andi %ge3A_1547, %lt3A_1549 : vector<16xi1>
      %jit3A_1551 = arith.constant 0xFF800000 : f32
      %broadcast_in_dim3A_1552 = vector.broadcast %jit3A_1551 : f32 to vector<16xf32>
      %select_n3A_1553 = arith.select %and3A_1550, %get3A_1546, %broadcast_in_dim3A_1552 : vector<16xi1>, vector<16xf32>
      %max3A_1554 = arith.maximumf %while3A_1536, %select_n3A_1553 : vector<16xf32>
      scf.yield %max3A_1554 : vector<16xf32>
    }
    %while3A_771 = arith.constant 1 : i32
    %while3A_772 = scf.for %while3A_1535 = %while3A_768 to %while3A_764 step %while3A_771 iter_args(%while3A_1536 = %while3A_770) -> (vector<16xf32>)  : i32 {
      %mul3A_1537 = arith.constant 16 : i32
      %mul3A_1538 = arith.muli %while3A_1535, %mul3A_1537 : i32
      %add3A_1539 = arith.addi %min3A_74, %mul3A_1538 : i32
      %add3A_1540 = vector.broadcast %add3A_1539 : i32 to vector<16xi32>
      %add3A_1541 = arith.addi %add3A_1540, %iota3A : vector<16xi32>
      %mul3A_1542 = arith.constant 16 : i32
      %mul3A_1543 = arith.muli %while3A_1535, %mul3A_1542 : i32
      %get3A_1544 = arith.index_cast %mul3A_1543 : i32 to index
      %get3A_1545 = tpu.vector_load %arg8[%get3A_1544] {strides = array<i32>} : memref<2048xf32, #tpu.memory_space<vmem>>, vector<16xf32>,
      %get3A_1546 = vector.shape_cast %get3A_1545 : vector<16xf32> to vector<16xf32>
      %ge3A = vector.broadcast %squeeze3A_647 : i32 to vector<16xi32>
      %ge3A_1547 = arith.cmpi sge, %add3A_1541, %ge3A : vector<16xi32>
      %lt3A_1548 = vector.broadcast %squeeze3A_649 : i32 to vector<16xi32>
      %lt3A_1549 = arith.cmpi slt, %add3A_1541, %lt3A_1548 : vector<16xi32>
      %and3A_1550 = arith.andi %ge3A_1547, %lt3A_1549 : vector<16xi1>
      %jit3A_1551 = arith.constant 0xFF800000 : f32
      %broadcast_in_dim3A_1552 = vector.broadcast %jit3A_1551 : f32 to vector<16xf32>
      %select_n3A_1553 = arith.select %and3A_1550, %get3A_1546, %broadcast_in_dim3A_1552 : vector<16xi1>, vector<16xf32>
      %max3A_1554 = arith.maximumf %while3A_1536, %select_n3A_1553 : vector<16xf32>
      scf.yield %max3A_1554 : vector<16xf32>
    }
    %while3A_773 = arith.subi %max3A_762, %min3A_735 : i32
    %while3A_774 = arith.addi %min3A_735, %while3A_773 : i32
    %while3A_775 = arith.constant 1 : i32
    %while3A_776 = arith.divsi %while3A_773, %while3A_775 : i32
    %while3A_777 = arith.muli %while3A_776, %while3A_775 : i32
    %while3A_778 = arith.addi %min3A_735, %while3A_777 : i32
    %while3A_779 = arith.constant 1 : i32
    %while3A_780 = scf.for %while3A_1535 = %min3A_735 to %while3A_778 step %while3A_779 iter_args(%while3A_1536 = %while3A_772) -> (vector<16xf32>)  : i32 {
      %mul3A_1537 = arith.constant 16 : i32
      %mul3A_1538 = arith.muli %while3A_1535, %mul3A_1537 : i32
      %get3A_1539 = arith.index_cast %mul3A_1538 : i32 to index
      %get3A_1540 = tpu.vector_load %arg8[%get3A_1539] {strides = array<i32>} : memref<2048xf32, #tpu.memory_space<vmem>>, vector<16xf32>,
      %get3A_1541 = vector.shape_cast %get3A_1540 : vector<16xf32> to vector<16xf32>
      %max3A_1542 = arith.maximumf %while3A_1536, %get3A_1541 : vector<16xf32>
      scf.yield %max3A_1542 : vector<16xf32>
    }
    %while3A_781 = arith.constant 1 : i32
    %while3A_782 = scf.for %while3A_1535 = %while3A_778 to %while3A_774 step %while3A_781 iter_args(%while3A_1536 = %while3A_780) -> (vector<16xf32>)  : i32 {
      %mul3A_1537 = arith.constant 16 : i32
      %mul3A_1538 = arith.muli %while3A_1535, %mul3A_1537 : i32
      %get3A_1539 = arith.index_cast %mul3A_1538 : i32 to index
      %get3A_1540 = tpu.vector_load %arg8[%get3A_1539] {strides = array<i32>} : memref<2048xf32, #tpu.memory_space<vmem>>, vector<16xf32>,
      %get3A_1541 = vector.shape_cast %get3A_1540 : vector<16xf32> to vector<16xf32>
      %max3A_1542 = arith.maximumf %while3A_1536, %get3A_1541 : vector<16xf32>
      scf.yield %max3A_1542 : vector<16xf32>
    }
    %while3A_783 = arith.subi %max3A_706, %max3A_762 : i32
    %while3A_784 = arith.addi %max3A_762, %while3A_783 : i32
    %while3A_785 = arith.constant 1 : i32
    %while3A_786 = arith.divsi %while3A_783, %while3A_785 : i32
    %while3A_787 = arith.muli %while3A_786, %while3A_785 : i32
    %while3A_788 = arith.addi %max3A_762, %while3A_787 : i32
    %while3A_789 = arith.constant 1 : i32
    %while3A_790 = scf.for %while3A_1535 = %max3A_762 to %while3A_788 step %while3A_789 iter_args(%while3A_1536 = %while3A_782) -> (vector<16xf32>)  : i32 {
      %mul3A_1537 = arith.constant 16 : i32
      %mul3A_1538 = arith.muli %while3A_1535, %mul3A_1537 : i32
      %add3A_1539 = arith.addi %min3A_74, %mul3A_1538 : i32
      %add3A_1540 = vector.broadcast %add3A_1539 : i32 to vector<16xi32>
      %add3A_1541 = arith.addi %add3A_1540, %iota3A : vector<16xi32>
      %mul3A_1542 = arith.constant 16 : i32
      %mul3A_1543 = arith.muli %while3A_1535, %mul3A_1542 : i32
      %get3A_1544 = arith.index_cast %mul3A_1543 : i32 to index
      %get3A_1545 = tpu.vector_load %arg8[%get3A_1544] {strides = array<i32>} : memref<2048xf32, #tpu.memory_space<vmem>>, vector<16xf32>,
      %get3A_1546 = vector.shape_cast %get3A_1545 : vector<16xf32> to vector<16xf32>
      %ge3A = vector.broadcast %squeeze3A_647 : i32 to vector<16xi32>
      %ge3A_1547 = arith.cmpi sge, %add3A_1541, %ge3A : vector<16xi32>
      %lt3A_1548 = vector.broadcast %squeeze3A_649 : i32 to vector<16xi32>
      %lt3A_1549 = arith.cmpi slt, %add3A_1541, %lt3A_1548 : vector<16xi32>
      %and3A_1550 = arith.andi %ge3A_1547, %lt3A_1549 : vector<16xi1>
      %jit3A_1551 = arith.constant 0xFF800000 : f32
      %broadcast_in_dim3A_1552 = vector.broadcast %jit3A_1551 : f32 to vector<16xf32>
      %select_n3A_1553 = arith.select %and3A_1550, %get3A_1546, %broadcast_in_dim3A_1552 : vector<16xi1>, vector<16xf32>
      %max3A_1554 = arith.maximumf %while3A_1536, %select_n3A_1553 : vector<16xf32>
      scf.yield %max3A_1554 : vector<16xf32>
    }
    %while3A_791 = arith.constant 1 : i32
    %while3A_792 = scf.for %while3A_1535 = %while3A_788 to %while3A_784 step %while3A_791 iter_args(%while3A_1536 = %while3A_790) -> (vector<16xf32>)  : i32 {
      %mul3A_1537 = arith.constant 16 : i32
      %mul3A_1538 = arith.muli %while3A_1535, %mul3A_1537 : i32
      %add3A_1539 = arith.addi %min3A_74, %mul3A_1538 : i32
      %add3A_1540 = vector.broadcast %add3A_1539 : i32 to vector<16xi32>
      %add3A_1541 = arith.addi %add3A_1540, %iota3A : vector<16xi32>
      %mul3A_1542 = arith.constant 16 : i32
      %mul3A_1543 = arith.muli %while3A_1535, %mul3A_1542 : i32
      %get3A_1544 = arith.index_cast %mul3A_1543 : i32 to index
      %get3A_1545 = tpu.vector_load %arg8[%get3A_1544] {strides = array<i32>} : memref<2048xf32, #tpu.memory_space<vmem>>, vector<16xf32>,
      %get3A_1546 = vector.shape_cast %get3A_1545 : vector<16xf32> to vector<16xf32>
      %ge3A = vector.broadcast %squeeze3A_647 : i32 to vector<16xi32>
      %ge3A_1547 = arith.cmpi sge, %add3A_1541, %ge3A : vector<16xi32>
      %lt3A_1548 = vector.broadcast %squeeze3A_649 : i32 to vector<16xi32>
      %lt3A_1549 = arith.cmpi slt, %add3A_1541, %lt3A_1548 : vector<16xi32>
      %and3A_1550 = arith.andi %ge3A_1547, %lt3A_1549 : vector<16xi1>
      %jit3A_1551 = arith.constant 0xFF800000 : f32
      %broadcast_in_dim3A_1552 = vector.broadcast %jit3A_1551 : f32 to vector<16xf32>
      %select_n3A_1553 = arith.select %and3A_1550, %get3A_1546, %broadcast_in_dim3A_1552 : vector<16xi1>, vector<16xf32>
      %max3A_1554 = arith.maximumf %while3A_1536, %select_n3A_1553 : vector<16xf32>
      scf.yield %max3A_1554 : vector<16xf32>
    }
    %swap3A_793 = arith.constant 48 : index
    %swap3A_794 = tpu.vector_load %arg11[%swap3A_793] {strides = array<i32>} : memref<128xf32, #tpu.memory_space<vmem>>, vector<16xf32>,
    %swap3A_795 = vector.shape_cast %swap3A_794 : vector<16xf32> to vector<16xf32>
    %swap3A_796 = vector.shape_cast %while3A_792 : vector<16xf32> to vector<16xf32>
    tpu.vector_store %arg11[%swap3A_793], %swap3A_796 {strides = array<i32>} : memref<128xf32, #tpu.memory_space<vmem>>, vector<16xf32>,
    %mul3A_797 = arith.constant 16 : i32
    %mul3A_798 = arith.muli %arg1, %mul3A_797 : i32
    %add3A_799 = arith.constant 768 : i32
    %add3A_800 = arith.addi %add3A_799, %mul3A_798 : i32
    %dma_start3A_801 = arith.constant 48 : i32
    %dma_start3A_802 = tpu.memref_slice %arg11[%dma_start3A_801] : memref<128xf32, #tpu.memory_space<vmem>> -> memref<16xf32, #tpu.memory_space<vmem>>
    %dma_start3A_803 = tpu.memref_slice %arg15[%add3A_800] : memref<2048xf32, #tpu.memory_space<vmem_shared>> -> memref<16xf32, #tpu.memory_space<vmem_shared>>
    %dma_start3A_804 = tpu.memref_slice %arg15[%add3A_800] : memref<2048xf32, #tpu.memory_space<vmem_shared>> -> memref<16xf32, #tpu.memory_space<vmem_shared>>
    %dma_start3A_805 = arith.constant 48 : i32
    %dma_start3A_806 = tpu.memref_slice %arg11[%dma_start3A_805] : memref<128xf32, #tpu.memory_space<vmem>> -> memref<16xf32, #tpu.memory_space<vmem>>
    tpu.enqueue_dma source(%dma_start3A_806 : memref<16xf32, #tpu.memory_space<vmem>>) target(%dma_start3A_804 : memref<16xf32, #tpu.memory_space<vmem_shared>>) target_semaphore(%arg21 : memref<!tpu.dma_semaphore, #tpu.memory_space<semaphore_mem>>)
    %mul3A_807 = arith.constant 8 : i32
    %mul3A_808 = arith.muli %mul3A_807, %arg0 : i32
    %add3A_809 = arith.constant 4 : i32
    %add3A_810 = arith.addi %mul3A_808, %add3A_809 : i32
    %get3A_811 = arith.index_cast %add3A_810 : i32 to index
    %get3A_812 = tpu.vector_load %arg6[%get3A_811] {strides = array<i32>} : memref<32xi32, #tpu.memory_space<vmem>>, vector<16xi32>,
    %get3A_813 = vector.shape_cast %get3A_812 : vector<16xi32> to vector<16xi32>
    %slice3A_814 = vector.extract_strided_slice %get3A_813 {offsets = [0], sizes = [1], strides = [1]} : vector<16xi32> to vector<1xi32>
    %squeeze3A_815 = vector.extract %slice3A_814[0] : i32 from vector<1xi32>
    %slice3A_816 = vector.extract_strided_slice %get3A_813 {offsets = [1], sizes = [1], strides = [1]} : vector<16xi32> to vector<1xi32>
    %squeeze3A_817 = vector.extract %slice3A_816[0] : i32 from vector<1xi32>
    %max3A_818 = arith.maxsi %squeeze3A_815, %min3A_74 : i32
    %add3A_819 = arith.constant 2048 : i32
    %add3A_820 = arith.addi %min3A_74, %add3A_819 : i32
    %min3A_821 = arith.minsi %squeeze3A_817, %add3A_820 : i32
    %sub3A_822 = arith.subi %max3A_818, %min3A_74 : i32
    %jit3A_823 = arith.constant 16 : i32
    %div3A_824 = arith.divsi %sub3A_822, %jit3A_823 : i32
    %sign3A_825 = arith.constant 0 : i32
    %sign3A_826 = arith.cmpi sgt, %sub3A_822, %sign3A_825 : i32
    %sign3A_827 = arith.extui %sign3A_826 : i1 to i32
    %sign3A_828 = arith.constant 0 : i32
    %sign3A_829 = arith.cmpi slt, %sub3A_822, %sign3A_828 : i32
    %sign3A_830 = arith.extui %sign3A_829 : i1 to i32
    %sign3A_831 = arith.subi %sign3A_827, %sign3A_830 : i32
    %sign3A_832 = arith.constant 0 : i32
    %sign3A_833 = arith.cmpi sgt, %jit3A_823, %sign3A_832 : i32
    %sign3A_834 = arith.extui %sign3A_833 : i1 to i32
    %sign3A_835 = arith.constant 0 : i32
    %sign3A_836 = arith.cmpi slt, %jit3A_823, %sign3A_835 : i32
    %sign3A_837 = arith.extui %sign3A_836 : i1 to i32
    %sign3A_838 = arith.subi %sign3A_834, %sign3A_837 : i32
    %ne3A_839 = arith.cmpi ne, %sign3A_831, %sign3A_838 : i32
    %rem3A_840 = arith.remsi %sub3A_822, %jit3A_823 : i32
    %ne3A_841 = arith.constant 0 : i32
    %ne3A_842 = arith.cmpi ne, %rem3A_840, %ne3A_841 : i32
    %and3A_843 = arith.andi %ne3A_839, %ne3A_842 : i1
    %sub3A_844 = arith.constant 1 : i32
    %sub3A_845 = arith.subi %div3A_824, %sub3A_844 : i32
    %select_n3A_846 = arith.select %and3A_843, %sub3A_845, %div3A_824 : i32
    %sub3A_847 = arith.subi %min3A_821, %min3A_74 : i32
    %add3A_848 = arith.constant 15 : i32
    %add3A_849 = arith.addi %sub3A_847, %add3A_848 : i32
    %jit3A_850 = arith.constant 16 : i32
    %div3A_851 = arith.divsi %add3A_849, %jit3A_850 : i32
    %sign3A_852 = arith.constant 0 : i32
    %sign3A_853 = arith.cmpi sgt, %add3A_849, %sign3A_852 : i32
    %sign3A_854 = arith.extui %sign3A_853 : i1 to i32
    %sign3A_855 = arith.constant 0 : i32
    %sign3A_856 = arith.cmpi slt, %add3A_849, %sign3A_855 : i32
    %sign3A_857 = arith.extui %sign3A_856 : i1 to i32
    %sign3A_858 = arith.subi %sign3A_854, %sign3A_857 : i32
    %sign3A_859 = arith.constant 0 : i32
    %sign3A_860 = arith.cmpi sgt, %jit3A_850, %sign3A_859 : i32
    %sign3A_861 = arith.extui %sign3A_860 : i1 to i32
    %sign3A_862 = arith.constant 0 : i32
    %sign3A_863 = arith.cmpi slt, %jit3A_850, %sign3A_862 : i32
    %sign3A_864 = arith.extui %sign3A_863 : i1 to i32
    %sign3A_865 = arith.subi %sign3A_861, %sign3A_864 : i32
    %ne3A_866 = arith.cmpi ne, %sign3A_858, %sign3A_865 : i32
    %rem3A_867 = arith.remsi %add3A_849, %jit3A_850 : i32
    %ne3A_868 = arith.constant 0 : i32
    %ne3A_869 = arith.cmpi ne, %rem3A_867, %ne3A_868 : i32
    %and3A_870 = arith.andi %ne3A_866, %ne3A_869 : i1
    %sub3A_871 = arith.constant 1 : i32
    %sub3A_872 = arith.subi %div3A_851, %sub3A_871 : i32
    %select_n3A_873 = arith.select %and3A_870, %sub3A_872, %div3A_851 : i32
    %max3A_874 = arith.maxsi %select_n3A_846, %select_n3A_873 : i32
    %sub3A_875 = arith.subi %squeeze3A_815, %min3A_74 : i32
    %add3A_876 = arith.constant 15 : i32
    %add3A_877 = arith.addi %sub3A_875, %add3A_876 : i32
    %jit3A_878 = arith.constant 16 : i32
    %div3A_879 = arith.divsi %add3A_877, %jit3A_878 : i32
    %sign3A_880 = arith.constant 0 : i32
    %sign3A_881 = arith.cmpi sgt, %add3A_877, %sign3A_880 : i32
    %sign3A_882 = arith.extui %sign3A_881 : i1 to i32
    %sign3A_883 = arith.constant 0 : i32
    %sign3A_884 = arith.cmpi slt, %add3A_877, %sign3A_883 : i32
    %sign3A_885 = arith.extui %sign3A_884 : i1 to i32
    %sign3A_886 = arith.subi %sign3A_882, %sign3A_885 : i32
    %sign3A_887 = arith.constant 0 : i32
    %sign3A_888 = arith.cmpi sgt, %jit3A_878, %sign3A_887 : i32
    %sign3A_889 = arith.extui %sign3A_888 : i1 to i32
    %sign3A_890 = arith.constant 0 : i32
    %sign3A_891 = arith.cmpi slt, %jit3A_878, %sign3A_890 : i32
    %sign3A_892 = arith.extui %sign3A_891 : i1 to i32
    %sign3A_893 = arith.subi %sign3A_889, %sign3A_892 : i32
    %ne3A_894 = arith.cmpi ne, %sign3A_886, %sign3A_893 : i32
    %rem3A_895 = arith.remsi %add3A_877, %jit3A_878 : i32
    %ne3A_896 = arith.constant 0 : i32
    %ne3A_897 = arith.cmpi ne, %rem3A_895, %ne3A_896 : i32
    %and3A_898 = arith.andi %ne3A_894, %ne3A_897 : i1
    %sub3A_899 = arith.constant 1 : i32
    %sub3A_900 = arith.subi %div3A_879, %sub3A_899 : i32
    %select_n3A_901 = arith.select %and3A_898, %sub3A_900, %div3A_879 : i32
    %max3A_902 = arith.maxsi %select_n3A_901, %select_n3A_846 : i32
    %min3A_903 = arith.minsi %max3A_902, %max3A_874 : i32
    %sub3A_904 = arith.subi %squeeze3A_817, %min3A_74 : i32
    %jit3A_905 = arith.constant 16 : i32
    %div3A_906 = arith.divsi %sub3A_904, %jit3A_905 : i32
    %sign3A_907 = arith.constant 0 : i32
    %sign3A_908 = arith.cmpi sgt, %sub3A_904, %sign3A_907 : i32
    %sign3A_909 = arith.extui %sign3A_908 : i1 to i32
    %sign3A_910 = arith.constant 0 : i32
    %sign3A_911 = arith.cmpi slt, %sub3A_904, %sign3A_910 : i32
    %sign3A_912 = arith.extui %sign3A_911 : i1 to i32
    %sign3A_913 = arith.subi %sign3A_909, %sign3A_912 : i32
    %sign3A_914 = arith.constant 0 : i32
    %sign3A_915 = arith.cmpi sgt, %jit3A_905, %sign3A_914 : i32
    %sign3A_916 = arith.extui %sign3A_915 : i1 to i32
    %sign3A_917 = arith.constant 0 : i32
    %sign3A_918 = arith.cmpi slt, %jit3A_905, %sign3A_917 : i32
    %sign3A_919 = arith.extui %sign3A_918 : i1 to i32
    %sign3A_920 = arith.subi %sign3A_916, %sign3A_919 : i32
    %ne3A_921 = arith.cmpi ne, %sign3A_913, %sign3A_920 : i32
    %rem3A_922 = arith.remsi %sub3A_904, %jit3A_905 : i32
    %ne3A_923 = arith.constant 0 : i32
    %ne3A_924 = arith.cmpi ne, %rem3A_922, %ne3A_923 : i32
    %and3A_925 = arith.andi %ne3A_921, %ne3A_924 : i1
    %sub3A_926 = arith.constant 1 : i32
    %sub3A_927 = arith.subi %div3A_906, %sub3A_926 : i32
    %select_n3A_928 = arith.select %and3A_925, %sub3A_927, %div3A_906 : i32
    %min3A_929 = arith.minsi %select_n3A_928, %max3A_874 : i32
    %max3A_930 = arith.maxsi %min3A_929, %min3A_903 : i32
    %while3A_931 = arith.subi %min3A_903, %select_n3A_846 : i32
    %while3A_932 = arith.addi %select_n3A_846, %while3A_931 : i32
    %while3A_933 = arith.constant 1 : i32
    %while3A_934 = arith.divsi %while3A_931, %while3A_933 : i32
    %while3A_935 = arith.muli %while3A_934, %while3A_933 : i32
    %while3A_936 = arith.addi %select_n3A_846, %while3A_935 : i32
    %while3A_937 = arith.constant 1 : i32
    %while3A_938 = scf.for %while3A_1535 = %select_n3A_846 to %while3A_936 step %while3A_937 iter_args(%while3A_1536 = %broadcast_in_dim3A_0) -> (vector<16xf32>)  : i32 {
      %mul3A_1537 = arith.constant 16 : i32
      %mul3A_1538 = arith.muli %while3A_1535, %mul3A_1537 : i32
      %add3A_1539 = arith.addi %min3A_74, %mul3A_1538 : i32
      %add3A_1540 = vector.broadcast %add3A_1539 : i32 to vector<16xi32>
      %add3A_1541 = arith.addi %add3A_1540, %iota3A : vector<16xi32>
      %mul3A_1542 = arith.constant 16 : i32
      %mul3A_1543 = arith.muli %while3A_1535, %mul3A_1542 : i32
      %get3A_1544 = arith.index_cast %mul3A_1543 : i32 to index
      %get3A_1545 = tpu.vector_load %arg8[%get3A_1544] {strides = array<i32>} : memref<2048xf32, #tpu.memory_space<vmem>>, vector<16xf32>,
      %get3A_1546 = vector.shape_cast %get3A_1545 : vector<16xf32> to vector<16xf32>
      %ge3A = vector.broadcast %squeeze3A_815 : i32 to vector<16xi32>
      %ge3A_1547 = arith.cmpi sge, %add3A_1541, %ge3A : vector<16xi32>
      %lt3A_1548 = vector.broadcast %squeeze3A_817 : i32 to vector<16xi32>
      %lt3A_1549 = arith.cmpi slt, %add3A_1541, %lt3A_1548 : vector<16xi32>
      %and3A_1550 = arith.andi %ge3A_1547, %lt3A_1549 : vector<16xi1>
      %jit3A_1551 = arith.constant 0xFF800000 : f32
      %broadcast_in_dim3A_1552 = vector.broadcast %jit3A_1551 : f32 to vector<16xf32>
      %select_n3A_1553 = arith.select %and3A_1550, %get3A_1546, %broadcast_in_dim3A_1552 : vector<16xi1>, vector<16xf32>
      %max3A_1554 = arith.maximumf %while3A_1536, %select_n3A_1553 : vector<16xf32>
      scf.yield %max3A_1554 : vector<16xf32>
    }
    %while3A_939 = arith.constant 1 : i32
    %while3A_940 = scf.for %while3A_1535 = %while3A_936 to %while3A_932 step %while3A_939 iter_args(%while3A_1536 = %while3A_938) -> (vector<16xf32>)  : i32 {
      %mul3A_1537 = arith.constant 16 : i32
      %mul3A_1538 = arith.muli %while3A_1535, %mul3A_1537 : i32
      %add3A_1539 = arith.addi %min3A_74, %mul3A_1538 : i32
      %add3A_1540 = vector.broadcast %add3A_1539 : i32 to vector<16xi32>
      %add3A_1541 = arith.addi %add3A_1540, %iota3A : vector<16xi32>
      %mul3A_1542 = arith.constant 16 : i32
      %mul3A_1543 = arith.muli %while3A_1535, %mul3A_1542 : i32
      %get3A_1544 = arith.index_cast %mul3A_1543 : i32 to index
      %get3A_1545 = tpu.vector_load %arg8[%get3A_1544] {strides = array<i32>} : memref<2048xf32, #tpu.memory_space<vmem>>, vector<16xf32>,
      %get3A_1546 = vector.shape_cast %get3A_1545 : vector<16xf32> to vector<16xf32>
      %ge3A = vector.broadcast %squeeze3A_815 : i32 to vector<16xi32>
      %ge3A_1547 = arith.cmpi sge, %add3A_1541, %ge3A : vector<16xi32>
      %lt3A_1548 = vector.broadcast %squeeze3A_817 : i32 to vector<16xi32>
      %lt3A_1549 = arith.cmpi slt, %add3A_1541, %lt3A_1548 : vector<16xi32>
      %and3A_1550 = arith.andi %ge3A_1547, %lt3A_1549 : vector<16xi1>
      %jit3A_1551 = arith.constant 0xFF800000 : f32
      %broadcast_in_dim3A_1552 = vector.broadcast %jit3A_1551 : f32 to vector<16xf32>
      %select_n3A_1553 = arith.select %and3A_1550, %get3A_1546, %broadcast_in_dim3A_1552 : vector<16xi1>, vector<16xf32>
      %max3A_1554 = arith.maximumf %while3A_1536, %select_n3A_1553 : vector<16xf32>
      scf.yield %max3A_1554 : vector<16xf32>
    }
    %while3A_941 = arith.subi %max3A_930, %min3A_903 : i32
    %while3A_942 = arith.addi %min3A_903, %while3A_941 : i32
    %while3A_943 = arith.constant 1 : i32
    %while3A_944 = arith.divsi %while3A_941, %while3A_943 : i32
    %while3A_945 = arith.muli %while3A_944, %while3A_943 : i32
    %while3A_946 = arith.addi %min3A_903, %while3A_945 : i32
    %while3A_947 = arith.constant 1 : i32
    %while3A_948 = scf.for %while3A_1535 = %min3A_903 to %while3A_946 step %while3A_947 iter_args(%while3A_1536 = %while3A_940) -> (vector<16xf32>)  : i32 {
      %mul3A_1537 = arith.constant 16 : i32
      %mul3A_1538 = arith.muli %while3A_1535, %mul3A_1537 : i32
      %get3A_1539 = arith.index_cast %mul3A_1538 : i32 to index
      %get3A_1540 = tpu.vector_load %arg8[%get3A_1539] {strides = array<i32>} : memref<2048xf32, #tpu.memory_space<vmem>>, vector<16xf32>,
      %get3A_1541 = vector.shape_cast %get3A_1540 : vector<16xf32> to vector<16xf32>
      %max3A_1542 = arith.maximumf %while3A_1536, %get3A_1541 : vector<16xf32>
      scf.yield %max3A_1542 : vector<16xf32>
    }
    %while3A_949 = arith.constant 1 : i32
    %while3A_950 = scf.for %while3A_1535 = %while3A_946 to %while3A_942 step %while3A_949 iter_args(%while3A_1536 = %while3A_948) -> (vector<16xf32>)  : i32 {
      %mul3A_1537 = arith.constant 16 : i32
      %mul3A_1538 = arith.muli %while3A_1535, %mul3A_1537 : i32
      %get3A_1539 = arith.index_cast %mul3A_1538 : i32 to index
      %get3A_1540 = tpu.vector_load %arg8[%get3A_1539] {strides = array<i32>} : memref<2048xf32, #tpu.memory_space<vmem>>, vector<16xf32>,
      %get3A_1541 = vector.shape_cast %get3A_1540 : vector<16xf32> to vector<16xf32>
      %max3A_1542 = arith.maximumf %while3A_1536, %get3A_1541 : vector<16xf32>
      scf.yield %max3A_1542 : vector<16xf32>
    }
    %while3A_951 = arith.subi %max3A_874, %max3A_930 : i32
    %while3A_952 = arith.addi %max3A_930, %while3A_951 : i32
    %while3A_953 = arith.constant 1 : i32
    %while3A_954 = arith.divsi %while3A_951, %while3A_953 : i32
    %while3A_955 = arith.muli %while3A_954, %while3A_953 : i32
    %while3A_956 = arith.addi %max3A_930, %while3A_955 : i32
    %while3A_957 = arith.constant 1 : i32
    %while3A_958 = scf.for %while3A_1535 = %max3A_930 to %while3A_956 step %while3A_957 iter_args(%while3A_1536 = %while3A_950) -> (vector<16xf32>)  : i32 {
      %mul3A_1537 = arith.constant 16 : i32
      %mul3A_1538 = arith.muli %while3A_1535, %mul3A_1537 : i32
      %add3A_1539 = arith.addi %min3A_74, %mul3A_1538 : i32
      %add3A_1540 = vector.broadcast %add3A_1539 : i32 to vector<16xi32>
      %add3A_1541 = arith.addi %add3A_1540, %iota3A : vector<16xi32>
      %mul3A_1542 = arith.constant 16 : i32
      %mul3A_1543 = arith.muli %while3A_1535, %mul3A_1542 : i32
      %get3A_1544 = arith.index_cast %mul3A_1543 : i32 to index
      %get3A_1545 = tpu.vector_load %arg8[%get3A_1544] {strides = array<i32>} : memref<2048xf32, #tpu.memory_space<vmem>>, vector<16xf32>,
      %get3A_1546 = vector.shape_cast %get3A_1545 : vector<16xf32> to vector<16xf32>
      %ge3A = vector.broadcast %squeeze3A_815 : i32 to vector<16xi32>
      %ge3A_1547 = arith.cmpi sge, %add3A_1541, %ge3A : vector<16xi32>
      %lt3A_1548 = vector.broadcast %squeeze3A_817 : i32 to vector<16xi32>
      %lt3A_1549 = arith.cmpi slt, %add3A_1541, %lt3A_1548 : vector<16xi32>
      %and3A_1550 = arith.andi %ge3A_1547, %lt3A_1549 : vector<16xi1>
      %jit3A_1551 = arith.constant 0xFF800000 : f32
      %broadcast_in_dim3A_1552 = vector.broadcast %jit3A_1551 : f32 to vector<16xf32>
      %select_n3A_1553 = arith.select %and3A_1550, %get3A_1546, %broadcast_in_dim3A_1552 : vector<16xi1>, vector<16xf32>
      %max3A_1554 = arith.maximumf %while3A_1536, %select_n3A_1553 : vector<16xf32>
      scf.yield %max3A_1554 : vector<16xf32>
    }
    %while3A_959 = arith.constant 1 : i32
    %while3A_960 = scf.for %while3A_1535 = %while3A_956 to %while3A_952 step %while3A_959 iter_args(%while3A_1536 = %while3A_958) -> (vector<16xf32>)  : i32 {
      %mul3A_1537 = arith.constant 16 : i32
      %mul3A_1538 = arith.muli %while3A_1535, %mul3A_1537 : i32
      %add3A_1539 = arith.addi %min3A_74, %mul3A_1538 : i32
      %add3A_1540 = vector.broadcast %add3A_1539 : i32 to vector<16xi32>
      %add3A_1541 = arith.addi %add3A_1540, %iota3A : vector<16xi32>
      %mul3A_1542 = arith.constant 16 : i32
      %mul3A_1543 = arith.muli %while3A_1535, %mul3A_1542 : i32
      %get3A_1544 = arith.index_cast %mul3A_1543 : i32 to index
      %get3A_1545 = tpu.vector_load %arg8[%get3A_1544] {strides = array<i32>} : memref<2048xf32, #tpu.memory_space<vmem>>, vector<16xf32>,
      %get3A_1546 = vector.shape_cast %get3A_1545 : vector<16xf32> to vector<16xf32>
      %ge3A = vector.broadcast %squeeze3A_815 : i32 to vector<16xi32>
      %ge3A_1547 = arith.cmpi sge, %add3A_1541, %ge3A : vector<16xi32>
      %lt3A_1548 = vector.broadcast %squeeze3A_817 : i32 to vector<16xi32>
      %lt3A_1549 = arith.cmpi slt, %add3A_1541, %lt3A_1548 : vector<16xi32>
      %and3A_1550 = arith.andi %ge3A_1547, %lt3A_1549 : vector<16xi1>
      %jit3A_1551 = arith.constant 0xFF800000 : f32
      %broadcast_in_dim3A_1552 = vector.broadcast %jit3A_1551 : f32 to vector<16xf32>
      %select_n3A_1553 = arith.select %and3A_1550, %get3A_1546, %broadcast_in_dim3A_1552 : vector<16xi1>, vector<16xf32>
      %max3A_1554 = arith.maximumf %while3A_1536, %select_n3A_1553 : vector<16xf32>
      scf.yield %max3A_1554 : vector<16xf32>
    }
    %swap3A_961 = arith.constant 64 : index
    %swap3A_962 = tpu.vector_load %arg11[%swap3A_961] {strides = array<i32>} : memref<128xf32, #tpu.memory_space<vmem>>, vector<16xf32>,
    %swap3A_963 = vector.shape_cast %swap3A_962 : vector<16xf32> to vector<16xf32>
    %swap3A_964 = vector.shape_cast %while3A_960 : vector<16xf32> to vector<16xf32>
    tpu.vector_store %arg11[%swap3A_961], %swap3A_964 {strides = array<i32>} : memref<128xf32, #tpu.memory_space<vmem>>, vector<16xf32>,
    %mul3A_965 = arith.constant 16 : i32
    %mul3A_966 = arith.muli %arg1, %mul3A_965 : i32
    %add3A_967 = arith.constant 1024 : i32
    %add3A_968 = arith.addi %add3A_967, %mul3A_966 : i32
    %dma_start3A_969 = arith.constant 64 : i32
    %dma_start3A_970 = tpu.memref_slice %arg11[%dma_start3A_969] : memref<128xf32, #tpu.memory_space<vmem>> -> memref<16xf32, #tpu.memory_space<vmem>>
    %dma_start3A_971 = tpu.memref_slice %arg15[%add3A_968] : memref<2048xf32, #tpu.memory_space<vmem_shared>> -> memref<16xf32, #tpu.memory_space<vmem_shared>>
    %dma_start3A_972 = tpu.memref_slice %arg15[%add3A_968] : memref<2048xf32, #tpu.memory_space<vmem_shared>> -> memref<16xf32, #tpu.memory_space<vmem_shared>>
    %dma_start3A_973 = arith.constant 64 : i32
    %dma_start3A_974 = tpu.memref_slice %arg11[%dma_start3A_973] : memref<128xf32, #tpu.memory_space<vmem>> -> memref<16xf32, #tpu.memory_space<vmem>>
    tpu.enqueue_dma source(%dma_start3A_974 : memref<16xf32, #tpu.memory_space<vmem>>) target(%dma_start3A_972 : memref<16xf32, #tpu.memory_space<vmem_shared>>) target_semaphore(%arg21 : memref<!tpu.dma_semaphore, #tpu.memory_space<semaphore_mem>>)
    %mul3A_975 = arith.constant 8 : i32
    %mul3A_976 = arith.muli %mul3A_975, %arg0 : i32
    %add3A_977 = arith.constant 5 : i32
    %add3A_978 = arith.addi %mul3A_976, %add3A_977 : i32
    %get3A_979 = arith.index_cast %add3A_978 : i32 to index
    %get3A_980 = tpu.vector_load %arg6[%get3A_979] {strides = array<i32>} : memref<32xi32, #tpu.memory_space<vmem>>, vector<16xi32>,
    %get3A_981 = vector.shape_cast %get3A_980 : vector<16xi32> to vector<16xi32>
    %slice3A_982 = vector.extract_strided_slice %get3A_981 {offsets = [0], sizes = [1], strides = [1]} : vector<16xi32> to vector<1xi32>
    %squeeze3A_983 = vector.extract %slice3A_982[0] : i32 from vector<1xi32>
    %slice3A_984 = vector.extract_strided_slice %get3A_981 {offsets = [1], sizes = [1], strides = [1]} : vector<16xi32> to vector<1xi32>
    %squeeze3A_985 = vector.extract %slice3A_984[0] : i32 from vector<1xi32>
    %max3A_986 = arith.maxsi %squeeze3A_983, %min3A_74 : i32
    %add3A_987 = arith.constant 2048 : i32
    %add3A_988 = arith.addi %min3A_74, %add3A_987 : i32
    %min3A_989 = arith.minsi %squeeze3A_985, %add3A_988 : i32
    %sub3A_990 = arith.subi %max3A_986, %min3A_74 : i32
    %jit3A_991 = arith.constant 16 : i32
    %div3A_992 = arith.divsi %sub3A_990, %jit3A_991 : i32
    %sign3A_993 = arith.constant 0 : i32
    %sign3A_994 = arith.cmpi sgt, %sub3A_990, %sign3A_993 : i32
    %sign3A_995 = arith.extui %sign3A_994 : i1 to i32
    %sign3A_996 = arith.constant 0 : i32
    %sign3A_997 = arith.cmpi slt, %sub3A_990, %sign3A_996 : i32
    %sign3A_998 = arith.extui %sign3A_997 : i1 to i32
    %sign3A_999 = arith.subi %sign3A_995, %sign3A_998 : i32
    %sign3A_1000 = arith.constant 0 : i32
    %sign3A_1001 = arith.cmpi sgt, %jit3A_991, %sign3A_1000 : i32
    %sign3A_1002 = arith.extui %sign3A_1001 : i1 to i32
    %sign3A_1003 = arith.constant 0 : i32
    %sign3A_1004 = arith.cmpi slt, %jit3A_991, %sign3A_1003 : i32
    %sign3A_1005 = arith.extui %sign3A_1004 : i1 to i32
    %sign3A_1006 = arith.subi %sign3A_1002, %sign3A_1005 : i32
    %ne3A_1007 = arith.cmpi ne, %sign3A_999, %sign3A_1006 : i32
    %rem3A_1008 = arith.remsi %sub3A_990, %jit3A_991 : i32
    %ne3A_1009 = arith.constant 0 : i32
    %ne3A_1010 = arith.cmpi ne, %rem3A_1008, %ne3A_1009 : i32
    %and3A_1011 = arith.andi %ne3A_1007, %ne3A_1010 : i1
    %sub3A_1012 = arith.constant 1 : i32
    %sub3A_1013 = arith.subi %div3A_992, %sub3A_1012 : i32
    %select_n3A_1014 = arith.select %and3A_1011, %sub3A_1013, %div3A_992 : i32
    %sub3A_1015 = arith.subi %min3A_989, %min3A_74 : i32
    %add3A_1016 = arith.constant 15 : i32
    %add3A_1017 = arith.addi %sub3A_1015, %add3A_1016 : i32
    %jit3A_1018 = arith.constant 16 : i32
    %div3A_1019 = arith.divsi %add3A_1017, %jit3A_1018 : i32
    %sign3A_1020 = arith.constant 0 : i32
    %sign3A_1021 = arith.cmpi sgt, %add3A_1017, %sign3A_1020 : i32
    %sign3A_1022 = arith.extui %sign3A_1021 : i1 to i32
    %sign3A_1023 = arith.constant 0 : i32
    %sign3A_1024 = arith.cmpi slt, %add3A_1017, %sign3A_1023 : i32
    %sign3A_1025 = arith.extui %sign3A_1024 : i1 to i32
    %sign3A_1026 = arith.subi %sign3A_1022, %sign3A_1025 : i32
    %sign3A_1027 = arith.constant 0 : i32
    %sign3A_1028 = arith.cmpi sgt, %jit3A_1018, %sign3A_1027 : i32
    %sign3A_1029 = arith.extui %sign3A_1028 : i1 to i32
    %sign3A_1030 = arith.constant 0 : i32
    %sign3A_1031 = arith.cmpi slt, %jit3A_1018, %sign3A_1030 : i32
    %sign3A_1032 = arith.extui %sign3A_1031 : i1 to i32
    %sign3A_1033 = arith.subi %sign3A_1029, %sign3A_1032 : i32
    %ne3A_1034 = arith.cmpi ne, %sign3A_1026, %sign3A_1033 : i32
    %rem3A_1035 = arith.remsi %add3A_1017, %jit3A_1018 : i32
    %ne3A_1036 = arith.constant 0 : i32
    %ne3A_1037 = arith.cmpi ne, %rem3A_1035, %ne3A_1036 : i32
    %and3A_1038 = arith.andi %ne3A_1034, %ne3A_1037 : i1
    %sub3A_1039 = arith.constant 1 : i32
    %sub3A_1040 = arith.subi %div3A_1019, %sub3A_1039 : i32
    %select_n3A_1041 = arith.select %and3A_1038, %sub3A_1040, %div3A_1019 : i32
    %max3A_1042 = arith.maxsi %select_n3A_1014, %select_n3A_1041 : i32
    %sub3A_1043 = arith.subi %squeeze3A_983, %min3A_74 : i32
    %add3A_1044 = arith.constant 15 : i32
    %add3A_1045 = arith.addi %sub3A_1043, %add3A_1044 : i32
    %jit3A_1046 = arith.constant 16 : i32
    %div3A_1047 = arith.divsi %add3A_1045, %jit3A_1046 : i32
    %sign3A_1048 = arith.constant 0 : i32
    %sign3A_1049 = arith.cmpi sgt, %add3A_1045, %sign3A_1048 : i32
    %sign3A_1050 = arith.extui %sign3A_1049 : i1 to i32
    %sign3A_1051 = arith.constant 0 : i32
    %sign3A_1052 = arith.cmpi slt, %add3A_1045, %sign3A_1051 : i32
    %sign3A_1053 = arith.extui %sign3A_1052 : i1 to i32
    %sign3A_1054 = arith.subi %sign3A_1050, %sign3A_1053 : i32
    %sign3A_1055 = arith.constant 0 : i32
    %sign3A_1056 = arith.cmpi sgt, %jit3A_1046, %sign3A_1055 : i32
    %sign3A_1057 = arith.extui %sign3A_1056 : i1 to i32
    %sign3A_1058 = arith.constant 0 : i32
    %sign3A_1059 = arith.cmpi slt, %jit3A_1046, %sign3A_1058 : i32
    %sign3A_1060 = arith.extui %sign3A_1059 : i1 to i32
    %sign3A_1061 = arith.subi %sign3A_1057, %sign3A_1060 : i32
    %ne3A_1062 = arith.cmpi ne, %sign3A_1054, %sign3A_1061 : i32
    %rem3A_1063 = arith.remsi %add3A_1045, %jit3A_1046 : i32
    %ne3A_1064 = arith.constant 0 : i32
    %ne3A_1065 = arith.cmpi ne, %rem3A_1063, %ne3A_1064 : i32
    %and3A_1066 = arith.andi %ne3A_1062, %ne3A_1065 : i1
    %sub3A_1067 = arith.constant 1 : i32
    %sub3A_1068 = arith.subi %div3A_1047, %sub3A_1067 : i32
    %select_n3A_1069 = arith.select %and3A_1066, %sub3A_1068, %div3A_1047 : i32
    %max3A_1070 = arith.maxsi %select_n3A_1069, %select_n3A_1014 : i32
    %min3A_1071 = arith.minsi %max3A_1070, %max3A_1042 : i32
    %sub3A_1072 = arith.subi %squeeze3A_985, %min3A_74 : i32
    %jit3A_1073 = arith.constant 16 : i32
    %div3A_1074 = arith.divsi %sub3A_1072, %jit3A_1073 : i32
    %sign3A_1075 = arith.constant 0 : i32
    %sign3A_1076 = arith.cmpi sgt, %sub3A_1072, %sign3A_1075 : i32
    %sign3A_1077 = arith.extui %sign3A_1076 : i1 to i32
    %sign3A_1078 = arith.constant 0 : i32
    %sign3A_1079 = arith.cmpi slt, %sub3A_1072, %sign3A_1078 : i32
    %sign3A_1080 = arith.extui %sign3A_1079 : i1 to i32
    %sign3A_1081 = arith.subi %sign3A_1077, %sign3A_1080 : i32
    %sign3A_1082 = arith.constant 0 : i32
    %sign3A_1083 = arith.cmpi sgt, %jit3A_1073, %sign3A_1082 : i32
    %sign3A_1084 = arith.extui %sign3A_1083 : i1 to i32
    %sign3A_1085 = arith.constant 0 : i32
    %sign3A_1086 = arith.cmpi slt, %jit3A_1073, %sign3A_1085 : i32
    %sign3A_1087 = arith.extui %sign3A_1086 : i1 to i32
    %sign3A_1088 = arith.subi %sign3A_1084, %sign3A_1087 : i32
    %ne3A_1089 = arith.cmpi ne, %sign3A_1081, %sign3A_1088 : i32
    %rem3A_1090 = arith.remsi %sub3A_1072, %jit3A_1073 : i32
    %ne3A_1091 = arith.constant 0 : i32
    %ne3A_1092 = arith.cmpi ne, %rem3A_1090, %ne3A_1091 : i32
    %and3A_1093 = arith.andi %ne3A_1089, %ne3A_1092 : i1
    %sub3A_1094 = arith.constant 1 : i32
    %sub3A_1095 = arith.subi %div3A_1074, %sub3A_1094 : i32
    %select_n3A_1096 = arith.select %and3A_1093, %sub3A_1095, %div3A_1074 : i32
    %min3A_1097 = arith.minsi %select_n3A_1096, %max3A_1042 : i32
    %max3A_1098 = arith.maxsi %min3A_1097, %min3A_1071 : i32
    %while3A_1099 = arith.subi %min3A_1071, %select_n3A_1014 : i32
    %while3A_1100 = arith.addi %select_n3A_1014, %while3A_1099 : i32
    %while3A_1101 = arith.constant 1 : i32
    %while3A_1102 = arith.divsi %while3A_1099, %while3A_1101 : i32
    %while3A_1103 = arith.muli %while3A_1102, %while3A_1101 : i32
    %while3A_1104 = arith.addi %select_n3A_1014, %while3A_1103 : i32
    %while3A_1105 = arith.constant 1 : i32
    %while3A_1106 = scf.for %while3A_1535 = %select_n3A_1014 to %while3A_1104 step %while3A_1105 iter_args(%while3A_1536 = %broadcast_in_dim3A_0) -> (vector<16xf32>)  : i32 {
      %mul3A_1537 = arith.constant 16 : i32
      %mul3A_1538 = arith.muli %while3A_1535, %mul3A_1537 : i32
      %add3A_1539 = arith.addi %min3A_74, %mul3A_1538 : i32
      %add3A_1540 = vector.broadcast %add3A_1539 : i32 to vector<16xi32>
      %add3A_1541 = arith.addi %add3A_1540, %iota3A : vector<16xi32>
      %mul3A_1542 = arith.constant 16 : i32
      %mul3A_1543 = arith.muli %while3A_1535, %mul3A_1542 : i32
      %get3A_1544 = arith.index_cast %mul3A_1543 : i32 to index
      %get3A_1545 = tpu.vector_load %arg8[%get3A_1544] {strides = array<i32>} : memref<2048xf32, #tpu.memory_space<vmem>>, vector<16xf32>,
      %get3A_1546 = vector.shape_cast %get3A_1545 : vector<16xf32> to vector<16xf32>
      %ge3A = vector.broadcast %squeeze3A_983 : i32 to vector<16xi32>
      %ge3A_1547 = arith.cmpi sge, %add3A_1541, %ge3A : vector<16xi32>
      %lt3A_1548 = vector.broadcast %squeeze3A_985 : i32 to vector<16xi32>
      %lt3A_1549 = arith.cmpi slt, %add3A_1541, %lt3A_1548 : vector<16xi32>
      %and3A_1550 = arith.andi %ge3A_1547, %lt3A_1549 : vector<16xi1>
      %jit3A_1551 = arith.constant 0xFF800000 : f32
      %broadcast_in_dim3A_1552 = vector.broadcast %jit3A_1551 : f32 to vector<16xf32>
      %select_n3A_1553 = arith.select %and3A_1550, %get3A_1546, %broadcast_in_dim3A_1552 : vector<16xi1>, vector<16xf32>
      %max3A_1554 = arith.maximumf %while3A_1536, %select_n3A_1553 : vector<16xf32>
      scf.yield %max3A_1554 : vector<16xf32>
    }
    %while3A_1107 = arith.constant 1 : i32
    %while3A_1108 = scf.for %while3A_1535 = %while3A_1104 to %while3A_1100 step %while3A_1107 iter_args(%while3A_1536 = %while3A_1106) -> (vector<16xf32>)  : i32 {
      %mul3A_1537 = arith.constant 16 : i32
      %mul3A_1538 = arith.muli %while3A_1535, %mul3A_1537 : i32
      %add3A_1539 = arith.addi %min3A_74, %mul3A_1538 : i32
      %add3A_1540 = vector.broadcast %add3A_1539 : i32 to vector<16xi32>
      %add3A_1541 = arith.addi %add3A_1540, %iota3A : vector<16xi32>
      %mul3A_1542 = arith.constant 16 : i32
      %mul3A_1543 = arith.muli %while3A_1535, %mul3A_1542 : i32
      %get3A_1544 = arith.index_cast %mul3A_1543 : i32 to index
      %get3A_1545 = tpu.vector_load %arg8[%get3A_1544] {strides = array<i32>} : memref<2048xf32, #tpu.memory_space<vmem>>, vector<16xf32>,
      %get3A_1546 = vector.shape_cast %get3A_1545 : vector<16xf32> to vector<16xf32>
      %ge3A = vector.broadcast %squeeze3A_983 : i32 to vector<16xi32>
      %ge3A_1547 = arith.cmpi sge, %add3A_1541, %ge3A : vector<16xi32>
      %lt3A_1548 = vector.broadcast %squeeze3A_985 : i32 to vector<16xi32>
      %lt3A_1549 = arith.cmpi slt, %add3A_1541, %lt3A_1548 : vector<16xi32>
      %and3A_1550 = arith.andi %ge3A_1547, %lt3A_1549 : vector<16xi1>
      %jit3A_1551 = arith.constant 0xFF800000 : f32
      %broadcast_in_dim3A_1552 = vector.broadcast %jit3A_1551 : f32 to vector<16xf32>
      %select_n3A_1553 = arith.select %and3A_1550, %get3A_1546, %broadcast_in_dim3A_1552 : vector<16xi1>, vector<16xf32>
      %max3A_1554 = arith.maximumf %while3A_1536, %select_n3A_1553 : vector<16xf32>
      scf.yield %max3A_1554 : vector<16xf32>
    }
    %while3A_1109 = arith.subi %max3A_1098, %min3A_1071 : i32
    %while3A_1110 = arith.addi %min3A_1071, %while3A_1109 : i32
    %while3A_1111 = arith.constant 1 : i32
    %while3A_1112 = arith.divsi %while3A_1109, %while3A_1111 : i32
    %while3A_1113 = arith.muli %while3A_1112, %while3A_1111 : i32
    %while3A_1114 = arith.addi %min3A_1071, %while3A_1113 : i32
    %while3A_1115 = arith.constant 1 : i32
    %while3A_1116 = scf.for %while3A_1535 = %min3A_1071 to %while3A_1114 step %while3A_1115 iter_args(%while3A_1536 = %while3A_1108) -> (vector<16xf32>)  : i32 {
      %mul3A_1537 = arith.constant 16 : i32
      %mul3A_1538 = arith.muli %while3A_1535, %mul3A_1537 : i32
      %get3A_1539 = arith.index_cast %mul3A_1538 : i32 to index
      %get3A_1540 = tpu.vector_load %arg8[%get3A_1539] {strides = array<i32>} : memref<2048xf32, #tpu.memory_space<vmem>>, vector<16xf32>,
      %get3A_1541 = vector.shape_cast %get3A_1540 : vector<16xf32> to vector<16xf32>
      %max3A_1542 = arith.maximumf %while3A_1536, %get3A_1541 : vector<16xf32>
      scf.yield %max3A_1542 : vector<16xf32>
    }
    %while3A_1117 = arith.constant 1 : i32
    %while3A_1118 = scf.for %while3A_1535 = %while3A_1114 to %while3A_1110 step %while3A_1117 iter_args(%while3A_1536 = %while3A_1116) -> (vector<16xf32>)  : i32 {
      %mul3A_1537 = arith.constant 16 : i32
      %mul3A_1538 = arith.muli %while3A_1535, %mul3A_1537 : i32
      %get3A_1539 = arith.index_cast %mul3A_1538 : i32 to index
      %get3A_1540 = tpu.vector_load %arg8[%get3A_1539] {strides = array<i32>} : memref<2048xf32, #tpu.memory_space<vmem>>, vector<16xf32>,
      %get3A_1541 = vector.shape_cast %get3A_1540 : vector<16xf32> to vector<16xf32>
      %max3A_1542 = arith.maximumf %while3A_1536, %get3A_1541 : vector<16xf32>
      scf.yield %max3A_1542 : vector<16xf32>
    }
    %while3A_1119 = arith.subi %max3A_1042, %max3A_1098 : i32
    %while3A_1120 = arith.addi %max3A_1098, %while3A_1119 : i32
    %while3A_1121 = arith.constant 1 : i32
    %while3A_1122 = arith.divsi %while3A_1119, %while3A_1121 : i32
    %while3A_1123 = arith.muli %while3A_1122, %while3A_1121 : i32
    %while3A_1124 = arith.addi %max3A_1098, %while3A_1123 : i32
    %while3A_1125 = arith.constant 1 : i32
    %while3A_1126 = scf.for %while3A_1535 = %max3A_1098 to %while3A_1124 step %while3A_1125 iter_args(%while3A_1536 = %while3A_1118) -> (vector<16xf32>)  : i32 {
      %mul3A_1537 = arith.constant 16 : i32
      %mul3A_1538 = arith.muli %while3A_1535, %mul3A_1537 : i32
      %add3A_1539 = arith.addi %min3A_74, %mul3A_1538 : i32
      %add3A_1540 = vector.broadcast %add3A_1539 : i32 to vector<16xi32>
      %add3A_1541 = arith.addi %add3A_1540, %iota3A : vector<16xi32>
      %mul3A_1542 = arith.constant 16 : i32
      %mul3A_1543 = arith.muli %while3A_1535, %mul3A_1542 : i32
      %get3A_1544 = arith.index_cast %mul3A_1543 : i32 to index
      %get3A_1545 = tpu.vector_load %arg8[%get3A_1544] {strides = array<i32>} : memref<2048xf32, #tpu.memory_space<vmem>>, vector<16xf32>,
      %get3A_1546 = vector.shape_cast %get3A_1545 : vector<16xf32> to vector<16xf32>
      %ge3A = vector.broadcast %squeeze3A_983 : i32 to vector<16xi32>
      %ge3A_1547 = arith.cmpi sge, %add3A_1541, %ge3A : vector<16xi32>
      %lt3A_1548 = vector.broadcast %squeeze3A_985 : i32 to vector<16xi32>
      %lt3A_1549 = arith.cmpi slt, %add3A_1541, %lt3A_1548 : vector<16xi32>
      %and3A_1550 = arith.andi %ge3A_1547, %lt3A_1549 : vector<16xi1>
      %jit3A_1551 = arith.constant 0xFF800000 : f32
      %broadcast_in_dim3A_1552 = vector.broadcast %jit3A_1551 : f32 to vector<16xf32>
      %select_n3A_1553 = arith.select %and3A_1550, %get3A_1546, %broadcast_in_dim3A_1552 : vector<16xi1>, vector<16xf32>
      %max3A_1554 = arith.maximumf %while3A_1536, %select_n3A_1553 : vector<16xf32>
      scf.yield %max3A_1554 : vector<16xf32>
    }
    %while3A_1127 = arith.constant 1 : i32
    %while3A_1128 = scf.for %while3A_1535 = %while3A_1124 to %while3A_1120 step %while3A_1127 iter_args(%while3A_1536 = %while3A_1126) -> (vector<16xf32>)  : i32 {
      %mul3A_1537 = arith.constant 16 : i32
      %mul3A_1538 = arith.muli %while3A_1535, %mul3A_1537 : i32
      %add3A_1539 = arith.addi %min3A_74, %mul3A_1538 : i32
      %add3A_1540 = vector.broadcast %add3A_1539 : i32 to vector<16xi32>
      %add3A_1541 = arith.addi %add3A_1540, %iota3A : vector<16xi32>
      %mul3A_1542 = arith.constant 16 : i32
      %mul3A_1543 = arith.muli %while3A_1535, %mul3A_1542 : i32
      %get3A_1544 = arith.index_cast %mul3A_1543 : i32 to index
      %get3A_1545 = tpu.vector_load %arg8[%get3A_1544] {strides = array<i32>} : memref<2048xf32, #tpu.memory_space<vmem>>, vector<16xf32>,
      %get3A_1546 = vector.shape_cast %get3A_1545 : vector<16xf32> to vector<16xf32>
      %ge3A = vector.broadcast %squeeze3A_983 : i32 to vector<16xi32>
      %ge3A_1547 = arith.cmpi sge, %add3A_1541, %ge3A : vector<16xi32>
      %lt3A_1548 = vector.broadcast %squeeze3A_985 : i32 to vector<16xi32>
      %lt3A_1549 = arith.cmpi slt, %add3A_1541, %lt3A_1548 : vector<16xi32>
      %and3A_1550 = arith.andi %ge3A_1547, %lt3A_1549 : vector<16xi1>
      %jit3A_1551 = arith.constant 0xFF800000 : f32
      %broadcast_in_dim3A_1552 = vector.broadcast %jit3A_1551 : f32 to vector<16xf32>
      %select_n3A_1553 = arith.select %and3A_1550, %get3A_1546, %broadcast_in_dim3A_1552 : vector<16xi1>, vector<16xf32>
      %max3A_1554 = arith.maximumf %while3A_1536, %select_n3A_1553 : vector<16xf32>
      scf.yield %max3A_1554 : vector<16xf32>
    }
    %swap3A_1129 = arith.constant 80 : index
    %swap3A_1130 = tpu.vector_load %arg11[%swap3A_1129] {strides = array<i32>} : memref<128xf32, #tpu.memory_space<vmem>>, vector<16xf32>,
    %swap3A_1131 = vector.shape_cast %swap3A_1130 : vector<16xf32> to vector<16xf32>
    %swap3A_1132 = vector.shape_cast %while3A_1128 : vector<16xf32> to vector<16xf32>
    tpu.vector_store %arg11[%swap3A_1129], %swap3A_1132 {strides = array<i32>} : memref<128xf32, #tpu.memory_space<vmem>>, vector<16xf32>,
    %mul3A_1133 = arith.constant 16 : i32
    %mul3A_1134 = arith.muli %arg1, %mul3A_1133 : i32
    %add3A_1135 = arith.constant 1280 : i32
    %add3A_1136 = arith.addi %add3A_1135, %mul3A_1134 : i32
    %dma_start3A_1137 = arith.constant 80 : i32
    %dma_start3A_1138 = tpu.memref_slice %arg11[%dma_start3A_1137] : memref<128xf32, #tpu.memory_space<vmem>> -> memref<16xf32, #tpu.memory_space<vmem>>
    %dma_start3A_1139 = tpu.memref_slice %arg15[%add3A_1136] : memref<2048xf32, #tpu.memory_space<vmem_shared>> -> memref<16xf32, #tpu.memory_space<vmem_shared>>
    %dma_start3A_1140 = tpu.memref_slice %arg15[%add3A_1136] : memref<2048xf32, #tpu.memory_space<vmem_shared>> -> memref<16xf32, #tpu.memory_space<vmem_shared>>
    %dma_start3A_1141 = arith.constant 80 : i32
    %dma_start3A_1142 = tpu.memref_slice %arg11[%dma_start3A_1141] : memref<128xf32, #tpu.memory_space<vmem>> -> memref<16xf32, #tpu.memory_space<vmem>>
    tpu.enqueue_dma source(%dma_start3A_1142 : memref<16xf32, #tpu.memory_space<vmem>>) target(%dma_start3A_1140 : memref<16xf32, #tpu.memory_space<vmem_shared>>) target_semaphore(%arg21 : memref<!tpu.dma_semaphore, #tpu.memory_space<semaphore_mem>>)
    %mul3A_1143 = arith.constant 8 : i32
    %mul3A_1144 = arith.muli %mul3A_1143, %arg0 : i32
    %add3A_1145 = arith.constant 6 : i32
    %add3A_1146 = arith.addi %mul3A_1144, %add3A_1145 : i32
    %get3A_1147 = arith.index_cast %add3A_1146 : i32 to index
    %get3A_1148 = tpu.vector_load %arg6[%get3A_1147] {strides = array<i32>} : memref<32xi32, #tpu.memory_space<vmem>>, vector<16xi32>,
    %get3A_1149 = vector.shape_cast %get3A_1148 : vector<16xi32> to vector<16xi32>
    %slice3A_1150 = vector.extract_strided_slice %get3A_1149 {offsets = [0], sizes = [1], strides = [1]} : vector<16xi32> to vector<1xi32>
    %squeeze3A_1151 = vector.extract %slice3A_1150[0] : i32 from vector<1xi32>
    %slice3A_1152 = vector.extract_strided_slice %get3A_1149 {offsets = [1], sizes = [1], strides = [1]} : vector<16xi32> to vector<1xi32>
    %squeeze3A_1153 = vector.extract %slice3A_1152[0] : i32 from vector<1xi32>
    %max3A_1154 = arith.maxsi %squeeze3A_1151, %min3A_74 : i32
    %add3A_1155 = arith.constant 2048 : i32
    %add3A_1156 = arith.addi %min3A_74, %add3A_1155 : i32
    %min3A_1157 = arith.minsi %squeeze3A_1153, %add3A_1156 : i32
    %sub3A_1158 = arith.subi %max3A_1154, %min3A_74 : i32
    %jit3A_1159 = arith.constant 16 : i32
    %div3A_1160 = arith.divsi %sub3A_1158, %jit3A_1159 : i32
    %sign3A_1161 = arith.constant 0 : i32
    %sign3A_1162 = arith.cmpi sgt, %sub3A_1158, %sign3A_1161 : i32
    %sign3A_1163 = arith.extui %sign3A_1162 : i1 to i32
    %sign3A_1164 = arith.constant 0 : i32
    %sign3A_1165 = arith.cmpi slt, %sub3A_1158, %sign3A_1164 : i32
    %sign3A_1166 = arith.extui %sign3A_1165 : i1 to i32
    %sign3A_1167 = arith.subi %sign3A_1163, %sign3A_1166 : i32
    %sign3A_1168 = arith.constant 0 : i32
    %sign3A_1169 = arith.cmpi sgt, %jit3A_1159, %sign3A_1168 : i32
    %sign3A_1170 = arith.extui %sign3A_1169 : i1 to i32
    %sign3A_1171 = arith.constant 0 : i32
    %sign3A_1172 = arith.cmpi slt, %jit3A_1159, %sign3A_1171 : i32
    %sign3A_1173 = arith.extui %sign3A_1172 : i1 to i32
    %sign3A_1174 = arith.subi %sign3A_1170, %sign3A_1173 : i32
    %ne3A_1175 = arith.cmpi ne, %sign3A_1167, %sign3A_1174 : i32
    %rem3A_1176 = arith.remsi %sub3A_1158, %jit3A_1159 : i32
    %ne3A_1177 = arith.constant 0 : i32
    %ne3A_1178 = arith.cmpi ne, %rem3A_1176, %ne3A_1177 : i32
    %and3A_1179 = arith.andi %ne3A_1175, %ne3A_1178 : i1
    %sub3A_1180 = arith.constant 1 : i32
    %sub3A_1181 = arith.subi %div3A_1160, %sub3A_1180 : i32
    %select_n3A_1182 = arith.select %and3A_1179, %sub3A_1181, %div3A_1160 : i32
    %sub3A_1183 = arith.subi %min3A_1157, %min3A_74 : i32
    %add3A_1184 = arith.constant 15 : i32
    %add3A_1185 = arith.addi %sub3A_1183, %add3A_1184 : i32
    %jit3A_1186 = arith.constant 16 : i32
    %div3A_1187 = arith.divsi %add3A_1185, %jit3A_1186 : i32
    %sign3A_1188 = arith.constant 0 : i32
    %sign3A_1189 = arith.cmpi sgt, %add3A_1185, %sign3A_1188 : i32
    %sign3A_1190 = arith.extui %sign3A_1189 : i1 to i32
    %sign3A_1191 = arith.constant 0 : i32
    %sign3A_1192 = arith.cmpi slt, %add3A_1185, %sign3A_1191 : i32
    %sign3A_1193 = arith.extui %sign3A_1192 : i1 to i32
    %sign3A_1194 = arith.subi %sign3A_1190, %sign3A_1193 : i32
    %sign3A_1195 = arith.constant 0 : i32
    %sign3A_1196 = arith.cmpi sgt, %jit3A_1186, %sign3A_1195 : i32
    %sign3A_1197 = arith.extui %sign3A_1196 : i1 to i32
    %sign3A_1198 = arith.constant 0 : i32
    %sign3A_1199 = arith.cmpi slt, %jit3A_1186, %sign3A_1198 : i32
    %sign3A_1200 = arith.extui %sign3A_1199 : i1 to i32
    %sign3A_1201 = arith.subi %sign3A_1197, %sign3A_1200 : i32
    %ne3A_1202 = arith.cmpi ne, %sign3A_1194, %sign3A_1201 : i32
    %rem3A_1203 = arith.remsi %add3A_1185, %jit3A_1186 : i32
    %ne3A_1204 = arith.constant 0 : i32
    %ne3A_1205 = arith.cmpi ne, %rem3A_1203, %ne3A_1204 : i32
    %and3A_1206 = arith.andi %ne3A_1202, %ne3A_1205 : i1
    %sub3A_1207 = arith.constant 1 : i32
    %sub3A_1208 = arith.subi %div3A_1187, %sub3A_1207 : i32
    %select_n3A_1209 = arith.select %and3A_1206, %sub3A_1208, %div3A_1187 : i32
    %max3A_1210 = arith.maxsi %select_n3A_1182, %select_n3A_1209 : i32
    %sub3A_1211 = arith.subi %squeeze3A_1151, %min3A_74 : i32
    %add3A_1212 = arith.constant 15 : i32
    %add3A_1213 = arith.addi %sub3A_1211, %add3A_1212 : i32
    %jit3A_1214 = arith.constant 16 : i32
    %div3A_1215 = arith.divsi %add3A_1213, %jit3A_1214 : i32
    %sign3A_1216 = arith.constant 0 : i32
    %sign3A_1217 = arith.cmpi sgt, %add3A_1213, %sign3A_1216 : i32
    %sign3A_1218 = arith.extui %sign3A_1217 : i1 to i32
    %sign3A_1219 = arith.constant 0 : i32
    %sign3A_1220 = arith.cmpi slt, %add3A_1213, %sign3A_1219 : i32
    %sign3A_1221 = arith.extui %sign3A_1220 : i1 to i32
    %sign3A_1222 = arith.subi %sign3A_1218, %sign3A_1221 : i32
    %sign3A_1223 = arith.constant 0 : i32
    %sign3A_1224 = arith.cmpi sgt, %jit3A_1214, %sign3A_1223 : i32
    %sign3A_1225 = arith.extui %sign3A_1224 : i1 to i32
    %sign3A_1226 = arith.constant 0 : i32
    %sign3A_1227 = arith.cmpi slt, %jit3A_1214, %sign3A_1226 : i32
    %sign3A_1228 = arith.extui %sign3A_1227 : i1 to i32
    %sign3A_1229 = arith.subi %sign3A_1225, %sign3A_1228 : i32
    %ne3A_1230 = arith.cmpi ne, %sign3A_1222, %sign3A_1229 : i32
    %rem3A_1231 = arith.remsi %add3A_1213, %jit3A_1214 : i32
    %ne3A_1232 = arith.constant 0 : i32
    %ne3A_1233 = arith.cmpi ne, %rem3A_1231, %ne3A_1232 : i32
    %and3A_1234 = arith.andi %ne3A_1230, %ne3A_1233 : i1
    %sub3A_1235 = arith.constant 1 : i32
    %sub3A_1236 = arith.subi %div3A_1215, %sub3A_1235 : i32
    %select_n3A_1237 = arith.select %and3A_1234, %sub3A_1236, %div3A_1215 : i32
    %max3A_1238 = arith.maxsi %select_n3A_1237, %select_n3A_1182 : i32
    %min3A_1239 = arith.minsi %max3A_1238, %max3A_1210 : i32
    %sub3A_1240 = arith.subi %squeeze3A_1153, %min3A_74 : i32
    %jit3A_1241 = arith.constant 16 : i32
    %div3A_1242 = arith.divsi %sub3A_1240, %jit3A_1241 : i32
    %sign3A_1243 = arith.constant 0 : i32
    %sign3A_1244 = arith.cmpi sgt, %sub3A_1240, %sign3A_1243 : i32
    %sign3A_1245 = arith.extui %sign3A_1244 : i1 to i32
    %sign3A_1246 = arith.constant 0 : i32
    %sign3A_1247 = arith.cmpi slt, %sub3A_1240, %sign3A_1246 : i32
    %sign3A_1248 = arith.extui %sign3A_1247 : i1 to i32
    %sign3A_1249 = arith.subi %sign3A_1245, %sign3A_1248 : i32
    %sign3A_1250 = arith.constant 0 : i32
    %sign3A_1251 = arith.cmpi sgt, %jit3A_1241, %sign3A_1250 : i32
    %sign3A_1252 = arith.extui %sign3A_1251 : i1 to i32
    %sign3A_1253 = arith.constant 0 : i32
    %sign3A_1254 = arith.cmpi slt, %jit3A_1241, %sign3A_1253 : i32
    %sign3A_1255 = arith.extui %sign3A_1254 : i1 to i32
    %sign3A_1256 = arith.subi %sign3A_1252, %sign3A_1255 : i32
    %ne3A_1257 = arith.cmpi ne, %sign3A_1249, %sign3A_1256 : i32
    %rem3A_1258 = arith.remsi %sub3A_1240, %jit3A_1241 : i32
    %ne3A_1259 = arith.constant 0 : i32
    %ne3A_1260 = arith.cmpi ne, %rem3A_1258, %ne3A_1259 : i32
    %and3A_1261 = arith.andi %ne3A_1257, %ne3A_1260 : i1
    %sub3A_1262 = arith.constant 1 : i32
    %sub3A_1263 = arith.subi %div3A_1242, %sub3A_1262 : i32
    %select_n3A_1264 = arith.select %and3A_1261, %sub3A_1263, %div3A_1242 : i32
    %min3A_1265 = arith.minsi %select_n3A_1264, %max3A_1210 : i32
    %max3A_1266 = arith.maxsi %min3A_1265, %min3A_1239 : i32
    %while3A_1267 = arith.subi %min3A_1239, %select_n3A_1182 : i32
    %while3A_1268 = arith.addi %select_n3A_1182, %while3A_1267 : i32
    %while3A_1269 = arith.constant 1 : i32
    %while3A_1270 = arith.divsi %while3A_1267, %while3A_1269 : i32
    %while3A_1271 = arith.muli %while3A_1270, %while3A_1269 : i32
    %while3A_1272 = arith.addi %select_n3A_1182, %while3A_1271 : i32
    %while3A_1273 = arith.constant 1 : i32
    %while3A_1274 = scf.for %while3A_1535 = %select_n3A_1182 to %while3A_1272 step %while3A_1273 iter_args(%while3A_1536 = %broadcast_in_dim3A_0) -> (vector<16xf32>)  : i32 {
      %mul3A_1537 = arith.constant 16 : i32
      %mul3A_1538 = arith.muli %while3A_1535, %mul3A_1537 : i32
      %add3A_1539 = arith.addi %min3A_74, %mul3A_1538 : i32
      %add3A_1540 = vector.broadcast %add3A_1539 : i32 to vector<16xi32>
      %add3A_1541 = arith.addi %add3A_1540, %iota3A : vector<16xi32>
      %mul3A_1542 = arith.constant 16 : i32
      %mul3A_1543 = arith.muli %while3A_1535, %mul3A_1542 : i32
      %get3A_1544 = arith.index_cast %mul3A_1543 : i32 to index
      %get3A_1545 = tpu.vector_load %arg8[%get3A_1544] {strides = array<i32>} : memref<2048xf32, #tpu.memory_space<vmem>>, vector<16xf32>,
      %get3A_1546 = vector.shape_cast %get3A_1545 : vector<16xf32> to vector<16xf32>
      %ge3A = vector.broadcast %squeeze3A_1151 : i32 to vector<16xi32>
      %ge3A_1547 = arith.cmpi sge, %add3A_1541, %ge3A : vector<16xi32>
      %lt3A_1548 = vector.broadcast %squeeze3A_1153 : i32 to vector<16xi32>
      %lt3A_1549 = arith.cmpi slt, %add3A_1541, %lt3A_1548 : vector<16xi32>
      %and3A_1550 = arith.andi %ge3A_1547, %lt3A_1549 : vector<16xi1>
      %jit3A_1551 = arith.constant 0xFF800000 : f32
      %broadcast_in_dim3A_1552 = vector.broadcast %jit3A_1551 : f32 to vector<16xf32>
      %select_n3A_1553 = arith.select %and3A_1550, %get3A_1546, %broadcast_in_dim3A_1552 : vector<16xi1>, vector<16xf32>
      %max3A_1554 = arith.maximumf %while3A_1536, %select_n3A_1553 : vector<16xf32>
      scf.yield %max3A_1554 : vector<16xf32>
    }
    %while3A_1275 = arith.constant 1 : i32
    %while3A_1276 = scf.for %while3A_1535 = %while3A_1272 to %while3A_1268 step %while3A_1275 iter_args(%while3A_1536 = %while3A_1274) -> (vector<16xf32>)  : i32 {
      %mul3A_1537 = arith.constant 16 : i32
      %mul3A_1538 = arith.muli %while3A_1535, %mul3A_1537 : i32
      %add3A_1539 = arith.addi %min3A_74, %mul3A_1538 : i32
      %add3A_1540 = vector.broadcast %add3A_1539 : i32 to vector<16xi32>
      %add3A_1541 = arith.addi %add3A_1540, %iota3A : vector<16xi32>
      %mul3A_1542 = arith.constant 16 : i32
      %mul3A_1543 = arith.muli %while3A_1535, %mul3A_1542 : i32
      %get3A_1544 = arith.index_cast %mul3A_1543 : i32 to index
      %get3A_1545 = tpu.vector_load %arg8[%get3A_1544] {strides = array<i32>} : memref<2048xf32, #tpu.memory_space<vmem>>, vector<16xf32>,
      %get3A_1546 = vector.shape_cast %get3A_1545 : vector<16xf32> to vector<16xf32>
      %ge3A = vector.broadcast %squeeze3A_1151 : i32 to vector<16xi32>
      %ge3A_1547 = arith.cmpi sge, %add3A_1541, %ge3A : vector<16xi32>
      %lt3A_1548 = vector.broadcast %squeeze3A_1153 : i32 to vector<16xi32>
      %lt3A_1549 = arith.cmpi slt, %add3A_1541, %lt3A_1548 : vector<16xi32>
      %and3A_1550 = arith.andi %ge3A_1547, %lt3A_1549 : vector<16xi1>
      %jit3A_1551 = arith.constant 0xFF800000 : f32
      %broadcast_in_dim3A_1552 = vector.broadcast %jit3A_1551 : f32 to vector<16xf32>
      %select_n3A_1553 = arith.select %and3A_1550, %get3A_1546, %broadcast_in_dim3A_1552 : vector<16xi1>, vector<16xf32>
      %max3A_1554 = arith.maximumf %while3A_1536, %select_n3A_1553 : vector<16xf32>
      scf.yield %max3A_1554 : vector<16xf32>
    }
    %while3A_1277 = arith.subi %max3A_1266, %min3A_1239 : i32
    %while3A_1278 = arith.addi %min3A_1239, %while3A_1277 : i32
    %while3A_1279 = arith.constant 1 : i32
    %while3A_1280 = arith.divsi %while3A_1277, %while3A_1279 : i32
    %while3A_1281 = arith.muli %while3A_1280, %while3A_1279 : i32
    %while3A_1282 = arith.addi %min3A_1239, %while3A_1281 : i32
    %while3A_1283 = arith.constant 1 : i32
    %while3A_1284 = scf.for %while3A_1535 = %min3A_1239 to %while3A_1282 step %while3A_1283 iter_args(%while3A_1536 = %while3A_1276) -> (vector<16xf32>)  : i32 {
      %mul3A_1537 = arith.constant 16 : i32
      %mul3A_1538 = arith.muli %while3A_1535, %mul3A_1537 : i32
      %get3A_1539 = arith.index_cast %mul3A_1538 : i32 to index
      %get3A_1540 = tpu.vector_load %arg8[%get3A_1539] {strides = array<i32>} : memref<2048xf32, #tpu.memory_space<vmem>>, vector<16xf32>,
      %get3A_1541 = vector.shape_cast %get3A_1540 : vector<16xf32> to vector<16xf32>
      %max3A_1542 = arith.maximumf %while3A_1536, %get3A_1541 : vector<16xf32>
      scf.yield %max3A_1542 : vector<16xf32>
    }
    %while3A_1285 = arith.constant 1 : i32
    %while3A_1286 = scf.for %while3A_1535 = %while3A_1282 to %while3A_1278 step %while3A_1285 iter_args(%while3A_1536 = %while3A_1284) -> (vector<16xf32>)  : i32 {
      %mul3A_1537 = arith.constant 16 : i32
      %mul3A_1538 = arith.muli %while3A_1535, %mul3A_1537 : i32
      %get3A_1539 = arith.index_cast %mul3A_1538 : i32 to index
      %get3A_1540 = tpu.vector_load %arg8[%get3A_1539] {strides = array<i32>} : memref<2048xf32, #tpu.memory_space<vmem>>, vector<16xf32>,
      %get3A_1541 = vector.shape_cast %get3A_1540 : vector<16xf32> to vector<16xf32>
      %max3A_1542 = arith.maximumf %while3A_1536, %get3A_1541 : vector<16xf32>
      scf.yield %max3A_1542 : vector<16xf32>
    }
    %while3A_1287 = arith.subi %max3A_1210, %max3A_1266 : i32
    %while3A_1288 = arith.addi %max3A_1266, %while3A_1287 : i32
    %while3A_1289 = arith.constant 1 : i32
    %while3A_1290 = arith.divsi %while3A_1287, %while3A_1289 : i32
    %while3A_1291 = arith.muli %while3A_1290, %while3A_1289 : i32
    %while3A_1292 = arith.addi %max3A_1266, %while3A_1291 : i32
    %while3A_1293 = arith.constant 1 : i32
    %while3A_1294 = scf.for %while3A_1535 = %max3A_1266 to %while3A_1292 step %while3A_1293 iter_args(%while3A_1536 = %while3A_1286) -> (vector<16xf32>)  : i32 {
      %mul3A_1537 = arith.constant 16 : i32
      %mul3A_1538 = arith.muli %while3A_1535, %mul3A_1537 : i32
      %add3A_1539 = arith.addi %min3A_74, %mul3A_1538 : i32
      %add3A_1540 = vector.broadcast %add3A_1539 : i32 to vector<16xi32>
      %add3A_1541 = arith.addi %add3A_1540, %iota3A : vector<16xi32>
      %mul3A_1542 = arith.constant 16 : i32
      %mul3A_1543 = arith.muli %while3A_1535, %mul3A_1542 : i32
      %get3A_1544 = arith.index_cast %mul3A_1543 : i32 to index
      %get3A_1545 = tpu.vector_load %arg8[%get3A_1544] {strides = array<i32>} : memref<2048xf32, #tpu.memory_space<vmem>>, vector<16xf32>,
      %get3A_1546 = vector.shape_cast %get3A_1545 : vector<16xf32> to vector<16xf32>
      %ge3A = vector.broadcast %squeeze3A_1151 : i32 to vector<16xi32>
      %ge3A_1547 = arith.cmpi sge, %add3A_1541, %ge3A : vector<16xi32>
      %lt3A_1548 = vector.broadcast %squeeze3A_1153 : i32 to vector<16xi32>
      %lt3A_1549 = arith.cmpi slt, %add3A_1541, %lt3A_1548 : vector<16xi32>
      %and3A_1550 = arith.andi %ge3A_1547, %lt3A_1549 : vector<16xi1>
      %jit3A_1551 = arith.constant 0xFF800000 : f32
      %broadcast_in_dim3A_1552 = vector.broadcast %jit3A_1551 : f32 to vector<16xf32>
      %select_n3A_1553 = arith.select %and3A_1550, %get3A_1546, %broadcast_in_dim3A_1552 : vector<16xi1>, vector<16xf32>
      %max3A_1554 = arith.maximumf %while3A_1536, %select_n3A_1553 : vector<16xf32>
      scf.yield %max3A_1554 : vector<16xf32>
    }
    %while3A_1295 = arith.constant 1 : i32
    %while3A_1296 = scf.for %while3A_1535 = %while3A_1292 to %while3A_1288 step %while3A_1295 iter_args(%while3A_1536 = %while3A_1294) -> (vector<16xf32>)  : i32 {
      %mul3A_1537 = arith.constant 16 : i32
      %mul3A_1538 = arith.muli %while3A_1535, %mul3A_1537 : i32
      %add3A_1539 = arith.addi %min3A_74, %mul3A_1538 : i32
      %add3A_1540 = vector.broadcast %add3A_1539 : i32 to vector<16xi32>
      %add3A_1541 = arith.addi %add3A_1540, %iota3A : vector<16xi32>
      %mul3A_1542 = arith.constant 16 : i32
      %mul3A_1543 = arith.muli %while3A_1535, %mul3A_1542 : i32
      %get3A_1544 = arith.index_cast %mul3A_1543 : i32 to index
      %get3A_1545 = tpu.vector_load %arg8[%get3A_1544] {strides = array<i32>} : memref<2048xf32, #tpu.memory_space<vmem>>, vector<16xf32>,
      %get3A_1546 = vector.shape_cast %get3A_1545 : vector<16xf32> to vector<16xf32>
      %ge3A = vector.broadcast %squeeze3A_1151 : i32 to vector<16xi32>
      %ge3A_1547 = arith.cmpi sge, %add3A_1541, %ge3A : vector<16xi32>
      %lt3A_1548 = vector.broadcast %squeeze3A_1153 : i32 to vector<16xi32>
      %lt3A_1549 = arith.cmpi slt, %add3A_1541, %lt3A_1548 : vector<16xi32>
      %and3A_1550 = arith.andi %ge3A_1547, %lt3A_1549 : vector<16xi1>
      %jit3A_1551 = arith.constant 0xFF800000 : f32
      %broadcast_in_dim3A_1552 = vector.broadcast %jit3A_1551 : f32 to vector<16xf32>
      %select_n3A_1553 = arith.select %and3A_1550, %get3A_1546, %broadcast_in_dim3A_1552 : vector<16xi1>, vector<16xf32>
      %max3A_1554 = arith.maximumf %while3A_1536, %select_n3A_1553 : vector<16xf32>
      scf.yield %max3A_1554 : vector<16xf32>
    }
    %swap3A_1297 = arith.constant 96 : index
    %swap3A_1298 = tpu.vector_load %arg11[%swap3A_1297] {strides = array<i32>} : memref<128xf32, #tpu.memory_space<vmem>>, vector<16xf32>,
    %swap3A_1299 = vector.shape_cast %swap3A_1298 : vector<16xf32> to vector<16xf32>
    %swap3A_1300 = vector.shape_cast %while3A_1296 : vector<16xf32> to vector<16xf32>
    tpu.vector_store %arg11[%swap3A_1297], %swap3A_1300 {strides = array<i32>} : memref<128xf32, #tpu.memory_space<vmem>>, vector<16xf32>,
    %mul3A_1301 = arith.constant 16 : i32
    %mul3A_1302 = arith.muli %arg1, %mul3A_1301 : i32
    %add3A_1303 = arith.constant 1536 : i32
    %add3A_1304 = arith.addi %add3A_1303, %mul3A_1302 : i32
    %dma_start3A_1305 = arith.constant 96 : i32
    %dma_start3A_1306 = tpu.memref_slice %arg11[%dma_start3A_1305] : memref<128xf32, #tpu.memory_space<vmem>> -> memref<16xf32, #tpu.memory_space<vmem>>
    %dma_start3A_1307 = tpu.memref_slice %arg15[%add3A_1304] : memref<2048xf32, #tpu.memory_space<vmem_shared>> -> memref<16xf32, #tpu.memory_space<vmem_shared>>
    %dma_start3A_1308 = tpu.memref_slice %arg15[%add3A_1304] : memref<2048xf32, #tpu.memory_space<vmem_shared>> -> memref<16xf32, #tpu.memory_space<vmem_shared>>
    %dma_start3A_1309 = arith.constant 96 : i32
    %dma_start3A_1310 = tpu.memref_slice %arg11[%dma_start3A_1309] : memref<128xf32, #tpu.memory_space<vmem>> -> memref<16xf32, #tpu.memory_space<vmem>>
    tpu.enqueue_dma source(%dma_start3A_1310 : memref<16xf32, #tpu.memory_space<vmem>>) target(%dma_start3A_1308 : memref<16xf32, #tpu.memory_space<vmem_shared>>) target_semaphore(%arg21 : memref<!tpu.dma_semaphore, #tpu.memory_space<semaphore_mem>>)
    %mul3A_1311 = arith.constant 8 : i32
    %mul3A_1312 = arith.muli %mul3A_1311, %arg0 : i32
    %add3A_1313 = arith.constant 7 : i32
    %add3A_1314 = arith.addi %mul3A_1312, %add3A_1313 : i32
    %get3A_1315 = arith.index_cast %add3A_1314 : i32 to index
    %get3A_1316 = tpu.vector_load %arg6[%get3A_1315] {strides = array<i32>} : memref<32xi32, #tpu.memory_space<vmem>>, vector<16xi32>,
    %get3A_1317 = vector.shape_cast %get3A_1316 : vector<16xi32> to vector<16xi32>
    %slice3A_1318 = vector.extract_strided_slice %get3A_1317 {offsets = [0], sizes = [1], strides = [1]} : vector<16xi32> to vector<1xi32>
    %squeeze3A_1319 = vector.extract %slice3A_1318[0] : i32 from vector<1xi32>
    %slice3A_1320 = vector.extract_strided_slice %get3A_1317 {offsets = [1], sizes = [1], strides = [1]} : vector<16xi32> to vector<1xi32>
    %squeeze3A_1321 = vector.extract %slice3A_1320[0] : i32 from vector<1xi32>
    %max3A_1322 = arith.maxsi %squeeze3A_1319, %min3A_74 : i32
    %add3A_1323 = arith.constant 2048 : i32
    %add3A_1324 = arith.addi %min3A_74, %add3A_1323 : i32
    %min3A_1325 = arith.minsi %squeeze3A_1321, %add3A_1324 : i32
    %sub3A_1326 = arith.subi %max3A_1322, %min3A_74 : i32
    %jit3A_1327 = arith.constant 16 : i32
    %div3A_1328 = arith.divsi %sub3A_1326, %jit3A_1327 : i32
    %sign3A_1329 = arith.constant 0 : i32
    %sign3A_1330 = arith.cmpi sgt, %sub3A_1326, %sign3A_1329 : i32
    %sign3A_1331 = arith.extui %sign3A_1330 : i1 to i32
    %sign3A_1332 = arith.constant 0 : i32
    %sign3A_1333 = arith.cmpi slt, %sub3A_1326, %sign3A_1332 : i32
    %sign3A_1334 = arith.extui %sign3A_1333 : i1 to i32
    %sign3A_1335 = arith.subi %sign3A_1331, %sign3A_1334 : i32
    %sign3A_1336 = arith.constant 0 : i32
    %sign3A_1337 = arith.cmpi sgt, %jit3A_1327, %sign3A_1336 : i32
    %sign3A_1338 = arith.extui %sign3A_1337 : i1 to i32
    %sign3A_1339 = arith.constant 0 : i32
    %sign3A_1340 = arith.cmpi slt, %jit3A_1327, %sign3A_1339 : i32
    %sign3A_1341 = arith.extui %sign3A_1340 : i1 to i32
    %sign3A_1342 = arith.subi %sign3A_1338, %sign3A_1341 : i32
    %ne3A_1343 = arith.cmpi ne, %sign3A_1335, %sign3A_1342 : i32
    %rem3A_1344 = arith.remsi %sub3A_1326, %jit3A_1327 : i32
    %ne3A_1345 = arith.constant 0 : i32
    %ne3A_1346 = arith.cmpi ne, %rem3A_1344, %ne3A_1345 : i32
    %and3A_1347 = arith.andi %ne3A_1343, %ne3A_1346 : i1
    %sub3A_1348 = arith.constant 1 : i32
    %sub3A_1349 = arith.subi %div3A_1328, %sub3A_1348 : i32
    %select_n3A_1350 = arith.select %and3A_1347, %sub3A_1349, %div3A_1328 : i32
    %sub3A_1351 = arith.subi %min3A_1325, %min3A_74 : i32
    %add3A_1352 = arith.constant 15 : i32
    %add3A_1353 = arith.addi %sub3A_1351, %add3A_1352 : i32
    %jit3A_1354 = arith.constant 16 : i32
    %div3A_1355 = arith.divsi %add3A_1353, %jit3A_1354 : i32
    %sign3A_1356 = arith.constant 0 : i32
    %sign3A_1357 = arith.cmpi sgt, %add3A_1353, %sign3A_1356 : i32
    %sign3A_1358 = arith.extui %sign3A_1357 : i1 to i32
    %sign3A_1359 = arith.constant 0 : i32
    %sign3A_1360 = arith.cmpi slt, %add3A_1353, %sign3A_1359 : i32
    %sign3A_1361 = arith.extui %sign3A_1360 : i1 to i32
    %sign3A_1362 = arith.subi %sign3A_1358, %sign3A_1361 : i32
    %sign3A_1363 = arith.constant 0 : i32
    %sign3A_1364 = arith.cmpi sgt, %jit3A_1354, %sign3A_1363 : i32
    %sign3A_1365 = arith.extui %sign3A_1364 : i1 to i32
    %sign3A_1366 = arith.constant 0 : i32
    %sign3A_1367 = arith.cmpi slt, %jit3A_1354, %sign3A_1366 : i32
    %sign3A_1368 = arith.extui %sign3A_1367 : i1 to i32
    %sign3A_1369 = arith.subi %sign3A_1365, %sign3A_1368 : i32
    %ne3A_1370 = arith.cmpi ne, %sign3A_1362, %sign3A_1369 : i32
    %rem3A_1371 = arith.remsi %add3A_1353, %jit3A_1354 : i32
    %ne3A_1372 = arith.constant 0 : i32
    %ne3A_1373 = arith.cmpi ne, %rem3A_1371, %ne3A_1372 : i32
    %and3A_1374 = arith.andi %ne3A_1370, %ne3A_1373 : i1
    %sub3A_1375 = arith.constant 1 : i32
    %sub3A_1376 = arith.subi %div3A_1355, %sub3A_1375 : i32
    %select_n3A_1377 = arith.select %and3A_1374, %sub3A_1376, %div3A_1355 : i32
    %max3A_1378 = arith.maxsi %select_n3A_1350, %select_n3A_1377 : i32
    %sub3A_1379 = arith.subi %squeeze3A_1319, %min3A_74 : i32
    %add3A_1380 = arith.constant 15 : i32
    %add3A_1381 = arith.addi %sub3A_1379, %add3A_1380 : i32
    %jit3A_1382 = arith.constant 16 : i32
    %div3A_1383 = arith.divsi %add3A_1381, %jit3A_1382 : i32
    %sign3A_1384 = arith.constant 0 : i32
    %sign3A_1385 = arith.cmpi sgt, %add3A_1381, %sign3A_1384 : i32
    %sign3A_1386 = arith.extui %sign3A_1385 : i1 to i32
    %sign3A_1387 = arith.constant 0 : i32
    %sign3A_1388 = arith.cmpi slt, %add3A_1381, %sign3A_1387 : i32
    %sign3A_1389 = arith.extui %sign3A_1388 : i1 to i32
    %sign3A_1390 = arith.subi %sign3A_1386, %sign3A_1389 : i32
    %sign3A_1391 = arith.constant 0 : i32
    %sign3A_1392 = arith.cmpi sgt, %jit3A_1382, %sign3A_1391 : i32
    %sign3A_1393 = arith.extui %sign3A_1392 : i1 to i32
    %sign3A_1394 = arith.constant 0 : i32
    %sign3A_1395 = arith.cmpi slt, %jit3A_1382, %sign3A_1394 : i32
    %sign3A_1396 = arith.extui %sign3A_1395 : i1 to i32
    %sign3A_1397 = arith.subi %sign3A_1393, %sign3A_1396 : i32
    %ne3A_1398 = arith.cmpi ne, %sign3A_1390, %sign3A_1397 : i32
    %rem3A_1399 = arith.remsi %add3A_1381, %jit3A_1382 : i32
    %ne3A_1400 = arith.constant 0 : i32
    %ne3A_1401 = arith.cmpi ne, %rem3A_1399, %ne3A_1400 : i32
    %and3A_1402 = arith.andi %ne3A_1398, %ne3A_1401 : i1
    %sub3A_1403 = arith.constant 1 : i32
    %sub3A_1404 = arith.subi %div3A_1383, %sub3A_1403 : i32
    %select_n3A_1405 = arith.select %and3A_1402, %sub3A_1404, %div3A_1383 : i32
    %max3A_1406 = arith.maxsi %select_n3A_1405, %select_n3A_1350 : i32
    %min3A_1407 = arith.minsi %max3A_1406, %max3A_1378 : i32
    %sub3A_1408 = arith.subi %squeeze3A_1321, %min3A_74 : i32
    %jit3A_1409 = arith.constant 16 : i32
    %div3A_1410 = arith.divsi %sub3A_1408, %jit3A_1409 : i32
    %sign3A_1411 = arith.constant 0 : i32
    %sign3A_1412 = arith.cmpi sgt, %sub3A_1408, %sign3A_1411 : i32
    %sign3A_1413 = arith.extui %sign3A_1412 : i1 to i32
    %sign3A_1414 = arith.constant 0 : i32
    %sign3A_1415 = arith.cmpi slt, %sub3A_1408, %sign3A_1414 : i32
    %sign3A_1416 = arith.extui %sign3A_1415 : i1 to i32
    %sign3A_1417 = arith.subi %sign3A_1413, %sign3A_1416 : i32
    %sign3A_1418 = arith.constant 0 : i32
    %sign3A_1419 = arith.cmpi sgt, %jit3A_1409, %sign3A_1418 : i32
    %sign3A_1420 = arith.extui %sign3A_1419 : i1 to i32
    %sign3A_1421 = arith.constant 0 : i32
    %sign3A_1422 = arith.cmpi slt, %jit3A_1409, %sign3A_1421 : i32
    %sign3A_1423 = arith.extui %sign3A_1422 : i1 to i32
    %sign3A_1424 = arith.subi %sign3A_1420, %sign3A_1423 : i32
    %ne3A_1425 = arith.cmpi ne, %sign3A_1417, %sign3A_1424 : i32
    %rem3A_1426 = arith.remsi %sub3A_1408, %jit3A_1409 : i32
    %ne3A_1427 = arith.constant 0 : i32
    %ne3A_1428 = arith.cmpi ne, %rem3A_1426, %ne3A_1427 : i32
    %and3A_1429 = arith.andi %ne3A_1425, %ne3A_1428 : i1
    %sub3A_1430 = arith.constant 1 : i32
    %sub3A_1431 = arith.subi %div3A_1410, %sub3A_1430 : i32
    %select_n3A_1432 = arith.select %and3A_1429, %sub3A_1431, %div3A_1410 : i32
    %min3A_1433 = arith.minsi %select_n3A_1432, %max3A_1378 : i32
    %max3A_1434 = arith.maxsi %min3A_1433, %min3A_1407 : i32
    %while3A_1435 = arith.subi %min3A_1407, %select_n3A_1350 : i32
    %while3A_1436 = arith.addi %select_n3A_1350, %while3A_1435 : i32
    %while3A_1437 = arith.constant 1 : i32
    %while3A_1438 = arith.divsi %while3A_1435, %while3A_1437 : i32
    %while3A_1439 = arith.muli %while3A_1438, %while3A_1437 : i32
    %while3A_1440 = arith.addi %select_n3A_1350, %while3A_1439 : i32
    %while3A_1441 = arith.constant 1 : i32
    %while3A_1442 = scf.for %while3A_1535 = %select_n3A_1350 to %while3A_1440 step %while3A_1441 iter_args(%while3A_1536 = %broadcast_in_dim3A_0) -> (vector<16xf32>)  : i32 {
      %mul3A_1537 = arith.constant 16 : i32
      %mul3A_1538 = arith.muli %while3A_1535, %mul3A_1537 : i32
      %add3A_1539 = arith.addi %min3A_74, %mul3A_1538 : i32
      %add3A_1540 = vector.broadcast %add3A_1539 : i32 to vector<16xi32>
      %add3A_1541 = arith.addi %add3A_1540, %iota3A : vector<16xi32>
      %mul3A_1542 = arith.constant 16 : i32
      %mul3A_1543 = arith.muli %while3A_1535, %mul3A_1542 : i32
      %get3A_1544 = arith.index_cast %mul3A_1543 : i32 to index
      %get3A_1545 = tpu.vector_load %arg8[%get3A_1544] {strides = array<i32>} : memref<2048xf32, #tpu.memory_space<vmem>>, vector<16xf32>,
      %get3A_1546 = vector.shape_cast %get3A_1545 : vector<16xf32> to vector<16xf32>
      %ge3A = vector.broadcast %squeeze3A_1319 : i32 to vector<16xi32>
      %ge3A_1547 = arith.cmpi sge, %add3A_1541, %ge3A : vector<16xi32>
      %lt3A_1548 = vector.broadcast %squeeze3A_1321 : i32 to vector<16xi32>
      %lt3A_1549 = arith.cmpi slt, %add3A_1541, %lt3A_1548 : vector<16xi32>
      %and3A_1550 = arith.andi %ge3A_1547, %lt3A_1549 : vector<16xi1>
      %jit3A_1551 = arith.constant 0xFF800000 : f32
      %broadcast_in_dim3A_1552 = vector.broadcast %jit3A_1551 : f32 to vector<16xf32>
      %select_n3A_1553 = arith.select %and3A_1550, %get3A_1546, %broadcast_in_dim3A_1552 : vector<16xi1>, vector<16xf32>
      %max3A_1554 = arith.maximumf %while3A_1536, %select_n3A_1553 : vector<16xf32>
      scf.yield %max3A_1554 : vector<16xf32>
    }
    %while3A_1443 = arith.constant 1 : i32
    %while3A_1444 = scf.for %while3A_1535 = %while3A_1440 to %while3A_1436 step %while3A_1443 iter_args(%while3A_1536 = %while3A_1442) -> (vector<16xf32>)  : i32 {
      %mul3A_1537 = arith.constant 16 : i32
      %mul3A_1538 = arith.muli %while3A_1535, %mul3A_1537 : i32
      %add3A_1539 = arith.addi %min3A_74, %mul3A_1538 : i32
      %add3A_1540 = vector.broadcast %add3A_1539 : i32 to vector<16xi32>
      %add3A_1541 = arith.addi %add3A_1540, %iota3A : vector<16xi32>
      %mul3A_1542 = arith.constant 16 : i32
      %mul3A_1543 = arith.muli %while3A_1535, %mul3A_1542 : i32
      %get3A_1544 = arith.index_cast %mul3A_1543 : i32 to index
      %get3A_1545 = tpu.vector_load %arg8[%get3A_1544] {strides = array<i32>} : memref<2048xf32, #tpu.memory_space<vmem>>, vector<16xf32>,
      %get3A_1546 = vector.shape_cast %get3A_1545 : vector<16xf32> to vector<16xf32>
      %ge3A = vector.broadcast %squeeze3A_1319 : i32 to vector<16xi32>
      %ge3A_1547 = arith.cmpi sge, %add3A_1541, %ge3A : vector<16xi32>
      %lt3A_1548 = vector.broadcast %squeeze3A_1321 : i32 to vector<16xi32>
      %lt3A_1549 = arith.cmpi slt, %add3A_1541, %lt3A_1548 : vector<16xi32>
      %and3A_1550 = arith.andi %ge3A_1547, %lt3A_1549 : vector<16xi1>
      %jit3A_1551 = arith.constant 0xFF800000 : f32
      %broadcast_in_dim3A_1552 = vector.broadcast %jit3A_1551 : f32 to vector<16xf32>
      %select_n3A_1553 = arith.select %and3A_1550, %get3A_1546, %broadcast_in_dim3A_1552 : vector<16xi1>, vector<16xf32>
      %max3A_1554 = arith.maximumf %while3A_1536, %select_n3A_1553 : vector<16xf32>
      scf.yield %max3A_1554 : vector<16xf32>
    }
    %while3A_1445 = arith.subi %max3A_1434, %min3A_1407 : i32
    %while3A_1446 = arith.addi %min3A_1407, %while3A_1445 : i32
    %while3A_1447 = arith.constant 1 : i32
    %while3A_1448 = arith.divsi %while3A_1445, %while3A_1447 : i32
    %while3A_1449 = arith.muli %while3A_1448, %while3A_1447 : i32
    %while3A_1450 = arith.addi %min3A_1407, %while3A_1449 : i32
    %while3A_1451 = arith.constant 1 : i32
    %while3A_1452 = scf.for %while3A_1535 = %min3A_1407 to %while3A_1450 step %while3A_1451 iter_args(%while3A_1536 = %while3A_1444) -> (vector<16xf32>)  : i32 {
      %mul3A_1537 = arith.constant 16 : i32
      %mul3A_1538 = arith.muli %while3A_1535, %mul3A_1537 : i32
      %get3A_1539 = arith.index_cast %mul3A_1538 : i32 to index
      %get3A_1540 = tpu.vector_load %arg8[%get3A_1539] {strides = array<i32>} : memref<2048xf32, #tpu.memory_space<vmem>>, vector<16xf32>,
      %get3A_1541 = vector.shape_cast %get3A_1540 : vector<16xf32> to vector<16xf32>
      %max3A_1542 = arith.maximumf %while3A_1536, %get3A_1541 : vector<16xf32>
      scf.yield %max3A_1542 : vector<16xf32>
    }
    %while3A_1453 = arith.constant 1 : i32
    %while3A_1454 = scf.for %while3A_1535 = %while3A_1450 to %while3A_1446 step %while3A_1453 iter_args(%while3A_1536 = %while3A_1452) -> (vector<16xf32>)  : i32 {
      %mul3A_1537 = arith.constant 16 : i32
      %mul3A_1538 = arith.muli %while3A_1535, %mul3A_1537 : i32
      %get3A_1539 = arith.index_cast %mul3A_1538 : i32 to index
      %get3A_1540 = tpu.vector_load %arg8[%get3A_1539] {strides = array<i32>} : memref<2048xf32, #tpu.memory_space<vmem>>, vector<16xf32>,
      %get3A_1541 = vector.shape_cast %get3A_1540 : vector<16xf32> to vector<16xf32>
      %max3A_1542 = arith.maximumf %while3A_1536, %get3A_1541 : vector<16xf32>
      scf.yield %max3A_1542 : vector<16xf32>
    }
    %while3A_1455 = arith.subi %max3A_1378, %max3A_1434 : i32
    %while3A_1456 = arith.addi %max3A_1434, %while3A_1455 : i32
    %while3A_1457 = arith.constant 1 : i32
    %while3A_1458 = arith.divsi %while3A_1455, %while3A_1457 : i32
    %while3A_1459 = arith.muli %while3A_1458, %while3A_1457 : i32
    %while3A_1460 = arith.addi %max3A_1434, %while3A_1459 : i32
    %while3A_1461 = arith.constant 1 : i32
    %while3A_1462 = scf.for %while3A_1535 = %max3A_1434 to %while3A_1460 step %while3A_1461 iter_args(%while3A_1536 = %while3A_1454) -> (vector<16xf32>)  : i32 {
      %mul3A_1537 = arith.constant 16 : i32
      %mul3A_1538 = arith.muli %while3A_1535, %mul3A_1537 : i32
      %add3A_1539 = arith.addi %min3A_74, %mul3A_1538 : i32
      %add3A_1540 = vector.broadcast %add3A_1539 : i32 to vector<16xi32>
      %add3A_1541 = arith.addi %add3A_1540, %iota3A : vector<16xi32>
      %mul3A_1542 = arith.constant 16 : i32
      %mul3A_1543 = arith.muli %while3A_1535, %mul3A_1542 : i32
      %get3A_1544 = arith.index_cast %mul3A_1543 : i32 to index
      %get3A_1545 = tpu.vector_load %arg8[%get3A_1544] {strides = array<i32>} : memref<2048xf32, #tpu.memory_space<vmem>>, vector<16xf32>,
      %get3A_1546 = vector.shape_cast %get3A_1545 : vector<16xf32> to vector<16xf32>
      %ge3A = vector.broadcast %squeeze3A_1319 : i32 to vector<16xi32>
      %ge3A_1547 = arith.cmpi sge, %add3A_1541, %ge3A : vector<16xi32>
      %lt3A_1548 = vector.broadcast %squeeze3A_1321 : i32 to vector<16xi32>
      %lt3A_1549 = arith.cmpi slt, %add3A_1541, %lt3A_1548 : vector<16xi32>
      %and3A_1550 = arith.andi %ge3A_1547, %lt3A_1549 : vector<16xi1>
      %jit3A_1551 = arith.constant 0xFF800000 : f32
      %broadcast_in_dim3A_1552 = vector.broadcast %jit3A_1551 : f32 to vector<16xf32>
      %select_n3A_1553 = arith.select %and3A_1550, %get3A_1546, %broadcast_in_dim3A_1552 : vector<16xi1>, vector<16xf32>
      %max3A_1554 = arith.maximumf %while3A_1536, %select_n3A_1553 : vector<16xf32>
      scf.yield %max3A_1554 : vector<16xf32>
    }
    %while3A_1463 = arith.constant 1 : i32
    %while3A_1464 = scf.for %while3A_1535 = %while3A_1460 to %while3A_1456 step %while3A_1463 iter_args(%while3A_1536 = %while3A_1462) -> (vector<16xf32>)  : i32 {
      %mul3A_1537 = arith.constant 16 : i32
      %mul3A_1538 = arith.muli %while3A_1535, %mul3A_1537 : i32
      %add3A_1539 = arith.addi %min3A_74, %mul3A_1538 : i32
      %add3A_1540 = vector.broadcast %add3A_1539 : i32 to vector<16xi32>
      %add3A_1541 = arith.addi %add3A_1540, %iota3A : vector<16xi32>
      %mul3A_1542 = arith.constant 16 : i32
      %mul3A_1543 = arith.muli %while3A_1535, %mul3A_1542 : i32
      %get3A_1544 = arith.index_cast %mul3A_1543 : i32 to index
      %get3A_1545 = tpu.vector_load %arg8[%get3A_1544] {strides = array<i32>} : memref<2048xf32, #tpu.memory_space<vmem>>, vector<16xf32>,
      %get3A_1546 = vector.shape_cast %get3A_1545 : vector<16xf32> to vector<16xf32>
      %ge3A = vector.broadcast %squeeze3A_1319 : i32 to vector<16xi32>
      %ge3A_1547 = arith.cmpi sge, %add3A_1541, %ge3A : vector<16xi32>
      %lt3A_1548 = vector.broadcast %squeeze3A_1321 : i32 to vector<16xi32>
      %lt3A_1549 = arith.cmpi slt, %add3A_1541, %lt3A_1548 : vector<16xi32>
      %and3A_1550 = arith.andi %ge3A_1547, %lt3A_1549 : vector<16xi1>
      %jit3A_1551 = arith.constant 0xFF800000 : f32
      %broadcast_in_dim3A_1552 = vector.broadcast %jit3A_1551 : f32 to vector<16xf32>
      %select_n3A_1553 = arith.select %and3A_1550, %get3A_1546, %broadcast_in_dim3A_1552 : vector<16xi1>, vector<16xf32>
      %max3A_1554 = arith.maximumf %while3A_1536, %select_n3A_1553 : vector<16xf32>
      scf.yield %max3A_1554 : vector<16xf32>
    }
    %swap3A_1465 = arith.constant 112 : index
    %swap3A_1466 = tpu.vector_load %arg11[%swap3A_1465] {strides = array<i32>} : memref<128xf32, #tpu.memory_space<vmem>>, vector<16xf32>,
    %swap3A_1467 = vector.shape_cast %swap3A_1466 : vector<16xf32> to vector<16xf32>
    %swap3A_1468 = vector.shape_cast %while3A_1464 : vector<16xf32> to vector<16xf32>
    tpu.vector_store %arg11[%swap3A_1465], %swap3A_1468 {strides = array<i32>} : memref<128xf32, #tpu.memory_space<vmem>>, vector<16xf32>,
    %mul3A_1469 = arith.constant 16 : i32
    %mul3A_1470 = arith.muli %arg1, %mul3A_1469 : i32
    %add3A_1471 = arith.constant 1792 : i32
    %add3A_1472 = arith.addi %add3A_1471, %mul3A_1470 : i32
    %dma_start3A_1473 = arith.constant 112 : i32
    %dma_start3A_1474 = tpu.memref_slice %arg11[%dma_start3A_1473] : memref<128xf32, #tpu.memory_space<vmem>> -> memref<16xf32, #tpu.memory_space<vmem>>
    %dma_start3A_1475 = tpu.memref_slice %arg15[%add3A_1472] : memref<2048xf32, #tpu.memory_space<vmem_shared>> -> memref<16xf32, #tpu.memory_space<vmem_shared>>
    %dma_start3A_1476 = tpu.memref_slice %arg15[%add3A_1472] : memref<2048xf32, #tpu.memory_space<vmem_shared>> -> memref<16xf32, #tpu.memory_space<vmem_shared>>
    %dma_start3A_1477 = arith.constant 112 : i32
    %dma_start3A_1478 = tpu.memref_slice %arg11[%dma_start3A_1477] : memref<128xf32, #tpu.memory_space<vmem>> -> memref<16xf32, #tpu.memory_space<vmem>>
    tpu.enqueue_dma source(%dma_start3A_1478 : memref<16xf32, #tpu.memory_space<vmem>>) target(%dma_start3A_1476 : memref<16xf32, #tpu.memory_space<vmem_shared>>) target_semaphore(%arg21 : memref<!tpu.dma_semaphore, #tpu.memory_space<semaphore_mem>>)
    %dma_wait3A_1479 = arith.constant 0 : i32
    %dma_wait3A_1480 = tpu.memref_slice %arg11[%dma_wait3A_1479] : memref<128xf32, #tpu.memory_space<vmem>> -> memref<16xf32, #tpu.memory_space<vmem>>
    %dma_wait3A_1481 = tpu.memref_slice %arg15[%add3A_296] : memref<2048xf32, #tpu.memory_space<vmem_shared>> -> memref<16xf32, #tpu.memory_space<vmem_shared>>
    %dma_wait3A_1482 = tpu.memref_slice %arg15[%add3A_296] : memref<2048xf32, #tpu.memory_space<vmem_shared>> -> memref<16xf32, #tpu.memory_space<vmem_shared>>
    %dma_wait3A_1483 = arith.constant 0 : i32
    %dma_wait3A_1484 = tpu.memref_slice %arg11[%dma_wait3A_1483] : memref<128xf32, #tpu.memory_space<vmem>> -> memref<16xf32, #tpu.memory_space<vmem>>
    tpu.wait_dma2 semaphore(%arg21 : memref<!tpu.dma_semaphore, #tpu.memory_space<semaphore_mem>>) src(%dma_wait3A_1484 : memref<16xf32, #tpu.memory_space<vmem>>) dst(%dma_wait3A_1482 : memref<16xf32, #tpu.memory_space<vmem_shared>>)
    %dma_wait3A_1485 = arith.constant 16 : i32
    %dma_wait3A_1486 = tpu.memref_slice %arg11[%dma_wait3A_1485] : memref<128xf32, #tpu.memory_space<vmem>> -> memref<16xf32, #tpu.memory_space<vmem>>
    %dma_wait3A_1487 = tpu.memref_slice %arg15[%add3A_464] : memref<2048xf32, #tpu.memory_space<vmem_shared>> -> memref<16xf32, #tpu.memory_space<vmem_shared>>
    %dma_wait3A_1488 = tpu.memref_slice %arg15[%add3A_464] : memref<2048xf32, #tpu.memory_space<vmem_shared>> -> memref<16xf32, #tpu.memory_space<vmem_shared>>
    %dma_wait3A_1489 = arith.constant 16 : i32
    %dma_wait3A_1490 = tpu.memref_slice %arg11[%dma_wait3A_1489] : memref<128xf32, #tpu.memory_space<vmem>> -> memref<16xf32, #tpu.memory_space<vmem>>
    tpu.wait_dma2 semaphore(%arg21 : memref<!tpu.dma_semaphore, #tpu.memory_space<semaphore_mem>>) src(%dma_wait3A_1490 : memref<16xf32, #tpu.memory_space<vmem>>) dst(%dma_wait3A_1488 : memref<16xf32, #tpu.memory_space<vmem_shared>>)
    %dma_wait3A_1491 = arith.constant 32 : i32
    %dma_wait3A_1492 = tpu.memref_slice %arg11[%dma_wait3A_1491] : memref<128xf32, #tpu.memory_space<vmem>> -> memref<16xf32, #tpu.memory_space<vmem>>
    %dma_wait3A_1493 = tpu.memref_slice %arg15[%add3A_632] : memref<2048xf32, #tpu.memory_space<vmem_shared>> -> memref<16xf32, #tpu.memory_space<vmem_shared>>
    %dma_wait3A_1494 = tpu.memref_slice %arg15[%add3A_632] : memref<2048xf32, #tpu.memory_space<vmem_shared>> -> memref<16xf32, #tpu.memory_space<vmem_shared>>
    %dma_wait3A_1495 = arith.constant 32 : i32
    %dma_wait3A_1496 = tpu.memref_slice %arg11[%dma_wait3A_1495] : memref<128xf32, #tpu.memory_space<vmem>> -> memref<16xf32, #tpu.memory_space<vmem>>
    tpu.wait_dma2 semaphore(%arg21 : memref<!tpu.dma_semaphore, #tpu.memory_space<semaphore_mem>>) src(%dma_wait3A_1496 : memref<16xf32, #tpu.memory_space<vmem>>) dst(%dma_wait3A_1494 : memref<16xf32, #tpu.memory_space<vmem_shared>>)
    %dma_wait3A_1497 = arith.constant 48 : i32
    %dma_wait3A_1498 = tpu.memref_slice %arg11[%dma_wait3A_1497] : memref<128xf32, #tpu.memory_space<vmem>> -> memref<16xf32, #tpu.memory_space<vmem>>
    %dma_wait3A_1499 = tpu.memref_slice %arg15[%add3A_800] : memref<2048xf32, #tpu.memory_space<vmem_shared>> -> memref<16xf32, #tpu.memory_space<vmem_shared>>
    %dma_wait3A_1500 = tpu.memref_slice %arg15[%add3A_800] : memref<2048xf32, #tpu.memory_space<vmem_shared>> -> memref<16xf32, #tpu.memory_space<vmem_shared>>
    %dma_wait3A_1501 = arith.constant 48 : i32
    %dma_wait3A_1502 = tpu.memref_slice %arg11[%dma_wait3A_1501] : memref<128xf32, #tpu.memory_space<vmem>> -> memref<16xf32, #tpu.memory_space<vmem>>
    tpu.wait_dma2 semaphore(%arg21 : memref<!tpu.dma_semaphore, #tpu.memory_space<semaphore_mem>>) src(%dma_wait3A_1502 : memref<16xf32, #tpu.memory_space<vmem>>) dst(%dma_wait3A_1500 : memref<16xf32, #tpu.memory_space<vmem_shared>>)
    %dma_wait3A_1503 = arith.constant 64 : i32
    %dma_wait3A_1504 = tpu.memref_slice %arg11[%dma_wait3A_1503] : memref<128xf32, #tpu.memory_space<vmem>> -> memref<16xf32, #tpu.memory_space<vmem>>
    %dma_wait3A_1505 = tpu.memref_slice %arg15[%add3A_968] : memref<2048xf32, #tpu.memory_space<vmem_shared>> -> memref<16xf32, #tpu.memory_space<vmem_shared>>
    %dma_wait3A_1506 = tpu.memref_slice %arg15[%add3A_968] : memref<2048xf32, #tpu.memory_space<vmem_shared>> -> memref<16xf32, #tpu.memory_space<vmem_shared>>
    %dma_wait3A_1507 = arith.constant 64 : i32
    %dma_wait3A_1508 = tpu.memref_slice %arg11[%dma_wait3A_1507] : memref<128xf32, #tpu.memory_space<vmem>> -> memref<16xf32, #tpu.memory_space<vmem>>
    tpu.wait_dma2 semaphore(%arg21 : memref<!tpu.dma_semaphore, #tpu.memory_space<semaphore_mem>>) src(%dma_wait3A_1508 : memref<16xf32, #tpu.memory_space<vmem>>) dst(%dma_wait3A_1506 : memref<16xf32, #tpu.memory_space<vmem_shared>>)
    %dma_wait3A_1509 = arith.constant 80 : i32
    %dma_wait3A_1510 = tpu.memref_slice %arg11[%dma_wait3A_1509] : memref<128xf32, #tpu.memory_space<vmem>> -> memref<16xf32, #tpu.memory_space<vmem>>
    %dma_wait3A_1511 = tpu.memref_slice %arg15[%add3A_1136] : memref<2048xf32, #tpu.memory_space<vmem_shared>> -> memref<16xf32, #tpu.memory_space<vmem_shared>>
    %dma_wait3A_1512 = tpu.memref_slice %arg15[%add3A_1136] : memref<2048xf32, #tpu.memory_space<vmem_shared>> -> memref<16xf32, #tpu.memory_space<vmem_shared>>
    %dma_wait3A_1513 = arith.constant 80 : i32
    %dma_wait3A_1514 = tpu.memref_slice %arg11[%dma_wait3A_1513] : memref<128xf32, #tpu.memory_space<vmem>> -> memref<16xf32, #tpu.memory_space<vmem>>
    tpu.wait_dma2 semaphore(%arg21 : memref<!tpu.dma_semaphore, #tpu.memory_space<semaphore_mem>>) src(%dma_wait3A_1514 : memref<16xf32, #tpu.memory_space<vmem>>) dst(%dma_wait3A_1512 : memref<16xf32, #tpu.memory_space<vmem_shared>>)
    %dma_wait3A_1515 = arith.constant 96 : i32
    %dma_wait3A_1516 = tpu.memref_slice %arg11[%dma_wait3A_1515] : memref<128xf32, #tpu.memory_space<vmem>> -> memref<16xf32, #tpu.memory_space<vmem>>
    %dma_wait3A_1517 = tpu.memref_slice %arg15[%add3A_1304] : memref<2048xf32, #tpu.memory_space<vmem_shared>> -> memref<16xf32, #tpu.memory_space<vmem_shared>>
    %dma_wait3A_1518 = tpu.memref_slice %arg15[%add3A_1304] : memref<2048xf32, #tpu.memory_space<vmem_shared>> -> memref<16xf32, #tpu.memory_space<vmem_shared>>
    %dma_wait3A_1519 = arith.constant 96 : i32
    %dma_wait3A_1520 = tpu.memref_slice %arg11[%dma_wait3A_1519] : memref<128xf32, #tpu.memory_space<vmem>> -> memref<16xf32, #tpu.memory_space<vmem>>
    tpu.wait_dma2 semaphore(%arg21 : memref<!tpu.dma_semaphore, #tpu.memory_space<semaphore_mem>>) src(%dma_wait3A_1520 : memref<16xf32, #tpu.memory_space<vmem>>) dst(%dma_wait3A_1518 : memref<16xf32, #tpu.memory_space<vmem_shared>>)
    %dma_wait3A_1521 = arith.constant 112 : i32
    %dma_wait3A_1522 = tpu.memref_slice %arg11[%dma_wait3A_1521] : memref<128xf32, #tpu.memory_space<vmem>> -> memref<16xf32, #tpu.memory_space<vmem>>
    %dma_wait3A_1523 = tpu.memref_slice %arg15[%add3A_1472] : memref<2048xf32, #tpu.memory_space<vmem_shared>> -> memref<16xf32, #tpu.memory_space<vmem_shared>>
    %dma_wait3A_1524 = tpu.memref_slice %arg15[%add3A_1472] : memref<2048xf32, #tpu.memory_space<vmem_shared>> -> memref<16xf32, #tpu.memory_space<vmem_shared>>
    %dma_wait3A_1525 = arith.constant 112 : i32
    %dma_wait3A_1526 = tpu.memref_slice %arg11[%dma_wait3A_1525] : memref<128xf32, #tpu.memory_space<vmem>> -> memref<16xf32, #tpu.memory_space<vmem>>
    tpu.wait_dma2 semaphore(%arg21 : memref<!tpu.dma_semaphore, #tpu.memory_space<semaphore_mem>>) src(%dma_wait3A_1526 : memref<16xf32, #tpu.memory_space<vmem>>) dst(%dma_wait3A_1524 : memref<16xf32, #tpu.memory_space<vmem_shared>>)
    %barrier3A = arith.constant 0 : index
    tpu.barrier barrier_id(%barrier3A)
    %lt3A = arith.constant 8 : i32
    %lt3A_1527 = arith.cmpi slt, %arg1, %lt3A : i32
    %convert_element_type3A = arith.extui %lt3A_1527 : i1 to i32
    %cond3A = arith.constant 0 : i32
    %cond3A_1528 = arith.cmpi ne, %convert_element_type3A, %cond3A : i32
    scf.if %cond3A_1528 {
      %mul3A_1535 = arith.constant 16 : i32
      %mul3A_1536 = arith.muli %arg1, %mul3A_1535 : i32
      %mul3A_1537 = arith.constant 16 : i32
      %mul3A_1538 = arith.muli %mul3A_1536, %mul3A_1537 : i32
      "tpu.region"() ({
        %run_scoped3A = tpu.sem_alloc : memref<!tpu.dma_semaphore, #tpu.memory_space<semaphore_mem>>
        %dma_start3A_1667 = tpu.memref_slice %arg15[%mul3A_1538] : memref<2048xf32, #tpu.memory_space<vmem_shared>> -> memref<256xf32, #tpu.memory_space<vmem_shared>>
        %dma_start3A_1668 = tpu.memref_slice %arg15[%mul3A_1538] : memref<2048xf32, #tpu.memory_space<vmem_shared>> -> memref<256xf32, #tpu.memory_space<vmem_shared>>
        tpu.enqueue_dma source(%dma_start3A_1668 : memref<256xf32, #tpu.memory_space<vmem_shared>>) target(%arg12 : memref<256xf32, #tpu.memory_space<vmem>>) target_semaphore(%run_scoped3A : memref<!tpu.dma_semaphore, #tpu.memory_space<semaphore_mem>>)
        %dma_wait3A_1669 = tpu.memref_slice %arg15[%mul3A_1538] : memref<2048xf32, #tpu.memory_space<vmem_shared>> -> memref<256xf32, #tpu.memory_space<vmem_shared>>
        %dma_wait3A_1670 = tpu.memref_slice %arg15[%mul3A_1538] : memref<2048xf32, #tpu.memory_space<vmem_shared>> -> memref<256xf32, #tpu.memory_space<vmem_shared>>
        tpu.wait_dma2 semaphore(%run_scoped3A : memref<!tpu.dma_semaphore, #tpu.memory_space<semaphore_mem>>) src(%dma_wait3A_1670 : memref<256xf32, #tpu.memory_space<vmem_shared>>) dst(%arg12 : memref<256xf32, #tpu.memory_space<vmem>>)
        tpu.yield
      }) : () -> ()
      %get3A_1539 = arith.constant 0 : index
      %get3A_1540 = tpu.vector_load %arg12[%get3A_1539] {strides = array<i32>} : memref<256xf32, #tpu.memory_space<vmem>>, vector<16xf32>,
      %get3A_1541 = vector.shape_cast %get3A_1540 : vector<16xf32> to vector<16xf32>
      %get3A_1542 = arith.constant 16 : index
      %get3A_1543 = tpu.vector_load %arg12[%get3A_1542] {strides = array<i32>} : memref<256xf32, #tpu.memory_space<vmem>>, vector<16xf32>,
      %get3A_1544 = vector.shape_cast %get3A_1543 : vector<16xf32> to vector<16xf32>
      %max3A_1545 = arith.maximumf %get3A_1541, %get3A_1544 : vector<16xf32>
      %get3A_1546 = arith.constant 32 : index
      %get3A_1547 = tpu.vector_load %arg12[%get3A_1546] {strides = array<i32>} : memref<256xf32, #tpu.memory_space<vmem>>, vector<16xf32>,
      %get3A_1548 = vector.shape_cast %get3A_1547 : vector<16xf32> to vector<16xf32>
      %max3A_1549 = arith.maximumf %max3A_1545, %get3A_1548 : vector<16xf32>
      %get3A_1550 = arith.constant 48 : index
      %get3A_1551 = tpu.vector_load %arg12[%get3A_1550] {strides = array<i32>} : memref<256xf32, #tpu.memory_space<vmem>>, vector<16xf32>,
      %get3A_1552 = vector.shape_cast %get3A_1551 : vector<16xf32> to vector<16xf32>
      %max3A_1553 = arith.maximumf %max3A_1549, %get3A_1552 : vector<16xf32>
      %get3A_1554 = arith.constant 64 : index
      %get3A_1555 = tpu.vector_load %arg12[%get3A_1554] {strides = array<i32>} : memref<256xf32, #tpu.memory_space<vmem>>, vector<16xf32>,
      %get3A_1556 = vector.shape_cast %get3A_1555 : vector<16xf32> to vector<16xf32>
      %max3A_1557 = arith.maximumf %max3A_1553, %get3A_1556 : vector<16xf32>
      %get3A_1558 = arith.constant 80 : index
      %get3A_1559 = tpu.vector_load %arg12[%get3A_1558] {strides = array<i32>} : memref<256xf32, #tpu.memory_space<vmem>>, vector<16xf32>,
      %get3A_1560 = vector.shape_cast %get3A_1559 : vector<16xf32> to vector<16xf32>
      %max3A_1561 = arith.maximumf %max3A_1557, %get3A_1560 : vector<16xf32>
      %get3A_1562 = arith.constant 96 : index
      %get3A_1563 = tpu.vector_load %arg12[%get3A_1562] {strides = array<i32>} : memref<256xf32, #tpu.memory_space<vmem>>, vector<16xf32>,
      %get3A_1564 = vector.shape_cast %get3A_1563 : vector<16xf32> to vector<16xf32>
      %max3A_1565 = arith.maximumf %max3A_1561, %get3A_1564 : vector<16xf32>
      %get3A_1566 = arith.constant 112 : index
      %get3A_1567 = tpu.vector_load %arg12[%get3A_1566] {strides = array<i32>} : memref<256xf32, #tpu.memory_space<vmem>>, vector<16xf32>,
      %get3A_1568 = vector.shape_cast %get3A_1567 : vector<16xf32> to vector<16xf32>
      %max3A_1569 = arith.maximumf %max3A_1565, %get3A_1568 : vector<16xf32>
      %get3A_1570 = arith.constant 128 : index
      %get3A_1571 = tpu.vector_load %arg12[%get3A_1570] {strides = array<i32>} : memref<256xf32, #tpu.memory_space<vmem>>, vector<16xf32>,
      %get3A_1572 = vector.shape_cast %get3A_1571 : vector<16xf32> to vector<16xf32>
      %max3A_1573 = arith.maximumf %max3A_1569, %get3A_1572 : vector<16xf32>
      %get3A_1574 = arith.constant 144 : index
      %get3A_1575 = tpu.vector_load %arg12[%get3A_1574] {strides = array<i32>} : memref<256xf32, #tpu.memory_space<vmem>>, vector<16xf32>,
      %get3A_1576 = vector.shape_cast %get3A_1575 : vector<16xf32> to vector<16xf32>
      %max3A_1577 = arith.maximumf %max3A_1573, %get3A_1576 : vector<16xf32>
      %get3A_1578 = arith.constant 160 : index
      %get3A_1579 = tpu.vector_load %arg12[%get3A_1578] {strides = array<i32>} : memref<256xf32, #tpu.memory_space<vmem>>, vector<16xf32>,
      %get3A_1580 = vector.shape_cast %get3A_1579 : vector<16xf32> to vector<16xf32>
      %max3A_1581 = arith.maximumf %max3A_1577, %get3A_1580 : vector<16xf32>
      %get3A_1582 = arith.constant 176 : index
      %get3A_1583 = tpu.vector_load %arg12[%get3A_1582] {strides = array<i32>} : memref<256xf32, #tpu.memory_space<vmem>>, vector<16xf32>,
      %get3A_1584 = vector.shape_cast %get3A_1583 : vector<16xf32> to vector<16xf32>
      %max3A_1585 = arith.maximumf %max3A_1581, %get3A_1584 : vector<16xf32>
      %get3A_1586 = arith.constant 192 : index
      %get3A_1587 = tpu.vector_load %arg12[%get3A_1586] {strides = array<i32>} : memref<256xf32, #tpu.memory_space<vmem>>, vector<16xf32>,
      %get3A_1588 = vector.shape_cast %get3A_1587 : vector<16xf32> to vector<16xf32>
      %max3A_1589 = arith.maximumf %max3A_1585, %get3A_1588 : vector<16xf32>
      %get3A_1590 = arith.constant 208 : index
      %get3A_1591 = tpu.vector_load %arg12[%get3A_1590] {strides = array<i32>} : memref<256xf32, #tpu.memory_space<vmem>>, vector<16xf32>,
      %get3A_1592 = vector.shape_cast %get3A_1591 : vector<16xf32> to vector<16xf32>
      %max3A_1593 = arith.maximumf %max3A_1589, %get3A_1592 : vector<16xf32>
      %get3A_1594 = arith.constant 224 : index
      %get3A_1595 = tpu.vector_load %arg12[%get3A_1594] {strides = array<i32>} : memref<256xf32, #tpu.memory_space<vmem>>, vector<16xf32>,
      %get3A_1596 = vector.shape_cast %get3A_1595 : vector<16xf32> to vector<16xf32>
      %max3A_1597 = arith.maximumf %max3A_1593, %get3A_1596 : vector<16xf32>
      %get3A_1598 = arith.constant 240 : index
      %get3A_1599 = tpu.vector_load %arg12[%get3A_1598] {strides = array<i32>} : memref<256xf32, #tpu.memory_space<vmem>>, vector<16xf32>,
      %get3A_1600 = vector.shape_cast %get3A_1599 : vector<16xf32> to vector<16xf32>
      %max3A_1601 = arith.maximumf %max3A_1597, %get3A_1600 : vector<16xf32>
      %swap3A_1602 = arith.constant 16 : index
      %swap3A_1603 = tpu.vector_load %arg13[%swap3A_1602] {strides = array<i32>} : memref<32xf32, #tpu.memory_space<vmem>>, vector<16xf32>,
      %swap3A_1604 = vector.shape_cast %swap3A_1603 : vector<16xf32> to vector<16xf32>
      %swap3A_1605 = vector.shape_cast %broadcast_in_dim3A_0 : vector<16xf32> to vector<16xf32>
      tpu.vector_store %arg13[%swap3A_1602], %swap3A_1605 {strides = array<i32>} : memref<32xf32, #tpu.memory_space<vmem>>, vector<16xf32>,
      %swap3A_1606 = arith.constant 0 : index
      %swap3A_1607 = tpu.vector_load %arg13[%swap3A_1606] {strides = array<i32>} : memref<32xf32, #tpu.memory_space<vmem>>, vector<16xf32>,
      %swap3A_1608 = vector.shape_cast %swap3A_1607 : vector<16xf32> to vector<16xf32>
      %swap3A_1609 = vector.shape_cast %max3A_1601 : vector<16xf32> to vector<16xf32>
      tpu.vector_store %arg13[%swap3A_1606], %swap3A_1609 {strides = array<i32>} : memref<32xf32, #tpu.memory_space<vmem>>, vector<16xf32>,
      %get3A_1610 = arith.constant 8 : index
      %get3A_1611 = tpu.vector_load %arg13[%get3A_1610] {strides = array<i32>} : memref<32xf32, #tpu.memory_space<vmem>>, vector<16xf32>,
      %get3A_1612 = vector.shape_cast %get3A_1611 : vector<16xf32> to vector<16xf32>
      %max3A_1613 = arith.maximumf %max3A_1601, %get3A_1612 : vector<16xf32>
      %swap3A_1614 = arith.constant 0 : index
      %swap3A_1615 = tpu.vector_load %arg13[%swap3A_1614] {strides = array<i32>} : memref<32xf32, #tpu.memory_space<vmem>>, vector<16xf32>,
      %swap3A_1616 = vector.shape_cast %swap3A_1615 : vector<16xf32> to vector<16xf32>
      %swap3A_1617 = vector.shape_cast %max3A_1613 : vector<16xf32> to vector<16xf32>
      tpu.vector_store %arg13[%swap3A_1614], %swap3A_1617 {strides = array<i32>} : memref<32xf32, #tpu.memory_space<vmem>>, vector<16xf32>,
      %get3A_1618 = arith.constant 4 : index
      %get3A_1619 = tpu.vector_load %arg13[%get3A_1618] {strides = array<i32>} : memref<32xf32, #tpu.memory_space<vmem>>, vector<16xf32>,
      %get3A_1620 = vector.shape_cast %get3A_1619 : vector<16xf32> to vector<16xf32>
      %max3A_1621 = arith.maximumf %max3A_1613, %get3A_1620 : vector<16xf32>
      %swap3A_1622 = arith.constant 0 : index
      %swap3A_1623 = tpu.vector_load %arg13[%swap3A_1622] {strides = array<i32>} : memref<32xf32, #tpu.memory_space<vmem>>, vector<16xf32>,
      %swap3A_1624 = vector.shape_cast %swap3A_1623 : vector<16xf32> to vector<16xf32>
      %swap3A_1625 = vector.shape_cast %max3A_1621 : vector<16xf32> to vector<16xf32>
      tpu.vector_store %arg13[%swap3A_1622], %swap3A_1625 {strides = array<i32>} : memref<32xf32, #tpu.memory_space<vmem>>, vector<16xf32>,
      %get3A_1626 = arith.constant 2 : index
      %get3A_1627 = tpu.vector_load %arg13[%get3A_1626] {strides = array<i32>} : memref<32xf32, #tpu.memory_space<vmem>>, vector<16xf32>,
      %get3A_1628 = vector.shape_cast %get3A_1627 : vector<16xf32> to vector<16xf32>
      %max3A_1629 = arith.maximumf %max3A_1621, %get3A_1628 : vector<16xf32>
      %swap3A_1630 = arith.constant 0 : index
      %swap3A_1631 = tpu.vector_load %arg13[%swap3A_1630] {strides = array<i32>} : memref<32xf32, #tpu.memory_space<vmem>>, vector<16xf32>,
      %swap3A_1632 = vector.shape_cast %swap3A_1631 : vector<16xf32> to vector<16xf32>
      %swap3A_1633 = vector.shape_cast %max3A_1629 : vector<16xf32> to vector<16xf32>
      tpu.vector_store %arg13[%swap3A_1630], %swap3A_1633 {strides = array<i32>} : memref<32xf32, #tpu.memory_space<vmem>>, vector<16xf32>,
      %get3A_1634 = arith.constant 1 : index
      %get3A_1635 = tpu.vector_load %arg13[%get3A_1634] {strides = array<i32>} : memref<32xf32, #tpu.memory_space<vmem>>, vector<16xf32>,
      %get3A_1636 = vector.shape_cast %get3A_1635 : vector<16xf32> to vector<16xf32>
      %max3A_1637 = arith.maximumf %max3A_1629, %get3A_1636 : vector<16xf32>
      %eq3A_1638 = arith.constant 0 : i32
      %eq3A_1639 = vector.broadcast %eq3A_1638 : i32 to vector<16xi32>
      %eq3A_1640 = arith.cmpi eq, %iota3A, %eq3A_1639 : vector<16xi32>
      %jit3A_1641 = arith.constant 0xFF800000 : f32
      %broadcast_in_dim3A_1642 = vector.broadcast %jit3A_1641 : f32 to vector<16xf32>
      %select_n3A_1643 = arith.select %eq3A_1640, %max3A_1637, %broadcast_in_dim3A_1642 : vector<16xi1>, vector<16xf32>
      %swap3A_1644 = arith.constant 0 : index
      %swap3A_1645 = tpu.vector_load %arg14[%swap3A_1644] {strides = array<i32>} : memref<48xf32, #tpu.memory_space<vmem>>, vector<16xf32>,
      %swap3A_1646 = vector.shape_cast %swap3A_1645 : vector<16xf32> to vector<16xf32>
      %swap3A_1647 = vector.shape_cast %broadcast_in_dim3A_0 : vector<16xf32> to vector<16xf32>
      tpu.vector_store %arg14[%swap3A_1644], %swap3A_1647 {strides = array<i32>} : memref<48xf32, #tpu.memory_space<vmem>>, vector<16xf32>,
      %swap3A_1648 = arith.constant 32 : index
      %swap3A_1649 = tpu.vector_load %arg14[%swap3A_1648] {strides = array<i32>} : memref<48xf32, #tpu.memory_space<vmem>>, vector<16xf32>,
      %swap3A_1650 = vector.shape_cast %swap3A_1649 : vector<16xf32> to vector<16xf32>
      %swap3A_1651 = vector.shape_cast %broadcast_in_dim3A_0 : vector<16xf32> to vector<16xf32>
      tpu.vector_store %arg14[%swap3A_1648], %swap3A_1651 {strides = array<i32>} : memref<48xf32, #tpu.memory_space<vmem>>, vector<16xf32>,
      %swap3A_1652 = arith.constant 16 : index
      %swap3A_1653 = tpu.vector_load %arg14[%swap3A_1652] {strides = array<i32>} : memref<48xf32, #tpu.memory_space<vmem>>, vector<16xf32>,
      %swap3A_1654 = vector.shape_cast %swap3A_1653 : vector<16xf32> to vector<16xf32>
      %swap3A_1655 = vector.shape_cast %select_n3A_1643 : vector<16xf32> to vector<16xf32>
      tpu.vector_store %arg14[%swap3A_1652], %swap3A_1655 {strides = array<i32>} : memref<48xf32, #tpu.memory_space<vmem>>, vector<16xf32>,
      %sub3A_1656 = arith.constant 16 : i32
      %sub3A_1657 = arith.subi %sub3A_1656, %arg1 : i32
      %get3A_1658 = arith.index_cast %sub3A_1657 : i32 to index
      %get3A_1659 = tpu.vector_load %arg14[%get3A_1658] {strides = array<i32>} : memref<48xf32, #tpu.memory_space<vmem>>, vector<16xf32>,
      %get3A_1660 = vector.shape_cast %get3A_1659 : vector<16xf32> to vector<16xf32>
      %swap3A_1661 = arith.constant 0 : index
      %swap3A_1662 = tpu.vector_load %arg10[%swap3A_1661] {strides = array<i32>} : memref<16xf32, #tpu.memory_space<vmem>>, vector<16xf32>,
      %swap3A_1663 = vector.shape_cast %swap3A_1662 : vector<16xf32> to vector<16xf32>
      %swap3A_1664 = vector.shape_cast %get3A_1660 : vector<16xf32> to vector<16xf32>
      tpu.vector_store %arg10[%swap3A_1661], %swap3A_1664 {strides = array<i32>} : memref<16xf32, #tpu.memory_space<vmem>>, vector<16xf32>,
      %mul3A_1665 = arith.constant 16 : i32
      %mul3A_1666 = arith.muli %arg1, %mul3A_1665 : i32
      "tpu.region"() ({
        %run_scoped3A = tpu.sem_alloc : memref<!tpu.dma_semaphore, #tpu.memory_space<semaphore_mem>>
        %dma_start3A_1667 = tpu.memref_slice %arg17[%mul3A_1666] : memref<128xf32, #tpu.memory_space<vmem_shared>> -> memref<16xf32, #tpu.memory_space<vmem_shared>>
        %dma_start3A_1668 = tpu.memref_slice %arg17[%mul3A_1666] : memref<128xf32, #tpu.memory_space<vmem_shared>> -> memref<16xf32, #tpu.memory_space<vmem_shared>>
        tpu.enqueue_dma source(%arg10 : memref<16xf32, #tpu.memory_space<vmem>>) target(%dma_start3A_1668 : memref<16xf32, #tpu.memory_space<vmem_shared>>) target_semaphore(%run_scoped3A : memref<!tpu.dma_semaphore, #tpu.memory_space<semaphore_mem>>)
        %dma_wait3A_1669 = tpu.memref_slice %arg17[%mul3A_1666] : memref<128xf32, #tpu.memory_space<vmem_shared>> -> memref<16xf32, #tpu.memory_space<vmem_shared>>
        %dma_wait3A_1670 = tpu.memref_slice %arg17[%mul3A_1666] : memref<128xf32, #tpu.memory_space<vmem_shared>> -> memref<16xf32, #tpu.memory_space<vmem_shared>>
        tpu.wait_dma2 semaphore(%run_scoped3A : memref<!tpu.dma_semaphore, #tpu.memory_space<semaphore_mem>>) src(%arg10 : memref<16xf32, #tpu.memory_space<vmem>>) dst(%dma_wait3A_1670 : memref<16xf32, #tpu.memory_space<vmem_shared>>)
        tpu.yield
      }) : () -> ()
    } else {
    }
    %barrier3A_1529 = arith.constant 0 : index
    tpu.barrier barrier_id(%barrier3A_1529)
    %eq3A_1530 = arith.constant 0 : i32
    %eq3A_1531 = arith.cmpi eq, %arg1, %eq3A_1530 : i32
    %convert_element_type3A_1532 = arith.extui %eq3A_1531 : i1 to i32
    %cond3A_1533 = arith.constant 0 : i32
    %cond3A_1534 = arith.cmpi ne, %convert_element_type3A_1532, %cond3A_1533 : i32
    scf.if %cond3A_1534 {
      "tpu.region"() ({
        %run_scoped3A = tpu.sem_alloc : memref<!tpu.dma_semaphore, #tpu.memory_space<semaphore_mem>>
        tpu.enqueue_dma source(%arg17 : memref<128xf32, #tpu.memory_space<vmem_shared>>) target(%arg11 : memref<128xf32, #tpu.memory_space<vmem>>) target_semaphore(%run_scoped3A : memref<!tpu.dma_semaphore, #tpu.memory_space<semaphore_mem>>)
        tpu.wait_dma2 semaphore(%run_scoped3A : memref<!tpu.dma_semaphore, #tpu.memory_space<semaphore_mem>>) src(%arg17 : memref<128xf32, #tpu.memory_space<vmem_shared>>) dst(%arg11 : memref<128xf32, #tpu.memory_space<vmem>>)
        tpu.yield
      }) : () -> ()
      %get3A_1535 = arith.constant 0 : index
      %get3A_1536 = tpu.vector_load %arg11[%get3A_1535] {strides = array<i32>} : memref<128xf32, #tpu.memory_space<vmem>>, vector<16xf32>,
      %get3A_1537 = vector.shape_cast %get3A_1536 : vector<16xf32> to vector<16xf32>
      %get3A_1538 = arith.constant 16 : index
      %get3A_1539 = tpu.vector_load %arg11[%get3A_1538] {strides = array<i32>} : memref<128xf32, #tpu.memory_space<vmem>>, vector<16xf32>,
      %get3A_1540 = vector.shape_cast %get3A_1539 : vector<16xf32> to vector<16xf32>
      %max3A_1541 = arith.maximumf %get3A_1537, %get3A_1540 : vector<16xf32>
      %get3A_1542 = arith.constant 32 : index
      %get3A_1543 = tpu.vector_load %arg11[%get3A_1542] {strides = array<i32>} : memref<128xf32, #tpu.memory_space<vmem>>, vector<16xf32>,
      %get3A_1544 = vector.shape_cast %get3A_1543 : vector<16xf32> to vector<16xf32>
      %max3A_1545 = arith.maximumf %max3A_1541, %get3A_1544 : vector<16xf32>
      %get3A_1546 = arith.constant 48 : index
      %get3A_1547 = tpu.vector_load %arg11[%get3A_1546] {strides = array<i32>} : memref<128xf32, #tpu.memory_space<vmem>>, vector<16xf32>,
      %get3A_1548 = vector.shape_cast %get3A_1547 : vector<16xf32> to vector<16xf32>
      %max3A_1549 = arith.maximumf %max3A_1545, %get3A_1548 : vector<16xf32>
      %get3A_1550 = arith.constant 64 : index
      %get3A_1551 = tpu.vector_load %arg11[%get3A_1550] {strides = array<i32>} : memref<128xf32, #tpu.memory_space<vmem>>, vector<16xf32>,
      %get3A_1552 = vector.shape_cast %get3A_1551 : vector<16xf32> to vector<16xf32>
      %max3A_1553 = arith.maximumf %max3A_1549, %get3A_1552 : vector<16xf32>
      %get3A_1554 = arith.constant 80 : index
      %get3A_1555 = tpu.vector_load %arg11[%get3A_1554] {strides = array<i32>} : memref<128xf32, #tpu.memory_space<vmem>>, vector<16xf32>,
      %get3A_1556 = vector.shape_cast %get3A_1555 : vector<16xf32> to vector<16xf32>
      %max3A_1557 = arith.maximumf %max3A_1553, %get3A_1556 : vector<16xf32>
      %get3A_1558 = arith.constant 96 : index
      %get3A_1559 = tpu.vector_load %arg11[%get3A_1558] {strides = array<i32>} : memref<128xf32, #tpu.memory_space<vmem>>, vector<16xf32>,
      %get3A_1560 = vector.shape_cast %get3A_1559 : vector<16xf32> to vector<16xf32>
      %max3A_1561 = arith.maximumf %max3A_1557, %get3A_1560 : vector<16xf32>
      %get3A_1562 = arith.constant 112 : index
      %get3A_1563 = tpu.vector_load %arg11[%get3A_1562] {strides = array<i32>} : memref<128xf32, #tpu.memory_space<vmem>>, vector<16xf32>,
      %get3A_1564 = vector.shape_cast %get3A_1563 : vector<16xf32> to vector<16xf32>
      %max3A_1565 = arith.maximumf %max3A_1561, %get3A_1564 : vector<16xf32>
      "tpu.region"() ({
        %run_scoped3A = tpu.sem_alloc : memref<!tpu.dma_semaphore, #tpu.memory_space<semaphore_mem>>
        tpu.enqueue_dma source(%arg16 : memref<256xf32, #tpu.memory_space<vmem_shared>>) target(%arg12 : memref<256xf32, #tpu.memory_space<vmem>>) target_semaphore(%run_scoped3A : memref<!tpu.dma_semaphore, #tpu.memory_space<semaphore_mem>>)
        tpu.wait_dma2 semaphore(%run_scoped3A : memref<!tpu.dma_semaphore, #tpu.memory_space<semaphore_mem>>) src(%arg16 : memref<256xf32, #tpu.memory_space<vmem_shared>>) dst(%arg12 : memref<256xf32, #tpu.memory_space<vmem>>)
        tpu.yield
      }) : () -> ()
      %get3A_1566 = arith.constant 0 : index
      %get3A_1567 = tpu.vector_load %arg12[%get3A_1566] {strides = array<i32>} : memref<256xf32, #tpu.memory_space<vmem>>, vector<16xf32>,
      %get3A_1568 = vector.shape_cast %get3A_1567 : vector<16xf32> to vector<16xf32>
      %get3A_1569 = arith.constant 16 : index
      %get3A_1570 = tpu.vector_load %arg12[%get3A_1569] {strides = array<i32>} : memref<256xf32, #tpu.memory_space<vmem>>, vector<16xf32>,
      %get3A_1571 = vector.shape_cast %get3A_1570 : vector<16xf32> to vector<16xf32>
      %min3A_1572 = arith.minimumf %get3A_1568, %get3A_1571 : vector<16xf32>
      %get3A_1573 = arith.constant 32 : index
      %get3A_1574 = tpu.vector_load %arg12[%get3A_1573] {strides = array<i32>} : memref<256xf32, #tpu.memory_space<vmem>>, vector<16xf32>,
      %get3A_1575 = vector.shape_cast %get3A_1574 : vector<16xf32> to vector<16xf32>
      %min3A_1576 = arith.minimumf %min3A_1572, %get3A_1575 : vector<16xf32>
      %get3A_1577 = arith.constant 48 : index
      %get3A_1578 = tpu.vector_load %arg12[%get3A_1577] {strides = array<i32>} : memref<256xf32, #tpu.memory_space<vmem>>, vector<16xf32>,
      %get3A_1579 = vector.shape_cast %get3A_1578 : vector<16xf32> to vector<16xf32>
      %min3A_1580 = arith.minimumf %min3A_1576, %get3A_1579 : vector<16xf32>
      %get3A_1581 = arith.constant 64 : index
      %get3A_1582 = tpu.vector_load %arg12[%get3A_1581] {strides = array<i32>} : memref<256xf32, #tpu.memory_space<vmem>>, vector<16xf32>,
      %get3A_1583 = vector.shape_cast %get3A_1582 : vector<16xf32> to vector<16xf32>
      %min3A_1584 = arith.minimumf %min3A_1580, %get3A_1583 : vector<16xf32>
      %get3A_1585 = arith.constant 80 : index
      %get3A_1586 = tpu.vector_load %arg12[%get3A_1585] {strides = array<i32>} : memref<256xf32, #tpu.memory_space<vmem>>, vector<16xf32>,
      %get3A_1587 = vector.shape_cast %get3A_1586 : vector<16xf32> to vector<16xf32>
      %min3A_1588 = arith.minimumf %min3A_1584, %get3A_1587 : vector<16xf32>
      %get3A_1589 = arith.constant 96 : index
      %get3A_1590 = tpu.vector_load %arg12[%get3A_1589] {strides = array<i32>} : memref<256xf32, #tpu.memory_space<vmem>>, vector<16xf32>,
      %get3A_1591 = vector.shape_cast %get3A_1590 : vector<16xf32> to vector<16xf32>
      %min3A_1592 = arith.minimumf %min3A_1588, %get3A_1591 : vector<16xf32>
      %get3A_1593 = arith.constant 112 : index
      %get3A_1594 = tpu.vector_load %arg12[%get3A_1593] {strides = array<i32>} : memref<256xf32, #tpu.memory_space<vmem>>, vector<16xf32>,
      %get3A_1595 = vector.shape_cast %get3A_1594 : vector<16xf32> to vector<16xf32>
      %min3A_1596 = arith.minimumf %min3A_1592, %get3A_1595 : vector<16xf32>
      %get3A_1597 = arith.constant 128 : index
      %get3A_1598 = tpu.vector_load %arg12[%get3A_1597] {strides = array<i32>} : memref<256xf32, #tpu.memory_space<vmem>>, vector<16xf32>,
      %get3A_1599 = vector.shape_cast %get3A_1598 : vector<16xf32> to vector<16xf32>
      %min3A_1600 = arith.minimumf %min3A_1596, %get3A_1599 : vector<16xf32>
      %get3A_1601 = arith.constant 144 : index
      %get3A_1602 = tpu.vector_load %arg12[%get3A_1601] {strides = array<i32>} : memref<256xf32, #tpu.memory_space<vmem>>, vector<16xf32>,
      %get3A_1603 = vector.shape_cast %get3A_1602 : vector<16xf32> to vector<16xf32>
      %min3A_1604 = arith.minimumf %min3A_1600, %get3A_1603 : vector<16xf32>
      %get3A_1605 = arith.constant 160 : index
      %get3A_1606 = tpu.vector_load %arg12[%get3A_1605] {strides = array<i32>} : memref<256xf32, #tpu.memory_space<vmem>>, vector<16xf32>,
      %get3A_1607 = vector.shape_cast %get3A_1606 : vector<16xf32> to vector<16xf32>
      %min3A_1608 = arith.minimumf %min3A_1604, %get3A_1607 : vector<16xf32>
      %get3A_1609 = arith.constant 176 : index
      %get3A_1610 = tpu.vector_load %arg12[%get3A_1609] {strides = array<i32>} : memref<256xf32, #tpu.memory_space<vmem>>, vector<16xf32>,
      %get3A_1611 = vector.shape_cast %get3A_1610 : vector<16xf32> to vector<16xf32>
      %min3A_1612 = arith.minimumf %min3A_1608, %get3A_1611 : vector<16xf32>
      %get3A_1613 = arith.constant 192 : index
      %get3A_1614 = tpu.vector_load %arg12[%get3A_1613] {strides = array<i32>} : memref<256xf32, #tpu.memory_space<vmem>>, vector<16xf32>,
      %get3A_1615 = vector.shape_cast %get3A_1614 : vector<16xf32> to vector<16xf32>
      %min3A_1616 = arith.minimumf %min3A_1612, %get3A_1615 : vector<16xf32>
      %get3A_1617 = arith.constant 208 : index
      %get3A_1618 = tpu.vector_load %arg12[%get3A_1617] {strides = array<i32>} : memref<256xf32, #tpu.memory_space<vmem>>, vector<16xf32>,
      %get3A_1619 = vector.shape_cast %get3A_1618 : vector<16xf32> to vector<16xf32>
      %min3A_1620 = arith.minimumf %min3A_1616, %get3A_1619 : vector<16xf32>
      %get3A_1621 = arith.constant 224 : index
      %get3A_1622 = tpu.vector_load %arg12[%get3A_1621] {strides = array<i32>} : memref<256xf32, #tpu.memory_space<vmem>>, vector<16xf32>,
      %get3A_1623 = vector.shape_cast %get3A_1622 : vector<16xf32> to vector<16xf32>
      %min3A_1624 = arith.minimumf %min3A_1620, %get3A_1623 : vector<16xf32>
      %get3A_1625 = arith.constant 240 : index
      %get3A_1626 = tpu.vector_load %arg12[%get3A_1625] {strides = array<i32>} : memref<256xf32, #tpu.memory_space<vmem>>, vector<16xf32>,
      %get3A_1627 = vector.shape_cast %get3A_1626 : vector<16xf32> to vector<16xf32>
      %min3A_1628 = arith.minimumf %min3A_1624, %get3A_1627 : vector<16xf32>
      %swap3A_1629 = arith.constant 16 : index
      %swap3A_1630 = tpu.vector_load %arg13[%swap3A_1629] {strides = array<i32>} : memref<32xf32, #tpu.memory_space<vmem>>, vector<16xf32>,
      %swap3A_1631 = vector.shape_cast %swap3A_1630 : vector<16xf32> to vector<16xf32>
      %swap3A_1632 = vector.shape_cast %broadcast_in_dim3A_2 : vector<16xf32> to vector<16xf32>
      tpu.vector_store %arg13[%swap3A_1629], %swap3A_1632 {strides = array<i32>} : memref<32xf32, #tpu.memory_space<vmem>>, vector<16xf32>,
      %swap3A_1633 = arith.constant 0 : index
      %swap3A_1634 = tpu.vector_load %arg13[%swap3A_1633] {strides = array<i32>} : memref<32xf32, #tpu.memory_space<vmem>>, vector<16xf32>,
      %swap3A_1635 = vector.shape_cast %swap3A_1634 : vector<16xf32> to vector<16xf32>
      %swap3A_1636 = vector.shape_cast %min3A_1628 : vector<16xf32> to vector<16xf32>
      tpu.vector_store %arg13[%swap3A_1633], %swap3A_1636 {strides = array<i32>} : memref<32xf32, #tpu.memory_space<vmem>>, vector<16xf32>,
      %get3A_1637 = arith.constant 8 : index
      %get3A_1638 = tpu.vector_load %arg13[%get3A_1637] {strides = array<i32>} : memref<32xf32, #tpu.memory_space<vmem>>, vector<16xf32>,
      %get3A_1639 = vector.shape_cast %get3A_1638 : vector<16xf32> to vector<16xf32>
      %min3A_1640 = arith.minimumf %min3A_1628, %get3A_1639 : vector<16xf32>
      %swap3A_1641 = arith.constant 0 : index
      %swap3A_1642 = tpu.vector_load %arg13[%swap3A_1641] {strides = array<i32>} : memref<32xf32, #tpu.memory_space<vmem>>, vector<16xf32>,
      %swap3A_1643 = vector.shape_cast %swap3A_1642 : vector<16xf32> to vector<16xf32>
      %swap3A_1644 = vector.shape_cast %min3A_1640 : vector<16xf32> to vector<16xf32>
      tpu.vector_store %arg13[%swap3A_1641], %swap3A_1644 {strides = array<i32>} : memref<32xf32, #tpu.memory_space<vmem>>, vector<16xf32>,
      %get3A_1645 = arith.constant 4 : index
      %get3A_1646 = tpu.vector_load %arg13[%get3A_1645] {strides = array<i32>} : memref<32xf32, #tpu.memory_space<vmem>>, vector<16xf32>,
      %get3A_1647 = vector.shape_cast %get3A_1646 : vector<16xf32> to vector<16xf32>
      %min3A_1648 = arith.minimumf %min3A_1640, %get3A_1647 : vector<16xf32>
      %swap3A_1649 = arith.constant 0 : index
      %swap3A_1650 = tpu.vector_load %arg13[%swap3A_1649] {strides = array<i32>} : memref<32xf32, #tpu.memory_space<vmem>>, vector<16xf32>,
      %swap3A_1651 = vector.shape_cast %swap3A_1650 : vector<16xf32> to vector<16xf32>
      %swap3A_1652 = vector.shape_cast %min3A_1648 : vector<16xf32> to vector<16xf32>
      tpu.vector_store %arg13[%swap3A_1649], %swap3A_1652 {strides = array<i32>} : memref<32xf32, #tpu.memory_space<vmem>>, vector<16xf32>,
      %get3A_1653 = arith.constant 2 : index
      %get3A_1654 = tpu.vector_load %arg13[%get3A_1653] {strides = array<i32>} : memref<32xf32, #tpu.memory_space<vmem>>, vector<16xf32>,
      %get3A_1655 = vector.shape_cast %get3A_1654 : vector<16xf32> to vector<16xf32>
      %min3A_1656 = arith.minimumf %min3A_1648, %get3A_1655 : vector<16xf32>
      %swap3A_1657 = arith.constant 0 : index
      %swap3A_1658 = tpu.vector_load %arg13[%swap3A_1657] {strides = array<i32>} : memref<32xf32, #tpu.memory_space<vmem>>, vector<16xf32>,
      %swap3A_1659 = vector.shape_cast %swap3A_1658 : vector<16xf32> to vector<16xf32>
      %swap3A_1660 = vector.shape_cast %min3A_1656 : vector<16xf32> to vector<16xf32>
      tpu.vector_store %arg13[%swap3A_1657], %swap3A_1660 {strides = array<i32>} : memref<32xf32, #tpu.memory_space<vmem>>, vector<16xf32>,
      %get3A_1661 = arith.constant 1 : index
      %get3A_1662 = tpu.vector_load %arg13[%get3A_1661] {strides = array<i32>} : memref<32xf32, #tpu.memory_space<vmem>>, vector<16xf32>,
      %get3A_1663 = vector.shape_cast %get3A_1662 : vector<16xf32> to vector<16xf32>
      %min3A_1664 = arith.minimumf %min3A_1656, %get3A_1663 : vector<16xf32>
      %eq3A_1665 = arith.constant 0 : i32
      %eq3A_1666 = vector.broadcast %eq3A_1665 : i32 to vector<16xi32>
      %eq3A_1667 = arith.cmpi eq, %iota3A, %eq3A_1666 : vector<16xi32>
      %jit3A_1668 = arith.constant 0x7F800000 : f32
      %broadcast_in_dim3A_1669 = vector.broadcast %jit3A_1668 : f32 to vector<16xf32>
      %select_n3A_1670 = arith.select %eq3A_1667, %min3A_1664, %broadcast_in_dim3A_1669 : vector<16xi1>, vector<16xf32>
      %swap3A_1671 = arith.constant 0 : index
      %swap3A_1672 = tpu.vector_load %arg14[%swap3A_1671] {strides = array<i32>} : memref<48xf32, #tpu.memory_space<vmem>>, vector<16xf32>,
      %swap3A_1673 = vector.shape_cast %swap3A_1672 : vector<16xf32> to vector<16xf32>
      %swap3A_1674 = vector.shape_cast %broadcast_in_dim3A_2 : vector<16xf32> to vector<16xf32>
      tpu.vector_store %arg14[%swap3A_1671], %swap3A_1674 {strides = array<i32>} : memref<48xf32, #tpu.memory_space<vmem>>, vector<16xf32>,
      %swap3A_1675 = arith.constant 16 : index
      %swap3A_1676 = tpu.vector_load %arg14[%swap3A_1675] {strides = array<i32>} : memref<48xf32, #tpu.memory_space<vmem>>, vector<16xf32>,
      %swap3A_1677 = vector.shape_cast %swap3A_1676 : vector<16xf32> to vector<16xf32>
      %swap3A_1678 = vector.shape_cast %select_n3A_1670 : vector<16xf32> to vector<16xf32>
      tpu.vector_store %arg14[%swap3A_1675], %swap3A_1678 {strides = array<i32>} : memref<48xf32, #tpu.memory_space<vmem>>, vector<16xf32>,
      %get3A_1679 = arith.constant 15 : index
      %get3A_1680 = tpu.vector_load %arg14[%get3A_1679] {strides = array<i32>} : memref<48xf32, #tpu.memory_space<vmem>>, vector<16xf32>,
      %get3A_1681 = vector.shape_cast %get3A_1680 : vector<16xf32> to vector<16xf32>
      %min3A_1682 = arith.minimumf %select_n3A_1670, %get3A_1681 : vector<16xf32>
      %swap3A_1683 = arith.constant 16 : index
      %swap3A_1684 = tpu.vector_load %arg14[%swap3A_1683] {strides = array<i32>} : memref<48xf32, #tpu.memory_space<vmem>>, vector<16xf32>,
      %swap3A_1685 = vector.shape_cast %swap3A_1684 : vector<16xf32> to vector<16xf32>
      %swap3A_1686 = vector.shape_cast %min3A_1682 : vector<16xf32> to vector<16xf32>
      tpu.vector_store %arg14[%swap3A_1683], %swap3A_1686 {strides = array<i32>} : memref<48xf32, #tpu.memory_space<vmem>>, vector<16xf32>,
      %get3A_1687 = arith.constant 14 : index
      %get3A_1688 = tpu.vector_load %arg14[%get3A_1687] {strides = array<i32>} : memref<48xf32, #tpu.memory_space<vmem>>, vector<16xf32>,
      %get3A_1689 = vector.shape_cast %get3A_1688 : vector<16xf32> to vector<16xf32>
      %min3A_1690 = arith.minimumf %min3A_1682, %get3A_1689 : vector<16xf32>
      %swap3A_1691 = arith.constant 16 : index
      %swap3A_1692 = tpu.vector_load %arg14[%swap3A_1691] {strides = array<i32>} : memref<48xf32, #tpu.memory_space<vmem>>, vector<16xf32>,
      %swap3A_1693 = vector.shape_cast %swap3A_1692 : vector<16xf32> to vector<16xf32>
      %swap3A_1694 = vector.shape_cast %min3A_1690 : vector<16xf32> to vector<16xf32>
      tpu.vector_store %arg14[%swap3A_1691], %swap3A_1694 {strides = array<i32>} : memref<48xf32, #tpu.memory_space<vmem>>, vector<16xf32>,
      %get3A_1695 = arith.constant 12 : index
      %get3A_1696 = tpu.vector_load %arg14[%get3A_1695] {strides = array<i32>} : memref<48xf32, #tpu.memory_space<vmem>>, vector<16xf32>,
      %get3A_1697 = vector.shape_cast %get3A_1696 : vector<16xf32> to vector<16xf32>
      %min3A_1698 = arith.minimumf %min3A_1690, %get3A_1697 : vector<16xf32>
      %swap3A_1699 = arith.constant 16 : index
      %swap3A_1700 = tpu.vector_load %arg14[%swap3A_1699] {strides = array<i32>} : memref<48xf32, #tpu.memory_space<vmem>>, vector<16xf32>,
      %swap3A_1701 = vector.shape_cast %swap3A_1700 : vector<16xf32> to vector<16xf32>
      %swap3A_1702 = vector.shape_cast %min3A_1698 : vector<16xf32> to vector<16xf32>
      tpu.vector_store %arg14[%swap3A_1699], %swap3A_1702 {strides = array<i32>} : memref<48xf32, #tpu.memory_space<vmem>>, vector<16xf32>,
      %get3A_1703 = arith.constant 8 : index
      %get3A_1704 = tpu.vector_load %arg14[%get3A_1703] {strides = array<i32>} : memref<48xf32, #tpu.memory_space<vmem>>, vector<16xf32>,
      %get3A_1705 = vector.shape_cast %get3A_1704 : vector<16xf32> to vector<16xf32>
      %min3A_1706 = arith.minimumf %min3A_1698, %get3A_1705 : vector<16xf32>
      %mul3A_1707 = arith.constant 8 : i32
      %mul3A_1708 = arith.muli %mul3A_1707, %arg0 : i32
      %get3A_1709 = arith.index_cast %mul3A_1708 : i32 to index
      %get3A_1710 = tpu.vector_load %arg6[%get3A_1709] {strides = array<i32>} : memref<32xi32, #tpu.memory_space<vmem>>, vector<16xi32>,
      %get3A_1711 = vector.shape_cast %get3A_1710 : vector<16xi32> to vector<16xi32>
      %mul3A_1712 = arith.constant 8 : i32
      %mul3A_1713 = arith.muli %mul3A_1712, %arg0 : i32
      %add3A_1714 = arith.constant 1 : i32
      %add3A_1715 = arith.addi %mul3A_1713, %add3A_1714 : i32
      %get3A_1716 = arith.index_cast %add3A_1715 : i32 to index
      %get3A_1717 = tpu.vector_load %arg6[%get3A_1716] {strides = array<i32>} : memref<32xi32, #tpu.memory_space<vmem>>, vector<16xi32>,
      %get3A_1718 = vector.shape_cast %get3A_1717 : vector<16xi32> to vector<16xi32>
      %sub3A_1719 = arith.subi %get3A_1718, %get3A_1711 : vector<16xi32>
      %eq3A_1720 = arith.constant 0 : i32
      %eq3A_1721 = vector.broadcast %eq3A_1720 : i32 to vector<16xi32>
      %eq3A_1722 = arith.cmpi eq, %sub3A_1719, %eq3A_1721 : vector<16xi32>
      %select_n3A_1723 = arith.select %eq3A_1722, %min3A_1706, %max3A_1565 : vector<16xi1>, vector<16xf32>
      %swap3A_1724 = arith.constant 0 : index
      %swap3A_1725 = tpu.vector_load %arg10[%swap3A_1724] {strides = array<i32>} : memref<16xf32, #tpu.memory_space<vmem>>, vector<16xf32>,
      %swap3A_1726 = vector.shape_cast %swap3A_1725 : vector<16xf32> to vector<16xf32>
      %swap3A_1727 = vector.shape_cast %select_n3A_1723 : vector<16xf32> to vector<16xf32>
      tpu.vector_store %arg10[%swap3A_1724], %swap3A_1727 {strides = array<i32>} : memref<16xf32, #tpu.memory_space<vmem>>, vector<16xf32>,
      %mul3A_1728 = arith.constant 8 : i32
      %mul3A_1729 = arith.muli %mul3A_1728, %arg0 : i32
      "tpu.region"() ({
        %run_scoped3A = tpu.sem_alloc : memref<!tpu.dma_semaphore, #tpu.memory_space<semaphore_mem>>
        %dma_start3A_1730 = arith.constant 0 : i32
        %dma_start3A_1731 = tpu.memref_slice %arg10[%dma_start3A_1730] : memref<16xf32, #tpu.memory_space<vmem>> -> memref<8xf32, #tpu.memory_space<vmem>>
        %dma_start3A_1732 = tpu.memref_slice %arg5[%mul3A_1729] : memref<16xf32, #tpu.memory_space<hbm>> -> memref<8xf32, #tpu.memory_space<hbm>>
        %dma_start3A_1733 = tpu.memref_slice %arg5[%mul3A_1729] : memref<16xf32, #tpu.memory_space<hbm>> -> memref<8xf32, #tpu.memory_space<hbm>>
        %dma_start3A_1734 = arith.constant 0 : i32
        %dma_start3A_1735 = tpu.memref_slice %arg10[%dma_start3A_1734] : memref<16xf32, #tpu.memory_space<vmem>> -> memref<8xf32, #tpu.memory_space<vmem>>
        tpu.enqueue_dma source(%dma_start3A_1735 : memref<8xf32, #tpu.memory_space<vmem>>) target(%dma_start3A_1733 : memref<8xf32, #tpu.memory_space<hbm>>) target_semaphore(%run_scoped3A : memref<!tpu.dma_semaphore, #tpu.memory_space<semaphore_mem>>)
        %dma_wait3A_1736 = arith.constant 0 : i32
        %dma_wait3A_1737 = tpu.memref_slice %arg10[%dma_wait3A_1736] : memref<16xf32, #tpu.memory_space<vmem>> -> memref<8xf32, #tpu.memory_space<vmem>>
        %dma_wait3A_1738 = tpu.memref_slice %arg5[%mul3A_1729] : memref<16xf32, #tpu.memory_space<hbm>> -> memref<8xf32, #tpu.memory_space<hbm>>
        %dma_wait3A_1739 = tpu.memref_slice %arg5[%mul3A_1729] : memref<16xf32, #tpu.memory_space<hbm>> -> memref<8xf32, #tpu.memory_space<hbm>>
        %dma_wait3A_1740 = arith.constant 0 : i32
        %dma_wait3A_1741 = tpu.memref_slice %arg10[%dma_wait3A_1740] : memref<16xf32, #tpu.memory_space<vmem>> -> memref<8xf32, #tpu.memory_space<vmem>>
        tpu.wait_dma2 semaphore(%run_scoped3A : memref<!tpu.dma_semaphore, #tpu.memory_space<semaphore_mem>>) src(%dma_wait3A_1741 : memref<8xf32, #tpu.memory_space<vmem>>) dst(%dma_wait3A_1739 : memref<8xf32, #tpu.memory_space<hbm>>)
        tpu.yield
      }) : () -> ()
    } else {
    }
    return
  }
}

</mosaic_0001>

<sc_bundles>
// kernel: aml_seg_max_sc.3.cloned.1.call-start
scs
__scs_entry_jumppad:
0x0: {  	(pc) =	sbr.rel $0x88, $3  }
0x1: {  	(tag) =	ssettag $0x0;
	lr =	simm.s32 $0x1  }
0x2: {  	[smem:$0x3F9E] =	sst lr;
	_ =	strace $0xD0000000  }
0x3: {  	_ = 	snop  }
0x4: {  	_ = 	snop  }
0x5: {  	_ = 	snop  }
0x6: {  	_ = 	snop  }
0x7: {  	_ = 	snop  }
__scs_overlays_trampoline_lowered:
0x8: {  	[smem:$0x3FAD] =	sst s0  }
0x9: {  	[smem:$0x3FAE] =	sst s1  }
0xa: {  	[smem:$0x3FAF] =	sst s2  }
0xb: {  	[smem:$0x3FB0] =	sst s3  }
0xc: {  	[smem:$0x3FB1] =	sst s4  }
0xd: {  	[smem:$0x3FB2] =	sst s5  }
0xe: {  	[smem:$0x3FB3] =	sst s6  }
0xf: {  	[smem:$0x3FB4] =	sst s7  }
0x10: {  	[smem:$0x3FB5] =	sst s8  }
0x11: {  	[smem:$0x3FB6] =	sst s9;
	s0 =	simm.s32 @!p0 $0x0  }
0x12: {  	s1 =	sld [smem:$0x3F9C];
	s0 =	simm.s32 @p0 $0x1  }
0x13: {  	[smem:$0x3FB7] =	sst s0;
	s0 =	simm.s32 @!p1 $0x0  }
0x14: {  	s2 =	sld [smem:$0x3F9B];
	s0 =	simm.s32 @p1 $0x1  }
0x15: {  	[smem:$0x3FB8] =	sst s0;
	s0 =	simm.s32 @!p2 $0x0  }
0x16: {  	s3 =	sld [smem:$0x3FDB];
	s0 =	simm.s32 @p2 $0x1  }
0x17: {  	s4 =	simm.s32 $0x1BF5;
	[smem:$0x3FBA] =	sst s0  }
0x18: {  	s0 =	sld [smem:$0x3F9D];
	_ =	swait.ge [sflag:s4], $0x0  }
0x19: {  	s7 =	sld [smem:$0x3F9E]  }
0x1a: {  	s8 =	sadd.s32 $0xFFFFE003, lr  }
0x1b: {  	s9 =	sadd.s32 $0xFFFFFEF7, lr;
	s5 =	simm.s32 $0xFFFFFFFF;
	p2 =	slt.u32 s8, $0xFFFFF086  }
0x1c: {  	p1 =	slt.u32 s9, $0xF7A;
	s5 =	simm.s32 @!p2 $0x0  }
0x1d: {  	s5 =	simm.s32 @p1 $0x1;
	p0 =	seq.s32 s7, s2  }
0x1e: {  	s7 =	smul.u32 @!p0 $0xF7A, s2;
	p2 =	seq.s32 @!p0 s5, $0x0  }
0x1f: {  	s9 =	smul.u32 $0xF7A, s1;
	s8 =	simm.s32 @!p0 $0x1BF5;
	p2 =	por !p2, p0  }
0x20: {  	[sflag:s8] =	ssyncset.s32 @!p0 $0xFFFFF086;
	s6 =	sadd.s32 @!p0 s3, s7;
	s7 =	simm.s32 @!p0 $0x108  }
0x21: {  	s3 =	sadd.s32 s3, s9;
	s6 =	sadd.s32 @!p0 $0x88, s6;
	s7 =	simm.s32 @p2 $0x1082  }
0x22: {  	[simem:s7], [sflag:s8] =	dma.local @!p0 [hbm:s6], $0xF7A  }
0x23: {  	s9 =	sor.u32 $0xD0000000, s2;
	s6 =	simm.s32 $0x108;
	_ =	swait.ge @!p0 [sflag:s8], $0x0  }
0x24: {  	s3 =	sadd.s32 $0x88, s3;
	s6 =	simm.s32 @!p1 $0x1082;
	[sflag:s4] =	ssyncset.s32 $0xFFFFF086  }
0x25: {  	[simem:s6], [sflag:s4] =	dma.local [hbm:s3], $0xF7A  }
0x26: {  	[smem:$0x3F9E] =	sst s1;
	(tag) =	ssettag s2;
	_ =	strace s9  }
0x27: {  	s1 =	sld [smem:$0x3FAE]  }
0x28: {  	s2 =	sld [smem:$0x3FAF]  }
0x29: {  	s4 =	sld [smem:$0x3FB1]  }
0x2a: {  	p0 =	seq.s32 s5, $0x0;
	s5 =	sld [smem:$0x3FB2]  }
0x2b: {  	s6 =	sld [smem:$0x3FB3]  }
0x2c: {  	s7 =	sld [smem:$0x3FB4]  }
0x2d: {  	s3 =	simm.s32 $0x108;
	s8 =	sld [smem:$0x3FB5]  }
0x2e: {  	s3 =	simm.s32 @!p0 $0x1082;
	s9 =	sld [smem:$0x3FB6]  }
0x2f: {  	lr =	sadd.s32 s0, s3;
	s0 =	sld [smem:$0x3FAD]  }
0x30: {  	s3 =	sld [smem:$0x3FB0]  }
0x31: {  	[smem:$0x3FB9] =	sst s10  }
0x32: {  	s10 =	sld [smem:$0x3FB7];
	_ =	sdelay $0x3  }
0x33: {  	p0 =	seq.s32 s10, $0x1;
	s10 =	sld [smem:$0x3FB9];
	_ =	sdelay $0x3  }
0x34: {  	[smem:$0x3FB9] =	sst s10  }
0x35: {  	s10 =	sld [smem:$0x3FB8];
	_ =	sdelay $0x3  }
0x36: {  	p1 =	seq.s32 s10, $0x1;
	s10 =	sld [smem:$0x3FB9];
	_ =	sdelay $0x3  }
0x37: {  	[smem:$0x3FB9] =	sst s10  }
0x38: {  	s10 =	sld [smem:$0x3FBA]  }
0x39: {  	_ = 	snop;
	(pc) =	sbr.ind lr, $3  }
0x3a: {  	_ = 	snop  }
0x3b: {  	_ = 	snop  }
0x3c: {  	p2 =	seq.s32 s10, $0x1;
	s10 =	sld [smem:$0x3FB9]  }
0x3d: {  	_ =	shalt  }
0x3e: {  	_ =	shalt  }
0x3f: {  	_ =	shalt  }
0x40: {  	_ =	shalt  }
0x41: {  	_ =	shalt  }
0x42: {  	_ =	shalt  }
0x43: {  	_ =	shalt  }
0x44: {  	_ =	shalt  }
0x45: {  	_ =	shalt  }
0x46: {  	_ =	shalt  }
0x47: {  	_ =	shalt  }
0x48: {  	_ =	shalt  }
0x49: {  	_ =	shalt  }
0x4a: {  	_ =	shalt  }
0x4b: {  	_ =	shalt  }
0x4c: {  	_ =	shalt  }
0x4d: {  	_ =	shalt  }
0x4e: {  	_ =	shalt  }
0x4f: {  	_ =	shalt  }
0x50: {  	_ =	shalt  }
0x51: {  	_ =	shalt  }
0x52: {  	_ =	shalt  }
0x53: {  	_ =	shalt  }
0x54: {  	_ =	shalt  }
0x55: {  	_ =	shalt  }
0x56: {  	_ =	shalt  }
0x57: {  	_ =	shalt  }
0x58: {  	_ =	shalt  }
0x59: {  	_ =	shalt  }
0x5a: {  	_ =	shalt  }
0x5b: {  	_ =	shalt  }
0x5c: {  	_ =	shalt  }
0x5d: {  	_ =	shalt  }
0x5e: {  	_ =	shalt  }
0x5f: {  	_ =	shalt  }
0x60: {  	_ =	shalt  }
0x61: {  	_ =	shalt  }
0x62: {  	_ =	shalt  }
0x63: {  	_ =	shalt  }
0x64: {  	_ =	shalt  }
0x65: {  	_ =	shalt  }
0x66: {  	_ =	shalt  }
0x67: {  	_ =	shalt  }
0x68: {  	_ =	shalt  }
0x69: {  	_ =	shalt  }
0x6a: {  	_ =	shalt  }
0x6b: {  	_ =	shalt  }
0x6c: {  	_ =	shalt  }
0x6d: {  	_ =	shalt  }
0x6e: {  	_ =	shalt  }
0x6f: {  	_ =	shalt  }
0x70: {  	_ =	shalt  }
0x71: {  	_ =	shalt  }
0x72: {  	_ =	shalt  }
0x73: {  	_ =	shalt  }
0x74: {  	_ =	shalt  }
0x75: {  	_ =	shalt  }
0x76: {  	_ =	shalt  }
0x77: {  	_ =	shalt  }
0x78: {  	_ =	shalt  }
0x79: {  	_ =	shalt  }
0x7a: {  	_ =	shalt  }
0x7b: {  	_ =	shalt  }
0x7c: {  	_ =	shalt  }
0x7d: {  	_ =	shalt  }
0x7e: {  	_ =	shalt  }
0x7f: {  	_ =	shalt  }
0x80: {  	_ =	shalt  }
0x81: {  	_ =	shalt  }
0x82: {  	_ =	shalt  }
0x83: {  	_ =	shalt  }
0x84: {  	_ =	shalt  }
0x85: {  	_ =	shalt  }
0x86: {  	_ =	shalt  }
0x87: {  	_ =	shalt  }
.Lfunc_end0:
.L_simem_size_0:
called_computation_lowered:
.L_overlay_start_0:
0x88: {  	s2 =	sld [smem:$0x3FD9]  }
0x89: {  	s3 =	sld [smem:$0x3FFE];
	_ =	sdelay $0x1  }
0x8a: {  	s1 =	srdreg.scid  }
0x8b: {  	s0 =	sand.u32 $0x1, s1  }
0x8c: {  	s18 =	sshll.u32 s0, $0xA;
	s2 =	sadd.s32 s3, s2  }
0x8d: {  	s2 =	sadd.s32 s2, s18  }
0x8e: {  	[smem:$0x3FC5] =	sst s2  }
0x8f: {  	_ = 	snop  }
0x90: {  	s2 =	sld [smem:$0x3FC9]  }
0x91: {  	s19 =	sld [smem:$0x3FC8]  }
0x92: {  	s4 =	sld [smem:$0x3FC7]  }
0x93: {  	s5 =	sld [smem:$0x3FD0];
	(tm) =	ssettm $0x1  }
0x94: {  	s6 =	sld [smem:$0x3FFB];
	_ =	sdelay $0x3  }
0x95: {  	_ =	strace s6  }
0x96: {  	s6 =	sld [smem:$0x3FFC];
	_ =	sdelay $0x3  }
0x97: {  	_ =	strace s6  }
0x98: {  	s6 =	sld [smem:$0x3FFD];
	_ =	sdelay $0x3  }
0x99: {  	_ =	strace s6  }
0x9a: {  	_ =	strace $0x8FFFFFFF  }
0x9b: {  	s20 =	sld [smem:$0x3FDB];
	_ =	sdelay $0x1  }
0x9c: {  	s7 =	simm.s32 $_scs_section_size  }
0x9d: {  	s8 =	simm.s32 $_size__tile_overlayer_lowered;
	s9 =	simm.s32 $_tile_overlayer_lowered  }
0x9e: {  	s23 =	simm.s32 $0x1BFF;
	s22 =	sshll.u32 s9, $0x1;
	s6 =	sadd.s32 s7, s20  }
0x9f: {  	s10 =	simm.s32 $0x0;
	s21 =	sshll.u32 s8, $0x1;
	s8 =	sadd.s32 s22, s6  }
0xa0: {  	[timem:s10], [sflag:s23] =	dma.local [hbm:s8], s21  }
0xa1: {  	_ =	swait.ge [sflag:s23], s21  }
0xa2: {  	s7 =	ssub.s32 $0x0, s21;
	[sflag:s23] =	ssyncset.done $0x0  }
0xa3: {  	[sflag:s23] =	ssyncadd.s32 s7;
	_ =	sdelay $0x1  }
0xa4: {  	s24 =	simm.s32 $0x1B8B  }
0xa5: {  	_ =	swait.ge [sflag:s24], $0x1  }
0xa6: {  	[sflag:s24] =	ssyncset.done $0x0  }
0xa7: {  	s25 =	simm.s32 $0x1B8E;
	[sflag:s24] =	ssyncadd.s32 $0xFFFFFFFF  }
0xa8: {  	s26 =	simm.s32 $execute0_lowered;
	[smem:$0x3FD2] =	sst s25  }
0xa9: {  	s7 =	sshll.u32 s26, $0x1;
	_ =	strace $0x80000046;
	[dreg:$0x1] =	wrdreg $0xFFFFFFFF  }
0xaa: {  	s28 =	simm.s32 $_size_execute0_lowered;
	s6 =	sadd.s32 s6, s7;
	[dreg:$0x0] =	wrdreg $0x0  }
0xab: {  	s7 =	sshll.u32 s28, $0x1;
	[dreg:$0x2] =	wrdreg s6  }
0xac: {  	[dreg:$0x3] =	wrdreg s7  }
0xad: {  	[dreg:$0x4] =	wrdreg $0xC0  }
0xae: {  	_ =	task [dreg:s10], $0x5FFFF  }
0xaf: {  	[dreg:$0x1] =	wrdreg $0xFFFFFFFF  }
0xb0: {  	[dreg:$0x0] =	wrdreg $0x60  }
0xb1: {  	[dreg:$0x2] =	wrdreg s2  }
0xb2: {  	[dreg:$0x3] =	wrdreg s19  }
0xb3: {  	[dreg:$0x4] =	wrdreg s4  }
0xb4: {  	[dreg:$0x5] =	wrdreg s5  }
0xb5: {  	[dreg:$0x6] =	wrdreg $0x2C800  }
0xb6: {  	[dreg:$0x7] =	wrdreg $0x2C000  }
0xb7: {  	[dreg:$0x8] =	wrdreg $0x2C900  }
0xb8: {  	[dreg:$0x9] =	wrdreg $0x9  }
0xb9: {  	_ =	task.clear_ibuf [dreg:s10], $0xAFFFF;
	_ =	strace $0x90000046  }
0xba: {  	s29 =	simm.s32 $0x9;
	_ =	strace $0x80000048  }
0xbb: {  	_ =	swait.ge [sflag:s29], $0x1  }
0xbc: {  	[sflag:s29] =	ssyncadd.s32 $0xFFFFFFFF  }
0xbd: {  	_ =	strace $0x90000048  }
0xbe: {  	_ =	sfence  }
0xbf: {  	s30 =	sld [smem:$0x0];
	_ =	sdelay $0x2  }
0xc0: {  	s31 =	sshll.u32 s1, $0xD;
	s1 =	sshrl.u32 s1, $0x2  }
0xc1: {  	s3 =	sand.u32 $0x4000, s31;
	s1 =	sadd.s32 s1, s30  }
0xc2: {  	s0 =	sor.u32 s3, s0;
	s1 =	sshll.u32 s1, $0x11  }
0xc3: {  	s0 =	sor.u32 s1, s0  }
0xc4: {  	s0 =	sadd.s32 $0x8F2B, s0  }
0xc5: {  	[sflag:s0] =	ssyncadd.remote.s32 $0x1  }
0xc6: {  	_ =	sfence.sel $0xFFFF  }
0xc7: {  	[dreg:$0x0] =	wrdreg $0xFFFFFFFF;
	(pc) =	sbr.abs _section_cstart, $3  }
0xc8: {  	[dreg:$0x1] =	wrdreg $0xFFFFFFFF  }
0xc9: {  	_ =	task.clear_ibuf [dreg:s10], $0x2FFFF;
	_ =	strace $0x9FFFFFFF  }
0xca: {  	(tm) =	ssettm $0x7FFFFFFF  }
0xcb: {  	_ =	shalt  }
tec
execute0_lowered:
.L_overlay_start_1:
0x0: {  	(tag) =	ssettag $0x1  }
0x1: {  	s6 =	rddreg [dreg:$0x0]  }
0x2: {  	s0 =	rddreg [dreg:$0x3]  }
0x3: {  	s10 =	rddreg [dreg:$0x4]  }
0x4: {  	s1 =	rddreg [dreg:$0x5]  }
0x5: {  	s21 =	rddreg [dreg:$0x6]  }
0x6: {  	s20 =	stileid.u32;
	s2 =	srdreg.scid;
	s7 =	simm.s32 $0x0  }
0x7: {  	s26 =	simm.s32 $0x2;
	s28 =	simm.s32 $0x1;
	s3 =	smul.u32 $0x1880, s20  }
0x8: {  	s2 =	sand.u32 $0x1, s2;
	[smem:$0x7FF] =	sst s7;
	s9 =	sshll.u32 s20, $0x4  }
0x9: {  	s29 =	sshll.u32 s20, $0x8;
	s30 =	ssub.s32 $0x10, s20;
	s4 =	ssub.s32 $0x2, s2  }
0xa: {  	_ =	strace $0x80000047;
	s10 =	sadd.s32 s9, s10;
	s11 =	sshll.u32 s2, $0x3  }
0xb: {  	s12 =	sadd.s32 s9, s1;
	s1 =	sadd.s32 s29, s1;
	[dreg:$0x9] =	wrdreg s30  }
0xc: {  	s31 =	sadd.s32 s9, s21;
	s0 =	sadd.s32 s0, s2;
	p0 =	seq.s32 s2, $0x0  }
0xd: {  	s2 =	simm.s32 $0x5;
	s3 =	smin.u32 s3, $0x16E20;
	s5 =	sshrl.u32 s4, $0x1  }
0xe: {  	s13 =	sadd.s32 $0x100, s12;
	s14 =	sadd.s32 $0x200, s12;
	s15 =	sadd.s32 $0x300, s12  }
.Ltmp0:
0xf: {  	s16 =	sadd.s32 $0x400, s12;
	[dreg:$0x8] =	wrdreg s1;
	(pc) =	sbr.rel .LBB2_1-.Ltmp0, $4  }
0x10: {  	s17 =	sadd.s32 $0x500, s12;
	s18 =	sadd.s32 $0x600, s12;
	[dreg:$0xa] =	wrdreg s31  }
0x11: {  	s19 =	sadd.s32 $0x700, s12;
	[dreg:$0xb] =	wrdreg s0;
	s3 =	sshrl.u32 s3, $0x3  }
0x12: {  	s4 =	ssub.s32 s4, s5;
	s5 =	simm.s32 $0x4;
	s8 =	sadd.s32 s6, s3  }
0x13: {  	v0 =	vlaneseq.u32;
	v1 =	vimm.f32 $-Inf;
	v2 =	vimm.f32 $+Inf;
	s24 =	smax.u32 s4, $0x1;
	s6 =	simm.s32 $0x3;
	s3 =	simm.s32 $0x0  }
.LBB2_125:
0x14: {  	[bflag:$0x0] =	sbarrier.arrive $0xFFFF  }
.LBB2_128:
0x15: {  	s3 =	sadd.s32 $0x1, s3  }
0x16: {  	p1 =	sne.s32 s3, s24  }
.Ltmp1:
0x17: {  	_ = 	snop;
	(pc) =	sbr.rel @!p1 .LBB2_129-.Ltmp1, $1  }
0x18: {  	_ =	sdelay $0x3  }
.LBB2_1:
0x19: {  	s0 =	simm.s32 $0x1080  }
0x1a: {  	[tilespmem:s0], [sflag:$0x3] =	stream.linear.gather [hbm4b:s8+s7], $0x1880, $0x38;
	[tilespmem:$0x2C98] =	vst v63  }
0x1b: {  	s21 =	rddreg [dreg:$0x2]  }
0x1c: {  	[tilespmem:s7], [sflag:$0x2] =	stream.linear.gather [hbm4b:s21+s7], $0x11, $0x38;
	[tilespmem:$0x2C98] =	vst v63  }
0x1d: {  	_ =	swait.ge [sflag:s26], $0x11  }
0x1e: {  	[sflag:s26] =	ssyncset.done $0x0  }
0x1f: {  	[sflag:s26] =	ssyncadd.s32 $0xFFFFFFEF  }
0x20: {  	v3 =	vld [tilespmem:$0x0];
	_ =	sdelay $0x4  }
0x21: {  	(v2sf) =	vpush v3, $0x0  }
0x22: {  	(v2sf) =	vpush v3, $0x8;
	_ =	sdelay $0xd  }
0x23: {  	s0 =	spop (v2sf)  }
0x24: {  	s1 =	spop (v2sf)  }
0x25: {  	s4 =	smov.u32 s1  }
0x26: {  	s4 =	smov.u32 @p0 s0  }
0x27: {  	s0 =	sand.u32 $0xF, s4  }
0x28: {  	s22 =	sshra.s32 s4, $0x1F;
	p2 =	slt.s32 s4, $0x1;
	p1 =	sne.s32 s0, $0x0  }
0x29: {  	s0 =	sshrl.u32 s22, $0x1C;
	p1 =	por !p2, !p1  }
0x2a: {  	s0 =	sadd.s32 s0, s4;
	s4 =	simm.s32 $0x1;
	p1 =	por !p1, !p1  }
0x2b: {  	s0 =	sshrl.u32 s0, $0x4;
	s4 =	simm.s32 @!p1 $0x0  }
0x2c: {  	s0 =	ssub.s32 s0, s4  }
0x2d: {  	s1 =	simm.s32 @!p0 $0x8000;
	s0 =	sshll.u32 s0, $0x4  }
0x2e: {  	s1 =	ssub.s32 s1, s0  }
0x2f: {  	s1 =	sadd.s32 $0xFF, s1  }
0x30: {  	s23 =	sand.u32 $0xFF, s1  }
0x31: {  	s25 =	sshra.s32 s1, $0x1F;
	p6 =	slt.s32 s1, $0x1;
	p5 =	sne.s32 s23, $0x0  }
0x32: {  	s4 =	sshrl.u32 s25, $0x18;
	p1 =	por !p6, !p5  }
0x33: {  	s1 =	sadd.s32 s4, s1;
	s4 =	simm.s32 $0x1;
	p1 =	por !p1, !p1  }
0x34: {  	s1 =	sshra.s32 s1, $0x8;
	s4 =	simm.s32 @!p1 $0x0  }
0x35: {  	s1 =	ssub.s32 s1, s4  }
0x36: {  	s1 =	smul.u32 s1, s9;
	_ =	sdelay $0x1  }
0x37: {  	s20 =	sadd.s32 s0, s1  }
0x38: {  	p1 =	slt.s32 s20, $0x7800  }
0x39: {  	s20 =	simm.s32 @!p1 $0x7800  }
0x3a: {  	s30 =	rddreg [dreg:$0x1];
	s29 =	sshrl.u32 s20, $0x3  }
0x3b: {  	s31 =	simm.s32 $0x80;
	s23 =	sadd.s32 $0x400, s20;
	s0 =	sadd.s32 s30, s29  }
0x3c: {  	[tilespmem:s31], [sflag:$0x2] =	stream.linear.gather [hbm4b:s0+s7], $0x400, $0x38;
	[tilespmem:$0x2C98] =	vst v63  }
0x3d: {  	s0 =	sshrl.u32 s23, $0x3  }
0x3e: {  	s25 =	simm.s32 $0x480;
	s0 =	sadd.s32 s30, s0  }
0x3f: {  	[tilespmem:s25], [sflag:$0x2] =	stream.linear.gather [hbm4b:s0+s7], $0x400, $0x38;
	[tilespmem:$0x2C98] =	vst v63  }
0x40: {  	_ =	swait.ge [sflag:s26], $0x400  }
0x41: {  	[sflag:s26] =	ssyncset.done $0x0  }
0x42: {  	[sflag:s26] =	ssyncadd.s32 $0xFFFFFC00  }
0x43: {  	s21 =	simm.s32 $0x400;
	s22 =	simm.s32 $0x880;
	s29 =	rddreg [dreg:$0x0]  }
0x44: {  	[tilespmem:s22], [sflag:$0x1] =	stream.indirect.gather [hbm4b:s29+s21], $0x1, s31, s21, $0xb8;
	[tilespmem:$0x2C98] =	vst v63  }
0x45: {  	_ =	swait.ge [sflag:s26], $0x400  }
0x46: {  	[sflag:s26] =	ssyncset.done $0x0  }
0x47: {  	s30 =	simm.s32 $0xC80;
	[sflag:s26] =	ssyncadd.s32 $0xFFFFFC00  }
0x48: {  	[tilespmem:s30], [sflag:$0x1] =	stream.indirect.gather [hbm4b:s29+s21], $0x1, s25, s21, $0xb8;
	[tilespmem:$0x2C98] =	vst v63  }
0x49: {  	_ =	swait.ge [sflag:s6], $0x1880  }
0x4a: {  	[sflag:s6] =	ssyncset.done $0x0  }
0x4b: {  	s31 =	simm.s32 $0x0;
	[sflag:s6] =	ssyncadd.s32 $0xFFFFE780  }
0x4c: {  	v3 =	vld [tilespmem:s31+$0x1080]  }
0x4d: {  	v4 =	vld [tilespmem:s31+$0x1090]  }
0x4e: {  	v5 =	vld [tilespmem:s31+$0x10A0]  }
0x4f: {  	v7 =	vimm.f32 $+Inf;
	s0 =	simm.s32 $0x100;
	v6 =	vld [tilespmem:s31+$0x10B0]  }
.LBB2_2:
0x50: {  	p1 =	sne.s32 s0, $0x6100  }
.Ltmp2:
0x51: {  	s1 =	sshra.s32 s0, $0x2;
	s0 =	sadd.s32 $0x100, s0;
	v7 =	vmin.f32 v7, v3;
	(pc) =	sbr.rel @p1 .LBB2_2-.Ltmp2, $4  }
0x52: {  	v3 =	vld [tilespmem:s1+$0x1080];
	v7 =	vmin.f32 v7, v4  }
0x53: {  	v4 =	vld [tilespmem:s1+$0x1090];
	v7 =	vmin.f32 v7, v5  }
0x54: {  	v5 =	vld [tilespmem:s1+$0x10A0];
	v7 =	vmin.f32 v7, v6  }
0x55: {  	v6 =	vld [tilespmem:s1+$0x10B0]  }
0x56: {  	_ = 	snop  }
0x57: {  	v3 =	vmin.f32 v7, v3  }
0x58: {  	v3 =	vmin.f32 v3, v4  }
0x59: {  	v3 =	vmin.f32 v3, v5  }
0x5a: {  	v3 =	vmin.f32 v3, v6  }
0x5b: {  	s0 =	simm.s32 $0x2900;
	[tilespmem:$0x2900] =	vst v3  }
0x5c: {  	[spmem:s10] =	stream.linear.scatter [tilespmem:s0], [sflag:$0x5], $0x10, $0x38;
	[tilespmem:$0x2C98] =	vst v63  }
0x5d: {  	_ =	swait.ge [sflag:s2], $0x10  }
0x5e: {  	[sflag:s2] =	ssyncset.done $0x0  }
0x5f: {  	[sflag:s2] =	ssyncadd.s32 $0xFFFFFFF0  }
0x60: {  	_ =	swait.ge [sflag:s28], $0x400  }
0x61: {  	[sflag:s28] =	ssyncset.done $0x0  }
0x62: {  	[sflag:s28] =	ssyncadd.s32 $0xFFFFFC00  }
0x63: {  	_ =	swait.ge [sflag:s28], $0x400  }
0x64: {  	[sflag:s28] =	ssyncset.done $0x0  }
0x65: {  	[sflag:s28] =	ssyncadd.s32 $0xFFFFFC00  }
0x66: {  	v4 =	vld [tilespmem:s11+$0x0];
	_ =	sdelay $0x4  }
0x67: {  	(v2sf) =	vpush v4, $0x0;
	_ =	sdelay $0x1  }
0x68: {  	(v2sf) =	vpush v4, $0x1;
	_ =	sdelay $0xc  }
0x69: {  	s1 =	smov.u32 s20;
	s0 =	spop (v2sf)  }
0x6a: {  	s22 =	simm.s32 $0x1;
	s21 =	sadd.s32 $0x800, s20;
	p1 =	sgt.s32 s0, s20  }
0x6b: {  	s29 =	smov.u32 s21;
	s25 =	spop (v2sf);
	s1 =	smov.u32 @p1 s0  }
0x6c: {  	s22 =	simm.s32 @!p1 $0x0;
	p1 =	slt.s32 s25, s21;
	s0 =	ssub.s32 s0, s20  }
0x6d: {  	s4 =	ssub.s32 s1, s20;
	s1 =	sand.u32 $0xF, s1;
	s29 =	smov.u32 @p1 s25  }
0x6e: {  	s0 =	sadd.s32 $0xF, s0;
	s23 =	sshra.s32 s4, $0x1F;
	p2 =	sne.s32 s1, $0x0  }
0x6f: {  	s30 =	ssub.s32 s29, s20;
	p6 =	slt.s32 s0, $0x1;
	s22 =	sor.u32 s22, s23  }
0x70: {  	s1 =	sshrl.u32 s23, $0x1C;
	s23 =	simm.s32 $0x1;
	p3 =	sne.s32 s22, $0x1  }
0x71: {  	s22 =	sadd.s32 $0xF, s30;
	s30 =	sand.u32 $0xF, s0;
	s1 =	sadd.s32 s1, s4  }
0x72: {  	p1 =	por !p2, !p3;
	s31 =	sand.u32 $0xF, s22;
	p5 =	sne.s32 s30, $0x0  }
0x73: {  	p3 =	slt.s32 s22, $0x1;
	s1 =	sshra.s32 s1, $0x4;
	p1 =	por !p1, !p1  }
0x74: {  	p4 =	sne.s32 s31, $0x0;
	s31 =	sshra.s32 s22, $0x1F;
	p2 =	por !p6, !p5  }
0x75: {  	s23 =	simm.s32 @!p1 $0x0;
	s29 =	sshrl.u32 s31, $0x1C;
	p1 =	por !p3, !p4  }
0x76: {  	s31 =	sshra.s32 s0, $0x1F;
	p2 =	por !p2, !p2;
	s30 =	sadd.s32 s29, s22  }
0x77: {  	p1 =	por !p1, !p1;
	s29 =	simm.s32 $0x1;
	s22 =	sshrl.u32 s31, $0x1C  }
0x78: {  	s4 =	sshra.s32 s30, $0x4;
	s0 =	sadd.s32 s22, s0;
	s22 =	simm.s32 $0x1  }
0x79: {  	s29 =	simm.s32 @!p1 $0x0;
	s0 =	sshra.s32 s0, $0x4;
	s22 =	simm.s32 @!p2 $0x0  }
0x7a: {  	s1 =	ssub.s32 s1, s23;
	s4 =	ssub.s32 s4, s29;
	s0 =	ssub.s32 s0, s22  }
0x7b: {  	s23 =	smov.u32 s1;
	p1 =	sgt.s32 s1, s4;
	p2 =	sgt.s32 s0, s1  }
0x7c: {  	s4 =	smov.u32 @p1 s1;
	s23 =	smov.u32 @p2 s0  }
0x7d: {  	s22 =	smov.u32 s4;
	p1 =	slt.s32 s23, s4  }
0x7e: {  	s22 =	smov.u32 @p1 s23  }
0x7f: {  	p1 =	sge.s32 s1, s22  }
.Ltmp3:
0x80: {  	_ = 	snop;
	(pc) =	sbr.rel @p1 .LBB2_6-.Ltmp3, $2  }
0x81: {  	_ =	sdelay $0x2  }
0x82: {  	v5 =	vimm.f32 $-Inf;
	v3 =	vbroadcast v4, $0x0;
	v4 =	vbroadcast v4, $0x1  }
0x83: {  	s0 =	sshll.u32 s1, $0x6;
	s29 =	sshll.u32 s1, $0x4;
	s1 =	sadd.s32 $0x1, s1  }
0x84: {  	p2 =	slt.s32 s1, s22  }
.Ltmp4:
0x85: {  	_ = 	snop;
	(pc) =	sbr.rel @!p2 .LBB2_5-.Ltmp4, $3  }
0x86: {  	_ =	sdelay $0x1  }
0x87: {  	s0 =	sshra.s32 s0, $0x2  }
0x88: {  	v5 =	vimm.f32 $-Inf;
	p1 =	por $0x0, $0x0;
	s30 =	sadd.s32 s29, s20;
	s0 =	sadd.s32 $0x880, s0  }
0x89: {  	s29 =	sadd.s32 $0x1, s1  }
0x8a: {  	v6 =	vld [tilespmem:s0+$0x0];
	p2 =	slt.s32 s29, s22  }
.Ltmp5:
0x8b: {  	_ = 	snop;
	(pc) =	sbr.rel @!p2 .LBB2_18-.Ltmp5, $4  }
0x8c: {  	_ = 	snop  }
0x8d: {  	v7 =	vor.u32 s30, v0  }
0x8e: {  	vm0 =	vge.s32 v7, v3;
	vm1 =	vlt.s32 v7, v4  }
0x8f: {  	s0 =	sadd.s32 $0x10, s0;
	p1 =	por $0x1, $0x1;
	s1 =	smov.u32 s30;
	vm0 =	vmand vm0, vm1;
	v7 =	vmax.f32 v5, v6;
	v6 =	vimm.f32 $-Inf  }
.LBB2_19:
0x90: {  	s29 =	sadd.s32 $0x1, s29  }
0x91: {  	v8 =	vld [tilespmem:s0+$0x0];
	v6 =	vsel vm0, v7, v6;
	s1 =	sadd.s32 $0x10, s1;
	p2 =	slt.s32 s29, s22  }
.Ltmp6:
0x92: {  	(pc) =	sbr.rel @p2 .LBB2_19-.Ltmp6, $4  }
0x93: {  	_ = 	snop  }
0x94: {  	v7 =	vor.u32 s1, v0  }
0x95: {  	vm0 =	vge.s32 v7, v3;
	vm1 =	vlt.s32 v7, v4  }
0x96: {  	s0 =	sadd.s32 $0x10, s0;
	vm0 =	vmand vm0, vm1;
	v7 =	vmax.f32 v6, v8  }
.LBB2_20:
0x97: {  	v8 =	vld [tilespmem:s0+$0x0]  }
0x98: {  	s0 =	sadd.s32 @p1 $0x10, s1  }
0x99: {  	s30 =	smov.u32 @p1 s0  }
0x9a: {  	v6 =	vsel @p1 vm0, v7, v6;
	v7 =	vor.u32 s30, v0  }
0x9b: {  	v5 =	vpsel p1, v6, v5;
	vm15 =	vge.s32 v7, v3;
	vm1 =	vlt.s32 v7, v4  }
0x9c: {  	vm0 =	vmand vm15, vm1;
	v6 =	vmax.f32 v5, v8  }
0x9d: {  	v5 =	vsel vm0, v6, v5  }
.LBB2_6:
0x9e: {  	s0 =	ssub.s32 s25, s20;
	p1 =	sne.s32 s25, s20;
	s1 =	simm.s32 $0x1  }
0x9f: {  	s29 =	sshra.s32 s0, $0x1F;
	s1 =	simm.s32 @!p1 $0x0  }
0xa0: {  	s30 =	sand.u32 $0xF, s25;
	s1 =	sor.u32 s1, s29  }
0xa1: {  	p2 =	sne.s32 s30, $0x0;
	p6 =	sne.s32 s1, $0x1  }
0xa2: {  	s31 =	sshrl.u32 s29, $0x1C;
	p1 =	por !p2, !p6  }
0xa3: {  	s0 =	sadd.s32 s31, s0;
	s1 =	simm.s32 $0x1;
	p1 =	por !p1, !p1  }
0xa4: {  	s0 =	sshra.s32 s0, $0x4;
	s1 =	simm.s32 @!p1 $0x0  }
0xa5: {  	s0 =	ssub.s32 s0, s1  }
0xa6: {  	s1 =	smov.u32 s4;
	p1 =	slt.s32 s0, s4  }
0xa7: {  	s1 =	smov.u32 @p1 s0  }
0xa8: {  	p2 =	sge.s32 s23, s1  }
.Ltmp7:
0xa9: {  	_ = 	snop;
	(pc) =	sbr.rel @p2 .LBB2_10-.Ltmp7, $3  }
0xaa: {  	_ =	sdelay $0x1  }
0xab: {  	s0 =	smov.u32 s22;
	p1 =	sgt.s32 s1, s22  }
0xac: {  	s0 =	smov.u32 @p1 s1  }
0xad: {  	s31 =	ssub.s32 s0, s22  }
0xae: {  	p1 =	seq.s32 s31, $0x1  }
.Ltmp8:
0xaf: {  	_ = 	snop;
	(pc) =	sbr.rel @p1 .LBB2_9-.Ltmp8, $4  }
0xb0: {  	s1 =	sshll.u32 s22, $0x6  }
0xb1: {  	s1 =	sshra.s32 s1, $0x2  }
0xb2: {  	s1 =	sadd.s32 $0x880, s1  }
0xb3: {  	s22 =	sadd.s32 $0xFFFFFFFF, s31;
	v6 =	vld [tilespmem:s1+$0x0]  }
.LBB2_8:
0xb4: {  	p1 =	seq.s32 s22, $0x1  }
.Ltmp9:
0xb5: {  	_ = 	snop;
	(pc) =	sbr.rel @!p1 .LBB2_8-.Ltmp9, $3  }
0xb6: {  	_ =	sdelay $0x1  }
0xb7: {  	s22 =	sadd.s32 $0xFFFFFFFF, s22;
	s1 =	sadd.s32 $0x10, s1;
	v5 =	vmax.f32 v5, v6  }
0xb8: {  	v6 =	vld [tilespmem:s1+$0x0]  }
.LBB2_9:
0xb9: {  	_ =	sdelay $0x3  }
0xba: {  	v5 =	vmax.f32 v5, v6  }
.LBB2_10:
0xbb: {  	p1 =	sle.s32 s4, s0  }
.Ltmp10:
0xbc: {  	_ = 	snop;
	(pc) =	sbr.rel @p1 .LBB2_14-.Ltmp10, $1  }
0xbd: {  	_ =	sdelay $0x3  }
0xbe: {  	s1 =	sshll.u32 s0, $0x6  }
0xbf: {  	s22 =	sshra.s32 s1, $0x2  }
0xc0: {  	s30 =	ssub.s32 s4, s0;
	s31 =	sadd.s32 $0x880, s22  }
0xc1: {  	p1 =	sne.s32 s30, $0x1;
	v6 =	vld [tilespmem:s31+$0x0]  }
.Ltmp11:
0xc2: {  	s23 =	sshll.u32 s0, $0x4;
	(pc) =	sbr.rel @!p1 .LBB2_13-.Ltmp11, $4  }
0xc3: {  	s0 =	sadd.s32 s23, s20  }
0xc4: {  	v7 =	vor.u32 s0, v0  }
0xc5: {  	vm0 =	vge.s32 v7, v3;
	vm1 =	vlt.s32 v7, v4  }
0xc6: {  	s1 =	sadd.s32 $0xFFFFFFFF, s30;
	s4 =	sadd.s32 $0x10, s31;
	vm0 =	vmand vm0, vm1;
	v6 =	vmax.f32 v5, v6  }
.LBB2_12:
0xc7: {  	v7 =	vld [tilespmem:s4+$0x0];
	p1 =	sne.s32 s1, $0x1;
	s1 =	sadd.s32 $0xFFFFFFFF, s1;
	v5 =	vsel vm0, v6, v5  }
.Ltmp12:
0xc8: {  	(pc) =	sbr.rel @p1 .LBB2_12-.Ltmp12, $4  }
0xc9: {  	s0 =	sadd.s32 $0x10, s0  }
0xca: {  	v6 =	vor.u32 s0, v0  }
0xcb: {  	vm0 =	vge.s32 v6, v3;
	vm1 =	vlt.s32 v6, v4  }
0xcc: {  	s4 =	sadd.s32 $0x10, s4;
	vm0 =	vmand vm0, vm1;
	v6 =	vmax.f32 v5, v7  }
.LBB2_13:
0xcd: {  	v5 =	vsel vm0, v6, v5  }
.LBB2_14:
0xce: {  	[tilespmem:$0x2980] =	vst v5;
	s0 =	simm.s32 $0x2980  }
0xcf: {  	[spmem:s12] =	stream.linear.scatter [tilespmem:s0], [sflag:$0x4], $0x10, $0x38;
	[tilespmem:$0x2C98] =	vst v63  }
0xd0: {  	v4 =	vld [tilespmem:s11+$0x1];
	_ =	sdelay $0x4  }
0xd1: {  	(v2sf) =	vpush v4, $0x0;
	_ =	sdelay $0x1  }
0xd2: {  	(v2sf) =	vpush v4, $0x1;
	_ =	sdelay $0xc  }
0xd3: {  	s0 =	spop (v2sf)  }
0xd4: {  	s1 =	smov.u32 s20;
	s22 =	simm.s32 $0x1;
	p1 =	sgt.s32 s0, s20  }
0xd5: {  	s29 =	smov.u32 s21;
	s25 =	spop (v2sf);
	s1 =	smov.u32 @p1 s0  }
0xd6: {  	s22 =	simm.s32 @!p1 $0x0;
	p1 =	slt.s32 s25, s21;
	s0 =	ssub.s32 s0, s20  }
0xd7: {  	s4 =	ssub.s32 s1, s20;
	s1 =	sand.u32 $0xF, s1;
	s29 =	smov.u32 @p1 s25  }
0xd8: {  	s0 =	sadd.s32 $0xF, s0;
	s23 =	sshra.s32 s4, $0x1F;
	p2 =	sne.s32 s1, $0x0  }
0xd9: {  	s22 =	sor.u32 s22, s23;
	s31 =	sshrl.u32 s23, $0x1C;
	s23 =	ssub.s32 s29, s20  }
0xda: {  	p6 =	slt.s32 s0, $0x1;
	p3 =	sne.s32 s22, $0x1;
	s22 =	sadd.s32 $0xF, s23  }
0xdb: {  	s23 =	simm.s32 $0x1;
	s1 =	sadd.s32 s31, s4;
	s31 =	sshra.s32 s0, $0x1F  }
0xdc: {  	p1 =	por !p2, !p3;
	s29 =	sand.u32 $0xF, s22;
	p3 =	slt.s32 s22, $0x1  }
0xdd: {  	s1 =	sshra.s32 s1, $0x4;
	p4 =	sne.s32 s29, $0x0;
	s29 =	sand.u32 $0xF, s0  }
0xde: {  	p1 =	por !p1, !p1;
	p5 =	sne.s32 s29, $0x0;
	s29 =	sshra.s32 s22, $0x1F  }
0xdf: {  	s23 =	simm.s32 @!p1 $0x0;
	p1 =	por !p3, !p4;
	s29 =	sshrl.u32 s29, $0x1C  }
0xe0: {  	p2 =	por !p6, !p5;
	p1 =	por !p1, !p1;
	s30 =	sadd.s32 s29, s22  }
0xe1: {  	s22 =	sshrl.u32 s31, $0x1C;
	p2 =	por !p2, !p2;
	s31 =	simm.s32 $0x1  }
0xe2: {  	s4 =	sshra.s32 s30, $0x4;
	s30 =	simm.s32 $0x1;
	s0 =	sadd.s32 s22, s0  }
0xe3: {  	s31 =	simm.s32 @!p2 $0x0;
	s30 =	simm.s32 @!p1 $0x0;
	s0 =	sshra.s32 s0, $0x4  }
0xe4: {  	s29 =	ssub.s32 s1, s23;
	s22 =	ssub.s32 s4, s30;
	s0 =	ssub.s32 s0, s31  }
0xe5: {  	s23 =	smov.u32 s29;
	p1 =	sgt.s32 s29, s22;
	p2 =	sgt.s32 s0, s29  }
0xe6: {  	s22 =	smov.u32 @p1 s29;
	s23 =	smov.u32 @p2 s0  }
0xe7: {  	p1 =	slt.s32 s23, s22;
	s4 =	smov.u32 s22  }
0xe8: {  	s4 =	smov.u32 @p1 s23  }
0xe9: {  	p1 =	sge.s32 s29, s4  }
.Ltmp13:
0xea: {  	_ = 	snop;
	(pc) =	sbr.rel @p1 .LBB2_21-.Ltmp13, $2  }
0xeb: {  	_ =	sdelay $0x2  }
0xec: {  	v5 =	vimm.f32 $-Inf;
	v3 =	vbroadcast v4, $0x0;
	v4 =	vbroadcast v4, $0x1  }
0xed: {  	s0 =	sshll.u32 s29, $0x6;
	s1 =	sshll.u32 s29, $0x4;
	s29 =	sadd.s32 $0x1, s29  }
0xee: {  	p2 =	slt.s32 s29, s4  }
.Ltmp14:
0xef: {  	_ = 	snop;
	(pc) =	sbr.rel @!p2 .LBB2_16-.Ltmp14, $3  }
0xf0: {  	_ =	sdelay $0x1  }
0xf1: {  	s0 =	sshra.s32 s0, $0x2  }
0xf2: {  	v5 =	vimm.f32 $-Inf;
	p1 =	por $0x0, $0x0;
	s1 =	sadd.s32 s1, s20;
	s0 =	sadd.s32 $0x880, s0  }
0xf3: {  	s29 =	sadd.s32 $0x1, s29  }
0xf4: {  	v6 =	vld [tilespmem:s0+$0x0];
	p2 =	slt.s32 s29, s4  }
.Ltmp15:
0xf5: {  	_ = 	snop;
	(pc) =	sbr.rel @!p2 .LBB2_33-.Ltmp15, $4  }
0xf6: {  	_ = 	snop  }
0xf7: {  	v7 =	vor.u32 s1, v0  }
0xf8: {  	vm0 =	vge.s32 v7, v3;
	vm1 =	vlt.s32 v7, v4  }
0xf9: {  	s0 =	sadd.s32 $0x10, s0;
	p1 =	por $0x1, $0x1;
	s30 =	smov.u32 s1;
	vm0 =	vmand vm0, vm1;
	v7 =	vmax.f32 v5, v6;
	v6 =	vimm.f32 $-Inf  }
.LBB2_34:
0xfa: {  	s29 =	sadd.s32 $0x1, s29  }
0xfb: {  	v8 =	vld [tilespmem:s0+$0x0];
	v6 =	vsel vm0, v7, v6;
	s30 =	sadd.s32 $0x10, s30;
	p2 =	slt.s32 s29, s4  }
.Ltmp16:
0xfc: {  	(pc) =	sbr.rel @p2 .LBB2_34-.Ltmp16, $4  }
0xfd: {  	_ = 	snop  }
0xfe: {  	v7 =	vor.u32 s30, v0  }
0xff: {  	vm0 =	vge.s32 v7, v3;
	vm1 =	vlt.s32 v7, v4  }
0x100: {  	s0 =	sadd.s32 $0x10, s0;
	vm0 =	vmand vm0, vm1;
	v7 =	vmax.f32 v6, v8  }
.LBB2_35:
0x101: {  	v8 =	vld [tilespmem:s0+$0x0]  }
0x102: {  	s0 =	sadd.s32 @p1 $0x10, s30  }
0x103: {  	s1 =	smov.u32 @p1 s0  }
0x104: {  	v6 =	vsel @p1 vm0, v7, v6;
	v7 =	vor.u32 s1, v0  }
0x105: {  	v5 =	vpsel p1, v6, v5;
	vm15 =	vge.s32 v7, v3;
	vm1 =	vlt.s32 v7, v4  }
0x106: {  	vm0 =	vmand vm15, vm1;
	v6 =	vmax.f32 v5, v8  }
0x107: {  	v5 =	vsel vm0, v6, v5  }
.LBB2_21:
0x108: {  	s0 =	ssub.s32 s25, s20;
	p1 =	sne.s32 s25, s20;
	s1 =	simm.s32 $0x1  }
0x109: {  	s29 =	sshra.s32 s0, $0x1F;
	s1 =	simm.s32 @!p1 $0x0  }
0x10a: {  	s30 =	sand.u32 $0xF, s25;
	s1 =	sor.u32 s1, s29  }
0x10b: {  	p2 =	sne.s32 s30, $0x0;
	p6 =	sne.s32 s1, $0x1  }
0x10c: {  	s31 =	sshrl.u32 s29, $0x1C;
	p1 =	por !p2, !p6  }
0x10d: {  	s0 =	sadd.s32 s31, s0;
	s1 =	simm.s32 $0x1;
	p1 =	por !p1, !p1  }
0x10e: {  	s0 =	sshra.s32 s0, $0x4;
	s1 =	simm.s32 @!p1 $0x0  }
0x10f: {  	s0 =	ssub.s32 s0, s1  }
0x110: {  	s1 =	smov.u32 s22;
	p1 =	slt.s32 s0, s22  }
0x111: {  	s1 =	smov.u32 @p1 s0  }
0x112: {  	p2 =	sge.s32 s23, s1  }
.Ltmp17:
0x113: {  	_ = 	snop;
	(pc) =	sbr.rel @p2 .LBB2_25-.Ltmp17, $3  }
0x114: {  	_ =	sdelay $0x1  }
0x115: {  	s0 =	smov.u32 s4;
	p1 =	sgt.s32 s1, s4  }
0x116: {  	s0 =	smov.u32 @p1 s1  }
0x117: {  	s31 =	ssub.s32 s0, s4  }
0x118: {  	p1 =	seq.s32 s31, $0x1  }
.Ltmp18:
0x119: {  	_ = 	snop;
	(pc) =	sbr.rel @p1 .LBB2_24-.Ltmp18, $4  }
0x11a: {  	s1 =	sshll.u32 s4, $0x6  }
0x11b: {  	s1 =	sshra.s32 s1, $0x2  }
0x11c: {  	s1 =	sadd.s32 $0x880, s1  }
0x11d: {  	s4 =	sadd.s32 $0xFFFFFFFF, s31;
	v6 =	vld [tilespmem:s1+$0x0]  }
.LBB2_23:
0x11e: {  	p1 =	seq.s32 s4, $0x1  }
.Ltmp19:
0x11f: {  	_ = 	snop;
	(pc) =	sbr.rel @!p1 .LBB2_23-.Ltmp19, $3  }
0x120: {  	_ =	sdelay $0x1  }
0x121: {  	s4 =	sadd.s32 $0xFFFFFFFF, s4;
	s1 =	sadd.s32 $0x10, s1;
	v5 =	vmax.f32 v5, v6  }
0x122: {  	v6 =	vld [tilespmem:s1+$0x0]  }
.LBB2_24:
0x123: {  	_ =	sdelay $0x3  }
0x124: {  	v5 =	vmax.f32 v5, v6  }
.LBB2_25:
0x125: {  	p1 =	sle.s32 s22, s0  }
.Ltmp20:
0x126: {  	_ = 	snop;
	(pc) =	sbr.rel @p1 .LBB2_29-.Ltmp20, $1  }
0x127: {  	_ =	sdelay $0x3  }
0x128: {  	s1 =	sshll.u32 s0, $0x6  }
0x129: {  	s4 =	sshra.s32 s1, $0x2  }
0x12a: {  	s31 =	ssub.s32 s22, s0;
	s4 =	sadd.s32 $0x880, s4  }
0x12b: {  	p1 =	sne.s32 s31, $0x1;
	v6 =	vld [tilespmem:s4+$0x0]  }
.Ltmp21:
0x12c: {  	s23 =	sshll.u32 s0, $0x4;
	(pc) =	sbr.rel @!p1 .LBB2_28-.Ltmp21, $4  }
0x12d: {  	s0 =	sadd.s32 s23, s20  }
0x12e: {  	v7 =	vor.u32 s0, v0  }
0x12f: {  	vm0 =	vge.s32 v7, v3;
	vm1 =	vlt.s32 v7, v4  }
0x130: {  	s1 =	sadd.s32 $0xFFFFFFFF, s31;
	s4 =	sadd.s32 $0x10, s4;
	vm0 =	vmand vm0, vm1;
	v6 =	vmax.f32 v5, v6  }
.LBB2_27:
0x131: {  	v7 =	vld [tilespmem:s4+$0x0];
	p1 =	sne.s32 s1, $0x1;
	s1 =	sadd.s32 $0xFFFFFFFF, s1;
	v5 =	vsel vm0, v6, v5  }
.Ltmp22:
0x132: {  	(pc) =	sbr.rel @p1 .LBB2_27-.Ltmp22, $4  }
0x133: {  	s0 =	sadd.s32 $0x10, s0  }
0x134: {  	v6 =	vor.u32 s0, v0  }
0x135: {  	vm0 =	vge.s32 v6, v3;
	vm1 =	vlt.s32 v6, v4  }
0x136: {  	s4 =	sadd.s32 $0x10, s4;
	vm0 =	vmand vm0, vm1;
	v6 =	vmax.f32 v5, v7  }
.LBB2_28:
0x137: {  	v5 =	vsel vm0, v6, v5  }
.LBB2_29:
0x138: {  	[tilespmem:$0x2990] =	vst v5;
	s0 =	simm.s32 $0x2990  }
0x139: {  	[spmem:s13] =	stream.linear.scatter [tilespmem:s0], [sflag:$0x4], $0x10, $0x38;
	[tilespmem:$0x2C98] =	vst v63  }
0x13a: {  	v4 =	vld [tilespmem:s11+$0x2];
	_ =	sdelay $0x4  }
0x13b: {  	(v2sf) =	vpush v4, $0x0;
	_ =	sdelay $0x1  }
0x13c: {  	(v2sf) =	vpush v4, $0x1;
	_ =	sdelay $0xc  }
0x13d: {  	s0 =	spop (v2sf)  }
0x13e: {  	s1 =	smov.u32 s20;
	s22 =	simm.s32 $0x1;
	p1 =	sgt.s32 s0, s20  }
0x13f: {  	s29 =	smov.u32 s21;
	s25 =	spop (v2sf);
	s1 =	smov.u32 @p1 s0  }
0x140: {  	s22 =	simm.s32 @!p1 $0x0;
	p1 =	slt.s32 s25, s21;
	s0 =	ssub.s32 s0, s20  }
0x141: {  	s4 =	ssub.s32 s1, s20;
	s1 =	sand.u32 $0xF, s1;
	s29 =	smov.u32 @p1 s25  }
0x142: {  	s0 =	sadd.s32 $0xF, s0;
	s23 =	sshra.s32 s4, $0x1F;
	p2 =	sne.s32 s1, $0x0  }
0x143: {  	s22 =	sor.u32 s22, s23;
	s31 =	sshrl.u32 s23, $0x1C;
	s23 =	ssub.s32 s29, s20  }
0x144: {  	p6 =	slt.s32 s0, $0x1;
	p3 =	sne.s32 s22, $0x1;
	s22 =	sadd.s32 $0xF, s23  }
0x145: {  	s23 =	simm.s32 $0x1;
	s1 =	sadd.s32 s31, s4;
	s31 =	sshra.s32 s0, $0x1F  }
0x146: {  	p1 =	por !p2, !p3;
	s29 =	sand.u32 $0xF, s22;
	p3 =	slt.s32 s22, $0x1  }
0x147: {  	s1 =	sshra.s32 s1, $0x4;
	p4 =	sne.s32 s29, $0x0;
	s29 =	sand.u32 $0xF, s0  }
0x148: {  	p1 =	por !p1, !p1;
	p5 =	sne.s32 s29, $0x0;
	s29 =	sshra.s32 s22, $0x1F  }
0x149: {  	s23 =	simm.s32 @!p1 $0x0;
	p1 =	por !p3, !p4;
	s29 =	sshrl.u32 s29, $0x1C  }
0x14a: {  	p2 =	por !p6, !p5;
	p1 =	por !p1, !p1;
	s30 =	sadd.s32 s29, s22  }
0x14b: {  	s22 =	sshrl.u32 s31, $0x1C;
	p2 =	por !p2, !p2;
	s31 =	simm.s32 $0x1  }
0x14c: {  	s4 =	sshra.s32 s30, $0x4;
	s30 =	simm.s32 $0x1;
	s0 =	sadd.s32 s22, s0  }
0x14d: {  	s31 =	simm.s32 @!p2 $0x0;
	s30 =	simm.s32 @!p1 $0x0;
	s0 =	sshra.s32 s0, $0x4  }
0x14e: {  	s29 =	ssub.s32 s1, s23;
	s22 =	ssub.s32 s4, s30;
	s0 =	ssub.s32 s0, s31  }
0x14f: {  	s23 =	smov.u32 s29;
	p1 =	sgt.s32 s29, s22;
	p2 =	sgt.s32 s0, s29  }
0x150: {  	s22 =	smov.u32 @p1 s29;
	s23 =	smov.u32 @p2 s0  }
0x151: {  	p1 =	slt.s32 s23, s22;
	s4 =	smov.u32 s22  }
0x152: {  	s4 =	smov.u32 @p1 s23  }
0x153: {  	p1 =	sge.s32 s29, s4  }
.Ltmp23:
0x154: {  	_ = 	snop;
	(pc) =	sbr.rel @p1 .LBB2_36-.Ltmp23, $2  }
0x155: {  	_ =	sdelay $0x2  }
0x156: {  	v5 =	vimm.f32 $-Inf;
	v3 =	vbroadcast v4, $0x0;
	v4 =	vbroadcast v4, $0x1  }
0x157: {  	s0 =	sshll.u32 s29, $0x6;
	s1 =	sshll.u32 s29, $0x4;
	s29 =	sadd.s32 $0x1, s29  }
0x158: {  	p2 =	slt.s32 s29, s4  }
.Ltmp24:
0x159: {  	_ = 	snop;
	(pc) =	sbr.rel @!p2 .LBB2_31-.Ltmp24, $3  }
0x15a: {  	_ =	sdelay $0x1  }
0x15b: {  	s0 =	sshra.s32 s0, $0x2  }
0x15c: {  	v5 =	vimm.f32 $-Inf;
	p1 =	por $0x0, $0x0;
	s1 =	sadd.s32 s1, s20;
	s0 =	sadd.s32 $0x880, s0  }
0x15d: {  	s29 =	sadd.s32 $0x1, s29  }
0x15e: {  	v6 =	vld [tilespmem:s0+$0x0];
	p2 =	slt.s32 s29, s4  }
.Ltmp25:
0x15f: {  	_ = 	snop;
	(pc) =	sbr.rel @!p2 .LBB2_48-.Ltmp25, $4  }
0x160: {  	_ = 	snop  }
0x161: {  	v7 =	vor.u32 s1, v0  }
0x162: {  	vm0 =	vge.s32 v7, v3;
	vm1 =	vlt.s32 v7, v4  }
0x163: {  	s0 =	sadd.s32 $0x10, s0;
	p1 =	por $0x1, $0x1;
	s30 =	smov.u32 s1;
	vm0 =	vmand vm0, vm1;
	v7 =	vmax.f32 v5, v6;
	v6 =	vimm.f32 $-Inf  }
.LBB2_49:
0x164: {  	s29 =	sadd.s32 $0x1, s29  }
0x165: {  	v8 =	vld [tilespmem:s0+$0x0];
	v6 =	vsel vm0, v7, v6;
	s30 =	sadd.s32 $0x10, s30;
	p2 =	slt.s32 s29, s4  }
.Ltmp26:
0x166: {  	(pc) =	sbr.rel @p2 .LBB2_49-.Ltmp26, $4  }
0x167: {  	_ = 	snop  }
0x168: {  	v7 =	vor.u32 s30, v0  }
0x169: {  	vm0 =	vge.s32 v7, v3;
	vm1 =	vlt.s32 v7, v4  }
0x16a: {  	s0 =	sadd.s32 $0x10, s0;
	vm0 =	vmand vm0, vm1;
	v7 =	vmax.f32 v6, v8  }
.LBB2_50:
0x16b: {  	v8 =	vld [tilespmem:s0+$0x0]  }
0x16c: {  	s0 =	sadd.s32 @p1 $0x10, s30  }
0x16d: {  	s1 =	smov.u32 @p1 s0  }
0x16e: {  	v6 =	vsel @p1 vm0, v7, v6;
	v7 =	vor.u32 s1, v0  }
0x16f: {  	v5 =	vpsel p1, v6, v5;
	vm15 =	vge.s32 v7, v3;
	vm1 =	vlt.s32 v7, v4  }
0x170: {  	vm0 =	vmand vm15, vm1;
	v6 =	vmax.f32 v5, v8  }
0x171: {  	v5 =	vsel vm0, v6, v5  }
.LBB2_36:
0x172: {  	s0 =	ssub.s32 s25, s20;
	p1 =	sne.s32 s25, s20;
	s1 =	simm.s32 $0x1  }
0x173: {  	s29 =	sshra.s32 s0, $0x1F;
	s1 =	simm.s32 @!p1 $0x0  }
0x174: {  	s30 =	sand.u32 $0xF, s25;
	s1 =	sor.u32 s1, s29  }
0x175: {  	p2 =	sne.s32 s30, $0x0;
	p6 =	sne.s32 s1, $0x1  }
0x176: {  	s31 =	sshrl.u32 s29, $0x1C;
	p1 =	por !p2, !p6  }
0x177: {  	s0 =	sadd.s32 s31, s0;
	s1 =	simm.s32 $0x1;
	p1 =	por !p1, !p1  }
0x178: {  	s0 =	sshra.s32 s0, $0x4;
	s1 =	simm.s32 @!p1 $0x0  }
0x179: {  	s0 =	ssub.s32 s0, s1  }
0x17a: {  	s1 =	smov.u32 s22;
	p1 =	slt.s32 s0, s22  }
0x17b: {  	s1 =	smov.u32 @p1 s0  }
0x17c: {  	p2 =	sge.s32 s23, s1  }
.Ltmp27:
0x17d: {  	_ = 	snop;
	(pc) =	sbr.rel @p2 .LBB2_40-.Ltmp27, $3  }
0x17e: {  	_ =	sdelay $0x1  }
0x17f: {  	s0 =	smov.u32 s4;
	p1 =	sgt.s32 s1, s4  }
0x180: {  	s0 =	smov.u32 @p1 s1  }
0x181: {  	s31 =	ssub.s32 s0, s4  }
0x182: {  	p1 =	seq.s32 s31, $0x1  }
.Ltmp28:
0x183: {  	_ = 	snop;
	(pc) =	sbr.rel @p1 .LBB2_39-.Ltmp28, $4  }
0x184: {  	s1 =	sshll.u32 s4, $0x6  }
0x185: {  	s1 =	sshra.s32 s1, $0x2  }
0x186: {  	s1 =	sadd.s32 $0x880, s1  }
0x187: {  	s4 =	sadd.s32 $0xFFFFFFFF, s31;
	v6 =	vld [tilespmem:s1+$0x0]  }
.LBB2_38:
0x188: {  	p1 =	seq.s32 s4, $0x1  }
.Ltmp29:
0x189: {  	_ = 	snop;
	(pc) =	sbr.rel @!p1 .LBB2_38-.Ltmp29, $3  }
0x18a: {  	_ =	sdelay $0x1  }
0x18b: {  	s4 =	sadd.s32 $0xFFFFFFFF, s4;
	s1 =	sadd.s32 $0x10, s1;
	v5 =	vmax.f32 v5, v6  }
0x18c: {  	v6 =	vld [tilespmem:s1+$0x0]  }
.LBB2_39:
0x18d: {  	_ =	sdelay $0x3  }
0x18e: {  	v5 =	vmax.f32 v5, v6  }
.LBB2_40:
0x18f: {  	p1 =	sle.s32 s22, s0  }
.Ltmp30:
0x190: {  	_ = 	snop;
	(pc) =	sbr.rel @p1 .LBB2_44-.Ltmp30, $1  }
0x191: {  	_ =	sdelay $0x3  }
0x192: {  	s1 =	sshll.u32 s0, $0x6  }
0x193: {  	s4 =	sshra.s32 s1, $0x2  }
0x194: {  	s31 =	ssub.s32 s22, s0;
	s4 =	sadd.s32 $0x880, s4  }
0x195: {  	p1 =	sne.s32 s31, $0x1;
	v6 =	vld [tilespmem:s4+$0x0]  }
.Ltmp31:
0x196: {  	s23 =	sshll.u32 s0, $0x4;
	(pc) =	sbr.rel @!p1 .LBB2_43-.Ltmp31, $4  }
0x197: {  	s0 =	sadd.s32 s23, s20  }
0x198: {  	v7 =	vor.u32 s0, v0  }
0x199: {  	vm0 =	vge.s32 v7, v3;
	vm1 =	vlt.s32 v7, v4  }
0x19a: {  	s1 =	sadd.s32 $0xFFFFFFFF, s31;
	s4 =	sadd.s32 $0x10, s4;
	vm0 =	vmand vm0, vm1;
	v6 =	vmax.f32 v5, v6  }
.LBB2_42:
0x19b: {  	v7 =	vld [tilespmem:s4+$0x0];
	p1 =	sne.s32 s1, $0x1;
	s1 =	sadd.s32 $0xFFFFFFFF, s1;
	v5 =	vsel vm0, v6, v5  }
.Ltmp32:
0x19c: {  	(pc) =	sbr.rel @p1 .LBB2_42-.Ltmp32, $4  }
0x19d: {  	s0 =	sadd.s32 $0x10, s0  }
0x19e: {  	v6 =	vor.u32 s0, v0  }
0x19f: {  	vm0 =	vge.s32 v6, v3;
	vm1 =	vlt.s32 v6, v4  }
0x1a0: {  	s4 =	sadd.s32 $0x10, s4;
	vm0 =	vmand vm0, vm1;
	v6 =	vmax.f32 v5, v7  }
.LBB2_43:
0x1a1: {  	v5 =	vsel vm0, v6, v5  }
.LBB2_44:
0x1a2: {  	[tilespmem:$0x29A0] =	vst v5;
	s0 =	simm.s32 $0x29A0  }
0x1a3: {  	[spmem:s14] =	stream.linear.scatter [tilespmem:s0], [sflag:$0x4], $0x10, $0x38;
	[tilespmem:$0x2C98] =	vst v63  }
0x1a4: {  	v4 =	vld [tilespmem:s11+$0x3];
	_ =	sdelay $0x4  }
0x1a5: {  	(v2sf) =	vpush v4, $0x0;
	_ =	sdelay $0x1  }
0x1a6: {  	(v2sf) =	vpush v4, $0x1;
	_ =	sdelay $0xc  }
0x1a7: {  	s0 =	spop (v2sf)  }
0x1a8: {  	s1 =	smov.u32 s20;
	s22 =	simm.s32 $0x1;
	p1 =	sgt.s32 s0, s20  }
0x1a9: {  	s29 =	smov.u32 s21;
	s25 =	spop (v2sf);
	s1 =	smov.u32 @p1 s0  }
0x1aa: {  	s22 =	simm.s32 @!p1 $0x0;
	p1 =	slt.s32 s25, s21;
	s0 =	ssub.s32 s0, s20  }
0x1ab: {  	s4 =	ssub.s32 s1, s20;
	s1 =	sand.u32 $0xF, s1;
	s29 =	smov.u32 @p1 s25  }
0x1ac: {  	s0 =	sadd.s32 $0xF, s0;
	s23 =	sshra.s32 s4, $0x1F;
	p2 =	sne.s32 s1, $0x0  }
0x1ad: {  	s22 =	sor.u32 s22, s23;
	s31 =	sshrl.u32 s23, $0x1C;
	s23 =	ssub.s32 s29, s20  }
0x1ae: {  	p6 =	slt.s32 s0, $0x1;
	p3 =	sne.s32 s22, $0x1;
	s22 =	sadd.s32 $0xF, s23  }
0x1af: {  	s23 =	simm.s32 $0x1;
	s1 =	sadd.s32 s31, s4;
	s31 =	sshra.s32 s0, $0x1F  }
0x1b0: {  	p1 =	por !p2, !p3;
	s29 =	sand.u32 $0xF, s22;
	p3 =	slt.s32 s22, $0x1  }
0x1b1: {  	s1 =	sshra.s32 s1, $0x4;
	p4 =	sne.s32 s29, $0x0;
	s29 =	sand.u32 $0xF, s0  }
0x1b2: {  	p1 =	por !p1, !p1;
	p5 =	sne.s32 s29, $0x0;
	s29 =	sshra.s32 s22, $0x1F  }
0x1b3: {  	s23 =	simm.s32 @!p1 $0x0;
	p1 =	por !p3, !p4;
	s29 =	sshrl.u32 s29, $0x1C  }
0x1b4: {  	p2 =	por !p6, !p5;
	p1 =	por !p1, !p1;
	s30 =	sadd.s32 s29, s22  }
0x1b5: {  	s22 =	sshrl.u32 s31, $0x1C;
	p2 =	por !p2, !p2;
	s31 =	simm.s32 $0x1  }
0x1b6: {  	s4 =	sshra.s32 s30, $0x4;
	s30 =	simm.s32 $0x1;
	s0 =	sadd.s32 s22, s0  }
0x1b7: {  	s31 =	simm.s32 @!p2 $0x0;
	s30 =	simm.s32 @!p1 $0x0;
	s0 =	sshra.s32 s0, $0x4  }
0x1b8: {  	s29 =	ssub.s32 s1, s23;
	s22 =	ssub.s32 s4, s30;
	s0 =	ssub.s32 s0, s31  }
0x1b9: {  	s23 =	smov.u32 s29;
	p1 =	sgt.s32 s29, s22;
	p2 =	sgt.s32 s0, s29  }
0x1ba: {  	s22 =	smov.u32 @p1 s29;
	s23 =	smov.u32 @p2 s0  }
0x1bb: {  	p1 =	slt.s32 s23, s22;
	s4 =	smov.u32 s22  }
0x1bc: {  	s4 =	smov.u32 @p1 s23  }
0x1bd: {  	p1 =	sge.s32 s29, s4  }
.Ltmp33:
0x1be: {  	_ = 	snop;
	(pc) =	sbr.rel @p1 .LBB2_51-.Ltmp33, $2  }
0x1bf: {  	_ =	sdelay $0x2  }
0x1c0: {  	v5 =	vimm.f32 $-Inf;
	v3 =	vbroadcast v4, $0x0;
	v4 =	vbroadcast v4, $0x1  }
0x1c1: {  	s0 =	sshll.u32 s29, $0x6;
	s1 =	sshll.u32 s29, $0x4;
	s29 =	sadd.s32 $0x1, s29  }
0x1c2: {  	p2 =	slt.s32 s29, s4  }
.Ltmp34:
0x1c3: {  	_ = 	snop;
	(pc) =	sbr.rel @!p2 .LBB2_46-.Ltmp34, $3  }
0x1c4: {  	_ =	sdelay $0x1  }
0x1c5: {  	s0 =	sshra.s32 s0, $0x2  }
0x1c6: {  	v5 =	vimm.f32 $-Inf;
	p1 =	por $0x0, $0x0;
	s1 =	sadd.s32 s1, s20;
	s0 =	sadd.s32 $0x880, s0  }
0x1c7: {  	s29 =	sadd.s32 $0x1, s29  }
0x1c8: {  	v6 =	vld [tilespmem:s0+$0x0];
	p2 =	slt.s32 s29, s4  }
.Ltmp35:
0x1c9: {  	_ = 	snop;
	(pc) =	sbr.rel @!p2 .LBB2_63-.Ltmp35, $4  }
0x1ca: {  	_ = 	snop  }
0x1cb: {  	v7 =	vor.u32 s1, v0  }
0x1cc: {  	vm0 =	vge.s32 v7, v3;
	vm1 =	vlt.s32 v7, v4  }
0x1cd: {  	s0 =	sadd.s32 $0x10, s0;
	p1 =	por $0x1, $0x1;
	s30 =	smov.u32 s1;
	vm0 =	vmand vm0, vm1;
	v7 =	vmax.f32 v5, v6;
	v6 =	vimm.f32 $-Inf  }
.LBB2_64:
0x1ce: {  	s29 =	sadd.s32 $0x1, s29  }
0x1cf: {  	v8 =	vld [tilespmem:s0+$0x0];
	v6 =	vsel vm0, v7, v6;
	s30 =	sadd.s32 $0x10, s30;
	p2 =	slt.s32 s29, s4  }
.Ltmp36:
0x1d0: {  	(pc) =	sbr.rel @p2 .LBB2_64-.Ltmp36, $4  }
0x1d1: {  	_ = 	snop  }
0x1d2: {  	v7 =	vor.u32 s30, v0  }
0x1d3: {  	vm0 =	vge.s32 v7, v3;
	vm1 =	vlt.s32 v7, v4  }
0x1d4: {  	s0 =	sadd.s32 $0x10, s0;
	vm0 =	vmand vm0, vm1;
	v7 =	vmax.f32 v6, v8  }
.LBB2_65:
0x1d5: {  	v8 =	vld [tilespmem:s0+$0x0]  }
0x1d6: {  	s0 =	sadd.s32 @p1 $0x10, s30  }
0x1d7: {  	s1 =	smov.u32 @p1 s0  }
0x1d8: {  	v6 =	vsel @p1 vm0, v7, v6;
	v7 =	vor.u32 s1, v0  }
0x1d9: {  	v5 =	vpsel p1, v6, v5;
	vm15 =	vge.s32 v7, v3;
	vm1 =	vlt.s32 v7, v4  }
0x1da: {  	vm0 =	vmand vm15, vm1;
	v6 =	vmax.f32 v5, v8  }
0x1db: {  	v5 =	vsel vm0, v6, v5  }
.LBB2_51:
0x1dc: {  	s0 =	ssub.s32 s25, s20;
	p1 =	sne.s32 s25, s20;
	s1 =	simm.s32 $0x1  }
0x1dd: {  	s29 =	sshra.s32 s0, $0x1F;
	s1 =	simm.s32 @!p1 $0x0  }
0x1de: {  	s30 =	sand.u32 $0xF, s25;
	s1 =	sor.u32 s1, s29  }
0x1df: {  	p2 =	sne.s32 s30, $0x0;
	p6 =	sne.s32 s1, $0x1  }
0x1e0: {  	s31 =	sshrl.u32 s29, $0x1C;
	p1 =	por !p2, !p6  }
0x1e1: {  	s0 =	sadd.s32 s31, s0;
	s1 =	simm.s32 $0x1;
	p1 =	por !p1, !p1  }
0x1e2: {  	s0 =	sshra.s32 s0, $0x4;
	s1 =	simm.s32 @!p1 $0x0  }
0x1e3: {  	s0 =	ssub.s32 s0, s1  }
0x1e4: {  	s1 =	smov.u32 s22;
	p1 =	slt.s32 s0, s22  }
0x1e5: {  	s1 =	smov.u32 @p1 s0  }
0x1e6: {  	p2 =	sge.s32 s23, s1  }
.Ltmp37:
0x1e7: {  	_ = 	snop;
	(pc) =	sbr.rel @p2 .LBB2_55-.Ltmp37, $3  }
0x1e8: {  	_ =	sdelay $0x1  }
0x1e9: {  	s0 =	smov.u32 s4;
	p1 =	sgt.s32 s1, s4  }
0x1ea: {  	s0 =	smov.u32 @p1 s1  }
0x1eb: {  	s31 =	ssub.s32 s0, s4  }
0x1ec: {  	p1 =	seq.s32 s31, $0x1  }
.Ltmp38:
0x1ed: {  	_ = 	snop;
	(pc) =	sbr.rel @p1 .LBB2_54-.Ltmp38, $4  }
0x1ee: {  	s1 =	sshll.u32 s4, $0x6  }
0x1ef: {  	s1 =	sshra.s32 s1, $0x2  }
0x1f0: {  	s1 =	sadd.s32 $0x880, s1  }
0x1f1: {  	s4 =	sadd.s32 $0xFFFFFFFF, s31;
	v6 =	vld [tilespmem:s1+$0x0]  }
.LBB2_53:
0x1f2: {  	p1 =	seq.s32 s4, $0x1  }
.Ltmp39:
0x1f3: {  	_ = 	snop;
	(pc) =	sbr.rel @!p1 .LBB2_53-.Ltmp39, $3  }
0x1f4: {  	_ =	sdelay $0x1  }
0x1f5: {  	s4 =	sadd.s32 $0xFFFFFFFF, s4;
	s1 =	sadd.s32 $0x10, s1;
	v5 =	vmax.f32 v5, v6  }
0x1f6: {  	v6 =	vld [tilespmem:s1+$0x0]  }
.LBB2_54:
0x1f7: {  	_ =	sdelay $0x3  }
0x1f8: {  	v5 =	vmax.f32 v5, v6  }
.LBB2_55:
0x1f9: {  	p1 =	sle.s32 s22, s0  }
.Ltmp40:
0x1fa: {  	_ = 	snop;
	(pc) =	sbr.rel @p1 .LBB2_59-.Ltmp40, $1  }
0x1fb: {  	_ =	sdelay $0x3  }
0x1fc: {  	s1 =	sshll.u32 s0, $0x6  }
0x1fd: {  	s4 =	sshra.s32 s1, $0x2  }
0x1fe: {  	s31 =	ssub.s32 s22, s0;
	s4 =	sadd.s32 $0x880, s4  }
0x1ff: {  	p1 =	sne.s32 s31, $0x1;
	v6 =	vld [tilespmem:s4+$0x0]  }
.Ltmp41:
0x200: {  	s23 =	sshll.u32 s0, $0x4;
	(pc) =	sbr.rel @!p1 .LBB2_58-.Ltmp41, $4  }
0x201: {  	s0 =	sadd.s32 s23, s20  }
0x202: {  	v7 =	vor.u32 s0, v0  }
0x203: {  	vm0 =	vge.s32 v7, v3;
	vm1 =	vlt.s32 v7, v4  }
0x204: {  	s1 =	sadd.s32 $0xFFFFFFFF, s31;
	s4 =	sadd.s32 $0x10, s4;
	vm0 =	vmand vm0, vm1;
	v6 =	vmax.f32 v5, v6  }
.LBB2_57:
0x205: {  	v7 =	vld [tilespmem:s4+$0x0];
	p1 =	sne.s32 s1, $0x1;
	s1 =	sadd.s32 $0xFFFFFFFF, s1;
	v5 =	vsel vm0, v6, v5  }
.Ltmp42:
0x206: {  	(pc) =	sbr.rel @p1 .LBB2_57-.Ltmp42, $4  }
0x207: {  	s0 =	sadd.s32 $0x10, s0  }
0x208: {  	v6 =	vor.u32 s0, v0  }
0x209: {  	vm0 =	vge.s32 v6, v3;
	vm1 =	vlt.s32 v6, v4  }
0x20a: {  	s4 =	sadd.s32 $0x10, s4;
	vm0 =	vmand vm0, vm1;
	v6 =	vmax.f32 v5, v7  }
.LBB2_58:
0x20b: {  	v5 =	vsel vm0, v6, v5  }
.LBB2_59:
0x20c: {  	[tilespmem:$0x29B0] =	vst v5;
	s0 =	simm.s32 $0x29B0  }
0x20d: {  	[spmem:s15] =	stream.linear.scatter [tilespmem:s0], [sflag:$0x4], $0x10, $0x38;
	[tilespmem:$0x2C98] =	vst v63  }
0x20e: {  	v4 =	vld [tilespmem:s11+$0x4];
	_ =	sdelay $0x4  }
0x20f: {  	(v2sf) =	vpush v4, $0x0;
	_ =	sdelay $0x1  }
0x210: {  	(v2sf) =	vpush v4, $0x1;
	_ =	sdelay $0xc  }
0x211: {  	s0 =	spop (v2sf)  }
0x212: {  	s1 =	smov.u32 s20;
	s22 =	simm.s32 $0x1;
	p1 =	sgt.s32 s0, s20  }
0x213: {  	s29 =	smov.u32 s21;
	s25 =	spop (v2sf);
	s1 =	smov.u32 @p1 s0  }
0x214: {  	s22 =	simm.s32 @!p1 $0x0;
	p1 =	slt.s32 s25, s21;
	s0 =	ssub.s32 s0, s20  }
0x215: {  	s4 =	ssub.s32 s1, s20;
	s1 =	sand.u32 $0xF, s1;
	s29 =	smov.u32 @p1 s25  }
0x216: {  	s0 =	sadd.s32 $0xF, s0;
	s23 =	sshra.s32 s4, $0x1F;
	p2 =	sne.s32 s1, $0x0  }
0x217: {  	s22 =	sor.u32 s22, s23;
	s31 =	sshrl.u32 s23, $0x1C;
	s23 =	ssub.s32 s29, s20  }
0x218: {  	p6 =	slt.s32 s0, $0x1;
	p3 =	sne.s32 s22, $0x1;
	s22 =	sadd.s32 $0xF, s23  }
0x219: {  	s23 =	simm.s32 $0x1;
	s1 =	sadd.s32 s31, s4;
	s31 =	sshra.s32 s0, $0x1F  }
0x21a: {  	p1 =	por !p2, !p3;
	s29 =	sand.u32 $0xF, s22;
	p3 =	slt.s32 s22, $0x1  }
0x21b: {  	s1 =	sshra.s32 s1, $0x4;
	p4 =	sne.s32 s29, $0x0;
	s29 =	sand.u32 $0xF, s0  }
0x21c: {  	p1 =	por !p1, !p1;
	p5 =	sne.s32 s29, $0x0;
	s29 =	sshra.s32 s22, $0x1F  }
0x21d: {  	s23 =	simm.s32 @!p1 $0x0;
	p1 =	por !p3, !p4;
	s29 =	sshrl.u32 s29, $0x1C  }
0x21e: {  	p2 =	por !p6, !p5;
	p1 =	por !p1, !p1;
	s30 =	sadd.s32 s29, s22  }
0x21f: {  	s22 =	sshrl.u32 s31, $0x1C;
	p2 =	por !p2, !p2;
	s31 =	simm.s32 $0x1  }
0x220: {  	s4 =	sshra.s32 s30, $0x4;
	s30 =	simm.s32 $0x1;
	s0 =	sadd.s32 s22, s0  }
0x221: {  	s31 =	simm.s32 @!p2 $0x0;
	s30 =	simm.s32 @!p1 $0x0;
	s0 =	sshra.s32 s0, $0x4  }
0x222: {  	s29 =	ssub.s32 s1, s23;
	s22 =	ssub.s32 s4, s30;
	s0 =	ssub.s32 s0, s31  }
0x223: {  	s23 =	smov.u32 s29;
	p1 =	sgt.s32 s29, s22;
	p2 =	sgt.s32 s0, s29  }
0x224: {  	s22 =	smov.u32 @p1 s29;
	s23 =	smov.u32 @p2 s0  }
0x225: {  	p1 =	slt.s32 s23, s22;
	s4 =	smov.u32 s22  }
0x226: {  	s4 =	smov.u32 @p1 s23  }
0x227: {  	p1 =	sge.s32 s29, s4  }
.Ltmp43:
0x228: {  	_ = 	snop;
	(pc) =	sbr.rel @p1 .LBB2_66-.Ltmp43, $2  }
0x229: {  	_ =	sdelay $0x2  }
0x22a: {  	v5 =	vimm.f32 $-Inf;
	v3 =	vbroadcast v4, $0x0;
	v4 =	vbroadcast v4, $0x1  }
0x22b: {  	s0 =	sshll.u32 s29, $0x6;
	s1 =	sshll.u32 s29, $0x4;
	s29 =	sadd.s32 $0x1, s29  }
0x22c: {  	p2 =	slt.s32 s29, s4  }
.Ltmp44:
0x22d: {  	_ = 	snop;
	(pc) =	sbr.rel @!p2 .LBB2_61-.Ltmp44, $3  }
0x22e: {  	_ =	sdelay $0x1  }
0x22f: {  	s0 =	sshra.s32 s0, $0x2  }
0x230: {  	v5 =	vimm.f32 $-Inf;
	p1 =	por $0x0, $0x0;
	s1 =	sadd.s32 s1, s20;
	s0 =	sadd.s32 $0x880, s0  }
0x231: {  	s29 =	sadd.s32 $0x1, s29  }
0x232: {  	v6 =	vld [tilespmem:s0+$0x0];
	p2 =	slt.s32 s29, s4  }
.Ltmp45:
0x233: {  	_ = 	snop;
	(pc) =	sbr.rel @!p2 .LBB2_78-.Ltmp45, $4  }
0x234: {  	_ = 	snop  }
0x235: {  	v7 =	vor.u32 s1, v0  }
0x236: {  	vm0 =	vge.s32 v7, v3;
	vm1 =	vlt.s32 v7, v4  }
0x237: {  	s0 =	sadd.s32 $0x10, s0;
	p1 =	por $0x1, $0x1;
	s30 =	smov.u32 s1;
	vm0 =	vmand vm0, vm1;
	v7 =	vmax.f32 v5, v6;
	v6 =	vimm.f32 $-Inf  }
.LBB2_79:
0x238: {  	s29 =	sadd.s32 $0x1, s29  }
0x239: {  	v8 =	vld [tilespmem:s0+$0x0];
	v6 =	vsel vm0, v7, v6;
	s30 =	sadd.s32 $0x10, s30;
	p2 =	slt.s32 s29, s4  }
.Ltmp46:
0x23a: {  	(pc) =	sbr.rel @p2 .LBB2_79-.Ltmp46, $4  }
0x23b: {  	_ = 	snop  }
0x23c: {  	v7 =	vor.u32 s30, v0  }
0x23d: {  	vm0 =	vge.s32 v7, v3;
	vm1 =	vlt.s32 v7, v4  }
0x23e: {  	s0 =	sadd.s32 $0x10, s0;
	vm0 =	vmand vm0, vm1;
	v7 =	vmax.f32 v6, v8  }
.LBB2_80:
0x23f: {  	v8 =	vld [tilespmem:s0+$0x0]  }
0x240: {  	s0 =	sadd.s32 @p1 $0x10, s30  }
0x241: {  	s1 =	smov.u32 @p1 s0  }
0x242: {  	v6 =	vsel @p1 vm0, v7, v6;
	v7 =	vor.u32 s1, v0  }
0x243: {  	v5 =	vpsel p1, v6, v5;
	vm15 =	vge.s32 v7, v3;
	vm1 =	vlt.s32 v7, v4  }
0x244: {  	vm0 =	vmand vm15, vm1;
	v6 =	vmax.f32 v5, v8  }
0x245: {  	v5 =	vsel vm0, v6, v5  }
.LBB2_66:
0x246: {  	s0 =	ssub.s32 s25, s20;
	p1 =	sne.s32 s25, s20;
	s1 =	simm.s32 $0x1  }
0x247: {  	s29 =	sshra.s32 s0, $0x1F;
	s1 =	simm.s32 @!p1 $0x0  }
0x248: {  	s30 =	sand.u32 $0xF, s25;
	s1 =	sor.u32 s1, s29  }
0x249: {  	p2 =	sne.s32 s30, $0x0;
	p6 =	sne.s32 s1, $0x1  }
0x24a: {  	s31 =	sshrl.u32 s29, $0x1C;
	p1 =	por !p2, !p6  }
0x24b: {  	s0 =	sadd.s32 s31, s0;
	s1 =	simm.s32 $0x1;
	p1 =	por !p1, !p1  }
0x24c: {  	s0 =	sshra.s32 s0, $0x4;
	s1 =	simm.s32 @!p1 $0x0  }
0x24d: {  	s0 =	ssub.s32 s0, s1  }
0x24e: {  	s1 =	smov.u32 s22;
	p1 =	slt.s32 s0, s22  }
0x24f: {  	s1 =	smov.u32 @p1 s0  }
0x250: {  	p2 =	sge.s32 s23, s1  }
.Ltmp47:
0x251: {  	_ = 	snop;
	(pc) =	sbr.rel @p2 .LBB2_70-.Ltmp47, $3  }
0x252: {  	_ =	sdelay $0x1  }
0x253: {  	s0 =	smov.u32 s4;
	p1 =	sgt.s32 s1, s4  }
0x254: {  	s0 =	smov.u32 @p1 s1  }
0x255: {  	s31 =	ssub.s32 s0, s4  }
0x256: {  	p1 =	seq.s32 s31, $0x1  }
.Ltmp48:
0x257: {  	_ = 	snop;
	(pc) =	sbr.rel @p1 .LBB2_69-.Ltmp48, $4  }
0x258: {  	s1 =	sshll.u32 s4, $0x6  }
0x259: {  	s1 =	sshra.s32 s1, $0x2  }
0x25a: {  	s1 =	sadd.s32 $0x880, s1  }
0x25b: {  	s4 =	sadd.s32 $0xFFFFFFFF, s31;
	v6 =	vld [tilespmem:s1+$0x0]  }
.LBB2_68:
0x25c: {  	p1 =	seq.s32 s4, $0x1  }
.Ltmp49:
0x25d: {  	_ = 	snop;
	(pc) =	sbr.rel @!p1 .LBB2_68-.Ltmp49, $3  }
0x25e: {  	_ =	sdelay $0x1  }
0x25f: {  	s4 =	sadd.s32 $0xFFFFFFFF, s4;
	s1 =	sadd.s32 $0x10, s1;
	v5 =	vmax.f32 v5, v6  }
0x260: {  	v6 =	vld [tilespmem:s1+$0x0]  }
.LBB2_69:
0x261: {  	_ =	sdelay $0x3  }
0x262: {  	v5 =	vmax.f32 v5, v6  }
.LBB2_70:
0x263: {  	p1 =	sle.s32 s22, s0  }
.Ltmp50:
0x264: {  	_ = 	snop;
	(pc) =	sbr.rel @p1 .LBB2_74-.Ltmp50, $1  }
0x265: {  	_ =	sdelay $0x3  }
0x266: {  	s1 =	sshll.u32 s0, $0x6  }
0x267: {  	s4 =	sshra.s32 s1, $0x2  }
0x268: {  	s31 =	ssub.s32 s22, s0;
	s4 =	sadd.s32 $0x880, s4  }
0x269: {  	p1 =	sne.s32 s31, $0x1;
	v6 =	vld [tilespmem:s4+$0x0]  }
.Ltmp51:
0x26a: {  	s23 =	sshll.u32 s0, $0x4;
	(pc) =	sbr.rel @!p1 .LBB2_73-.Ltmp51, $4  }
0x26b: {  	s0 =	sadd.s32 s23, s20  }
0x26c: {  	v7 =	vor.u32 s0, v0  }
0x26d: {  	vm0 =	vge.s32 v7, v3;
	vm1 =	vlt.s32 v7, v4  }
0x26e: {  	s1 =	sadd.s32 $0xFFFFFFFF, s31;
	s4 =	sadd.s32 $0x10, s4;
	vm0 =	vmand vm0, vm1;
	v6 =	vmax.f32 v5, v6  }
.LBB2_72:
0x26f: {  	v7 =	vld [tilespmem:s4+$0x0];
	p1 =	sne.s32 s1, $0x1;
	s1 =	sadd.s32 $0xFFFFFFFF, s1;
	v5 =	vsel vm0, v6, v5  }
.Ltmp52:
0x270: {  	(pc) =	sbr.rel @p1 .LBB2_72-.Ltmp52, $4  }
0x271: {  	s0 =	sadd.s32 $0x10, s0  }
0x272: {  	v6 =	vor.u32 s0, v0  }
0x273: {  	vm0 =	vge.s32 v6, v3;
	vm1 =	vlt.s32 v6, v4  }
0x274: {  	s4 =	sadd.s32 $0x10, s4;
	vm0 =	vmand vm0, vm1;
	v6 =	vmax.f32 v5, v7  }
.LBB2_73:
0x275: {  	v5 =	vsel vm0, v6, v5  }
.LBB2_74:
0x276: {  	[tilespmem:$0x29C0] =	vst v5;
	s0 =	simm.s32 $0x29C0  }
0x277: {  	[spmem:s16] =	stream.linear.scatter [tilespmem:s0], [sflag:$0x4], $0x10, $0x38;
	[tilespmem:$0x2C98] =	vst v63  }
0x278: {  	v4 =	vld [tilespmem:s11+$0x5];
	_ =	sdelay $0x4  }
0x279: {  	(v2sf) =	vpush v4, $0x0;
	_ =	sdelay $0x1  }
0x27a: {  	(v2sf) =	vpush v4, $0x1;
	_ =	sdelay $0xc  }
0x27b: {  	s0 =	spop (v2sf)  }
0x27c: {  	s1 =	smov.u32 s20;
	s22 =	simm.s32 $0x1;
	p1 =	sgt.s32 s0, s20  }
0x27d: {  	s29 =	smov.u32 s21;
	s25 =	spop (v2sf);
	s1 =	smov.u32 @p1 s0  }
0x27e: {  	s22 =	simm.s32 @!p1 $0x0;
	p1 =	slt.s32 s25, s21;
	s0 =	ssub.s32 s0, s20  }
0x27f: {  	s4 =	ssub.s32 s1, s20;
	s1 =	sand.u32 $0xF, s1;
	s29 =	smov.u32 @p1 s25  }
0x280: {  	s0 =	sadd.s32 $0xF, s0;
	s23 =	sshra.s32 s4, $0x1F;
	p2 =	sne.s32 s1, $0x0  }
0x281: {  	s22 =	sor.u32 s22, s23;
	s31 =	sshrl.u32 s23, $0x1C;
	s23 =	ssub.s32 s29, s20  }
0x282: {  	p6 =	slt.s32 s0, $0x1;
	p3 =	sne.s32 s22, $0x1;
	s22 =	sadd.s32 $0xF, s23  }
0x283: {  	s23 =	simm.s32 $0x1;
	s1 =	sadd.s32 s31, s4;
	s31 =	sshra.s32 s0, $0x1F  }
0x284: {  	p1 =	por !p2, !p3;
	s29 =	sand.u32 $0xF, s22;
	p3 =	slt.s32 s22, $0x1  }
0x285: {  	s1 =	sshra.s32 s1, $0x4;
	p4 =	sne.s32 s29, $0x0;
	s29 =	sand.u32 $0xF, s0  }
0x286: {  	p1 =	por !p1, !p1;
	p5 =	sne.s32 s29, $0x0;
	s29 =	sshra.s32 s22, $0x1F  }
0x287: {  	s23 =	simm.s32 @!p1 $0x0;
	p1 =	por !p3, !p4;
	s29 =	sshrl.u32 s29, $0x1C  }
0x288: {  	p2 =	por !p6, !p5;
	p1 =	por !p1, !p1;
	s30 =	sadd.s32 s29, s22  }
0x289: {  	s22 =	sshrl.u32 s31, $0x1C;
	p2 =	por !p2, !p2;
	s31 =	simm.s32 $0x1  }
0x28a: {  	s4 =	sshra.s32 s30, $0x4;
	s30 =	simm.s32 $0x1;
	s0 =	sadd.s32 s22, s0  }
0x28b: {  	s31 =	simm.s32 @!p2 $0x0;
	s30 =	simm.s32 @!p1 $0x0;
	s0 =	sshra.s32 s0, $0x4  }
0x28c: {  	s29 =	ssub.s32 s1, s23;
	s22 =	ssub.s32 s4, s30;
	s0 =	ssub.s32 s0, s31  }
0x28d: {  	s23 =	smov.u32 s29;
	p1 =	sgt.s32 s29, s22;
	p2 =	sgt.s32 s0, s29  }
0x28e: {  	s22 =	smov.u32 @p1 s29;
	s23 =	smov.u32 @p2 s0  }
0x28f: {  	p1 =	slt.s32 s23, s22;
	s4 =	smov.u32 s22  }
0x290: {  	s4 =	smov.u32 @p1 s23  }
0x291: {  	p1 =	sge.s32 s29, s4  }
.Ltmp53:
0x292: {  	_ = 	snop;
	(pc) =	sbr.rel @p1 .LBB2_81-.Ltmp53, $2  }
0x293: {  	_ =	sdelay $0x2  }
0x294: {  	v5 =	vimm.f32 $-Inf;
	v3 =	vbroadcast v4, $0x0;
	v4 =	vbroadcast v4, $0x1  }
0x295: {  	s0 =	sshll.u32 s29, $0x6;
	s1 =	sshll.u32 s29, $0x4;
	s29 =	sadd.s32 $0x1, s29  }
0x296: {  	p2 =	slt.s32 s29, s4  }
.Ltmp54:
0x297: {  	_ = 	snop;
	(pc) =	sbr.rel @!p2 .LBB2_76-.Ltmp54, $3  }
0x298: {  	_ =	sdelay $0x1  }
0x299: {  	s0 =	sshra.s32 s0, $0x2  }
0x29a: {  	v5 =	vimm.f32 $-Inf;
	p1 =	por $0x0, $0x0;
	s1 =	sadd.s32 s1, s20;
	s0 =	sadd.s32 $0x880, s0  }
0x29b: {  	s29 =	sadd.s32 $0x1, s29  }
0x29c: {  	v6 =	vld [tilespmem:s0+$0x0];
	p2 =	slt.s32 s29, s4  }
.Ltmp55:
0x29d: {  	_ = 	snop;
	(pc) =	sbr.rel @!p2 .LBB2_93-.Ltmp55, $4  }
0x29e: {  	_ = 	snop  }
0x29f: {  	v7 =	vor.u32 s1, v0  }
0x2a0: {  	vm0 =	vge.s32 v7, v3;
	vm1 =	vlt.s32 v7, v4  }
0x2a1: {  	s0 =	sadd.s32 $0x10, s0;
	p1 =	por $0x1, $0x1;
	s30 =	smov.u32 s1;
	vm0 =	vmand vm0, vm1;
	v7 =	vmax.f32 v5, v6;
	v6 =	vimm.f32 $-Inf  }
.LBB2_94:
0x2a2: {  	s29 =	sadd.s32 $0x1, s29  }
0x2a3: {  	v8 =	vld [tilespmem:s0+$0x0];
	v6 =	vsel vm0, v7, v6;
	s30 =	sadd.s32 $0x10, s30;
	p2 =	slt.s32 s29, s4  }
.Ltmp56:
0x2a4: {  	(pc) =	sbr.rel @p2 .LBB2_94-.Ltmp56, $4  }
0x2a5: {  	_ = 	snop  }
0x2a6: {  	v7 =	vor.u32 s30, v0  }
0x2a7: {  	vm0 =	vge.s32 v7, v3;
	vm1 =	vlt.s32 v7, v4  }
0x2a8: {  	s0 =	sadd.s32 $0x10, s0;
	vm0 =	vmand vm0, vm1;
	v7 =	vmax.f32 v6, v8  }
.LBB2_95:
0x2a9: {  	v8 =	vld [tilespmem:s0+$0x0]  }
0x2aa: {  	s0 =	sadd.s32 @p1 $0x10, s30  }
0x2ab: {  	s1 =	smov.u32 @p1 s0  }
0x2ac: {  	v6 =	vsel @p1 vm0, v7, v6;
	v7 =	vor.u32 s1, v0  }
0x2ad: {  	v5 =	vpsel p1, v6, v5;
	vm15 =	vge.s32 v7, v3;
	vm1 =	vlt.s32 v7, v4  }
0x2ae: {  	vm0 =	vmand vm15, vm1;
	v6 =	vmax.f32 v5, v8  }
0x2af: {  	v5 =	vsel vm0, v6, v5  }
.LBB2_81:
0x2b0: {  	s0 =	ssub.s32 s25, s20;
	p1 =	sne.s32 s25, s20;
	s1 =	simm.s32 $0x1  }
0x2b1: {  	s29 =	sshra.s32 s0, $0x1F;
	s1 =	simm.s32 @!p1 $0x0  }
0x2b2: {  	s30 =	sand.u32 $0xF, s25;
	s1 =	sor.u32 s1, s29  }
0x2b3: {  	p2 =	sne.s32 s30, $0x0;
	p6 =	sne.s32 s1, $0x1  }
0x2b4: {  	s31 =	sshrl.u32 s29, $0x1C;
	p1 =	por !p2, !p6  }
0x2b5: {  	s0 =	sadd.s32 s31, s0;
	s1 =	simm.s32 $0x1;
	p1 =	por !p1, !p1  }
0x2b6: {  	s0 =	sshra.s32 s0, $0x4;
	s1 =	simm.s32 @!p1 $0x0  }
0x2b7: {  	s0 =	ssub.s32 s0, s1  }
0x2b8: {  	s1 =	smov.u32 s22;
	p1 =	slt.s32 s0, s22  }
0x2b9: {  	s1 =	smov.u32 @p1 s0  }
0x2ba: {  	p2 =	sge.s32 s23, s1  }
.Ltmp57:
0x2bb: {  	_ = 	snop;
	(pc) =	sbr.rel @p2 .LBB2_85-.Ltmp57, $3  }
0x2bc: {  	_ =	sdelay $0x1  }
0x2bd: {  	s0 =	smov.u32 s4;
	p1 =	sgt.s32 s1, s4  }
0x2be: {  	s0 =	smov.u32 @p1 s1  }
0x2bf: {  	s31 =	ssub.s32 s0, s4  }
0x2c0: {  	p1 =	seq.s32 s31, $0x1  }
.Ltmp58:
0x2c1: {  	_ = 	snop;
	(pc) =	sbr.rel @p1 .LBB2_84-.Ltmp58, $4  }
0x2c2: {  	s1 =	sshll.u32 s4, $0x6  }
0x2c3: {  	s1 =	sshra.s32 s1, $0x2  }
0x2c4: {  	s1 =	sadd.s32 $0x880, s1  }
0x2c5: {  	s4 =	sadd.s32 $0xFFFFFFFF, s31;
	v6 =	vld [tilespmem:s1+$0x0]  }
.LBB2_83:
0x2c6: {  	p1 =	seq.s32 s4, $0x1  }
.Ltmp59:
0x2c7: {  	_ = 	snop;
	(pc) =	sbr.rel @!p1 .LBB2_83-.Ltmp59, $3  }
0x2c8: {  	_ =	sdelay $0x1  }
0x2c9: {  	s4 =	sadd.s32 $0xFFFFFFFF, s4;
	s1 =	sadd.s32 $0x10, s1;
	v5 =	vmax.f32 v5, v6  }
0x2ca: {  	v6 =	vld [tilespmem:s1+$0x0]  }
.LBB2_84:
0x2cb: {  	_ =	sdelay $0x3  }
0x2cc: {  	v5 =	vmax.f32 v5, v6  }
.LBB2_85:
0x2cd: {  	p1 =	sle.s32 s22, s0  }
.Ltmp60:
0x2ce: {  	_ = 	snop;
	(pc) =	sbr.rel @p1 .LBB2_89-.Ltmp60, $1  }
0x2cf: {  	_ =	sdelay $0x3  }
0x2d0: {  	s1 =	sshll.u32 s0, $0x6  }
0x2d1: {  	s4 =	sshra.s32 s1, $0x2  }
0x2d2: {  	s31 =	ssub.s32 s22, s0;
	s4 =	sadd.s32 $0x880, s4  }
0x2d3: {  	p1 =	sne.s32 s31, $0x1;
	v6 =	vld [tilespmem:s4+$0x0]  }
.Ltmp61:
0x2d4: {  	s23 =	sshll.u32 s0, $0x4;
	(pc) =	sbr.rel @!p1 .LBB2_88-.Ltmp61, $4  }
0x2d5: {  	s0 =	sadd.s32 s23, s20  }
0x2d6: {  	v7 =	vor.u32 s0, v0  }
0x2d7: {  	vm0 =	vge.s32 v7, v3;
	vm1 =	vlt.s32 v7, v4  }
0x2d8: {  	s1 =	sadd.s32 $0xFFFFFFFF, s31;
	s4 =	sadd.s32 $0x10, s4;
	vm0 =	vmand vm0, vm1;
	v6 =	vmax.f32 v5, v6  }
.LBB2_87:
0x2d9: {  	v7 =	vld [tilespmem:s4+$0x0];
	p1 =	sne.s32 s1, $0x1;
	s1 =	sadd.s32 $0xFFFFFFFF, s1;
	v5 =	vsel vm0, v6, v5  }
.Ltmp62:
0x2da: {  	(pc) =	sbr.rel @p1 .LBB2_87-.Ltmp62, $4  }
0x2db: {  	s0 =	sadd.s32 $0x10, s0  }
0x2dc: {  	v6 =	vor.u32 s0, v0  }
0x2dd: {  	vm0 =	vge.s32 v6, v3;
	vm1 =	vlt.s32 v6, v4  }
0x2de: {  	s4 =	sadd.s32 $0x10, s4;
	vm0 =	vmand vm0, vm1;
	v6 =	vmax.f32 v5, v7  }
.LBB2_88:
0x2df: {  	v5 =	vsel vm0, v6, v5  }
.LBB2_89:
0x2e0: {  	[tilespmem:$0x29D0] =	vst v5;
	s0 =	simm.s32 $0x29D0  }
0x2e1: {  	[spmem:s17] =	stream.linear.scatter [tilespmem:s0], [sflag:$0x4], $0x10, $0x38;
	[tilespmem:$0x2C98] =	vst v63  }
0x2e2: {  	v4 =	vld [tilespmem:s11+$0x6];
	_ =	sdelay $0x4  }
0x2e3: {  	(v2sf) =	vpush v4, $0x0;
	_ =	sdelay $0x1  }
0x2e4: {  	(v2sf) =	vpush v4, $0x1;
	_ =	sdelay $0xc  }
0x2e5: {  	s0 =	spop (v2sf)  }
0x2e6: {  	s1 =	smov.u32 s20;
	s22 =	simm.s32 $0x1;
	p1 =	sgt.s32 s0, s20  }
0x2e7: {  	s29 =	smov.u32 s21;
	s25 =	spop (v2sf);
	s1 =	smov.u32 @p1 s0  }
0x2e8: {  	s22 =	simm.s32 @!p1 $0x0;
	p1 =	slt.s32 s25, s21;
	s0 =	ssub.s32 s0, s20  }
0x2e9: {  	s4 =	ssub.s32 s1, s20;
	s1 =	sand.u32 $0xF, s1;
	s29 =	smov.u32 @p1 s25  }
0x2ea: {  	s0 =	sadd.s32 $0xF, s0;
	s23 =	sshra.s32 s4, $0x1F;
	p2 =	sne.s32 s1, $0x0  }
0x2eb: {  	s22 =	sor.u32 s22, s23;
	s31 =	sshrl.u32 s23, $0x1C;
	s23 =	ssub.s32 s29, s20  }
0x2ec: {  	p6 =	slt.s32 s0, $0x1;
	p3 =	sne.s32 s22, $0x1;
	s22 =	sadd.s32 $0xF, s23  }
0x2ed: {  	s23 =	simm.s32 $0x1;
	s1 =	sadd.s32 s31, s4;
	s31 =	sshra.s32 s0, $0x1F  }
0x2ee: {  	p1 =	por !p2, !p3;
	s29 =	sand.u32 $0xF, s22;
	p3 =	slt.s32 s22, $0x1  }
0x2ef: {  	s1 =	sshra.s32 s1, $0x4;
	p4 =	sne.s32 s29, $0x0;
	s29 =	sand.u32 $0xF, s0  }
0x2f0: {  	p1 =	por !p1, !p1;
	p5 =	sne.s32 s29, $0x0;
	s29 =	sshra.s32 s22, $0x1F  }
0x2f1: {  	s23 =	simm.s32 @!p1 $0x0;
	p1 =	por !p3, !p4;
	s29 =	sshrl.u32 s29, $0x1C  }
0x2f2: {  	p2 =	por !p6, !p5;
	p1 =	por !p1, !p1;
	s30 =	sadd.s32 s29, s22  }
0x2f3: {  	s22 =	sshrl.u32 s31, $0x1C;
	p2 =	por !p2, !p2;
	s31 =	simm.s32 $0x1  }
0x2f4: {  	s4 =	sshra.s32 s30, $0x4;
	s30 =	simm.s32 $0x1;
	s0 =	sadd.s32 s22, s0  }
0x2f5: {  	s31 =	simm.s32 @!p2 $0x0;
	s30 =	simm.s32 @!p1 $0x0;
	s0 =	sshra.s32 s0, $0x4  }
0x2f6: {  	s29 =	ssub.s32 s1, s23;
	s22 =	ssub.s32 s4, s30;
	s0 =	ssub.s32 s0, s31  }
0x2f7: {  	s23 =	smov.u32 s29;
	p1 =	sgt.s32 s29, s22;
	p2 =	sgt.s32 s0, s29  }
0x2f8: {  	s22 =	smov.u32 @p1 s29;
	s23 =	smov.u32 @p2 s0  }
0x2f9: {  	p1 =	slt.s32 s23, s22;
	s4 =	smov.u32 s22  }
0x2fa: {  	s4 =	smov.u32 @p1 s23  }
0x2fb: {  	p1 =	sge.s32 s29, s4  }
.Ltmp63:
0x2fc: {  	_ = 	snop;
	(pc) =	sbr.rel @p1 .LBB2_96-.Ltmp63, $2  }
0x2fd: {  	_ =	sdelay $0x2  }
0x2fe: {  	v5 =	vimm.f32 $-Inf;
	v3 =	vbroadcast v4, $0x0;
	v4 =	vbroadcast v4, $0x1  }
0x2ff: {  	s0 =	sshll.u32 s29, $0x6;
	s1 =	sshll.u32 s29, $0x4;
	s29 =	sadd.s32 $0x1, s29  }
0x300: {  	p2 =	slt.s32 s29, s4  }
.Ltmp64:
0x301: {  	_ = 	snop;
	(pc) =	sbr.rel @!p2 .LBB2_91-.Ltmp64, $3  }
0x302: {  	_ =	sdelay $0x1  }
0x303: {  	s0 =	sshra.s32 s0, $0x2  }
0x304: {  	v5 =	vimm.f32 $-Inf;
	p1 =	por $0x0, $0x0;
	s1 =	sadd.s32 s1, s20;
	s0 =	sadd.s32 $0x880, s0  }
0x305: {  	s29 =	sadd.s32 $0x1, s29  }
0x306: {  	v6 =	vld [tilespmem:s0+$0x0];
	p2 =	slt.s32 s29, s4  }
.Ltmp65:
0x307: {  	_ = 	snop;
	(pc) =	sbr.rel @!p2 .LBB2_108-.Ltmp65, $4  }
0x308: {  	_ = 	snop  }
0x309: {  	v7 =	vor.u32 s1, v0  }
0x30a: {  	vm0 =	vge.s32 v7, v3;
	vm1 =	vlt.s32 v7, v4  }
0x30b: {  	s0 =	sadd.s32 $0x10, s0;
	p1 =	por $0x1, $0x1;
	s30 =	smov.u32 s1;
	vm0 =	vmand vm0, vm1;
	v7 =	vmax.f32 v5, v6;
	v6 =	vimm.f32 $-Inf  }
.LBB2_109:
0x30c: {  	s29 =	sadd.s32 $0x1, s29  }
0x30d: {  	v8 =	vld [tilespmem:s0+$0x0];
	v6 =	vsel vm0, v7, v6;
	s30 =	sadd.s32 $0x10, s30;
	p2 =	slt.s32 s29, s4  }
.Ltmp66:
0x30e: {  	(pc) =	sbr.rel @p2 .LBB2_109-.Ltmp66, $4  }
0x30f: {  	_ = 	snop  }
0x310: {  	v7 =	vor.u32 s30, v0  }
0x311: {  	vm0 =	vge.s32 v7, v3;
	vm1 =	vlt.s32 v7, v4  }
0x312: {  	s0 =	sadd.s32 $0x10, s0;
	vm0 =	vmand vm0, vm1;
	v7 =	vmax.f32 v6, v8  }
.LBB2_110:
0x313: {  	v8 =	vld [tilespmem:s0+$0x0]  }
0x314: {  	s0 =	sadd.s32 @p1 $0x10, s30  }
0x315: {  	s1 =	smov.u32 @p1 s0  }
0x316: {  	v6 =	vsel @p1 vm0, v7, v6;
	v7 =	vor.u32 s1, v0  }
0x317: {  	v5 =	vpsel p1, v6, v5;
	vm15 =	vge.s32 v7, v3;
	vm1 =	vlt.s32 v7, v4  }
0x318: {  	vm0 =	vmand vm15, vm1;
	v6 =	vmax.f32 v5, v8  }
0x319: {  	v5 =	vsel vm0, v6, v5  }
.LBB2_96:
0x31a: {  	s0 =	ssub.s32 s25, s20;
	p1 =	sne.s32 s25, s20;
	s1 =	simm.s32 $0x1  }
0x31b: {  	s29 =	sshra.s32 s0, $0x1F;
	s1 =	simm.s32 @!p1 $0x0  }
0x31c: {  	s30 =	sand.u32 $0xF, s25;
	s1 =	sor.u32 s1, s29  }
0x31d: {  	p2 =	sne.s32 s30, $0x0;
	p6 =	sne.s32 s1, $0x1  }
0x31e: {  	s31 =	sshrl.u32 s29, $0x1C;
	p1 =	por !p2, !p6  }
0x31f: {  	s0 =	sadd.s32 s31, s0;
	s1 =	simm.s32 $0x1;
	p1 =	por !p1, !p1  }
0x320: {  	s0 =	sshra.s32 s0, $0x4;
	s1 =	simm.s32 @!p1 $0x0  }
0x321: {  	s0 =	ssub.s32 s0, s1  }
0x322: {  	s1 =	smov.u32 s22;
	p1 =	slt.s32 s0, s22  }
0x323: {  	s1 =	smov.u32 @p1 s0  }
0x324: {  	p2 =	sge.s32 s23, s1  }
.Ltmp67:
0x325: {  	_ = 	snop;
	(pc) =	sbr.rel @p2 .LBB2_100-.Ltmp67, $3  }
0x326: {  	_ =	sdelay $0x1  }
0x327: {  	s0 =	smov.u32 s4;
	p1 =	sgt.s32 s1, s4  }
0x328: {  	s0 =	smov.u32 @p1 s1  }
0x329: {  	s31 =	ssub.s32 s0, s4  }
0x32a: {  	p1 =	seq.s32 s31, $0x1  }
.Ltmp68:
0x32b: {  	_ = 	snop;
	(pc) =	sbr.rel @p1 .LBB2_99-.Ltmp68, $4  }
0x32c: {  	s1 =	sshll.u32 s4, $0x6  }
0x32d: {  	s1 =	sshra.s32 s1, $0x2  }
0x32e: {  	s1 =	sadd.s32 $0x880, s1  }
0x32f: {  	s4 =	sadd.s32 $0xFFFFFFFF, s31;
	v6 =	vld [tilespmem:s1+$0x0]  }
.LBB2_98:
0x330: {  	p1 =	seq.s32 s4, $0x1  }
.Ltmp69:
0x331: {  	_ = 	snop;
	(pc) =	sbr.rel @!p1 .LBB2_98-.Ltmp69, $3  }
0x332: {  	_ =	sdelay $0x1  }
0x333: {  	s4 =	sadd.s32 $0xFFFFFFFF, s4;
	s1 =	sadd.s32 $0x10, s1;
	v5 =	vmax.f32 v5, v6  }
0x334: {  	v6 =	vld [tilespmem:s1+$0x0]  }
.LBB2_99:
0x335: {  	_ =	sdelay $0x3  }
0x336: {  	v5 =	vmax.f32 v5, v6  }
.LBB2_100:
0x337: {  	p1 =	sle.s32 s22, s0  }
.Ltmp70:
0x338: {  	_ = 	snop;
	(pc) =	sbr.rel @p1 .LBB2_104-.Ltmp70, $1  }
0x339: {  	_ =	sdelay $0x3  }
0x33a: {  	s1 =	sshll.u32 s0, $0x6  }
0x33b: {  	s4 =	sshra.s32 s1, $0x2  }
0x33c: {  	s31 =	ssub.s32 s22, s0;
	s4 =	sadd.s32 $0x880, s4  }
0x33d: {  	p1 =	sne.s32 s31, $0x1;
	v6 =	vld [tilespmem:s4+$0x0]  }
.Ltmp71:
0x33e: {  	s23 =	sshll.u32 s0, $0x4;
	(pc) =	sbr.rel @!p1 .LBB2_103-.Ltmp71, $4  }
0x33f: {  	s0 =	sadd.s32 s23, s20  }
0x340: {  	v7 =	vor.u32 s0, v0  }
0x341: {  	vm0 =	vge.s32 v7, v3;
	vm1 =	vlt.s32 v7, v4  }
0x342: {  	s1 =	sadd.s32 $0xFFFFFFFF, s31;
	s4 =	sadd.s32 $0x10, s4;
	vm0 =	vmand vm0, vm1;
	v6 =	vmax.f32 v5, v6  }
.LBB2_102:
0x343: {  	v7 =	vld [tilespmem:s4+$0x0];
	p1 =	sne.s32 s1, $0x1;
	s1 =	sadd.s32 $0xFFFFFFFF, s1;
	v5 =	vsel vm0, v6, v5  }
.Ltmp72:
0x344: {  	(pc) =	sbr.rel @p1 .LBB2_102-.Ltmp72, $4  }
0x345: {  	s0 =	sadd.s32 $0x10, s0  }
0x346: {  	v6 =	vor.u32 s0, v0  }
0x347: {  	vm0 =	vge.s32 v6, v3;
	vm1 =	vlt.s32 v6, v4  }
0x348: {  	s4 =	sadd.s32 $0x10, s4;
	vm0 =	vmand vm0, vm1;
	v6 =	vmax.f32 v5, v7  }
.LBB2_103:
0x349: {  	v5 =	vsel vm0, v6, v5  }
.LBB2_104:
0x34a: {  	[tilespmem:$0x29E0] =	vst v5;
	s0 =	simm.s32 $0x29E0  }
0x34b: {  	[spmem:s18] =	stream.linear.scatter [tilespmem:s0], [sflag:$0x4], $0x10, $0x38;
	[tilespmem:$0x2C98] =	vst v63  }
0x34c: {  	v4 =	vld [tilespmem:s11+$0x7];
	_ =	sdelay $0x4  }
0x34d: {  	(v2sf) =	vpush v4, $0x0;
	_ =	sdelay $0x1  }
0x34e: {  	(v2sf) =	vpush v4, $0x1;
	_ =	sdelay $0xc  }
0x34f: {  	s0 =	spop (v2sf)  }
0x350: {  	s1 =	smov.u32 s20;
	p1 =	sgt.s32 s0, s20  }
0x351: {  	s23 =	simm.s32 $0x1;
	s22 =	spop (v2sf);
	s1 =	smov.u32 @p1 s0  }
0x352: {  	s23 =	simm.s32 @!p1 $0x0;
	p1 =	slt.s32 s22, s21;
	s0 =	ssub.s32 s0, s20  }
0x353: {  	s4 =	ssub.s32 s1, s20;
	s1 =	sand.u32 $0xF, s1;
	s21 =	smov.u32 @p1 s22  }
0x354: {  	s0 =	sadd.s32 $0xF, s0;
	s25 =	sshra.s32 s4, $0x1F;
	p2 =	sne.s32 s1, $0x0  }
0x355: {  	s21 =	ssub.s32 s21, s20;
	s31 =	sand.u32 $0xF, s0;
	p6 =	slt.s32 s0, $0x1  }
0x356: {  	s23 =	sor.u32 s23, s25;
	s1 =	sshrl.u32 s25, $0x1C;
	s21 =	sadd.s32 $0xF, s21  }
0x357: {  	p5 =	sne.s32 s31, $0x0;
	s31 =	sshra.s32 s0, $0x1F;
	p3 =	sne.s32 s23, $0x1  }
0x358: {  	s23 =	simm.s32 $0x1;
	s30 =	sand.u32 $0xF, s21;
	s29 =	sshra.s32 s21, $0x1F  }
0x359: {  	s1 =	sadd.s32 s1, s4;
	p1 =	por !p2, !p3;
	p4 =	sne.s32 s30, $0x0  }
0x35a: {  	p3 =	slt.s32 s21, $0x1;
	s25 =	sshrl.u32 s29, $0x1C;
	p2 =	por !p6, !p5  }
0x35b: {  	s1 =	sshra.s32 s1, $0x4;
	s29 =	simm.s32 $0x1;
	p1 =	por !p1, !p1  }
0x35c: {  	s30 =	sadd.s32 s25, s21;
	s21 =	sshrl.u32 s31, $0x1C;
	p2 =	por !p2, !p2  }
0x35d: {  	s23 =	simm.s32 @!p1 $0x0;
	p1 =	por !p3, !p4;
	s4 =	sshra.s32 s30, $0x4  }
0x35e: {  	s0 =	sadd.s32 s21, s0;
	s30 =	simm.s32 $0x1;
	p1 =	por !p1, !p1  }
0x35f: {  	s0 =	sshra.s32 s0, $0x4;
	s30 =	simm.s32 @!p2 $0x0;
	s29 =	simm.s32 @!p1 $0x0  }
0x360: {  	s25 =	ssub.s32 s1, s23;
	s0 =	ssub.s32 s0, s30;
	s21 =	ssub.s32 s4, s29  }
0x361: {  	s23 =	smov.u32 s25;
	p2 =	sgt.s32 s0, s25;
	p1 =	sgt.s32 s25, s21  }
0x362: {  	s23 =	smov.u32 @p2 s0;
	s21 =	smov.u32 @p1 s25  }
0x363: {  	p1 =	slt.s32 s23, s21;
	s4 =	smov.u32 s21  }
0x364: {  	s4 =	smov.u32 @p1 s23  }
0x365: {  	p1 =	sge.s32 s25, s4  }
.Ltmp73:
0x366: {  	_ = 	snop;
	(pc) =	sbr.rel @p1 .LBB2_111-.Ltmp73, $2  }
0x367: {  	_ =	sdelay $0x2  }
0x368: {  	v5 =	vimm.f32 $-Inf;
	v3 =	vbroadcast v4, $0x0;
	v4 =	vbroadcast v4, $0x1  }
0x369: {  	s0 =	sshll.u32 s25, $0x6;
	s1 =	sshll.u32 s25, $0x4;
	s25 =	sadd.s32 $0x1, s25  }
0x36a: {  	p2 =	slt.s32 s25, s4  }
.Ltmp74:
0x36b: {  	_ = 	snop;
	(pc) =	sbr.rel @!p2 .LBB2_106-.Ltmp74, $3  }
0x36c: {  	_ =	sdelay $0x1  }
0x36d: {  	s0 =	sshra.s32 s0, $0x2  }
0x36e: {  	v5 =	vimm.f32 $-Inf;
	p1 =	por $0x0, $0x0;
	s1 =	sadd.s32 s1, s20;
	s0 =	sadd.s32 $0x880, s0  }
0x36f: {  	s25 =	sadd.s32 $0x1, s25  }
0x370: {  	v6 =	vld [tilespmem:s0+$0x0];
	p2 =	slt.s32 s25, s4  }
.Ltmp75:
0x371: {  	_ = 	snop;
	(pc) =	sbr.rel @!p2 .LBB2_118-.Ltmp75, $4  }
0x372: {  	_ = 	snop  }
0x373: {  	v7 =	vor.u32 s1, v0  }
0x374: {  	vm0 =	vge.s32 v7, v3;
	vm1 =	vlt.s32 v7, v4  }
0x375: {  	s0 =	sadd.s32 $0x10, s0;
	p1 =	por $0x1, $0x1;
	s29 =	smov.u32 s1;
	vm0 =	vmand vm0, vm1;
	v7 =	vmax.f32 v5, v6;
	v6 =	vimm.f32 $-Inf  }
.LBB2_119:
0x376: {  	s25 =	sadd.s32 $0x1, s25  }
0x377: {  	v8 =	vld [tilespmem:s0+$0x0];
	v6 =	vsel vm0, v7, v6;
	s29 =	sadd.s32 $0x10, s29;
	p2 =	slt.s32 s25, s4  }
.Ltmp76:
0x378: {  	(pc) =	sbr.rel @p2 .LBB2_119-.Ltmp76, $4  }
0x379: {  	_ = 	snop  }
0x37a: {  	v7 =	vor.u32 s29, v0  }
0x37b: {  	vm0 =	vge.s32 v7, v3;
	vm1 =	vlt.s32 v7, v4  }
0x37c: {  	s0 =	sadd.s32 $0x10, s0;
	vm0 =	vmand vm0, vm1;
	v7 =	vmax.f32 v6, v8  }
.LBB2_120:
0x37d: {  	v8 =	vld [tilespmem:s0+$0x0]  }
0x37e: {  	s0 =	sadd.s32 @p1 $0x10, s29  }
0x37f: {  	s1 =	smov.u32 @p1 s0  }
0x380: {  	v6 =	vsel @p1 vm0, v7, v6;
	v7 =	vor.u32 s1, v0  }
0x381: {  	v5 =	vpsel p1, v6, v5;
	vm15 =	vge.s32 v7, v3;
	vm1 =	vlt.s32 v7, v4  }
0x382: {  	vm0 =	vmand vm15, vm1;
	v6 =	vmax.f32 v5, v8  }
0x383: {  	v5 =	vsel vm0, v6, v5  }
.LBB2_111:
0x384: {  	s0 =	ssub.s32 s22, s20;
	p1 =	sne.s32 s22, s20;
	s1 =	simm.s32 $0x1  }
0x385: {  	s25 =	sshra.s32 s0, $0x1F;
	s1 =	simm.s32 @!p1 $0x0  }
0x386: {  	s30 =	sand.u32 $0xF, s22;
	s1 =	sor.u32 s1, s25  }
0x387: {  	p2 =	sne.s32 s30, $0x0;
	p6 =	sne.s32 s1, $0x1  }
0x388: {  	s31 =	sshrl.u32 s25, $0x1C;
	p1 =	por !p2, !p6  }
0x389: {  	s0 =	sadd.s32 s31, s0;
	s1 =	simm.s32 $0x1;
	p1 =	por !p1, !p1  }
0x38a: {  	s0 =	sshra.s32 s0, $0x4;
	s1 =	simm.s32 @!p1 $0x0  }
0x38b: {  	s0 =	ssub.s32 s0, s1  }
0x38c: {  	s1 =	smov.u32 s21;
	p1 =	slt.s32 s0, s21  }
0x38d: {  	s1 =	smov.u32 @p1 s0  }
0x38e: {  	p2 =	sge.s32 s23, s1  }
.Ltmp77:
0x38f: {  	_ = 	snop;
	(pc) =	sbr.rel @p2 .LBB2_115-.Ltmp77, $3  }
0x390: {  	_ =	sdelay $0x1  }
0x391: {  	s0 =	smov.u32 s4;
	p1 =	sgt.s32 s1, s4  }
0x392: {  	s0 =	smov.u32 @p1 s1  }
0x393: {  	s31 =	ssub.s32 s0, s4  }
0x394: {  	p1 =	seq.s32 s31, $0x1  }
.Ltmp78:
0x395: {  	_ = 	snop;
	(pc) =	sbr.rel @p1 .LBB2_114-.Ltmp78, $4  }
0x396: {  	s1 =	sshll.u32 s4, $0x6  }
0x397: {  	s1 =	sshra.s32 s1, $0x2  }
0x398: {  	s1 =	sadd.s32 $0x880, s1  }
0x399: {  	s4 =	sadd.s32 $0xFFFFFFFF, s31;
	v6 =	vld [tilespmem:s1+$0x0]  }
.LBB2_113:
0x39a: {  	p1 =	seq.s32 s4, $0x1  }
.Ltmp79:
0x39b: {  	_ = 	snop;
	(pc) =	sbr.rel @!p1 .LBB2_113-.Ltmp79, $3  }
0x39c: {  	_ =	sdelay $0x1  }
0x39d: {  	s4 =	sadd.s32 $0xFFFFFFFF, s4;
	s1 =	sadd.s32 $0x10, s1;
	v5 =	vmax.f32 v5, v6  }
0x39e: {  	v6 =	vld [tilespmem:s1+$0x0]  }
.LBB2_114:
0x39f: {  	_ =	sdelay $0x3  }
0x3a0: {  	v5 =	vmax.f32 v5, v6  }
.LBB2_115:
0x3a1: {  	p1 =	sle.s32 s21, s0  }
.Ltmp80:
0x3a2: {  	_ = 	snop;
	(pc) =	sbr.rel @p1 .LBB2_116-.Ltmp80, $1  }
0x3a3: {  	_ =	sdelay $0x3  }
0x3a4: {  	s1 =	sshll.u32 s0, $0x6  }
0x3a5: {  	s4 =	sshra.s32 s1, $0x2  }
0x3a6: {  	s31 =	ssub.s32 s21, s0;
	s4 =	sadd.s32 $0x880, s4  }
0x3a7: {  	p1 =	sne.s32 s31, $0x1;
	v6 =	vld [tilespmem:s4+$0x0]  }
.Ltmp81:
0x3a8: {  	s22 =	sshll.u32 s0, $0x4;
	(pc) =	sbr.rel @!p1 .LBB2_123-.Ltmp81, $4  }
0x3a9: {  	s0 =	sadd.s32 s22, s20  }
0x3aa: {  	v7 =	vor.u32 s0, v0  }
0x3ab: {  	vm0 =	vge.s32 v7, v3;
	vm1 =	vlt.s32 v7, v4  }
0x3ac: {  	s1 =	sadd.s32 $0xFFFFFFFF, s31;
	s20 =	stileid.u32;
	s4 =	sadd.s32 $0x10, s4;
	vm0 =	vmand vm0, vm1;
	v6 =	vmax.f32 v5, v6  }
.LBB2_122:
0x3ad: {  	v7 =	vld [tilespmem:s4+$0x0];
	p1 =	sne.s32 s1, $0x1;
	s1 =	sadd.s32 $0xFFFFFFFF, s1;
	v5 =	vsel vm0, v6, v5  }
.Ltmp82:
0x3ae: {  	(pc) =	sbr.rel @p1 .LBB2_122-.Ltmp82, $4  }
0x3af: {  	s0 =	sadd.s32 $0x10, s0  }
0x3b0: {  	v6 =	vor.u32 s0, v0  }
0x3b1: {  	vm0 =	vge.s32 v6, v3;
	vm1 =	vlt.s32 v6, v4  }
0x3b2: {  	s4 =	sadd.s32 $0x10, s4;
	vm0 =	vmand vm0, vm1;
	v6 =	vmax.f32 v5, v7  }
.LBB2_123:
.Ltmp83:
0x3b3: {  	(pc) =	sbr.rel .LBB2_124-.Ltmp83, $2  }
0x3b4: {  	_ =	sdelay $0x2  }
0x3b5: {  	v5 =	vsel vm0, v6, v5  }
.LBB2_116:
0x3b6: {  	s20 =	stileid.u32  }
.LBB2_124:
0x3b7: {  	[tilespmem:$0x29F0] =	vst v5;
	s0 =	simm.s32 $0x29F0  }
0x3b8: {  	[spmem:s19] =	stream.linear.scatter [tilespmem:s0], [sflag:$0x4], $0x10, $0x38;
	[tilespmem:$0x2C98] =	vst v63  }
0x3b9: {  	_ =	swait.ge [sflag:s5], $0x10  }
0x3ba: {  	[sflag:s5] =	ssyncset.done $0x0  }
0x3bb: {  	[sflag:s5] =	ssyncadd.s32 $0xFFFFFFF0  }
0x3bc: {  	_ =	swait.ge [sflag:s5], $0x10  }
0x3bd: {  	[sflag:s5] =	ssyncset.done $0x0  }
0x3be: {  	[sflag:s5] =	ssyncadd.s32 $0xFFFFFFF0  }
0x3bf: {  	_ =	swait.ge [sflag:s5], $0x10  }
0x3c0: {  	[sflag:s5] =	ssyncset.done $0x0  }
0x3c1: {  	[sflag:s5] =	ssyncadd.s32 $0xFFFFFFF0  }
0x3c2: {  	_ =	swait.ge [sflag:s5], $0x10  }
0x3c3: {  	[sflag:s5] =	ssyncset.done $0x0  }
0x3c4: {  	[sflag:s5] =	ssyncadd.s32 $0xFFFFFFF0  }
0x3c5: {  	_ =	swait.ge [sflag:s5], $0x10  }
0x3c6: {  	[sflag:s5] =	ssyncset.done $0x0  }
0x3c7: {  	[sflag:s5] =	ssyncadd.s32 $0xFFFFFFF0  }
0x3c8: {  	_ =	swait.ge [sflag:s5], $0x10  }
0x3c9: {  	[sflag:s5] =	ssyncset.done $0x0  }
0x3ca: {  	[sflag:s5] =	ssyncadd.s32 $0xFFFFFFF0  }
0x3cb: {  	_ =	swait.ge [sflag:s5], $0x10  }
0x3cc: {  	[sflag:s5] =	ssyncset.done $0x0  }
0x3cd: {  	p1 =	slt.u32 s20, $0x8;
	[sflag:s5] =	ssyncadd.s32 $0xFFFFFFF0  }
.Ltmp84:
0x3ce: {  	_ =	swait.ge [sflag:s5], $0x10;
	(pc) =	sbr.rel @!p1 .LBB2_125-.Ltmp84, $3  }
0x3cf: {  	[sflag:s5] =	ssyncset.done $0x0  }
0x3d0: {  	[sflag:s5] =	ssyncadd.s32 $0xFFFFFFF0  }
0x3d1: {  	[bflag:$0x0] =	sbarrier.arrive $0xFFFF;
	_ =	sdelay $0x1  }
0x3d2: {  	s0 =	rddreg [dreg:$0x8];
	s1 =	simm.s32 $0x2A00  }
0x3d3: {  	[tilespmem:s1], [sflag:$0x5] =	stream.linear.gather [spmem:s0], $0x100, $0x38;
	[tilespmem:$0x2C98] =	vst v63  }
0x3d4: {  	_ =	swait.ge [sflag:s2], $0x100  }
0x3d5: {  	[sflag:s2] =	ssyncset.done $0x0  }
0x3d6: {  	[sflag:s2] =	ssyncadd.s32 $0xFFFFFF00  }
0x3d7: {  	v3 =	vld [tilespmem:$0x2A00]  }
0x3d8: {  	v4 =	vld [tilespmem:$0x2A10]  }
0x3d9: {  	v5 =	vld [tilespmem:$0x2A20]  }
0x3da: {  	v6 =	vld [tilespmem:$0x2A30]  }
0x3db: {  	v7 =	vld [tilespmem:$0x2A40]  }
0x3dc: {  	v8 =	vld [tilespmem:$0x2A50]  }
0x3dd: {  	v50 =	vld [tilespmem:$0x2A60];
	v3 =	vmax.f32 v3, v4  }
0x3de: {  	v51 =	vld [tilespmem:$0x2A70];
	v3 =	vmax.f32 v3, v5  }
0x3df: {  	v52 =	vld [tilespmem:$0x2A80];
	v3 =	vmax.f32 v3, v6  }
0x3e0: {  	v53 =	vld [tilespmem:$0x2A90];
	v3 =	vmax.f32 v3, v7  }
0x3e1: {  	v54 =	vld [tilespmem:$0x2AA0];
	v3 =	vmax.f32 v3, v8  }
0x3e2: {  	v55 =	vld [tilespmem:$0x2AB0];
	v3 =	vmax.f32 v3, v50  }
0x3e3: {  	v56 =	vld [tilespmem:$0x2AC0];
	v3 =	vmax.f32 v3, v51  }
0x3e4: {  	v57 =	vld [tilespmem:$0x2AD0];
	v3 =	vmax.f32 v3, v52  }
0x3e5: {  	v58 =	vld [tilespmem:$0x2AE0];
	v3 =	vmax.f32 v3, v53  }
0x3e6: {  	v59 =	vld [tilespmem:$0x2AF0];
	v3 =	vmax.f32 v3, v54  }
0x3e7: {  	v3 =	vmax.f32 v3, v55  }
0x3e8: {  	v3 =	vmax.f32 v3, v56  }
0x3e9: {  	v3 =	vmax.f32 v3, v57  }
0x3ea: {  	v3 =	vmax.f32 v3, v58  }
0x3eb: {  	[tilespmem:$0x2B10] =	vst v1;
	v3 =	vmax.f32 v3, v59  }
0x3ec: {  	[tilespmem:$0x2B00] =	vst v3  }
0x3ed: {  	v60 =	vld [tilespmem:$0x2B08];
	_ =	sdelay $0x4  }
0x3ee: {  	v3 =	vmax.f32 v3, v60  }
0x3ef: {  	[tilespmem:$0x2B00] =	vst v3  }
0x3f0: {  	v61 =	vld [tilespmem:$0x2B04];
	_ =	sdelay $0x4  }
0x3f1: {  	v3 =	vmax.f32 v3, v61  }
0x3f2: {  	[tilespmem:$0x2B00] =	vst v3  }
0x3f3: {  	v62 =	vld [tilespmem:$0x2B02];
	_ =	sdelay $0x4  }
0x3f4: {  	v3 =	vmax.f32 v3, v62  }
0x3f5: {  	[tilespmem:$0x2B00] =	vst v3  }
0x3f6: {  	v63 =	vld [tilespmem:$0x2B01];
	_ =	sdelay $0x4  }
0x3f7: {  	vm0 =	vmmov $0x1;
	[tilespmem:$0x2B80] =	vst v1;
	v3 =	vmax.f32 v3, v63  }
0x3f8: {  	[tilespmem:$0x2BA0] =	vst v1;
	v3 =	vnsel vm0, $0xFF800000, v3  }
0x3f9: {  	s29 =	rddreg [dreg:$0x9];
	[tilespmem:$0x2B90] =	vst v3  }
0x3fa: {  	v3 =	vld [tilespmem:s29+$0x2B80];
	_ =	sdelay $0x4  }
0x3fb: {  	s31 =	simm.s32 $0x2900;
	p1 =	sne.s32 s20, $0x0;
	s30 =	rddreg [dreg:$0xa];
	[tilespmem:$0x2900] =	vst v3  }
0x3fc: {  	[spmem:s30] =	stream.linear.scatter [tilespmem:s31], [sflag:$0x5], $0x10, $0x38;
	[tilespmem:$0x2C98] =	vst v63  }
.Ltmp85:
0x3fd: {  	_ =	swait.ge [sflag:s2], $0x10;
	(pc) =	sbr.rel @p1 .LBB2_128-.Ltmp85, $3  }
0x3fe: {  	[sflag:s2] =	ssyncset.done $0x0  }
0x3ff: {  	[sflag:s2] =	ssyncadd.s32 $0xFFFFFFF0  }
0x400: {  	[bflag:$0x0] =	sbarrier.arrive $0xFFFF;
	_ =	sdelay $0x1  }
0x401: {  	s0 =	rddreg [dreg:$0x6];
	s1 =	simm.s32 $0x2980  }
0x402: {  	[tilespmem:s1], [sflag:$0x5] =	stream.linear.gather [spmem:s0], $0x80, $0x38;
	[tilespmem:$0x2C98] =	vst v63  }
0x403: {  	_ =	swait.ge [sflag:s2], $0x80  }
0x404: {  	[sflag:s2] =	ssyncset.done $0x0  }
0x405: {  	[sflag:s2] =	ssyncadd.s32 $0xFFFFFF80  }
0x406: {  	v3 =	vld [tilespmem:$0x2980]  }
0x407: {  	v4 =	vld [tilespmem:$0x2990]  }
0x408: {  	v5 =	vld [tilespmem:$0x29A0]  }
0x409: {  	v6 =	vld [tilespmem:$0x29B0]  }
0x40a: {  	v7 =	vld [tilespmem:$0x29C0]  }
0x40b: {  	v8 =	vld [tilespmem:$0x29D0]  }
0x40c: {  	s29 =	simm.s32 $0x2A00;
	v9 =	vld [tilespmem:$0x29E0];
	s25 =	rddreg [dreg:$0x4]  }
0x40d: {  	v10 =	vld [tilespmem:$0x29F0];
	[tilespmem:s29], [sflag:$0x5] =	stream.linear.gather [spmem:s25], $0x100, $0x38  }
0x40e: {  	_ =	swait.ge [sflag:s2], $0x100  }
0x40f: {  	[sflag:s2] =	ssyncset.done $0x0  }
0x410: {  	[sflag:s2] =	ssyncadd.s32 $0xFFFFFF00  }
0x411: {  	v11 =	vld [tilespmem:$0x2A00]  }
0x412: {  	v12 =	vld [tilespmem:$0x2A10]  }
0x413: {  	v13 =	vld [tilespmem:$0x2A20]  }
0x414: {  	v14 =	vld [tilespmem:$0x2A30]  }
0x415: {  	v15 =	vld [tilespmem:$0x2A40]  }
0x416: {  	v16 =	vld [tilespmem:$0x2A50]  }
0x417: {  	v43 =	vld [tilespmem:$0x2A60];
	v11 =	vmin.f32 v11, v12  }
0x418: {  	v44 =	vld [tilespmem:$0x2A70];
	v11 =	vmin.f32 v11, v13  }
0x419: {  	v45 =	vld [tilespmem:$0x2A80];
	v11 =	vmin.f32 v11, v14  }
0x41a: {  	v46 =	vld [tilespmem:$0x2A90];
	v11 =	vmin.f32 v11, v15  }
0x41b: {  	v47 =	vld [tilespmem:$0x2AA0];
	v11 =	vmin.f32 v11, v16  }
0x41c: {  	v48 =	vld [tilespmem:$0x2AB0];
	v11 =	vmin.f32 v11, v43  }
0x41d: {  	v49 =	vld [tilespmem:$0x2AC0];
	v11 =	vmin.f32 v11, v44  }
0x41e: {  	v50 =	vld [tilespmem:$0x2AD0];
	v11 =	vmin.f32 v11, v45  }
0x41f: {  	v51 =	vld [tilespmem:$0x2AE0];
	v11 =	vmin.f32 v11, v46  }
0x420: {  	v52 =	vld [tilespmem:$0x2AF0];
	v11 =	vmin.f32 v11, v47  }
0x421: {  	v11 =	vmin.f32 v11, v48  }
0x422: {  	v11 =	vmin.f32 v11, v49  }
0x423: {  	v11 =	vmin.f32 v11, v50  }
0x424: {  	v11 =	vmin.f32 v11, v51  }
0x425: {  	[tilespmem:$0x2B10] =	vst v2;
	v11 =	vmin.f32 v11, v52  }
0x426: {  	[tilespmem:$0x2B00] =	vst v11  }
0x427: {  	v53 =	vld [tilespmem:$0x2B08];
	_ =	sdelay $0x4  }
0x428: {  	v11 =	vmin.f32 v11, v53  }
0x429: {  	[tilespmem:$0x2B00] =	vst v11  }
0x42a: {  	v54 =	vld [tilespmem:$0x2B04];
	_ =	sdelay $0x4  }
0x42b: {  	v11 =	vmin.f32 v11, v54  }
0x42c: {  	[tilespmem:$0x2B00] =	vst v11  }
0x42d: {  	v55 =	vld [tilespmem:$0x2B02];
	_ =	sdelay $0x4  }
0x42e: {  	v11 =	vmin.f32 v11, v55  }
0x42f: {  	[tilespmem:$0x2B00] =	vst v11  }
0x430: {  	v56 =	vld [tilespmem:$0x2B01];
	_ =	sdelay $0x4  }
0x431: {  	v11 =	vmin.f32 v11, v56  }
0x432: {  	[tilespmem:$0x2B80] =	vst v2;
	v11 =	vnsel vm0, $0x7F800000, v11  }
0x433: {  	[tilespmem:$0x2B90] =	vst v11  }
0x434: {  	v57 =	vld [tilespmem:$0x2B8F];
	_ =	sdelay $0x4  }
0x435: {  	v11 =	vmin.f32 v11, v57  }
0x436: {  	[tilespmem:$0x2B90] =	vst v11  }
0x437: {  	v58 =	vld [tilespmem:$0x2B8E];
	_ =	sdelay $0x4  }
0x438: {  	v11 =	vmin.f32 v11, v58  }
0x439: {  	[tilespmem:$0x2B90] =	vst v11  }
0x43a: {  	v59 =	vld [tilespmem:$0x2B8C];
	_ =	sdelay $0x4  }
0x43b: {  	v11 =	vmin.f32 v11, v59  }
0x43c: {  	[tilespmem:$0x2B90] =	vst v11  }
0x43d: {  	v60 =	vld [tilespmem:$0x2B88]  }
0x43e: {  	v3 =	vmax.f32 v3, v4;
	v61 =	vld [tilespmem:s11+$0x0]  }
0x43f: {  	v3 =	vmax.f32 v3, v5;
	v62 =	vld [tilespmem:s11+$0x1]  }
0x440: {  	v3 =	vmax.f32 v3, v6  }
0x441: {  	v3 =	vmax.f32 v3, v7  }
0x442: {  	v3 =	vmax.f32 v3, v8  }
0x443: {  	v3 =	vmax.f32 v3, v9  }
0x444: {  	v3 =	vmax.f32 v3, v10;
	v63 =	vmin.f32 v11, v60;
	vm15 =	veq.s32 v62, v61  }
0x445: {  	v3 =	vsel vm15, v63, v3  }
.Ltmp86:
0x446: {  	s31 =	simm.s32 $0x2900;
	s30 =	rddreg [dreg:$0xb];
	[tilespmem:$0x2900] =	vst v3;
	(pc) =	sbr.rel .LBB2_128-.Ltmp86, $4  }
0x447: {  	[hbm4b:s30+s7] =	stream.linear.scatter [tilespmem:s31], [sflag:$0x5], $0x8, $0x38;
	[tilespmem:$0x2C98] =	vst v63  }
0x448: {  	_ =	swait.ge [sflag:s2], $0x8  }
0x449: {  	[sflag:s2] =	ssyncset.done $0x0  }
0x44a: {  	[sflag:s2] =	ssyncadd.s32 $0xFFFFFFF8  }
.LBB2_5:
.Ltmp87:
0x44b: {  	(pc) =	sbr.rel .LBB2_20-.Ltmp87, $2  }
0x44c: {  	_ =	sdelay $0x2  }
0x44d: {  	v6 =	vimm.f32 $-Inf;
	s1 =	smov.u32 s30  }
.LBB2_16:
.Ltmp88:
0x44e: {  	(pc) =	sbr.rel .LBB2_35-.Ltmp88, $2  }
0x44f: {  	_ =	sdelay $0x2  }
0x450: {  	v6 =	vimm.f32 $-Inf;
	s30 =	smov.u32 s1  }
.LBB2_31:
.Ltmp89:
0x451: {  	(pc) =	sbr.rel .LBB2_50-.Ltmp89, $2  }
0x452: {  	_ =	sdelay $0x2  }
0x453: {  	v6 =	vimm.f32 $-Inf;
	s30 =	smov.u32 s1  }
.LBB2_46:
.Ltmp90:
0x454: {  	(pc) =	sbr.rel .LBB2_65-.Ltmp90, $2  }
0x455: {  	_ =	sdelay $0x2  }
0x456: {  	v6 =	vimm.f32 $-Inf;
	s30 =	smov.u32 s1  }
.LBB2_61:
.Ltmp91:
0x457: {  	(pc) =	sbr.rel .LBB2_80-.Ltmp91, $2  }
0x458: {  	_ =	sdelay $0x2  }
0x459: {  	v6 =	vimm.f32 $-Inf;
	s30 =	smov.u32 s1  }
.LBB2_76:
.Ltmp92:
0x45a: {  	(pc) =	sbr.rel .LBB2_95-.Ltmp92, $2  }
0x45b: {  	_ =	sdelay $0x2  }
0x45c: {  	v6 =	vimm.f32 $-Inf;
	s30 =	smov.u32 s1  }
.LBB2_91:
.Ltmp93:
0x45d: {  	(pc) =	sbr.rel .LBB2_110-.Ltmp93, $2  }
0x45e: {  	_ =	sdelay $0x2  }
0x45f: {  	v6 =	vimm.f32 $-Inf;
	s30 =	smov.u32 s1  }
.LBB2_106:
.Ltmp94:
0x460: {  	(pc) =	sbr.rel .LBB2_120-.Ltmp94, $2  }
0x461: {  	_ =	sdelay $0x2  }
0x462: {  	v6 =	vimm.f32 $-Inf;
	s29 =	smov.u32 s1  }
.LBB2_18:
.Ltmp95:
0x463: {  	(pc) =	sbr.rel .LBB2_20-.Ltmp95, $2  }
0x464: {  	_ =	sdelay $0x2  }
0x465: {  	v6 =	vimm.f32 $-Inf;
	s1 =	smov.u32 s30  }
.LBB2_33:
.Ltmp96:
0x466: {  	(pc) =	sbr.rel .LBB2_35-.Ltmp96, $2  }
0x467: {  	_ =	sdelay $0x2  }
0x468: {  	v6 =	vimm.f32 $-Inf;
	s30 =	smov.u32 s1  }
.LBB2_48:
.Ltmp97:
0x469: {  	(pc) =	sbr.rel .LBB2_50-.Ltmp97, $2  }
0x46a: {  	_ =	sdelay $0x2  }
0x46b: {  	v6 =	vimm.f32 $-Inf;
	s30 =	smov.u32 s1  }
.LBB2_63:
.Ltmp98:
0x46c: {  	(pc) =	sbr.rel .LBB2_65-.Ltmp98, $2  }
0x46d: {  	_ =	sdelay $0x2  }
0x46e: {  	v6 =	vimm.f32 $-Inf;
	s30 =	smov.u32 s1  }
.LBB2_78:
.Ltmp99:
0x46f: {  	(pc) =	sbr.rel .LBB2_80-.Ltmp99, $2  }
0x470: {  	_ =	sdelay $0x2  }
0x471: {  	v6 =	vimm.f32 $-Inf;
	s30 =	smov.u32 s1  }
.LBB2_93:
.Ltmp100:
0x472: {  	(pc) =	sbr.rel .LBB2_95-.Ltmp100, $2  }
0x473: {  	_ =	sdelay $0x2  }
0x474: {  	v6 =	vimm.f32 $-Inf;
	s30 =	smov.u32 s1  }
.LBB2_108:
.Ltmp101:
0x475: {  	(pc) =	sbr.rel .LBB2_110-.Ltmp101, $2  }
0x476: {  	_ =	sdelay $0x2  }
0x477: {  	v6 =	vimm.f32 $-Inf;
	s30 =	smov.u32 s1  }
.LBB2_118:
.Ltmp102:
0x478: {  	(pc) =	sbr.rel .LBB2_120-.Ltmp102, $2  }
0x479: {  	_ =	sdelay $0x2  }
0x47a: {  	v6 =	vimm.f32 $-Inf;
	s29 =	smov.u32 s1  }
.LBB2_129:
0x47b: {  	_ =	sfence.sel $0x180000  }
0x47c: {  	[bflag:$0x0] =	sbarrier.arrive $0xFFFF  }
0x47d: {  	_ =	strace $0x90000047  }
0x47e: {  	[bflag:$0x2] =	sbarrier.arrive $0xFFFF  }
0x47f: {  	p0 =	sne.s32 s20, $0x0;
	s0 =	rddreg [dreg:$0x7]  }
0x480: {  	s0 =	sadd.s32 @!p0 $0x100000, s0  }
0x481: {  	[sflag:s0] =	ssyncadd.tile.s32 @!p0 $0x1;
	_ =	shalt  }
.Lfunc_end2:
_tile_overlayer_lowered:
.L_overlay_start_2:
0x482: {  	(tag) =	ssettag $0x2  }
0x483: {  	s0 =	rddreg [dreg:$0x0];
	s2 =	stileid.u32  }
0x484: {  	s1 =	rddreg [dreg:$0x1];
	p0 =	sne.s32 s2, $0x0  }
0x485: {  	s3 =	rddreg [dreg:$0x2];
	[bflag:$0x3] =	sbarrier.arrive $0xFFFF;
	s2 =	simm.s32 @!p0 $0x1C05  }
0x486: {  	[timem:s3], [sflag:s2] =	dma.local @!p0 [hbm:s0], s1  }
0x487: {  	s0 =	simm.s32 @!p0 $0x5  }
0x488: {  	_ =	swait.ge @!p0 [sflag:s0], s1  }
0x489: {  	s1 =	ssub.s32 @!p0 $0x0, s1;
	[sflag:s0] =	ssyncset.done @!p0 $0x0  }
0x48a: {  	[sflag:s0] =	ssyncadd.s32 @!p0 s1  }
0x48b: {  	[bflag:$0x3] =	sbarrier.arrive $0xFFFF  }
0x48c: {  	_ =	shalt  }

</sc_bundles>
